<compile_context>
chip_gen: v7x
topology: tpu7x:2x2x1
jax: 0.10.2.dev20260603
libtpu: 0.0.44.dev20260713+nightly
codegen_flags: <defaults>
</compile_context>

<pallas_src>
import functools

import jax
import jax.numpy as jnp
from jax import lax
from jax.experimental import pallas as pl
from jax.experimental.pallas import tpu as pltpu
from jax.experimental.pallas import tpu_sc as plsc

N = 10000
E = 320000
E2 = E + N
FIN = 128
H1 = 8
HID = 16
F1 = H1 * HID
FH = F1 // 2
HXW = FH + 8

NC = 2
NS = 16
NW = NC * NS
L = 16

KC = 128
NCHUNK = 81
P = KC * NCHUNK
NCHUNK1 = 162
P1 = KC * NCHUNK1
E2P = P * NW
NBUF = 3
TROWS = 632


@functools.cache
def _mesh():
    return plsc.VectorSubcoreMesh(
        core_axis_name="c", subcore_axis_name="s",
        num_cores=NC, num_subcores=NS)


_SC_PARAMS = pltpu.CompilerParams(
    use_tc_tiling_on_sc=False, needs_layout_passes=False)



def _feat_body(x_ref, w_ref, as_ref, ad_ref, hx_ref, a_d_ref, ms_ref,
               md_ref):
    i = pl.program_id(0)
    bn = x_ref.shape[0]
    h = jnp.dot(x_ref[...], w_ref[...], preferred_element_type=jnp.float32)
    a_s = jnp.dot(h, as_ref[...], preferred_element_type=jnp.float32)
    a_d = jnp.dot(h, ad_ref[...], preferred_element_type=jnp.float32)
    a_d_ref[...] = a_d
    pad = jnp.zeros((bn, 4), jnp.float32)
    hx_ref[0] = jnp.concatenate([h[:, :FH], a_s[:, :4], pad], axis=1)
    hx_ref[1] = jnp.concatenate([h[:, FH:], a_s[:, 4:], pad], axis=1)
    pms = jnp.broadcast_to(jnp.max(a_s, axis=0, keepdims=True), (8, 8))
    pmd = jnp.broadcast_to(jnp.max(a_d, axis=0, keepdims=True), (8, 8))

    @pl.when(i == 0)
    def _():
        ms_ref[...] = pms
        md_ref[...] = pmd

    @pl.when(i > 0)
    def _():
        ms_ref[...] = jnp.maximum(ms_ref[...], pms)
        md_ref[...] = jnp.maximum(md_ref[...], pmd)


def _feat1(x, W1, A1s, A1d):
    bn = 1000
    grid = N // bn
    return pl.pallas_call(
        _feat_body,
        grid=(grid,),
        in_specs=[
            pl.BlockSpec((bn, FIN), lambda i: (i, 0)),
            pl.BlockSpec((FIN, F1), lambda i: (0, 0)),
            pl.BlockSpec((F1, 8), lambda i: (0, 0)),
            pl.BlockSpec((F1, 8), lambda i: (0, 0)),
        ],
        out_specs=[
            pl.BlockSpec((2, bn, HXW), lambda i: (0, i, 0)),
            pl.BlockSpec((bn, 8), lambda i: (i, 0)),
            pl.BlockSpec((8, 8), lambda i: (0, 0)),
            pl.BlockSpec((8, 8), lambda i: (0, 0)),
        ],
        out_shape=[
            jax.ShapeDtypeStruct((2, N, HXW), jnp.float32),
            jax.ShapeDtypeStruct((N, 8), jnp.float32),
            jax.ShapeDtypeStruct((8, 8), jnp.float32),
            jax.ShapeDtypeStruct((8, 8), jnp.float32),
        ],
    )(x, W1, A1s, A1d)


def _combine1_body(p_ref, d_ref, b_ref, w_ref, as_ref, ad_ref,
                   h2_ref, a_s_ref, a_d_ref, ms_ref, md_ref):
    i = pl.program_id(0)
    bn = p_ref.shape[1]
    hpre = jnp.concatenate([p_ref[0], p_ref[1]], axis=1)
    d8 = jnp.concatenate([d_ref[0, :, 0:4], d_ref[1, :, 0:4]], axis=1)
    inv = 1.0 / (d8 + 1e-16)
    invx = jnp.broadcast_to(inv[:, :, None], (bn, 8, HID)).reshape(bn, F1)
    h = jax.nn.relu(hpre * invx + b_ref[...])
    h2 = jnp.dot(h, w_ref[...], preferred_element_type=jnp.float32)
    h2_ref[...] = h2
    a_s = jnp.dot(h2, as_ref[...], preferred_element_type=jnp.float32)
    a_d = jnp.dot(h2, ad_ref[...], preferred_element_type=jnp.float32)
    a_s_ref[...] = a_s
    a_d_ref[...] = a_d
    pms = jnp.broadcast_to(jnp.max(a_s, axis=0, keepdims=True), (8, 8))
    pmd = jnp.broadcast_to(jnp.max(a_d, axis=0, keepdims=True), (8, 8))

    @pl.when(i == 0)
    def _():
        ms_ref[...] = pms
        md_ref[...] = pmd

    @pl.when(i > 0)
    def _():
        ms_ref[...] = jnp.maximum(ms_ref[...], pms)
        md_ref[...] = jnp.maximum(md_ref[...], pmd)


def _combine1(parts, den, b1r, W2, A2s, A2d):
    bn = 1000
    grid = N // bn
    return pl.pallas_call(
        _combine1_body,
        grid=(grid,),
        in_specs=[
            pl.BlockSpec((2, bn, FH), lambda i: (0, i, 0)),
            pl.BlockSpec((2, bn, 8), lambda i: (0, i, 0)),
            pl.BlockSpec((1, F1), lambda i: (0, 0)),
            pl.BlockSpec((F1, HID), lambda i: (0, 0)),
            pl.BlockSpec((HID, 8), lambda i: (0, 0)),
            pl.BlockSpec((HID, 8), lambda i: (0, 0)),
        ],
        out_specs=[
            pl.BlockSpec((bn, HID), lambda i: (i, 0)),
            pl.BlockSpec((bn, 8), lambda i: (i, 0)),
            pl.BlockSpec((bn, 8), lambda i: (i, 0)),
            pl.BlockSpec((8, 8), lambda i: (0, 0)),
            pl.BlockSpec((8, 8), lambda i: (0, 0)),
        ],
        out_shape=[
            jax.ShapeDtypeStruct((N, HID), jnp.float32),
            jax.ShapeDtypeStruct((N, 8), jnp.float32),
            jax.ShapeDtypeStruct((N, 8), jnp.float32),
            jax.ShapeDtypeStruct((8, 8), jnp.float32),
            jax.ShapeDtypeStruct((8, 8), jnp.float32),
        ],
    )(parts, den, b1r, W2, A2s, A2d)


def _final_body(p_ref, d_ref, b_ref, o_ref):
    inv = 1.0 / (d_ref[0, :, 0:1] + d_ref[1, :, 0:1] + 1e-16)
    o_ref[...] = (p_ref[0] + p_ref[1]) * inv + b_ref[...]


def _final(parts, den, b2r):
    bn = 1000
    return pl.pallas_call(
        _final_body,
        grid=(N // bn,),
        in_specs=[
            pl.BlockSpec((2, bn, HID), lambda i: (0, i, 0)),
            pl.BlockSpec((2, bn, 8), lambda i: (0, i, 0)),
            pl.BlockSpec((1, HID), lambda i: (0, 0)),
        ],
        out_specs=pl.BlockSpec((bn, HID), lambda i: (i, 0)),
        out_shape=jax.ShapeDtypeStruct((N, HID), jnp.float32),
    )(parts, den, b2r)



def _sweep1_body(hx_h, ad_h, src_h, dst_h, mvec_h, zden_h, zout_h,
                 den_h, out_h,
                 didx, sidx0, sidx1, sidx2,
                 hxv0, hxv1, hxv2, adv0, adv1, adv2,
                 exv0, exv1, exv2, msg0, msg1, msg2, mv,
                 si0, si1, si2, sg0, sg1, sg2, ss0, ss1, ss2,
                 den_acc, out_acc):
    sidx = (sidx0, sidx1, sidx2)
    hxv = (hxv0, hxv1, hxv2)
    adv = (adv0, adv1, adv2)
    exv = (exv0, exv1, exv2)
    msg = (msg0, msg1, msg2)
    si = (si0, si1, si2)
    sg = (sg0, sg1, sg2)
    ss = (ss0, ss1, ss2)
    c = lax.axis_index("c")
    s = lax.axis_index("s")
    o = jnp.minimum(s * TROWS, N - TROWS)
    pltpu.sync_copy(zden_h, den_acc.at[pl.ds(o, TROWS)])
    pltpu.sync_copy(zout_h, out_acc.at[pl.ds(o, TROWS)])
    pltpu.sync_copy(dst_h.at[s], didx)
    pltpu.sync_copy(mvec_h.at[c], mv)
    plsc.subcore_barrier()
    base_t = s * P1
    c4 = 4 * c

    def issue_idx(g, b):
        pltpu.async_copy(src_h.at[c, s, g], sidx[b], si[b])

    def wait_idx(g, b):
        pltpu.make_async_copy(src_h.at[c, s, g], sidx[b], si[b]).wait()

    def issue_gathers(g, b):
        pltpu.async_copy(hx_h.at[sidx[b]], hxv[b], sg[b])
        pltpu.async_copy(ad_h.at[didx.at[g]], adv[b], sg[b])

    def wait_gathers(g, b):
        pltpu.make_async_copy(hx_h.at[sidx[b]], hxv[b], sg[b]).wait()
        pltpu.make_async_copy(ad_h.at[didx.at[g]], adv[b], sg[b]).wait()

    def wait_scatters(g, b):
        pltpu.make_async_copy(exv[b], den_acc.at[didx.at[g]], ss[b]).wait()
        pltpu.make_async_copy(msg[b], out_acc.at[didx.at[g]], ss[b]).wait()

    pltpu.sync_copy(src_h.at[c, s, 0], sidx[0])
    pltpu.sync_copy(src_h.at[c, s, 1], sidx[1])
    issue_gathers(0, 0)
    issue_gathers(1, 1)

    def step(g, b):
        nb = (b + 1) % NBUF
        nnb = (b + 2) % NBUF
        wait_gathers(g, b)
        mvv = mv[...]
        base = base_t + g * KC

        def lanes(k, carry2):
            i = lax.iota(jnp.int32, L)
            erow = 2 * k + lax.shift_right_logical(i, 3)
            col = lax.bitwise_and(i, 7)
            col4 = lax.bitwise_and(i, 3)
            a = plsc.load_gather(hxv[b], [erow, FH + col4])
            d = plsc.load_gather(adv[b], [erow, c4 + col4])
            z = a + d
            alpha = jnp.maximum(z, 0.2 * z)
            ex = jnp.exp(alpha - mvv)
            gidx = base + erow
            keep = jnp.logical_and(gidx < E2, col < 4)
            ex = jnp.where(keep, ex, 0.0)
            plsc.store_scatter(exv[b], [erow, col], ex)
            return carry2

        lax.fori_loop(0, KC // 2, lanes, 0)
        pltpu.async_copy(exv[b], den_acc.at[didx.at[g]], ss[b], add=True)

        @pl.when(g >= 2)
        def _():
            wait_scatters(g - 2, nb)

        @pl.when(jnp.logical_and(g >= 1, g < NCHUNK1 - 1))
        def _():
            wait_idx(g + 1, nb)
            issue_gathers(g + 1, nb)

        @pl.when(g < NCHUNK1 - 2)
        def _():
            issue_idx(g + 2, nnb)

        def edge(m, carry2):
            for u in range(2):
                e = 2 * m + u
                esp = jnp.full((L,), 0, jnp.int32) + e
                for j in range(4):
                    cv = plsc.load_gather(
                        exv[b], [esp, jnp.full((L,), j, jnp.int32)])
                    hrow = hxv[b][e, pl.ds(j * L, L)]
                    msg[b][e, pl.ds(j * L, L)] = hrow * cv
            return carry2

        lax.fori_loop(0, KC // 2, edge, 0)
        pltpu.async_copy(msg[b], out_acc.at[didx.at[g]], ss[b], add=True)

    def trip(t, carry):
        for b in range(NBUF):
            step(NBUF * t + b, b)
        return carry

    lax.fori_loop(0, NCHUNK1 // NBUF, trip, 0)
    wait_scatters(NCHUNK1 - 2, (NCHUNK1 - 2) % NBUF)
    wait_scatters(NCHUNK1 - 1, (NCHUNK1 - 1) % NBUF)
    plsc.subcore_barrier()
    pltpu.sync_copy(den_acc.at[pl.ds(o, TROWS)],
                    den_h.at[c, pl.ds(o, TROWS)])
    pltpu.sync_copy(out_acc.at[pl.ds(o, TROWS)],
                    out_h.at[c, pl.ds(o, TROWS)])


def _edge_sweep1(hx2, a_d, src4, dst4, mvec2, zden, zout):
    return pl.kernel(
        _sweep1_body,
        out_type=[
            jax.ShapeDtypeStruct((NC, N, 8), jnp.float32),
            jax.ShapeDtypeStruct((NC, N, FH), jnp.float32),
        ],
        mesh=_mesh(),
        compiler_params=_SC_PARAMS,
        scratch_types=(
            [pltpu.VMEM((NCHUNK1, KC), jnp.int32)]
            + [pltpu.VMEM((KC,), jnp.int32)] * 3
            + [pltpu.VMEM((KC, HXW), jnp.float32)] * 3
            + [pltpu.VMEM((KC, 8), jnp.float32)] * 3
            + [pltpu.VMEM((KC, 8), jnp.float32)] * 3
            + [pltpu.VMEM((KC, FH), jnp.float32)] * 3
            + [pltpu.VMEM((L,), jnp.float32)]
            + [pltpu.SemaphoreType.DMA] * 9
            + [pltpu.VMEM_SHARED((N, 8), jnp.float32),
               pltpu.VMEM_SHARED((N, FH), jnp.float32)]
        ),
    )(hx2, a_d, src4, dst4, mvec2, zden, zout)



def _sweep2_body(as_h, ad_h, h_h, src_h, dst_h, mvec_h, zden_h, zout_h,
                 den_h, out_h,
                 didx, sidx0, sidx1, sidx2,
                 asv0, asv1, asv2, adv0, adv1, adv2,
                 exv0, exv1, exv2, hv0, hv1, hv2, mv,
                 si0, si1, si2, sg0, sg1, sg2, ss0, ss1, ss2,
                 den_acc, out_acc):
    sidx = (sidx0, sidx1, sidx2)
    asv = (asv0, asv1, asv2)
    adv = (adv0, adv1, adv2)
    exv = (exv0, exv1, exv2)
    hv = (hv0, hv1, hv2)
    si = (si0, si1, si2)
    sg = (sg0, sg1, sg2)
    ss = (ss0, ss1, ss2)
    c = lax.axis_index("c")
    s = lax.axis_index("s")
    wid = c * NS + s
    o = jnp.minimum(s * TROWS, N - TROWS)
    pltpu.sync_copy(zden_h, den_acc.at[pl.ds(o, TROWS)])
    pltpu.sync_copy(zout_h, out_acc.at[pl.ds(o, TROWS)])
    pltpu.sync_copy(dst_h.at[wid], didx)
    pltpu.sync_copy(mvec_h, mv)
    plsc.subcore_barrier()
    base_w = wid * P

    def issue_idx(g, b):
        pltpu.async_copy(src_h.at[wid, g], sidx[b], si[b])

    def wait_idx(g, b):
        pltpu.make_async_copy(src_h.at[wid, g], sidx[b], si[b]).wait()

    def issue_gathers(g, b):
        pltpu.async_copy(as_h.at[sidx[b]], asv[b], sg[b])
        pltpu.async_copy(ad_h.at[didx.at[g]], adv[b], sg[b])
        pltpu.async_copy(h_h.at[sidx[b]], hv[b], sg[b])

    def wait_gathers(g, b):
        pltpu.make_async_copy(as_h.at[sidx[b]], asv[b], sg[b]).wait()
        pltpu.make_async_copy(ad_h.at[didx.at[g]], adv[b], sg[b]).wait()
        pltpu.make_async_copy(h_h.at[sidx[b]], hv[b], sg[b]).wait()

    def wait_scatters(g, b):
        pltpu.make_async_copy(exv[b], den_acc.at[didx.at[g]], ss[b]).wait()
        pltpu.make_async_copy(hv[b], out_acc.at[didx.at[g]], ss[b]).wait()

    pltpu.sync_copy(src_h.at[wid, 0], sidx[0])
    pltpu.sync_copy(src_h.at[wid, 1], sidx[1])
    issue_gathers(0, 0)
    issue_gathers(1, 1)

    def step(g, b):
        nb = (b + 1) % NBUF
        nnb = (b + 2) % NBUF
        wait_gathers(g, b)
        mvv = mv[...]
        base = base_w + g * KC

        def lanes(k, carry2):
            i = lax.iota(jnp.int32, L)
            erow = 2 * k + lax.shift_right_logical(i, 3)
            col = lax.bitwise_and(i, 7)
            a = plsc.load_gather(asv[b], [erow, col])
            d = plsc.load_gather(adv[b], [erow, col])
            z = a + d
            alpha = jnp.maximum(z, 0.2 * z)
            ex = jnp.exp(alpha - mvv)
            gidx = base + erow
            ex = jnp.where(gidx < E2, ex, 0.0)
            plsc.store_scatter(exv[b], [erow, col], ex)
            return carry2

        lax.fori_loop(0, KC // 2, lanes, 0)
        pltpu.async_copy(exv[b], den_acc.at[didx.at[g]], ss[b], add=True)

        @pl.when(g >= 2)
        def _():
            wait_scatters(g - 2, nb)

        @pl.when(jnp.logical_and(g >= 1, g < NCHUNK - 1))
        def _():
            wait_idx(g + 1, nb)
            issue_gathers(g + 1, nb)

        @pl.when(g < NCHUNK - 2)
        def _():
            issue_idx(g + 2, nnb)

        def edge(m, carry2):
            for u in range(2):
                e = 2 * m + u
                esp = jnp.full((L,), 0, jnp.int32) + e
                cv = plsc.load_gather(
                    exv[b], [esp, jnp.full((L,), 0, jnp.int32)])
                hrow = hv[b][e, pl.ds(0, L)]
                hv[b][e, pl.ds(0, L)] = hrow * cv
            return carry2

        lax.fori_loop(0, KC // 2, edge, 0)
        pltpu.async_copy(hv[b], out_acc.at[didx.at[g]], ss[b], add=True)

    def trip(t, carry):
        for b in range(NBUF):
            step(NBUF * t + b, b)
        return carry

    lax.fori_loop(0, NCHUNK // NBUF, trip, 0)
    wait_scatters(NCHUNK - 2, (NCHUNK - 2) % NBUF)
    wait_scatters(NCHUNK - 1, (NCHUNK - 1) % NBUF)
    plsc.subcore_barrier()
    pltpu.sync_copy(den_acc.at[pl.ds(o, TROWS)],
                    den_h.at[c, pl.ds(o, TROWS)])
    pltpu.sync_copy(out_acc.at[pl.ds(o, TROWS)],
                    out_h.at[c, pl.ds(o, TROWS)])


def _edge_sweep2(a_s, a_d, h2, src3, dst3, mvec, zden, zout):
    return pl.kernel(
        _sweep2_body,
        out_type=[
            jax.ShapeDtypeStruct((NC, N, 8), jnp.float32),
            jax.ShapeDtypeStruct((NC, N, HID), jnp.float32),
        ],
        mesh=_mesh(),
        compiler_params=_SC_PARAMS,
        scratch_types=(
            [pltpu.VMEM((NCHUNK, KC), jnp.int32)]
            + [pltpu.VMEM((KC,), jnp.int32)] * 3
            + [pltpu.VMEM((KC, 8), jnp.float32)] * 9
            + [pltpu.VMEM((KC, HID), jnp.float32)] * 3
            + [pltpu.VMEM((L,), jnp.float32)]
            + [pltpu.SemaphoreType.DMA] * 9
            + [pltpu.VMEM_SHARED((N, 8), jnp.float32),
               pltpu.VMEM_SHARED((N, HID), jnp.float32)]
        ),
    )(a_s, a_d, h2, src3, dst3, mvec, zden, zout)



def kernel(x, edge_index, W1, att_src1, att_dst1, b1, W2, att_src2,
           att_dst2, b2):
    loop = jnp.arange(N, dtype=edge_index.dtype)
    src = jnp.concatenate([edge_index[0], loop,
                           jnp.zeros((E2P - E2,), edge_index.dtype)])
    dst = jnp.concatenate([edge_index[1], loop,
                           jnp.zeros((E2P - E2,), edge_index.dtype)])
    srcT = src.reshape(NS, NCHUNK1, KC)
    src4 = jnp.stack([srcT, srcT + N])
    dst4 = dst.reshape(NS, NCHUNK1, KC)
    src3 = src.reshape(NW, NCHUNK, KC)
    dst3 = dst.reshape(NW, NCHUNK, KC)

    eye8 = jnp.eye(H1, dtype=jnp.float32)
    A1s = (att_src1[:, :, None] * eye8[:, None, :]).reshape(F1, H1)
    A1d = (att_dst1[:, :, None] * eye8[:, None, :]).reshape(F1, H1)
    A2s = jnp.tile(att_src2.reshape(HID, 1), (1, 8))
    A2d = jnp.tile(att_dst2.reshape(HID, 1), (1, 8))

    zout64 = jnp.zeros((TROWS, FH), jnp.float32)
    zden8 = jnp.zeros((TROWS, 8), jnp.float32)
    zout16 = jnp.zeros((TROWS, HID), jnp.float32)

    hx, a_d1, ms1, md1 = _feat1(x, W1, A1s, A1d)
    hx2 = hx.reshape(2 * N, HXW)
    z1 = ms1[0] + md1[0]
    m1 = jnp.maximum(z1, 0.2 * z1)
    m1vec2 = jnp.stack([jnp.tile(m1[0:4], 4), jnp.tile(m1[4:8], 4)])
    den1, out1p = _edge_sweep1(hx2, a_d1, src4, dst4, m1vec2,
                               zden8, zout64)

    h2, a_s2, a_d2, ms2, md2 = _combine1(out1p, den1, b1.reshape(1, F1),
                                         W2, A2s, A2d)
    z2 = ms2[0] + md2[0]
    m2vec = jnp.tile(jnp.maximum(z2, 0.2 * z2), 2)
    den2, out2p = _edge_sweep2(a_s2, a_d2, h2, src3, dst3, m2vec,
                               zden8, zout16)

    return _final(out2p, den2, b2.reshape(1, HID))

# --- scband reference (transcript-rebuilt; emitter-appended) ---
"""Pipeline reference for scband-gat-84052509983371 (READ-ONLY COPY).

The authoritative reference and input builder live on the scoring server;
editing this copy changes nothing except your own understanding.
"""

import jax, jax.numpy as jnp
import numpy as np

N = 10000
E = 320000
F_IN = 128
HID = 16
H1 = 8

def _glorot(key, shape):
    fan_in, fan_out = shape[0], shape[-1]
    s = (6.0 / (fan_in + fan_out)) ** 0.5
    return jax.random.uniform(key, shape, jnp.float32, -s, s)

def setup_inputs(seed: int = 0):
    key = jax.random.key(seed)
    ks = jax.random.split(key, 12)
    x = jax.random.normal(ks[0], (N, F_IN), dtype=jnp.float32)
    edge_index = jax.random.randint(ks[1], (2, E), 0, N, dtype=jnp.int32)
    W1 = _glorot(ks[2], (F_IN, H1 * HID))
    att_src1 = _glorot(ks[3], (H1, HID))
    att_dst1 = _glorot(ks[4], (H1, HID))
    b1 = jnp.zeros((H1 * HID,), jnp.float32)
    W2 = _glorot(ks[5], (H1 * HID, HID))
    att_src2 = _glorot(ks[6], (1, HID))
    att_dst2 = _glorot(ks[7], (1, HID))
    b2 = jnp.zeros((HID,), jnp.float32)
    return {"x": x, "edge_index": edge_index, "W1": W1, "att_src1": att_src1, "att_dst1": att_dst1, "b1": b1, "W2": W2, "att_src2": att_src2, "att_dst2": att_dst2, "b2": b2}

def _gat_conv(x, ei, W, att_s, att_d, b, H, C):
    n = x.shape[0]
    src, dst = ei[0], ei[1]
    h = (x @ W).reshape(n, H, C)
    a_s = (h * att_s[None, :, :]).sum(-1)
    a_d = (h * att_d[None, :, :]).sum(-1)
    alpha = jax.nn.leaky_relu(a_s[src] + a_d[dst], negative_slope=0.2)
    m = jax.lax.stop_gradient(jax.ops.segment_max(alpha, dst, num_segments=n))
    ex = jnp.exp(alpha - m[dst])
    denom = jax.ops.segment_sum(ex, dst, num_segments=n)
    coef = ex / (denom[dst] + 1e-16)
    msg = h[src] * coef[:, :, None]
    out = jax.ops.segment_sum(msg, dst, num_segments=n)
    return out.reshape(n, H * C) + b

def reference(x, edge_index, W1, att_src1, att_dst1, b1, W2, att_src2, att_dst2, b2):
    n = x.shape[0]
    loop = jnp.arange(n, dtype=edge_index.dtype)
    ei = jnp.concatenate([edge_index, jnp.stack([loop, loop])], axis=1)
    h = _gat_conv(x, ei, W1, att_src1, att_dst1, b1, H1, HID)
    h = jax.nn.relu(h)
    out = _gat_conv(h, ei, W2, att_src2, att_dst2, b2, 1, HID)
    return out

if __name__ == "__main__":
    import jax
    _d = setup_inputs()
    print(jax.jit(kernel)(*tuple(_d.values())))

</pallas_src>

<mosaic_0001>
#map = affine_map<(d0, d1) -> (0, 0)>
#map1 = affine_map<(d0, d1) -> (0, 0, 0)>
#map2 = affine_map<(d0, d1) -> (0)>
module attributes {stable_mosaic.version = 14 : i64} {
  func.func @_sweep2_body(%arg0: i32, %arg1: i32, %arg2: memref<10000x8xf32, #tpu.memory_space<hbm>>, %arg3: memref<10000x8xf32, #tpu.memory_space<hbm>>, %arg4: memref<10000x16xf32, #tpu.memory_space<hbm>>, %arg5: memref<32x81x128xi32, #tpu.memory_space<hbm>>, %arg6: memref<32x81x128xi32, #tpu.memory_space<hbm>>, %arg7: memref<16xf32, #tpu.memory_space<hbm>>, %arg8: memref<632x8xf32, #tpu.memory_space<hbm>>, %arg9: memref<632x16xf32, #tpu.memory_space<hbm>>, %arg10: memref<2x10000x8xf32, #tpu.memory_space<hbm>>, %arg11: memref<2x10000x16xf32, #tpu.memory_space<hbm>>, %arg12: memref<81x128xi32, #tpu.memory_space<vmem>>, %arg13: memref<128xi32, #tpu.memory_space<vmem>>, %arg14: memref<128xi32, #tpu.memory_space<vmem>>, %arg15: memref<128xi32, #tpu.memory_space<vmem>>, %arg16: memref<128x8xf32, #tpu.memory_space<vmem>>, %arg17: memref<128x8xf32, #tpu.memory_space<vmem>>, %arg18: memref<128x8xf32, #tpu.memory_space<vmem>>, %arg19: memref<128x8xf32, #tpu.memory_space<vmem>>, %arg20: memref<128x8xf32, #tpu.memory_space<vmem>>, %arg21: memref<128x8xf32, #tpu.memory_space<vmem>>, %arg22: memref<128x8xf32, #tpu.memory_space<vmem>>, %arg23: memref<128x8xf32, #tpu.memory_space<vmem>>, %arg24: memref<128x8xf32, #tpu.memory_space<vmem>>, %arg25: memref<128x16xf32, #tpu.memory_space<vmem>>, %arg26: memref<128x16xf32, #tpu.memory_space<vmem>>, %arg27: memref<128x16xf32, #tpu.memory_space<vmem>>, %arg28: memref<16xf32, #tpu.memory_space<vmem>>, %arg29: memref<!tpu.dma_semaphore, #tpu.memory_space<semaphore_mem>>, %arg30: memref<!tpu.dma_semaphore, #tpu.memory_space<semaphore_mem>>, %arg31: memref<!tpu.dma_semaphore, #tpu.memory_space<semaphore_mem>>, %arg32: memref<!tpu.dma_semaphore, #tpu.memory_space<semaphore_mem>>, %arg33: memref<!tpu.dma_semaphore, #tpu.memory_space<semaphore_mem>>, %arg34: memref<!tpu.dma_semaphore, #tpu.memory_space<semaphore_mem>>, %arg35: memref<!tpu.dma_semaphore, #tpu.memory_space<semaphore_mem>>, %arg36: memref<!tpu.dma_semaphore, #tpu.memory_space<semaphore_mem>>, %arg37: memref<!tpu.dma_semaphore, #tpu.memory_space<semaphore_mem>>, %arg38: memref<10000x8xf32, #tpu.memory_space<vmem_shared>>, %arg39: memref<10000x16xf32, #tpu.memory_space<vmem_shared>>) attributes {dimension_semantics = [#tpu.dimension_semantics<core_parallel>, #tpu.dimension_semantics<subcore_parallel>], iteration_bounds = array<i64: 2, 16>, scalar_prefetch = 0 : i64, scratch_operands = 28 : i64, tpu.core_type = #tpu.core_type<sc_vector_subcore>, window_params = [{transform_indices = #map}, {transform_indices = #map}, {transform_indices = #map}, {transform_indices = #map1}, {transform_indices = #map1}, {transform_indices = #map2}, {transform_indices = #map}, {transform_indices = #map}, {transform_indices = #map1}, {transform_indices = #map1}]} {
    %mul3A = arith.constant 16 : i32
    %mul3A_0 = arith.muli %arg0, %mul3A : i32
    %add3A = arith.addi %mul3A_0, %arg1 : i32
    %mul3A_1 = arith.constant 632 : i32
    %mul3A_2 = arith.muli %arg1, %mul3A_1 : i32
    %min3A = arith.constant 9368 : i32
    %min3A_3 = arith.minsi %mul3A_2, %min3A : i32
    "tpu.region"() ({
      %run_scoped3A_65 = tpu.sem_alloc : memref<!tpu.dma_semaphore, #tpu.memory_space<semaphore_mem>>
      %dma_start3A_66 = arith.constant 0 : i32
      %dma_start3A_67 = tpu.memref_slice %arg38[%min3A_3, %dma_start3A_66] : memref<10000x8xf32, #tpu.memory_space<vmem_shared>> -> memref<632x8xf32, #tpu.memory_space<vmem_shared>>
      tpu.enqueue_dma source(%arg8 : memref<632x8xf32, #tpu.memory_space<hbm>>) target(%dma_start3A_67 : memref<632x8xf32, #tpu.memory_space<vmem_shared>>) target_semaphore(%run_scoped3A_65 : memref<!tpu.dma_semaphore, #tpu.memory_space<semaphore_mem>>)
      %dma_wait3A_68 = arith.constant 0 : i32
      %dma_wait3A_69 = tpu.memref_slice %arg38[%min3A_3, %dma_wait3A_68] : memref<10000x8xf32, #tpu.memory_space<vmem_shared>> -> memref<632x8xf32, #tpu.memory_space<vmem_shared>>
      tpu.wait_dma2 semaphore(%run_scoped3A_65 : memref<!tpu.dma_semaphore, #tpu.memory_space<semaphore_mem>>) src(%arg8 : memref<632x8xf32, #tpu.memory_space<hbm>>) dst(%dma_wait3A_69 : memref<632x8xf32, #tpu.memory_space<vmem_shared>>)
      tpu.yield
    }) : () -> ()
    "tpu.region"() ({
      %run_scoped3A_65 = tpu.sem_alloc : memref<!tpu.dma_semaphore, #tpu.memory_space<semaphore_mem>>
      %dma_start3A_66 = arith.constant 0 : i32
      %dma_start3A_67 = tpu.memref_slice %arg39[%min3A_3, %dma_start3A_66] : memref<10000x16xf32, #tpu.memory_space<vmem_shared>> -> memref<632x16xf32, #tpu.memory_space<vmem_shared>>
      tpu.enqueue_dma source(%arg9 : memref<632x16xf32, #tpu.memory_space<hbm>>) target(%dma_start3A_67 : memref<632x16xf32, #tpu.memory_space<vmem_shared>>) target_semaphore(%run_scoped3A_65 : memref<!tpu.dma_semaphore, #tpu.memory_space<semaphore_mem>>)
      %dma_wait3A_68 = arith.constant 0 : i32
      %dma_wait3A_69 = tpu.memref_slice %arg39[%min3A_3, %dma_wait3A_68] : memref<10000x16xf32, #tpu.memory_space<vmem_shared>> -> memref<632x16xf32, #tpu.memory_space<vmem_shared>>
      tpu.wait_dma2 semaphore(%run_scoped3A_65 : memref<!tpu.dma_semaphore, #tpu.memory_space<semaphore_mem>>) src(%arg9 : memref<632x16xf32, #tpu.memory_space<hbm>>) dst(%dma_wait3A_69 : memref<632x16xf32, #tpu.memory_space<vmem_shared>>)
      tpu.yield
    }) : () -> ()
    "tpu.region"() ({
      %run_scoped3A_65 = tpu.sem_alloc : memref<!tpu.dma_semaphore, #tpu.memory_space<semaphore_mem>>
      %dma_start3A_66 = arith.constant 0 : i32
      %dma_start3A_67 = arith.constant 0 : i32
      %dma_start3A_68 = tpu.memref_slice %arg6[%add3A, %dma_start3A_66, %dma_start3A_67] : memref<32x81x128xi32, #tpu.memory_space<hbm>> -> memref<1x81x128xi32, #tpu.memory_space<hbm>>
      %dma_start3A_69 = tpu.memref_squeeze %dma_start3A_68 : memref<1x81x128xi32, #tpu.memory_space<hbm>> -> memref<81x128xi32, #tpu.memory_space<hbm>>
      %dma_start3A_70 = arith.constant 0 : i32
      %dma_start3A_71 = arith.constant 0 : i32
      %dma_start3A_72 = tpu.memref_slice %arg6[%add3A, %dma_start3A_70, %dma_start3A_71] : memref<32x81x128xi32, #tpu.memory_space<hbm>> -> memref<1x81x128xi32, #tpu.memory_space<hbm>>
      %dma_start3A_73 = tpu.memref_squeeze %dma_start3A_72 : memref<1x81x128xi32, #tpu.memory_space<hbm>> -> memref<81x128xi32, #tpu.memory_space<hbm>>
      tpu.enqueue_dma source(%dma_start3A_73 : memref<81x128xi32, #tpu.memory_space<hbm>>) target(%arg12 : memref<81x128xi32, #tpu.memory_space<vmem>>) target_semaphore(%run_scoped3A_65 : memref<!tpu.dma_semaphore, #tpu.memory_space<semaphore_mem>>)
      %dma_wait3A_74 = arith.constant 0 : i32
      %dma_wait3A_75 = arith.constant 0 : i32
      %dma_wait3A_76 = tpu.memref_slice %arg6[%add3A, %dma_wait3A_74, %dma_wait3A_75] : memref<32x81x128xi32, #tpu.memory_space<hbm>> -> memref<1x81x128xi32, #tpu.memory_space<hbm>>
      %dma_wait3A_77 = tpu.memref_squeeze %dma_wait3A_76 : memref<1x81x128xi32, #tpu.memory_space<hbm>> -> memref<81x128xi32, #tpu.memory_space<hbm>>
      %dma_wait3A_78 = arith.constant 0 : i32
      %dma_wait3A_79 = arith.constant 0 : i32
      %dma_wait3A_80 = tpu.memref_slice %arg6[%add3A, %dma_wait3A_78, %dma_wait3A_79] : memref<32x81x128xi32, #tpu.memory_space<hbm>> -> memref<1x81x128xi32, #tpu.memory_space<hbm>>
      %dma_wait3A_81 = tpu.memref_squeeze %dma_wait3A_80 : memref<1x81x128xi32, #tpu.memory_space<hbm>> -> memref<81x128xi32, #tpu.memory_space<hbm>>
      tpu.wait_dma2 semaphore(%run_scoped3A_65 : memref<!tpu.dma_semaphore, #tpu.memory_space<semaphore_mem>>) src(%dma_wait3A_81 : memref<81x128xi32, #tpu.memory_space<hbm>>) dst(%arg12 : memref<81x128xi32, #tpu.memory_space<vmem>>)
      tpu.yield
    }) : () -> ()
    "tpu.region"() ({
      %run_scoped3A_65 = tpu.sem_alloc : memref<!tpu.dma_semaphore, #tpu.memory_space<semaphore_mem>>
      tpu.enqueue_dma source(%arg7 : memref<16xf32, #tpu.memory_space<hbm>>) target(%arg28 : memref<16xf32, #tpu.memory_space<vmem>>) target_semaphore(%run_scoped3A_65 : memref<!tpu.dma_semaphore, #tpu.memory_space<semaphore_mem>>)
      tpu.wait_dma2 semaphore(%run_scoped3A_65 : memref<!tpu.dma_semaphore, #tpu.memory_space<semaphore_mem>>) src(%arg7 : memref<16xf32, #tpu.memory_space<hbm>>) dst(%arg28 : memref<16xf32, #tpu.memory_space<vmem>>)
      tpu.yield
    }) : () -> ()
    %barrier3A = arith.constant 0 : index
    tpu.barrier barrier_id(%barrier3A)
    %mul3A_4 = arith.constant 10368 : i32
    %mul3A_5 = arith.muli %add3A, %mul3A_4 : i32
    %run_scoped3A = arith.constant 0 : i32
    "tpu.region"() ({
      %run_scoped3A_65 = tpu.sem_alloc : memref<!tpu.dma_semaphore, #tpu.memory_space<semaphore_mem>>
      %dma_start3A_66 = arith.constant 0 : i32
      %dma_start3A_67 = tpu.memref_slice %arg5[%add3A, %run_scoped3A, %dma_start3A_66] : memref<32x81x128xi32, #tpu.memory_space<hbm>> -> memref<1x1x128xi32, #tpu.memory_space<hbm>>
      %dma_start3A_68 = tpu.memref_squeeze %dma_start3A_67 : memref<1x1x128xi32, #tpu.memory_space<hbm>> -> memref<128xi32, #tpu.memory_space<hbm>>
      %dma_start3A_69 = arith.constant 0 : i32
      %dma_start3A_70 = tpu.memref_slice %arg5[%add3A, %run_scoped3A, %dma_start3A_69] : memref<32x81x128xi32, #tpu.memory_space<hbm>> -> memref<1x1x128xi32, #tpu.memory_space<hbm>>
      %dma_start3A_71 = tpu.memref_squeeze %dma_start3A_70 : memref<1x1x128xi32, #tpu.memory_space<hbm>> -> memref<128xi32, #tpu.memory_space<hbm>>
      tpu.enqueue_dma source(%dma_start3A_71 : memref<128xi32, #tpu.memory_space<hbm>>) target(%arg13 : memref<128xi32, #tpu.memory_space<vmem>>) target_semaphore(%run_scoped3A_65 : memref<!tpu.dma_semaphore, #tpu.memory_space<semaphore_mem>>)
      %dma_wait3A_72 = arith.constant 0 : i32
      %dma_wait3A_73 = tpu.memref_slice %arg5[%add3A, %run_scoped3A, %dma_wait3A_72] : memref<32x81x128xi32, #tpu.memory_space<hbm>> -> memref<1x1x128xi32, #tpu.memory_space<hbm>>
      %dma_wait3A_74 = tpu.memref_squeeze %dma_wait3A_73 : memref<1x1x128xi32, #tpu.memory_space<hbm>> -> memref<128xi32, #tpu.memory_space<hbm>>
      %dma_wait3A_75 = arith.constant 0 : i32
      %dma_wait3A_76 = tpu.memref_slice %arg5[%add3A, %run_scoped3A, %dma_wait3A_75] : memref<32x81x128xi32, #tpu.memory_space<hbm>> -> memref<1x1x128xi32, #tpu.memory_space<hbm>>
      %dma_wait3A_77 = tpu.memref_squeeze %dma_wait3A_76 : memref<1x1x128xi32, #tpu.memory_space<hbm>> -> memref<128xi32, #tpu.memory_space<hbm>>
      tpu.wait_dma2 semaphore(%run_scoped3A_65 : memref<!tpu.dma_semaphore, #tpu.memory_space<semaphore_mem>>) src(%dma_wait3A_77 : memref<128xi32, #tpu.memory_space<hbm>>) dst(%arg13 : memref<128xi32, #tpu.memory_space<vmem>>)
      tpu.yield
    }) : () -> ()
    %run_scoped3A_6 = arith.constant 1 : i32
    "tpu.region"() ({
      %run_scoped3A_65 = tpu.sem_alloc : memref<!tpu.dma_semaphore, #tpu.memory_space<semaphore_mem>>
      %dma_start3A_66 = arith.constant 0 : i32
      %dma_start3A_67 = tpu.memref_slice %arg5[%add3A, %run_scoped3A_6, %dma_start3A_66] : memref<32x81x128xi32, #tpu.memory_space<hbm>> -> memref<1x1x128xi32, #tpu.memory_space<hbm>>
      %dma_start3A_68 = tpu.memref_squeeze %dma_start3A_67 : memref<1x1x128xi32, #tpu.memory_space<hbm>> -> memref<128xi32, #tpu.memory_space<hbm>>
      %dma_start3A_69 = arith.constant 0 : i32
      %dma_start3A_70 = tpu.memref_slice %arg5[%add3A, %run_scoped3A_6, %dma_start3A_69] : memref<32x81x128xi32, #tpu.memory_space<hbm>> -> memref<1x1x128xi32, #tpu.memory_space<hbm>>
      %dma_start3A_71 = tpu.memref_squeeze %dma_start3A_70 : memref<1x1x128xi32, #tpu.memory_space<hbm>> -> memref<128xi32, #tpu.memory_space<hbm>>
      tpu.enqueue_dma source(%dma_start3A_71 : memref<128xi32, #tpu.memory_space<hbm>>) target(%arg14 : memref<128xi32, #tpu.memory_space<vmem>>) target_semaphore(%run_scoped3A_65 : memref<!tpu.dma_semaphore, #tpu.memory_space<semaphore_mem>>)
      %dma_wait3A_72 = arith.constant 0 : i32
      %dma_wait3A_73 = tpu.memref_slice %arg5[%add3A, %run_scoped3A_6, %dma_wait3A_72] : memref<32x81x128xi32, #tpu.memory_space<hbm>> -> memref<1x1x128xi32, #tpu.memory_space<hbm>>
      %dma_wait3A_74 = tpu.memref_squeeze %dma_wait3A_73 : memref<1x1x128xi32, #tpu.memory_space<hbm>> -> memref<128xi32, #tpu.memory_space<hbm>>
      %dma_wait3A_75 = arith.constant 0 : i32
      %dma_wait3A_76 = tpu.memref_slice %arg5[%add3A, %run_scoped3A_6, %dma_wait3A_75] : memref<32x81x128xi32, #tpu.memory_space<hbm>> -> memref<1x1x128xi32, #tpu.memory_space<hbm>>
      %dma_wait3A_77 = tpu.memref_squeeze %dma_wait3A_76 : memref<1x1x128xi32, #tpu.memory_space<hbm>> -> memref<128xi32, #tpu.memory_space<hbm>>
      tpu.wait_dma2 semaphore(%run_scoped3A_65 : memref<!tpu.dma_semaphore, #tpu.memory_space<semaphore_mem>>) src(%dma_wait3A_77 : memref<128xi32, #tpu.memory_space<hbm>>) dst(%arg14 : memref<128xi32, #tpu.memory_space<vmem>>)
      tpu.yield
    }) : () -> ()
    %dma_start3A = arith.constant 0 : i32
    %dma_start3A_7 = arith.constant 0 : i32
    %dma_start3A_8 = tpu.memref_slice %arg2[%dma_start3A, %dma_start3A_7] : memref<10000x8xf32, #tpu.memory_space<hbm>> -> memref<10000x8xf32, #tpu.memory_space<hbm>>
    tpu.enqueue_indirect_dma source(%dma_start3A_8 : memref<10000x8xf32, #tpu.memory_space<hbm>>) target(%arg16 : memref<128x8xf32, #tpu.memory_space<vmem>>) offsets(%arg13 : memref<128xi32, #tpu.memory_space<vmem>>) semaphore(%arg32 : memref<!tpu.dma_semaphore, #tpu.memory_space<semaphore_mem>>)
    %dma_start3A_9 = arith.constant 0 : i32
    %dma_start3A_10 = arith.constant 0 : i32
    %dma_start3A_11 = tpu.memref_slice %arg12[%dma_start3A_9, %dma_start3A_10] : memref<81x128xi32, #tpu.memory_space<vmem>> -> memref<1x128xi32, #tpu.memory_space<vmem>>
    %dma_start3A_12 = tpu.memref_squeeze %dma_start3A_11 : memref<1x128xi32, #tpu.memory_space<vmem>> -> memref<128xi32, #tpu.memory_space<vmem>>
    %dma_start3A_13 = arith.constant 0 : i32
    %dma_start3A_14 = arith.constant 0 : i32
    %dma_start3A_15 = tpu.memref_slice %arg3[%dma_start3A_13, %dma_start3A_14] : memref<10000x8xf32, #tpu.memory_space<hbm>> -> memref<10000x8xf32, #tpu.memory_space<hbm>>
    tpu.enqueue_indirect_dma source(%dma_start3A_15 : memref<10000x8xf32, #tpu.memory_space<hbm>>) target(%arg19 : memref<128x8xf32, #tpu.memory_space<vmem>>) offsets(%dma_start3A_12 : memref<128xi32, #tpu.memory_space<vmem>>) semaphore(%arg32 : memref<!tpu.dma_semaphore, #tpu.memory_space<semaphore_mem>>)
    %dma_start3A_16 = arith.constant 0 : i32
    %dma_start3A_17 = arith.constant 0 : i32
    %dma_start3A_18 = tpu.memref_slice %arg4[%dma_start3A_16, %dma_start3A_17] : memref<10000x16xf32, #tpu.memory_space<hbm>> -> memref<10000x16xf32, #tpu.memory_space<hbm>>
    tpu.enqueue_indirect_dma source(%dma_start3A_18 : memref<10000x16xf32, #tpu.memory_space<hbm>>) target(%arg25 : memref<128x16xf32, #tpu.memory_space<vmem>>) offsets(%arg13 : memref<128xi32, #tpu.memory_space<vmem>>) semaphore(%arg32 : memref<!tpu.dma_semaphore, #tpu.memory_space<semaphore_mem>>)
    %dma_start3A_19 = arith.constant 0 : i32
    %dma_start3A_20 = arith.constant 0 : i32
    %dma_start3A_21 = tpu.memref_slice %arg2[%dma_start3A_19, %dma_start3A_20] : memref<10000x8xf32, #tpu.memory_space<hbm>> -> memref<10000x8xf32, #tpu.memory_space<hbm>>
    tpu.enqueue_indirect_dma source(%dma_start3A_21 : memref<10000x8xf32, #tpu.memory_space<hbm>>) target(%arg17 : memref<128x8xf32, #tpu.memory_space<vmem>>) offsets(%arg14 : memref<128xi32, #tpu.memory_space<vmem>>) semaphore(%arg33 : memref<!tpu.dma_semaphore, #tpu.memory_space<semaphore_mem>>)
    %dma_start3A_22 = arith.constant 1 : i32
    %dma_start3A_23 = arith.constant 0 : i32
    %dma_start3A_24 = tpu.memref_slice %arg12[%dma_start3A_22, %dma_start3A_23] : memref<81x128xi32, #tpu.memory_space<vmem>> -> memref<1x128xi32, #tpu.memory_space<vmem>>
    %dma_start3A_25 = tpu.memref_squeeze %dma_start3A_24 : memref<1x128xi32, #tpu.memory_space<vmem>> -> memref<128xi32, #tpu.memory_space<vmem>>
    %dma_start3A_26 = arith.constant 0 : i32
    %dma_start3A_27 = arith.constant 0 : i32
    %dma_start3A_28 = tpu.memref_slice %arg3[%dma_start3A_26, %dma_start3A_27] : memref<10000x8xf32, #tpu.memory_space<hbm>> -> memref<10000x8xf32, #tpu.memory_space<hbm>>
    tpu.enqueue_indirect_dma source(%dma_start3A_28 : memref<10000x8xf32, #tpu.memory_space<hbm>>) target(%arg20 : memref<128x8xf32, #tpu.memory_space<vmem>>) offsets(%dma_start3A_25 : memref<128xi32, #tpu.memory_space<vmem>>) semaphore(%arg33 : memref<!tpu.dma_semaphore, #tpu.memory_space<semaphore_mem>>)
    %dma_start3A_29 = arith.constant 0 : i32
    %dma_start3A_30 = arith.constant 0 : i32
    %dma_start3A_31 = tpu.memref_slice %arg4[%dma_start3A_29, %dma_start3A_30] : memref<10000x16xf32, #tpu.memory_space<hbm>> -> memref<10000x16xf32, #tpu.memory_space<hbm>>
    tpu.enqueue_indirect_dma source(%dma_start3A_31 : memref<10000x16xf32, #tpu.memory_space<hbm>>) target(%arg26 : memref<128x16xf32, #tpu.memory_space<vmem>>) offsets(%arg14 : memref<128xi32, #tpu.memory_space<vmem>>) semaphore(%arg33 : memref<!tpu.dma_semaphore, #tpu.memory_space<semaphore_mem>>)
    %scan3A = arith.constant 0 : i32
    %scan3A_32 = arith.constant 0 : i32
    %scan3A_33 = arith.constant 27 : i32
    %scan3A_34 = arith.addi %scan3A_32, %scan3A_33 : i32
    %scan3A_35 = arith.constant 1 : i32
    scf.for %scan3A_65 = %scan3A_32 to %scan3A_34 step %scan3A_35  : i32 {
      %mul3A_66 = arith.constant 3 : i32
      %mul3A_67 = arith.muli %mul3A_66, %scan3A_65 : i32
      %add3A_68 = arith.constant 0 : i32
      %add3A_69 = arith.addi %mul3A_67, %add3A_68 : i32
      %dma_wait3A_70 = arith.constant 0 : i32
      %dma_wait3A_71 = arith.constant 0 : i32
      %dma_wait3A_72 = tpu.memref_slice %arg2[%dma_wait3A_70, %dma_wait3A_71] : memref<10000x8xf32, #tpu.memory_space<hbm>> -> memref<10000x8xf32, #tpu.memory_space<hbm>>
      tpu.wait_indirect_dma semaphore(%arg32 : memref<!tpu.dma_semaphore, #tpu.memory_space<semaphore_mem>>) src(%dma_wait3A_72 : memref<10000x8xf32, #tpu.memory_space<hbm>>) dst(%arg16 : memref<128x8xf32, #tpu.memory_space<vmem>>)
      %dma_wait3A_73 = arith.constant 0 : i32
      %dma_wait3A_74 = tpu.memref_slice %arg12[%add3A_69, %dma_wait3A_73] : memref<81x128xi32, #tpu.memory_space<vmem>> -> memref<1x128xi32, #tpu.memory_space<vmem>>
      %dma_wait3A_75 = tpu.memref_squeeze %dma_wait3A_74 : memref<1x128xi32, #tpu.memory_space<vmem>> -> memref<128xi32, #tpu.memory_space<vmem>>
      %dma_wait3A_76 = arith.constant 0 : i32
      %dma_wait3A_77 = arith.constant 0 : i32
      %dma_wait3A_78 = tpu.memref_slice %arg3[%dma_wait3A_76, %dma_wait3A_77] : memref<10000x8xf32, #tpu.memory_space<hbm>> -> memref<10000x8xf32, #tpu.memory_space<hbm>>
      tpu.wait_indirect_dma semaphore(%arg32 : memref<!tpu.dma_semaphore, #tpu.memory_space<semaphore_mem>>) src(%dma_wait3A_78 : memref<10000x8xf32, #tpu.memory_space<hbm>>) dst(%arg19 : memref<128x8xf32, #tpu.memory_space<vmem>>)
      %dma_wait3A_79 = arith.constant 0 : i32
      %dma_wait3A_80 = arith.constant 0 : i32
      %dma_wait3A_81 = tpu.memref_slice %arg4[%dma_wait3A_79, %dma_wait3A_80] : memref<10000x16xf32, #tpu.memory_space<hbm>> -> memref<10000x16xf32, #tpu.memory_space<hbm>>
      tpu.wait_indirect_dma semaphore(%arg32 : memref<!tpu.dma_semaphore, #tpu.memory_space<semaphore_mem>>) src(%dma_wait3A_81 : memref<10000x16xf32, #tpu.memory_space<hbm>>) dst(%arg25 : memref<128x16xf32, #tpu.memory_space<vmem>>)
      %get3A = arith.constant 0 : index
      %get3A_82 = tpu.vector_load %arg28[%get3A] {strides = array<i32>} : memref<16xf32, #tpu.memory_space<vmem>>, vector<16xf32>,
      %mul3A_83 = arith.constant 128 : i32
      %mul3A_84 = arith.muli %add3A_69, %mul3A_83 : i32
      %add3A_85 = arith.addi %mul3A_5, %mul3A_84 : i32
      %scan3A_86 = arith.constant 0 : i32
      %scan3A_87 = arith.constant 0 : i32
      %scan3A_88 = arith.constant 64 : i32
      %scan3A_89 = arith.addi %scan3A_87, %scan3A_88 : i32
      %scan3A_90 = arith.constant 1 : i32
      scf.for %scan3A_249 = %scan3A_87 to %scan3A_89 step %scan3A_90  : i32 {
        %iota3A = tpu.iota {dimensions = array<i32: 0>} : vector<16xi32>
        %mul3A_250 = arith.constant 2 : i32
        %mul3A_251 = arith.muli %mul3A_250, %scan3A_249 : i32
        %shift_right_logical3A = arith.constant 3 : i32
        %shift_right_logical3A_252 = vector.broadcast %shift_right_logical3A : i32 to vector<16xi32>
        %shift_right_logical3A_253 = arith.shrui %iota3A, %shift_right_logical3A_252 : vector<16xi32>
        %add3A_254 = vector.broadcast %mul3A_251 : i32 to vector<16xi32>
        %add3A_255 = arith.addi %add3A_254, %shift_right_logical3A_253 : vector<16xi32>
        %and3A_256 = arith.constant 7 : i32
        %and3A_257 = vector.broadcast %and3A_256 : i32 to vector<16xi32>
        %and3A_258 = arith.andi %iota3A, %and3A_257 : vector<16xi32>
        %gather3A = tpu.vector_load_idx %arg16[%add3A_255, %and3A_258] : memref<128x8xf32, #tpu.memory_space<vmem>>[vector<16xi32>, vector<16xi32>], vector<16xf32>,
        %gather3A_259 = tpu.vector_load_idx %arg19[%add3A_255, %and3A_258] : memref<128x8xf32, #tpu.memory_space<vmem>>[vector<16xi32>, vector<16xi32>], vector<16xf32>,
        %add3A_260 = arith.addf %gather3A, %gather3A_259 : vector<16xf32>
        %mul3A_261 = arith.constant 2.000000e-01 : f32
        %mul3A_262 = vector.broadcast %mul3A_261 : f32 to vector<16xf32>
        %mul3A_263 = arith.mulf %mul3A_262, %add3A_260 : vector<16xf32>
        %max3A = arith.maximumf %add3A_260, %mul3A_263 : vector<16xf32>
        %sub3A = arith.subf %max3A, %get3A_82 : vector<16xf32>
        %exp3A = math.exp %sub3A : vector<16xf32>
        %add3A_264 = vector.broadcast %add3A_85 : i32 to vector<16xi32>
        %add3A_265 = arith.addi %add3A_264, %add3A_255 : vector<16xi32>
        %lt3A_266 = arith.constant 330000 : i32
        %lt3A_267 = vector.broadcast %lt3A_266 : i32 to vector<16xi32>
        %lt3A_268 = arith.cmpi slt, %add3A_265, %lt3A_267 : vector<16xi32>
        %jit3A = arith.constant 0.000000e+00 : f32
        %broadcast_in_dim3A = vector.broadcast %jit3A : f32 to vector<16xf32>
        %select_n3A = arith.select %lt3A_268, %exp3A, %broadcast_in_dim3A : vector<16xi1>, vector<16xf32>
        tpu.vector_store_idx %arg22[%add3A_255, %and3A_258], %select_n3A : memref<128x8xf32, #tpu.memory_space<vmem>>[vector<16xi32>, vector<16xi32>], vector<16xf32>,
      }
      %scan3A_91 = arith.constant 64 : i32
      %dma_start3A_92 = arith.constant 0 : i32
      %dma_start3A_93 = tpu.memref_slice %arg12[%add3A_69, %dma_start3A_92] : memref<81x128xi32, #tpu.memory_space<vmem>> -> memref<1x128xi32, #tpu.memory_space<vmem>>
      %dma_start3A_94 = tpu.memref_squeeze %dma_start3A_93 : memref<1x128xi32, #tpu.memory_space<vmem>> -> memref<128xi32, #tpu.memory_space<vmem>>
      %dma_start3A_95 = arith.constant 0 : i32
      %dma_start3A_96 = arith.constant 0 : i32
      %dma_start3A_97 = tpu.memref_slice %arg38[%dma_start3A_95, %dma_start3A_96] : memref<10000x8xf32, #tpu.memory_space<vmem_shared>> -> memref<10000x8xf32, #tpu.memory_space<vmem_shared>>
      tpu.enqueue_indirect_dma source(%arg22 : memref<128x8xf32, #tpu.memory_space<vmem>>) target(%dma_start3A_97 : memref<10000x8xf32, #tpu.memory_space<vmem_shared>>) offsets(%dma_start3A_94 : memref<128xi32, #tpu.memory_space<vmem>>) semaphore(%arg35 : memref<!tpu.dma_semaphore, #tpu.memory_space<semaphore_mem>>) {add = true}
      %ge3A = arith.constant 2 : i32
      %ge3A_98 = arith.cmpi sge, %add3A_69, %ge3A : i32
      %convert_element_type3A = arith.extui %ge3A_98 : i1 to i32
      %cond3A = arith.constant 0 : i32
      %cond3A_99 = arith.cmpi ne, %convert_element_type3A, %cond3A : i32
      scf.if %cond3A_99 {
        %sub3A = arith.constant 2 : i32
        %sub3A_249 = arith.subi %add3A_69, %sub3A : i32
        %dma_wait3A_250 = arith.constant 0 : i32
        %dma_wait3A_251 = tpu.memref_slice %arg12[%sub3A_249, %dma_wait3A_250] : memref<81x128xi32, #tpu.memory_space<vmem>> -> memref<1x128xi32, #tpu.memory_space<vmem>>
        %dma_wait3A_252 = tpu.memref_squeeze %dma_wait3A_251 : memref<1x128xi32, #tpu.memory_space<vmem>> -> memref<128xi32, #tpu.memory_space<vmem>>
        %dma_wait3A_253 = arith.constant 0 : i32
        %dma_wait3A_254 = arith.constant 0 : i32
        %dma_wait3A_255 = tpu.memref_slice %arg38[%dma_wait3A_253, %dma_wait3A_254] : memref<10000x8xf32, #tpu.memory_space<vmem_shared>> -> memref<10000x8xf32, #tpu.memory_space<vmem_shared>>
        tpu.wait_indirect_dma semaphore(%arg36 : memref<!tpu.dma_semaphore, #tpu.memory_space<semaphore_mem>>) src(%arg23 : memref<128x8xf32, #tpu.memory_space<vmem>>) dst(%dma_wait3A_255 : memref<10000x8xf32, #tpu.memory_space<vmem_shared>>)
        %dma_wait3A_256 = arith.constant 0 : i32
        %dma_wait3A_257 = tpu.memref_slice %arg12[%sub3A_249, %dma_wait3A_256] : memref<81x128xi32, #tpu.memory_space<vmem>> -> memref<1x128xi32, #tpu.memory_space<vmem>>
        %dma_wait3A_258 = tpu.memref_squeeze %dma_wait3A_257 : memref<1x128xi32, #tpu.memory_space<vmem>> -> memref<128xi32, #tpu.memory_space<vmem>>
        %dma_wait3A_259 = arith.constant 0 : i32
        %dma_wait3A_260 = arith.constant 0 : i32
        %dma_wait3A_261 = tpu.memref_slice %arg39[%dma_wait3A_259, %dma_wait3A_260] : memref<10000x16xf32, #tpu.memory_space<vmem_shared>> -> memref<10000x16xf32, #tpu.memory_space<vmem_shared>>
        tpu.wait_indirect_dma semaphore(%arg36 : memref<!tpu.dma_semaphore, #tpu.memory_space<semaphore_mem>>) src(%arg26 : memref<128x16xf32, #tpu.memory_space<vmem>>) dst(%dma_wait3A_261 : memref<10000x16xf32, #tpu.memory_space<vmem_shared>>)
      } else {
      }
      %ge3A_100 = arith.constant 1 : i32
      %ge3A_101 = arith.cmpi sge, %add3A_69, %ge3A_100 : i32
      %lt3A = arith.constant 80 : i32
      %lt3A_102 = arith.cmpi slt, %add3A_69, %lt3A : i32
      %and3A = arith.andi %ge3A_101, %lt3A_102 : i1
      %convert_element_type3A_103 = arith.extui %and3A : i1 to i32
      %cond3A_104 = arith.constant 0 : i32
      %cond3A_105 = arith.cmpi ne, %convert_element_type3A_103, %cond3A_104 : i32
      scf.if %cond3A_105 {
        %add3A_249 = arith.constant 1 : i32
        %add3A_250 = arith.addi %add3A_69, %add3A_249 : i32
        %dma_wait3A_251 = arith.constant 0 : i32
        %dma_wait3A_252 = tpu.memref_slice %arg5[%add3A, %add3A_250, %dma_wait3A_251] : memref<32x81x128xi32, #tpu.memory_space<hbm>> -> memref<1x1x128xi32, #tpu.memory_space<hbm>>
        %dma_wait3A_253 = tpu.memref_squeeze %dma_wait3A_252 : memref<1x1x128xi32, #tpu.memory_space<hbm>> -> memref<128xi32, #tpu.memory_space<hbm>>
        %dma_wait3A_254 = arith.constant 0 : i32
        %dma_wait3A_255 = tpu.memref_slice %arg5[%add3A, %add3A_250, %dma_wait3A_254] : memref<32x81x128xi32, #tpu.memory_space<hbm>> -> memref<1x1x128xi32, #tpu.memory_space<hbm>>
        %dma_wait3A_256 = tpu.memref_squeeze %dma_wait3A_255 : memref<1x1x128xi32, #tpu.memory_space<hbm>> -> memref<128xi32, #tpu.memory_space<hbm>>
        tpu.wait_dma2 semaphore(%arg30 : memref<!tpu.dma_semaphore, #tpu.memory_space<semaphore_mem>>) src(%dma_wait3A_256 : memref<128xi32, #tpu.memory_space<hbm>>) dst(%arg14 : memref<128xi32, #tpu.memory_space<vmem>>)
        %add3A_257 = arith.constant 1 : i32
        %add3A_258 = arith.addi %add3A_69, %add3A_257 : i32
        %dma_start3A_259 = arith.constant 0 : i32
        %dma_start3A_260 = arith.constant 0 : i32
        %dma_start3A_261 = tpu.memref_slice %arg2[%dma_start3A_259, %dma_start3A_260] : memref<10000x8xf32, #tpu.memory_space<hbm>> -> memref<10000x8xf32, #tpu.memory_space<hbm>>
        tpu.enqueue_indirect_dma source(%dma_start3A_261 : memref<10000x8xf32, #tpu.memory_space<hbm>>) target(%arg17 : memref<128x8xf32, #tpu.memory_space<vmem>>) offsets(%arg14 : memref<128xi32, #tpu.memory_space<vmem>>) semaphore(%arg33 : memref<!tpu.dma_semaphore, #tpu.memory_space<semaphore_mem>>)
        %dma_start3A_262 = arith.constant 0 : i32
        %dma_start3A_263 = tpu.memref_slice %arg12[%add3A_258, %dma_start3A_262] : memref<81x128xi32, #tpu.memory_space<vmem>> -> memref<1x128xi32, #tpu.memory_space<vmem>>
        %dma_start3A_264 = tpu.memref_squeeze %dma_start3A_263 : memref<1x128xi32, #tpu.memory_space<vmem>> -> memref<128xi32, #tpu.memory_space<vmem>>
        %dma_start3A_265 = arith.constant 0 : i32
        %dma_start3A_266 = arith.constant 0 : i32
        %dma_start3A_267 = tpu.memref_slice %arg3[%dma_start3A_265, %dma_start3A_266] : memref<10000x8xf32, #tpu.memory_space<hbm>> -> memref<10000x8xf32, #tpu.memory_space<hbm>>
        tpu.enqueue_indirect_dma source(%dma_start3A_267 : memref<10000x8xf32, #tpu.memory_space<hbm>>) target(%arg20 : memref<128x8xf32, #tpu.memory_space<vmem>>) offsets(%dma_start3A_264 : memref<128xi32, #tpu.memory_space<vmem>>) semaphore(%arg33 : memref<!tpu.dma_semaphore, #tpu.memory_space<semaphore_mem>>)
        %dma_start3A_268 = arith.constant 0 : i32
        %dma_start3A_269 = arith.constant 0 : i32
        %dma_start3A_270 = tpu.memref_slice %arg4[%dma_start3A_268, %dma_start3A_269] : memref<10000x16xf32, #tpu.memory_space<hbm>> -> memref<10000x16xf32, #tpu.memory_space<hbm>>
        tpu.enqueue_indirect_dma source(%dma_start3A_270 : memref<10000x16xf32, #tpu.memory_space<hbm>>) target(%arg26 : memref<128x16xf32, #tpu.memory_space<vmem>>) offsets(%arg14 : memref<128xi32, #tpu.memory_space<vmem>>) semaphore(%arg33 : memref<!tpu.dma_semaphore, #tpu.memory_space<semaphore_mem>>)
      } else {
      }
      %lt3A_106 = arith.constant 79 : i32
      %lt3A_107 = arith.cmpi slt, %add3A_69, %lt3A_106 : i32
      %convert_element_type3A_108 = arith.extui %lt3A_107 : i1 to i32
      %cond3A_109 = arith.constant 0 : i32
      %cond3A_110 = arith.cmpi ne, %convert_element_type3A_108, %cond3A_109 : i32
      scf.if %cond3A_110 {
        %add3A_249 = arith.constant 2 : i32
        %add3A_250 = arith.addi %add3A_69, %add3A_249 : i32
        %dma_start3A_251 = arith.constant 0 : i32
        %dma_start3A_252 = tpu.memref_slice %arg5[%add3A, %add3A_250, %dma_start3A_251] : memref<32x81x128xi32, #tpu.memory_space<hbm>> -> memref<1x1x128xi32, #tpu.memory_space<hbm>>
        %dma_start3A_253 = tpu.memref_squeeze %dma_start3A_252 : memref<1x1x128xi32, #tpu.memory_space<hbm>> -> memref<128xi32, #tpu.memory_space<hbm>>
        %dma_start3A_254 = arith.constant 0 : i32
        %dma_start3A_255 = tpu.memref_slice %arg5[%add3A, %add3A_250, %dma_start3A_254] : memref<32x81x128xi32, #tpu.memory_space<hbm>> -> memref<1x1x128xi32, #tpu.memory_space<hbm>>
        %dma_start3A_256 = tpu.memref_squeeze %dma_start3A_255 : memref<1x1x128xi32, #tpu.memory_space<hbm>> -> memref<128xi32, #tpu.memory_space<hbm>>
        tpu.enqueue_dma source(%dma_start3A_256 : memref<128xi32, #tpu.memory_space<hbm>>) target(%arg15 : memref<128xi32, #tpu.memory_space<vmem>>) target_semaphore(%arg31 : memref<!tpu.dma_semaphore, #tpu.memory_space<semaphore_mem>>)
      } else {
      }
      %scan3A_111 = arith.constant 0 : i32
      %scan3A_112 = arith.constant 0 : i32
      %scan3A_113 = arith.constant 64 : i32
      %scan3A_114 = arith.addi %scan3A_112, %scan3A_113 : i32
      %scan3A_115 = arith.constant 1 : i32
      scf.for %scan3A_249 = %scan3A_112 to %scan3A_114 step %scan3A_115  : i32 {
        %mul3A_250 = arith.constant 2 : i32
        %mul3A_251 = arith.muli %mul3A_250, %scan3A_249 : i32
        %add3A_252 = arith.constant 0 : i32
        %add3A_253 = arith.addi %mul3A_251, %add3A_252 : i32
        %broadcast_in_dim3A = arith.constant 0 : i32
        %broadcast_in_dim3A_254 = vector.broadcast %broadcast_in_dim3A : i32 to vector<16xi32>
        %add3A_255 = vector.broadcast %add3A_253 : i32 to vector<16xi32>
        %add3A_256 = arith.addi %broadcast_in_dim3A_254, %add3A_255 : vector<16xi32>
        %broadcast_in_dim3A_257 = arith.constant 0 : i32
        %broadcast_in_dim3A_258 = vector.broadcast %broadcast_in_dim3A_257 : i32 to vector<16xi32>
        %gather3A = tpu.vector_load_idx %arg22[%add3A_256, %broadcast_in_dim3A_258] : memref<128x8xf32, #tpu.memory_space<vmem>>[vector<16xi32>, vector<16xi32>], vector<16xf32>,
        %get3A_259 = arith.index_cast %add3A_253 : i32 to index
        %get3A_260 = arith.constant 0 : index
        %get3A_261 = tpu.vector_load %arg25[%get3A_259, %get3A_260] {strides = array<i32>} : memref<128x16xf32, #tpu.memory_space<vmem>>, vector<16xf32>,
        %mul3A_262 = arith.mulf %get3A_261, %gather3A : vector<16xf32>
        %swap3A = arith.index_cast %add3A_253 : i32 to index
        %swap3A_263 = arith.constant 0 : index
        %swap3A_264 = tpu.vector_load %arg25[%swap3A, %swap3A_263] {strides = array<i32>} : memref<128x16xf32, #tpu.memory_space<vmem>>, vector<16xf32>,
        tpu.vector_store %arg25[%swap3A, %swap3A_263], %mul3A_262 {strides = array<i32>} : memref<128x16xf32, #tpu.memory_space<vmem>>, vector<16xf32>,
        %mul3A_265 = arith.constant 2 : i32
        %mul3A_266 = arith.muli %mul3A_265, %scan3A_249 : i32
        %add3A_267 = arith.constant 1 : i32
        %add3A_268 = arith.addi %mul3A_266, %add3A_267 : i32
        %broadcast_in_dim3A_269 = arith.constant 0 : i32
        %broadcast_in_dim3A_270 = vector.broadcast %broadcast_in_dim3A_269 : i32 to vector<16xi32>
        %add3A_271 = vector.broadcast %add3A_268 : i32 to vector<16xi32>
        %add3A_272 = arith.addi %broadcast_in_dim3A_270, %add3A_271 : vector<16xi32>
        %broadcast_in_dim3A_273 = arith.constant 0 : i32
        %broadcast_in_dim3A_274 = vector.broadcast %broadcast_in_dim3A_273 : i32 to vector<16xi32>
        %gather3A_275 = tpu.vector_load_idx %arg22[%add3A_272, %broadcast_in_dim3A_274] : memref<128x8xf32, #tpu.memory_space<vmem>>[vector<16xi32>, vector<16xi32>], vector<16xf32>,
        %get3A_276 = arith.index_cast %add3A_268 : i32 to index
        %get3A_277 = arith.constant 0 : index
        %get3A_278 = tpu.vector_load %arg25[%get3A_276, %get3A_277] {strides = array<i32>} : memref<128x16xf32, #tpu.memory_space<vmem>>, vector<16xf32>,
        %mul3A_279 = arith.mulf %get3A_278, %gather3A_275 : vector<16xf32>
        %swap3A_280 = arith.index_cast %add3A_268 : i32 to index
        %swap3A_281 = arith.constant 0 : index
        %swap3A_282 = tpu.vector_load %arg25[%swap3A_280, %swap3A_281] {strides = array<i32>} : memref<128x16xf32, #tpu.memory_space<vmem>>, vector<16xf32>,
        tpu.vector_store %arg25[%swap3A_280, %swap3A_281], %mul3A_279 {strides = array<i32>} : memref<128x16xf32, #tpu.memory_space<vmem>>, vector<16xf32>,
      }
      %scan3A_116 = arith.constant 64 : i32
      %dma_start3A_117 = arith.constant 0 : i32
      %dma_start3A_118 = tpu.memref_slice %arg12[%add3A_69, %dma_start3A_117] : memref<81x128xi32, #tpu.memory_space<vmem>> -> memref<1x128xi32, #tpu.memory_space<vmem>>
      %dma_start3A_119 = tpu.memref_squeeze %dma_start3A_118 : memref<1x128xi32, #tpu.memory_space<vmem>> -> memref<128xi32, #tpu.memory_space<vmem>>
      %dma_start3A_120 = arith.constant 0 : i32
      %dma_start3A_121 = arith.constant 0 : i32
      %dma_start3A_122 = tpu.memref_slice %arg39[%dma_start3A_120, %dma_start3A_121] : memref<10000x16xf32, #tpu.memory_space<vmem_shared>> -> memref<10000x16xf32, #tpu.memory_space<vmem_shared>>
      tpu.enqueue_indirect_dma source(%arg25 : memref<128x16xf32, #tpu.memory_space<vmem>>) target(%dma_start3A_122 : memref<10000x16xf32, #tpu.memory_space<vmem_shared>>) offsets(%dma_start3A_119 : memref<128xi32, #tpu.memory_space<vmem>>) semaphore(%arg35 : memref<!tpu.dma_semaphore, #tpu.memory_space<semaphore_mem>>) {add = true}
      %mul3A_123 = arith.constant 3 : i32
      %mul3A_124 = arith.muli %mul3A_123, %scan3A_65 : i32
      %add3A_125 = arith.constant 1 : i32
      %add3A_126 = arith.addi %mul3A_124, %add3A_125 : i32
      %dma_wait3A_127 = arith.constant 0 : i32
      %dma_wait3A_128 = arith.constant 0 : i32
      %dma_wait3A_129 = tpu.memref_slice %arg2[%dma_wait3A_127, %dma_wait3A_128] : memref<10000x8xf32, #tpu.memory_space<hbm>> -> memref<10000x8xf32, #tpu.memory_space<hbm>>
      tpu.wait_indirect_dma semaphore(%arg33 : memref<!tpu.dma_semaphore, #tpu.memory_space<semaphore_mem>>) src(%dma_wait3A_129 : memref<10000x8xf32, #tpu.memory_space<hbm>>) dst(%arg17 : memref<128x8xf32, #tpu.memory_space<vmem>>)
      %dma_wait3A_130 = arith.constant 0 : i32
      %dma_wait3A_131 = tpu.memref_slice %arg12[%add3A_126, %dma_wait3A_130] : memref<81x128xi32, #tpu.memory_space<vmem>> -> memref<1x128xi32, #tpu.memory_space<vmem>>
      %dma_wait3A_132 = tpu.memref_squeeze %dma_wait3A_131 : memref<1x128xi32, #tpu.memory_space<vmem>> -> memref<128xi32, #tpu.memory_space<vmem>>
      %dma_wait3A_133 = arith.constant 0 : i32
      %dma_wait3A_134 = arith.constant 0 : i32
      %dma_wait3A_135 = tpu.memref_slice %arg3[%dma_wait3A_133, %dma_wait3A_134] : memref<10000x8xf32, #tpu.memory_space<hbm>> -> memref<10000x8xf32, #tpu.memory_space<hbm>>
      tpu.wait_indirect_dma semaphore(%arg33 : memref<!tpu.dma_semaphore, #tpu.memory_space<semaphore_mem>>) src(%dma_wait3A_135 : memref<10000x8xf32, #tpu.memory_space<hbm>>) dst(%arg20 : memref<128x8xf32, #tpu.memory_space<vmem>>)
      %dma_wait3A_136 = arith.constant 0 : i32
      %dma_wait3A_137 = arith.constant 0 : i32
      %dma_wait3A_138 = tpu.memref_slice %arg4[%dma_wait3A_136, %dma_wait3A_137] : memref<10000x16xf32, #tpu.memory_space<hbm>> -> memref<10000x16xf32, #tpu.memory_space<hbm>>
      tpu.wait_indirect_dma semaphore(%arg33 : memref<!tpu.dma_semaphore, #tpu.memory_space<semaphore_mem>>) src(%dma_wait3A_138 : memref<10000x16xf32, #tpu.memory_space<hbm>>) dst(%arg26 : memref<128x16xf32, #tpu.memory_space<vmem>>)
      %get3A_139 = arith.constant 0 : index
      %get3A_140 = tpu.vector_load %arg28[%get3A_139] {strides = array<i32>} : memref<16xf32, #tpu.memory_space<vmem>>, vector<16xf32>,
      %mul3A_141 = arith.constant 128 : i32
      %mul3A_142 = arith.muli %add3A_126, %mul3A_141 : i32
      %add3A_143 = arith.addi %mul3A_5, %mul3A_142 : i32
      %scan3A_144 = arith.constant 0 : i32
      %scan3A_145 = arith.constant 0 : i32
      %scan3A_146 = arith.constant 64 : i32
      %scan3A_147 = arith.addi %scan3A_145, %scan3A_146 : i32
      %scan3A_148 = arith.constant 1 : i32
      scf.for %scan3A_249 = %scan3A_145 to %scan3A_147 step %scan3A_148  : i32 {
        %iota3A = tpu.iota {dimensions = array<i32: 0>} : vector<16xi32>
        %mul3A_250 = arith.constant 2 : i32
        %mul3A_251 = arith.muli %mul3A_250, %scan3A_249 : i32
        %shift_right_logical3A = arith.constant 3 : i32
        %shift_right_logical3A_252 = vector.broadcast %shift_right_logical3A : i32 to vector<16xi32>
        %shift_right_logical3A_253 = arith.shrui %iota3A, %shift_right_logical3A_252 : vector<16xi32>
        %add3A_254 = vector.broadcast %mul3A_251 : i32 to vector<16xi32>
        %add3A_255 = arith.addi %add3A_254, %shift_right_logical3A_253 : vector<16xi32>
        %and3A_256 = arith.constant 7 : i32
        %and3A_257 = vector.broadcast %and3A_256 : i32 to vector<16xi32>
        %and3A_258 = arith.andi %iota3A, %and3A_257 : vector<16xi32>
        %gather3A = tpu.vector_load_idx %arg17[%add3A_255, %and3A_258] : memref<128x8xf32, #tpu.memory_space<vmem>>[vector<16xi32>, vector<16xi32>], vector<16xf32>,
        %gather3A_259 = tpu.vector_load_idx %arg20[%add3A_255, %and3A_258] : memref<128x8xf32, #tpu.memory_space<vmem>>[vector<16xi32>, vector<16xi32>], vector<16xf32>,
        %add3A_260 = arith.addf %gather3A, %gather3A_259 : vector<16xf32>
        %mul3A_261 = arith.constant 2.000000e-01 : f32
        %mul3A_262 = vector.broadcast %mul3A_261 : f32 to vector<16xf32>
        %mul3A_263 = arith.mulf %mul3A_262, %add3A_260 : vector<16xf32>
        %max3A = arith.maximumf %add3A_260, %mul3A_263 : vector<16xf32>
        %sub3A = arith.subf %max3A, %get3A_140 : vector<16xf32>
        %exp3A = math.exp %sub3A : vector<16xf32>
        %add3A_264 = vector.broadcast %add3A_143 : i32 to vector<16xi32>
        %add3A_265 = arith.addi %add3A_264, %add3A_255 : vector<16xi32>
        %lt3A_266 = arith.constant 330000 : i32
        %lt3A_267 = vector.broadcast %lt3A_266 : i32 to vector<16xi32>
        %lt3A_268 = arith.cmpi slt, %add3A_265, %lt3A_267 : vector<16xi32>
        %jit3A = arith.constant 0.000000e+00 : f32
        %broadcast_in_dim3A = vector.broadcast %jit3A : f32 to vector<16xf32>
        %select_n3A = arith.select %lt3A_268, %exp3A, %broadcast_in_dim3A : vector<16xi1>, vector<16xf32>
        tpu.vector_store_idx %arg23[%add3A_255, %and3A_258], %select_n3A : memref<128x8xf32, #tpu.memory_space<vmem>>[vector<16xi32>, vector<16xi32>], vector<16xf32>,
      }
      %scan3A_149 = arith.constant 64 : i32
      %dma_start3A_150 = arith.constant 0 : i32
      %dma_start3A_151 = tpu.memref_slice %arg12[%add3A_126, %dma_start3A_150] : memref<81x128xi32, #tpu.memory_space<vmem>> -> memref<1x128xi32, #tpu.memory_space<vmem>>
      %dma_start3A_152 = tpu.memref_squeeze %dma_start3A_151 : memref<1x128xi32, #tpu.memory_space<vmem>> -> memref<128xi32, #tpu.memory_space<vmem>>
      %dma_start3A_153 = arith.constant 0 : i32
      %dma_start3A_154 = arith.constant 0 : i32
      %dma_start3A_155 = tpu.memref_slice %arg38[%dma_start3A_153, %dma_start3A_154] : memref<10000x8xf32, #tpu.memory_space<vmem_shared>> -> memref<10000x8xf32, #tpu.memory_space<vmem_shared>>
      tpu.enqueue_indirect_dma source(%arg23 : memref<128x8xf32, #tpu.memory_space<vmem>>) target(%dma_start3A_155 : memref<10000x8xf32, #tpu.memory_space<vmem_shared>>) offsets(%dma_start3A_152 : memref<128xi32, #tpu.memory_space<vmem>>) semaphore(%arg36 : memref<!tpu.dma_semaphore, #tpu.memory_space<semaphore_mem>>) {add = true}
      %ge3A_156 = arith.constant 2 : i32
      %ge3A_157 = arith.cmpi sge, %add3A_126, %ge3A_156 : i32
      %convert_element_type3A_158 = arith.extui %ge3A_157 : i1 to i32
      %cond3A_159 = arith.constant 0 : i32
      %cond3A_160 = arith.cmpi ne, %convert_element_type3A_158, %cond3A_159 : i32
      scf.if %cond3A_160 {
        %sub3A = arith.constant 2 : i32
        %sub3A_249 = arith.subi %add3A_126, %sub3A : i32
        %dma_wait3A_250 = arith.constant 0 : i32
        %dma_wait3A_251 = tpu.memref_slice %arg12[%sub3A_249, %dma_wait3A_250] : memref<81x128xi32, #tpu.memory_space<vmem>> -> memref<1x128xi32, #tpu.memory_space<vmem>>
        %dma_wait3A_252 = tpu.memref_squeeze %dma_wait3A_251 : memref<1x128xi32, #tpu.memory_space<vmem>> -> memref<128xi32, #tpu.memory_space<vmem>>
        %dma_wait3A_253 = arith.constant 0 : i32
        %dma_wait3A_254 = arith.constant 0 : i32
        %dma_wait3A_255 = tpu.memref_slice %arg38[%dma_wait3A_253, %dma_wait3A_254] : memref<10000x8xf32, #tpu.memory_space<vmem_shared>> -> memref<10000x8xf32, #tpu.memory_space<vmem_shared>>
        tpu.wait_indirect_dma semaphore(%arg37 : memref<!tpu.dma_semaphore, #tpu.memory_space<semaphore_mem>>) src(%arg24 : memref<128x8xf32, #tpu.memory_space<vmem>>) dst(%dma_wait3A_255 : memref<10000x8xf32, #tpu.memory_space<vmem_shared>>)
        %dma_wait3A_256 = arith.constant 0 : i32
        %dma_wait3A_257 = tpu.memref_slice %arg12[%sub3A_249, %dma_wait3A_256] : memref<81x128xi32, #tpu.memory_space<vmem>> -> memref<1x128xi32, #tpu.memory_space<vmem>>
        %dma_wait3A_258 = tpu.memref_squeeze %dma_wait3A_257 : memref<1x128xi32, #tpu.memory_space<vmem>> -> memref<128xi32, #tpu.memory_space<vmem>>
        %dma_wait3A_259 = arith.constant 0 : i32
        %dma_wait3A_260 = arith.constant 0 : i32
        %dma_wait3A_261 = tpu.memref_slice %arg39[%dma_wait3A_259, %dma_wait3A_260] : memref<10000x16xf32, #tpu.memory_space<vmem_shared>> -> memref<10000x16xf32, #tpu.memory_space<vmem_shared>>
        tpu.wait_indirect_dma semaphore(%arg37 : memref<!tpu.dma_semaphore, #tpu.memory_space<semaphore_mem>>) src(%arg27 : memref<128x16xf32, #tpu.memory_space<vmem>>) dst(%dma_wait3A_261 : memref<10000x16xf32, #tpu.memory_space<vmem_shared>>)
      } else {
      }
      %ge3A_161 = arith.constant 1 : i32
      %ge3A_162 = arith.cmpi sge, %add3A_126, %ge3A_161 : i32
      %lt3A_163 = arith.constant 80 : i32
      %lt3A_164 = arith.cmpi slt, %add3A_126, %lt3A_163 : i32
      %and3A_165 = arith.andi %ge3A_162, %lt3A_164 : i1
      %convert_element_type3A_166 = arith.extui %and3A_165 : i1 to i32
      %cond3A_167 = arith.constant 0 : i32
      %cond3A_168 = arith.cmpi ne, %convert_element_type3A_166, %cond3A_167 : i32
      scf.if %cond3A_168 {
        %add3A_249 = arith.constant 1 : i32
        %add3A_250 = arith.addi %add3A_126, %add3A_249 : i32
        %dma_wait3A_251 = arith.constant 0 : i32
        %dma_wait3A_252 = tpu.memref_slice %arg5[%add3A, %add3A_250, %dma_wait3A_251] : memref<32x81x128xi32, #tpu.memory_space<hbm>> -> memref<1x1x128xi32, #tpu.memory_space<hbm>>
        %dma_wait3A_253 = tpu.memref_squeeze %dma_wait3A_252 : memref<1x1x128xi32, #tpu.memory_space<hbm>> -> memref<128xi32, #tpu.memory_space<hbm>>
        %dma_wait3A_254 = arith.constant 0 : i32
        %dma_wait3A_255 = tpu.memref_slice %arg5[%add3A, %add3A_250, %dma_wait3A_254] : memref<32x81x128xi32, #tpu.memory_space<hbm>> -> memref<1x1x128xi32, #tpu.memory_space<hbm>>
        %dma_wait3A_256 = tpu.memref_squeeze %dma_wait3A_255 : memref<1x1x128xi32, #tpu.memory_space<hbm>> -> memref<128xi32, #tpu.memory_space<hbm>>
        tpu.wait_dma2 semaphore(%arg31 : memref<!tpu.dma_semaphore, #tpu.memory_space<semaphore_mem>>) src(%dma_wait3A_256 : memref<128xi32, #tpu.memory_space<hbm>>) dst(%arg15 : memref<128xi32, #tpu.memory_space<vmem>>)
        %add3A_257 = arith.constant 1 : i32
        %add3A_258 = arith.addi %add3A_126, %add3A_257 : i32
        %dma_start3A_259 = arith.constant 0 : i32
        %dma_start3A_260 = arith.constant 0 : i32
        %dma_start3A_261 = tpu.memref_slice %arg2[%dma_start3A_259, %dma_start3A_260] : memref<10000x8xf32, #tpu.memory_space<hbm>> -> memref<10000x8xf32, #tpu.memory_space<hbm>>
        tpu.enqueue_indirect_dma source(%dma_start3A_261 : memref<10000x8xf32, #tpu.memory_space<hbm>>) target(%arg18 : memref<128x8xf32, #tpu.memory_space<vmem>>) offsets(%arg15 : memref<128xi32, #tpu.memory_space<vmem>>) semaphore(%arg34 : memref<!tpu.dma_semaphore, #tpu.memory_space<semaphore_mem>>)
        %dma_start3A_262 = arith.constant 0 : i32
        %dma_start3A_263 = tpu.memref_slice %arg12[%add3A_258, %dma_start3A_262] : memref<81x128xi32, #tpu.memory_space<vmem>> -> memref<1x128xi32, #tpu.memory_space<vmem>>
        %dma_start3A_264 = tpu.memref_squeeze %dma_start3A_263 : memref<1x128xi32, #tpu.memory_space<vmem>> -> memref<128xi32, #tpu.memory_space<vmem>>
        %dma_start3A_265 = arith.constant 0 : i32
        %dma_start3A_266 = arith.constant 0 : i32
        %dma_start3A_267 = tpu.memref_slice %arg3[%dma_start3A_265, %dma_start3A_266] : memref<10000x8xf32, #tpu.memory_space<hbm>> -> memref<10000x8xf32, #tpu.memory_space<hbm>>
        tpu.enqueue_indirect_dma source(%dma_start3A_267 : memref<10000x8xf32, #tpu.memory_space<hbm>>) target(%arg21 : memref<128x8xf32, #tpu.memory_space<vmem>>) offsets(%dma_start3A_264 : memref<128xi32, #tpu.memory_space<vmem>>) semaphore(%arg34 : memref<!tpu.dma_semaphore, #tpu.memory_space<semaphore_mem>>)
        %dma_start3A_268 = arith.constant 0 : i32
        %dma_start3A_269 = arith.constant 0 : i32
        %dma_start3A_270 = tpu.memref_slice %arg4[%dma_start3A_268, %dma_start3A_269] : memref<10000x16xf32, #tpu.memory_space<hbm>> -> memref<10000x16xf32, #tpu.memory_space<hbm>>
        tpu.enqueue_indirect_dma source(%dma_start3A_270 : memref<10000x16xf32, #tpu.memory_space<hbm>>) target(%arg27 : memref<128x16xf32, #tpu.memory_space<vmem>>) offsets(%arg15 : memref<128xi32, #tpu.memory_space<vmem>>) semaphore(%arg34 : memref<!tpu.dma_semaphore, #tpu.memory_space<semaphore_mem>>)
      } else {
      }
      %lt3A_169 = arith.constant 79 : i32
      %lt3A_170 = arith.cmpi slt, %add3A_126, %lt3A_169 : i32
      %convert_element_type3A_171 = arith.extui %lt3A_170 : i1 to i32
      %cond3A_172 = arith.constant 0 : i32
      %cond3A_173 = arith.cmpi ne, %convert_element_type3A_171, %cond3A_172 : i32
      scf.if %cond3A_173 {
        %add3A_249 = arith.constant 2 : i32
        %add3A_250 = arith.addi %add3A_126, %add3A_249 : i32
        %dma_start3A_251 = arith.constant 0 : i32
        %dma_start3A_252 = tpu.memref_slice %arg5[%add3A, %add3A_250, %dma_start3A_251] : memref<32x81x128xi32, #tpu.memory_space<hbm>> -> memref<1x1x128xi32, #tpu.memory_space<hbm>>
        %dma_start3A_253 = tpu.memref_squeeze %dma_start3A_252 : memref<1x1x128xi32, #tpu.memory_space<hbm>> -> memref<128xi32, #tpu.memory_space<hbm>>
        %dma_start3A_254 = arith.constant 0 : i32
        %dma_start3A_255 = tpu.memref_slice %arg5[%add3A, %add3A_250, %dma_start3A_254] : memref<32x81x128xi32, #tpu.memory_space<hbm>> -> memref<1x1x128xi32, #tpu.memory_space<hbm>>
        %dma_start3A_256 = tpu.memref_squeeze %dma_start3A_255 : memref<1x1x128xi32, #tpu.memory_space<hbm>> -> memref<128xi32, #tpu.memory_space<hbm>>
        tpu.enqueue_dma source(%dma_start3A_256 : memref<128xi32, #tpu.memory_space<hbm>>) target(%arg13 : memref<128xi32, #tpu.memory_space<vmem>>) target_semaphore(%arg29 : memref<!tpu.dma_semaphore, #tpu.memory_space<semaphore_mem>>)
      } else {
      }
      %scan3A_174 = arith.constant 0 : i32
      %scan3A_175 = arith.constant 0 : i32
      %scan3A_176 = arith.constant 64 : i32
      %scan3A_177 = arith.addi %scan3A_175, %scan3A_176 : i32
      %scan3A_178 = arith.constant 1 : i32
      scf.for %scan3A_249 = %scan3A_175 to %scan3A_177 step %scan3A_178  : i32 {
        %mul3A_250 = arith.constant 2 : i32
        %mul3A_251 = arith.muli %mul3A_250, %scan3A_249 : i32
        %add3A_252 = arith.constant 0 : i32
        %add3A_253 = arith.addi %mul3A_251, %add3A_252 : i32
        %broadcast_in_dim3A = arith.constant 0 : i32
        %broadcast_in_dim3A_254 = vector.broadcast %broadcast_in_dim3A : i32 to vector<16xi32>
        %add3A_255 = vector.broadcast %add3A_253 : i32 to vector<16xi32>
        %add3A_256 = arith.addi %broadcast_in_dim3A_254, %add3A_255 : vector<16xi32>
        %broadcast_in_dim3A_257 = arith.constant 0 : i32
        %broadcast_in_dim3A_258 = vector.broadcast %broadcast_in_dim3A_257 : i32 to vector<16xi32>
        %gather3A = tpu.vector_load_idx %arg23[%add3A_256, %broadcast_in_dim3A_258] : memref<128x8xf32, #tpu.memory_space<vmem>>[vector<16xi32>, vector<16xi32>], vector<16xf32>,
        %get3A_259 = arith.index_cast %add3A_253 : i32 to index
        %get3A_260 = arith.constant 0 : index
        %get3A_261 = tpu.vector_load %arg26[%get3A_259, %get3A_260] {strides = array<i32>} : memref<128x16xf32, #tpu.memory_space<vmem>>, vector<16xf32>,
        %mul3A_262 = arith.mulf %get3A_261, %gather3A : vector<16xf32>
        %swap3A = arith.index_cast %add3A_253 : i32 to index
        %swap3A_263 = arith.constant 0 : index
        %swap3A_264 = tpu.vector_load %arg26[%swap3A, %swap3A_263] {strides = array<i32>} : memref<128x16xf32, #tpu.memory_space<vmem>>, vector<16xf32>,
        tpu.vector_store %arg26[%swap3A, %swap3A_263], %mul3A_262 {strides = array<i32>} : memref<128x16xf32, #tpu.memory_space<vmem>>, vector<16xf32>,
        %mul3A_265 = arith.constant 2 : i32
        %mul3A_266 = arith.muli %mul3A_265, %scan3A_249 : i32
        %add3A_267 = arith.constant 1 : i32
        %add3A_268 = arith.addi %mul3A_266, %add3A_267 : i32
        %broadcast_in_dim3A_269 = arith.constant 0 : i32
        %broadcast_in_dim3A_270 = vector.broadcast %broadcast_in_dim3A_269 : i32 to vector<16xi32>
        %add3A_271 = vector.broadcast %add3A_268 : i32 to vector<16xi32>
        %add3A_272 = arith.addi %broadcast_in_dim3A_270, %add3A_271 : vector<16xi32>
        %broadcast_in_dim3A_273 = arith.constant 0 : i32
        %broadcast_in_dim3A_274 = vector.broadcast %broadcast_in_dim3A_273 : i32 to vector<16xi32>
        %gather3A_275 = tpu.vector_load_idx %arg23[%add3A_272, %broadcast_in_dim3A_274] : memref<128x8xf32, #tpu.memory_space<vmem>>[vector<16xi32>, vector<16xi32>], vector<16xf32>,
        %get3A_276 = arith.index_cast %add3A_268 : i32 to index
        %get3A_277 = arith.constant 0 : index
        %get3A_278 = tpu.vector_load %arg26[%get3A_276, %get3A_277] {strides = array<i32>} : memref<128x16xf32, #tpu.memory_space<vmem>>, vector<16xf32>,
        %mul3A_279 = arith.mulf %get3A_278, %gather3A_275 : vector<16xf32>
        %swap3A_280 = arith.index_cast %add3A_268 : i32 to index
        %swap3A_281 = arith.constant 0 : index
        %swap3A_282 = tpu.vector_load %arg26[%swap3A_280, %swap3A_281] {strides = array<i32>} : memref<128x16xf32, #tpu.memory_space<vmem>>, vector<16xf32>,
        tpu.vector_store %arg26[%swap3A_280, %swap3A_281], %mul3A_279 {strides = array<i32>} : memref<128x16xf32, #tpu.memory_space<vmem>>, vector<16xf32>,
      }
      %scan3A_179 = arith.constant 64 : i32
      %dma_start3A_180 = arith.constant 0 : i32
      %dma_start3A_181 = tpu.memref_slice %arg12[%add3A_126, %dma_start3A_180] : memref<81x128xi32, #tpu.memory_space<vmem>> -> memref<1x128xi32, #tpu.memory_space<vmem>>
      %dma_start3A_182 = tpu.memref_squeeze %dma_start3A_181 : memref<1x128xi32, #tpu.memory_space<vmem>> -> memref<128xi32, #tpu.memory_space<vmem>>
      %dma_start3A_183 = arith.constant 0 : i32
      %dma_start3A_184 = arith.constant 0 : i32
      %dma_start3A_185 = tpu.memref_slice %arg39[%dma_start3A_183, %dma_start3A_184] : memref<10000x16xf32, #tpu.memory_space<vmem_shared>> -> memref<10000x16xf32, #tpu.memory_space<vmem_shared>>
      tpu.enqueue_indirect_dma source(%arg26 : memref<128x16xf32, #tpu.memory_space<vmem>>) target(%dma_start3A_185 : memref<10000x16xf32, #tpu.memory_space<vmem_shared>>) offsets(%dma_start3A_182 : memref<128xi32, #tpu.memory_space<vmem>>) semaphore(%arg36 : memref<!tpu.dma_semaphore, #tpu.memory_space<semaphore_mem>>) {add = true}
      %mul3A_186 = arith.constant 3 : i32
      %mul3A_187 = arith.muli %mul3A_186, %scan3A_65 : i32
      %add3A_188 = arith.constant 2 : i32
      %add3A_189 = arith.addi %mul3A_187, %add3A_188 : i32
      %dma_wait3A_190 = arith.constant 0 : i32
      %dma_wait3A_191 = arith.constant 0 : i32
      %dma_wait3A_192 = tpu.memref_slice %arg2[%dma_wait3A_190, %dma_wait3A_191] : memref<10000x8xf32, #tpu.memory_space<hbm>> -> memref<10000x8xf32, #tpu.memory_space<hbm>>
      tpu.wait_indirect_dma semaphore(%arg34 : memref<!tpu.dma_semaphore, #tpu.memory_space<semaphore_mem>>) src(%dma_wait3A_192 : memref<10000x8xf32, #tpu.memory_space<hbm>>) dst(%arg18 : memref<128x8xf32, #tpu.memory_space<vmem>>)
      %dma_wait3A_193 = arith.constant 0 : i32
      %dma_wait3A_194 = tpu.memref_slice %arg12[%add3A_189, %dma_wait3A_193] : memref<81x128xi32, #tpu.memory_space<vmem>> -> memref<1x128xi32, #tpu.memory_space<vmem>>
      %dma_wait3A_195 = tpu.memref_squeeze %dma_wait3A_194 : memref<1x128xi32, #tpu.memory_space<vmem>> -> memref<128xi32, #tpu.memory_space<vmem>>
      %dma_wait3A_196 = arith.constant 0 : i32
      %dma_wait3A_197 = arith.constant 0 : i32
      %dma_wait3A_198 = tpu.memref_slice %arg3[%dma_wait3A_196, %dma_wait3A_197] : memref<10000x8xf32, #tpu.memory_space<hbm>> -> memref<10000x8xf32, #tpu.memory_space<hbm>>
      tpu.wait_indirect_dma semaphore(%arg34 : memref<!tpu.dma_semaphore, #tpu.memory_space<semaphore_mem>>) src(%dma_wait3A_198 : memref<10000x8xf32, #tpu.memory_space<hbm>>) dst(%arg21 : memref<128x8xf32, #tpu.memory_space<vmem>>)
      %dma_wait3A_199 = arith.constant 0 : i32
      %dma_wait3A_200 = arith.constant 0 : i32
      %dma_wait3A_201 = tpu.memref_slice %arg4[%dma_wait3A_199, %dma_wait3A_200] : memref<10000x16xf32, #tpu.memory_space<hbm>> -> memref<10000x16xf32, #tpu.memory_space<hbm>>
      tpu.wait_indirect_dma semaphore(%arg34 : memref<!tpu.dma_semaphore, #tpu.memory_space<semaphore_mem>>) src(%dma_wait3A_201 : memref<10000x16xf32, #tpu.memory_space<hbm>>) dst(%arg27 : memref<128x16xf32, #tpu.memory_space<vmem>>)
      %get3A_202 = arith.constant 0 : index
      %get3A_203 = tpu.vector_load %arg28[%get3A_202] {strides = array<i32>} : memref<16xf32, #tpu.memory_space<vmem>>, vector<16xf32>,
      %mul3A_204 = arith.constant 128 : i32
      %mul3A_205 = arith.muli %add3A_189, %mul3A_204 : i32
      %add3A_206 = arith.addi %mul3A_5, %mul3A_205 : i32
      %scan3A_207 = arith.constant 0 : i32
      %scan3A_208 = arith.constant 0 : i32
      %scan3A_209 = arith.constant 64 : i32
      %scan3A_210 = arith.addi %scan3A_208, %scan3A_209 : i32
      %scan3A_211 = arith.constant 1 : i32
      scf.for %scan3A_249 = %scan3A_208 to %scan3A_210 step %scan3A_211  : i32 {
        %iota3A = tpu.iota {dimensions = array<i32: 0>} : vector<16xi32>
        %mul3A_250 = arith.constant 2 : i32
        %mul3A_251 = arith.muli %mul3A_250, %scan3A_249 : i32
        %shift_right_logical3A = arith.constant 3 : i32
        %shift_right_logical3A_252 = vector.broadcast %shift_right_logical3A : i32 to vector<16xi32>
        %shift_right_logical3A_253 = arith.shrui %iota3A, %shift_right_logical3A_252 : vector<16xi32>
        %add3A_254 = vector.broadcast %mul3A_251 : i32 to vector<16xi32>
        %add3A_255 = arith.addi %add3A_254, %shift_right_logical3A_253 : vector<16xi32>
        %and3A_256 = arith.constant 7 : i32
        %and3A_257 = vector.broadcast %and3A_256 : i32 to vector<16xi32>
        %and3A_258 = arith.andi %iota3A, %and3A_257 : vector<16xi32>
        %gather3A = tpu.vector_load_idx %arg18[%add3A_255, %and3A_258] : memref<128x8xf32, #tpu.memory_space<vmem>>[vector<16xi32>, vector<16xi32>], vector<16xf32>,
        %gather3A_259 = tpu.vector_load_idx %arg21[%add3A_255, %and3A_258] : memref<128x8xf32, #tpu.memory_space<vmem>>[vector<16xi32>, vector<16xi32>], vector<16xf32>,
        %add3A_260 = arith.addf %gather3A, %gather3A_259 : vector<16xf32>
        %mul3A_261 = arith.constant 2.000000e-01 : f32
        %mul3A_262 = vector.broadcast %mul3A_261 : f32 to vector<16xf32>
        %mul3A_263 = arith.mulf %mul3A_262, %add3A_260 : vector<16xf32>
        %max3A = arith.maximumf %add3A_260, %mul3A_263 : vector<16xf32>
        %sub3A = arith.subf %max3A, %get3A_203 : vector<16xf32>
        %exp3A = math.exp %sub3A : vector<16xf32>
        %add3A_264 = vector.broadcast %add3A_206 : i32 to vector<16xi32>
        %add3A_265 = arith.addi %add3A_264, %add3A_255 : vector<16xi32>
        %lt3A_266 = arith.constant 330000 : i32
        %lt3A_267 = vector.broadcast %lt3A_266 : i32 to vector<16xi32>
        %lt3A_268 = arith.cmpi slt, %add3A_265, %lt3A_267 : vector<16xi32>
        %jit3A = arith.constant 0.000000e+00 : f32
        %broadcast_in_dim3A = vector.broadcast %jit3A : f32 to vector<16xf32>
        %select_n3A = arith.select %lt3A_268, %exp3A, %broadcast_in_dim3A : vector<16xi1>, vector<16xf32>
        tpu.vector_store_idx %arg24[%add3A_255, %and3A_258], %select_n3A : memref<128x8xf32, #tpu.memory_space<vmem>>[vector<16xi32>, vector<16xi32>], vector<16xf32>,
      }
      %scan3A_212 = arith.constant 64 : i32
      %dma_start3A_213 = arith.constant 0 : i32
      %dma_start3A_214 = tpu.memref_slice %arg12[%add3A_189, %dma_start3A_213] : memref<81x128xi32, #tpu.memory_space<vmem>> -> memref<1x128xi32, #tpu.memory_space<vmem>>
      %dma_start3A_215 = tpu.memref_squeeze %dma_start3A_214 : memref<1x128xi32, #tpu.memory_space<vmem>> -> memref<128xi32, #tpu.memory_space<vmem>>
      %dma_start3A_216 = arith.constant 0 : i32
      %dma_start3A_217 = arith.constant 0 : i32
      %dma_start3A_218 = tpu.memref_slice %arg38[%dma_start3A_216, %dma_start3A_217] : memref<10000x8xf32, #tpu.memory_space<vmem_shared>> -> memref<10000x8xf32, #tpu.memory_space<vmem_shared>>
      tpu.enqueue_indirect_dma source(%arg24 : memref<128x8xf32, #tpu.memory_space<vmem>>) target(%dma_start3A_218 : memref<10000x8xf32, #tpu.memory_space<vmem_shared>>) offsets(%dma_start3A_215 : memref<128xi32, #tpu.memory_space<vmem>>) semaphore(%arg37 : memref<!tpu.dma_semaphore, #tpu.memory_space<semaphore_mem>>) {add = true}
      %ge3A_219 = arith.constant 2 : i32
      %ge3A_220 = arith.cmpi sge, %add3A_189, %ge3A_219 : i32
      %convert_element_type3A_221 = arith.extui %ge3A_220 : i1 to i32
      %cond3A_222 = arith.constant 0 : i32
      %cond3A_223 = arith.cmpi ne, %convert_element_type3A_221, %cond3A_222 : i32
      scf.if %cond3A_223 {
        %sub3A = arith.constant 2 : i32
        %sub3A_249 = arith.subi %add3A_189, %sub3A : i32
        %dma_wait3A_250 = arith.constant 0 : i32
        %dma_wait3A_251 = tpu.memref_slice %arg12[%sub3A_249, %dma_wait3A_250] : memref<81x128xi32, #tpu.memory_space<vmem>> -> memref<1x128xi32, #tpu.memory_space<vmem>>
        %dma_wait3A_252 = tpu.memref_squeeze %dma_wait3A_251 : memref<1x128xi32, #tpu.memory_space<vmem>> -> memref<128xi32, #tpu.memory_space<vmem>>
        %dma_wait3A_253 = arith.constant 0 : i32
        %dma_wait3A_254 = arith.constant 0 : i32
        %dma_wait3A_255 = tpu.memref_slice %arg38[%dma_wait3A_253, %dma_wait3A_254] : memref<10000x8xf32, #tpu.memory_space<vmem_shared>> -> memref<10000x8xf32, #tpu.memory_space<vmem_shared>>
        tpu.wait_indirect_dma semaphore(%arg35 : memref<!tpu.dma_semaphore, #tpu.memory_space<semaphore_mem>>) src(%arg22 : memref<128x8xf32, #tpu.memory_space<vmem>>) dst(%dma_wait3A_255 : memref<10000x8xf32, #tpu.memory_space<vmem_shared>>)
        %dma_wait3A_256 = arith.constant 0 : i32
        %dma_wait3A_257 = tpu.memref_slice %arg12[%sub3A_249, %dma_wait3A_256] : memref<81x128xi32, #tpu.memory_space<vmem>> -> memref<1x128xi32, #tpu.memory_space<vmem>>
        %dma_wait3A_258 = tpu.memref_squeeze %dma_wait3A_257 : memref<1x128xi32, #tpu.memory_space<vmem>> -> memref<128xi32, #tpu.memory_space<vmem>>
        %dma_wait3A_259 = arith.constant 0 : i32
        %dma_wait3A_260 = arith.constant 0 : i32
        %dma_wait3A_261 = tpu.memref_slice %arg39[%dma_wait3A_259, %dma_wait3A_260] : memref<10000x16xf32, #tpu.memory_space<vmem_shared>> -> memref<10000x16xf32, #tpu.memory_space<vmem_shared>>
        tpu.wait_indirect_dma semaphore(%arg35 : memref<!tpu.dma_semaphore, #tpu.memory_space<semaphore_mem>>) src(%arg25 : memref<128x16xf32, #tpu.memory_space<vmem>>) dst(%dma_wait3A_261 : memref<10000x16xf32, #tpu.memory_space<vmem_shared>>)
      } else {
      }
      %ge3A_224 = arith.constant 1 : i32
      %ge3A_225 = arith.cmpi sge, %add3A_189, %ge3A_224 : i32
      %lt3A_226 = arith.constant 80 : i32
      %lt3A_227 = arith.cmpi slt, %add3A_189, %lt3A_226 : i32
      %and3A_228 = arith.andi %ge3A_225, %lt3A_227 : i1
      %convert_element_type3A_229 = arith.extui %and3A_228 : i1 to i32
      %cond3A_230 = arith.constant 0 : i32
      %cond3A_231 = arith.cmpi ne, %convert_element_type3A_229, %cond3A_230 : i32
      scf.if %cond3A_231 {
        %add3A_249 = arith.constant 1 : i32
        %add3A_250 = arith.addi %add3A_189, %add3A_249 : i32
        %dma_wait3A_251 = arith.constant 0 : i32
        %dma_wait3A_252 = tpu.memref_slice %arg5[%add3A, %add3A_250, %dma_wait3A_251] : memref<32x81x128xi32, #tpu.memory_space<hbm>> -> memref<1x1x128xi32, #tpu.memory_space<hbm>>
        %dma_wait3A_253 = tpu.memref_squeeze %dma_wait3A_252 : memref<1x1x128xi32, #tpu.memory_space<hbm>> -> memref<128xi32, #tpu.memory_space<hbm>>
        %dma_wait3A_254 = arith.constant 0 : i32
        %dma_wait3A_255 = tpu.memref_slice %arg5[%add3A, %add3A_250, %dma_wait3A_254] : memref<32x81x128xi32, #tpu.memory_space<hbm>> -> memref<1x1x128xi32, #tpu.memory_space<hbm>>
        %dma_wait3A_256 = tpu.memref_squeeze %dma_wait3A_255 : memref<1x1x128xi32, #tpu.memory_space<hbm>> -> memref<128xi32, #tpu.memory_space<hbm>>
        tpu.wait_dma2 semaphore(%arg29 : memref<!tpu.dma_semaphore, #tpu.memory_space<semaphore_mem>>) src(%dma_wait3A_256 : memref<128xi32, #tpu.memory_space<hbm>>) dst(%arg13 : memref<128xi32, #tpu.memory_space<vmem>>)
        %add3A_257 = arith.constant 1 : i32
        %add3A_258 = arith.addi %add3A_189, %add3A_257 : i32
        %dma_start3A_259 = arith.constant 0 : i32
        %dma_start3A_260 = arith.constant 0 : i32
        %dma_start3A_261 = tpu.memref_slice %arg2[%dma_start3A_259, %dma_start3A_260] : memref<10000x8xf32, #tpu.memory_space<hbm>> -> memref<10000x8xf32, #tpu.memory_space<hbm>>
        tpu.enqueue_indirect_dma source(%dma_start3A_261 : memref<10000x8xf32, #tpu.memory_space<hbm>>) target(%arg16 : memref<128x8xf32, #tpu.memory_space<vmem>>) offsets(%arg13 : memref<128xi32, #tpu.memory_space<vmem>>) semaphore(%arg32 : memref<!tpu.dma_semaphore, #tpu.memory_space<semaphore_mem>>)
        %dma_start3A_262 = arith.constant 0 : i32
        %dma_start3A_263 = tpu.memref_slice %arg12[%add3A_258, %dma_start3A_262] : memref<81x128xi32, #tpu.memory_space<vmem>> -> memref<1x128xi32, #tpu.memory_space<vmem>>
        %dma_start3A_264 = tpu.memref_squeeze %dma_start3A_263 : memref<1x128xi32, #tpu.memory_space<vmem>> -> memref<128xi32, #tpu.memory_space<vmem>>
        %dma_start3A_265 = arith.constant 0 : i32
        %dma_start3A_266 = arith.constant 0 : i32
        %dma_start3A_267 = tpu.memref_slice %arg3[%dma_start3A_265, %dma_start3A_266] : memref<10000x8xf32, #tpu.memory_space<hbm>> -> memref<10000x8xf32, #tpu.memory_space<hbm>>
        tpu.enqueue_indirect_dma source(%dma_start3A_267 : memref<10000x8xf32, #tpu.memory_space<hbm>>) target(%arg19 : memref<128x8xf32, #tpu.memory_space<vmem>>) offsets(%dma_start3A_264 : memref<128xi32, #tpu.memory_space<vmem>>) semaphore(%arg32 : memref<!tpu.dma_semaphore, #tpu.memory_space<semaphore_mem>>)
        %dma_start3A_268 = arith.constant 0 : i32
        %dma_start3A_269 = arith.constant 0 : i32
        %dma_start3A_270 = tpu.memref_slice %arg4[%dma_start3A_268, %dma_start3A_269] : memref<10000x16xf32, #tpu.memory_space<hbm>> -> memref<10000x16xf32, #tpu.memory_space<hbm>>
        tpu.enqueue_indirect_dma source(%dma_start3A_270 : memref<10000x16xf32, #tpu.memory_space<hbm>>) target(%arg25 : memref<128x16xf32, #tpu.memory_space<vmem>>) offsets(%arg13 : memref<128xi32, #tpu.memory_space<vmem>>) semaphore(%arg32 : memref<!tpu.dma_semaphore, #tpu.memory_space<semaphore_mem>>)
      } else {
      }
      %lt3A_232 = arith.constant 79 : i32
      %lt3A_233 = arith.cmpi slt, %add3A_189, %lt3A_232 : i32
      %convert_element_type3A_234 = arith.extui %lt3A_233 : i1 to i32
      %cond3A_235 = arith.constant 0 : i32
      %cond3A_236 = arith.cmpi ne, %convert_element_type3A_234, %cond3A_235 : i32
      scf.if %cond3A_236 {
        %add3A_249 = arith.constant 2 : i32
        %add3A_250 = arith.addi %add3A_189, %add3A_249 : i32
        %dma_start3A_251 = arith.constant 0 : i32
        %dma_start3A_252 = tpu.memref_slice %arg5[%add3A, %add3A_250, %dma_start3A_251] : memref<32x81x128xi32, #tpu.memory_space<hbm>> -> memref<1x1x128xi32, #tpu.memory_space<hbm>>
        %dma_start3A_253 = tpu.memref_squeeze %dma_start3A_252 : memref<1x1x128xi32, #tpu.memory_space<hbm>> -> memref<128xi32, #tpu.memory_space<hbm>>
        %dma_start3A_254 = arith.constant 0 : i32
        %dma_start3A_255 = tpu.memref_slice %arg5[%add3A, %add3A_250, %dma_start3A_254] : memref<32x81x128xi32, #tpu.memory_space<hbm>> -> memref<1x1x128xi32, #tpu.memory_space<hbm>>
        %dma_start3A_256 = tpu.memref_squeeze %dma_start3A_255 : memref<1x1x128xi32, #tpu.memory_space<hbm>> -> memref<128xi32, #tpu.memory_space<hbm>>
        tpu.enqueue_dma source(%dma_start3A_256 : memref<128xi32, #tpu.memory_space<hbm>>) target(%arg14 : memref<128xi32, #tpu.memory_space<vmem>>) target_semaphore(%arg30 : memref<!tpu.dma_semaphore, #tpu.memory_space<semaphore_mem>>)
      } else {
      }
      %scan3A_237 = arith.constant 0 : i32
      %scan3A_238 = arith.constant 0 : i32
      %scan3A_239 = arith.constant 64 : i32
      %scan3A_240 = arith.addi %scan3A_238, %scan3A_239 : i32
      %scan3A_241 = arith.constant 1 : i32
      scf.for %scan3A_249 = %scan3A_238 to %scan3A_240 step %scan3A_241  : i32 {
        %mul3A_250 = arith.constant 2 : i32
        %mul3A_251 = arith.muli %mul3A_250, %scan3A_249 : i32
        %add3A_252 = arith.constant 0 : i32
        %add3A_253 = arith.addi %mul3A_251, %add3A_252 : i32
        %broadcast_in_dim3A = arith.constant 0 : i32
        %broadcast_in_dim3A_254 = vector.broadcast %broadcast_in_dim3A : i32 to vector<16xi32>
        %add3A_255 = vector.broadcast %add3A_253 : i32 to vector<16xi32>
        %add3A_256 = arith.addi %broadcast_in_dim3A_254, %add3A_255 : vector<16xi32>
        %broadcast_in_dim3A_257 = arith.constant 0 : i32
        %broadcast_in_dim3A_258 = vector.broadcast %broadcast_in_dim3A_257 : i32 to vector<16xi32>
        %gather3A = tpu.vector_load_idx %arg24[%add3A_256, %broadcast_in_dim3A_258] : memref<128x8xf32, #tpu.memory_space<vmem>>[vector<16xi32>, vector<16xi32>], vector<16xf32>,
        %get3A_259 = arith.index_cast %add3A_253 : i32 to index
        %get3A_260 = arith.constant 0 : index
        %get3A_261 = tpu.vector_load %arg27[%get3A_259, %get3A_260] {strides = array<i32>} : memref<128x16xf32, #tpu.memory_space<vmem>>, vector<16xf32>,
        %mul3A_262 = arith.mulf %get3A_261, %gather3A : vector<16xf32>
        %swap3A = arith.index_cast %add3A_253 : i32 to index
        %swap3A_263 = arith.constant 0 : index
        %swap3A_264 = tpu.vector_load %arg27[%swap3A, %swap3A_263] {strides = array<i32>} : memref<128x16xf32, #tpu.memory_space<vmem>>, vector<16xf32>,
        tpu.vector_store %arg27[%swap3A, %swap3A_263], %mul3A_262 {strides = array<i32>} : memref<128x16xf32, #tpu.memory_space<vmem>>, vector<16xf32>,
        %mul3A_265 = arith.constant 2 : i32
        %mul3A_266 = arith.muli %mul3A_265, %scan3A_249 : i32
        %add3A_267 = arith.constant 1 : i32
        %add3A_268 = arith.addi %mul3A_266, %add3A_267 : i32
        %broadcast_in_dim3A_269 = arith.constant 0 : i32
        %broadcast_in_dim3A_270 = vector.broadcast %broadcast_in_dim3A_269 : i32 to vector<16xi32>
        %add3A_271 = vector.broadcast %add3A_268 : i32 to vector<16xi32>
        %add3A_272 = arith.addi %broadcast_in_dim3A_270, %add3A_271 : vector<16xi32>
        %broadcast_in_dim3A_273 = arith.constant 0 : i32
        %broadcast_in_dim3A_274 = vector.broadcast %broadcast_in_dim3A_273 : i32 to vector<16xi32>
        %gather3A_275 = tpu.vector_load_idx %arg24[%add3A_272, %broadcast_in_dim3A_274] : memref<128x8xf32, #tpu.memory_space<vmem>>[vector<16xi32>, vector<16xi32>], vector<16xf32>,
        %get3A_276 = arith.index_cast %add3A_268 : i32 to index
        %get3A_277 = arith.constant 0 : index
        %get3A_278 = tpu.vector_load %arg27[%get3A_276, %get3A_277] {strides = array<i32>} : memref<128x16xf32, #tpu.memory_space<vmem>>, vector<16xf32>,
        %mul3A_279 = arith.mulf %get3A_278, %gather3A_275 : vector<16xf32>
        %swap3A_280 = arith.index_cast %add3A_268 : i32 to index
        %swap3A_281 = arith.constant 0 : index
        %swap3A_282 = tpu.vector_load %arg27[%swap3A_280, %swap3A_281] {strides = array<i32>} : memref<128x16xf32, #tpu.memory_space<vmem>>, vector<16xf32>,
        tpu.vector_store %arg27[%swap3A_280, %swap3A_281], %mul3A_279 {strides = array<i32>} : memref<128x16xf32, #tpu.memory_space<vmem>>, vector<16xf32>,
      }
      %scan3A_242 = arith.constant 64 : i32
      %dma_start3A_243 = arith.constant 0 : i32
      %dma_start3A_244 = tpu.memref_slice %arg12[%add3A_189, %dma_start3A_243] : memref<81x128xi32, #tpu.memory_space<vmem>> -> memref<1x128xi32, #tpu.memory_space<vmem>>
      %dma_start3A_245 = tpu.memref_squeeze %dma_start3A_244 : memref<1x128xi32, #tpu.memory_space<vmem>> -> memref<128xi32, #tpu.memory_space<vmem>>
      %dma_start3A_246 = arith.constant 0 : i32
      %dma_start3A_247 = arith.constant 0 : i32
      %dma_start3A_248 = tpu.memref_slice %arg39[%dma_start3A_246, %dma_start3A_247] : memref<10000x16xf32, #tpu.memory_space<vmem_shared>> -> memref<10000x16xf32, #tpu.memory_space<vmem_shared>>
      tpu.enqueue_indirect_dma source(%arg27 : memref<128x16xf32, #tpu.memory_space<vmem>>) target(%dma_start3A_248 : memref<10000x16xf32, #tpu.memory_space<vmem_shared>>) offsets(%dma_start3A_245 : memref<128xi32, #tpu.memory_space<vmem>>) semaphore(%arg37 : memref<!tpu.dma_semaphore, #tpu.memory_space<semaphore_mem>>) {add = true}
    }
    %scan3A_36 = arith.constant 27 : i32
    %dma_wait3A = arith.constant 79 : i32
    %dma_wait3A_37 = arith.constant 0 : i32
    %dma_wait3A_38 = tpu.memref_slice %arg12[%dma_wait3A, %dma_wait3A_37] : memref<81x128xi32, #tpu.memory_space<vmem>> -> memref<1x128xi32, #tpu.memory_space<vmem>>
    %dma_wait3A_39 = tpu.memref_squeeze %dma_wait3A_38 : memref<1x128xi32, #tpu.memory_space<vmem>> -> memref<128xi32, #tpu.memory_space<vmem>>
    %dma_wait3A_40 = arith.constant 0 : i32
    %dma_wait3A_41 = arith.constant 0 : i32
    %dma_wait3A_42 = tpu.memref_slice %arg38[%dma_wait3A_40, %dma_wait3A_41] : memref<10000x8xf32, #tpu.memory_space<vmem_shared>> -> memref<10000x8xf32, #tpu.memory_space<vmem_shared>>
    tpu.wait_indirect_dma semaphore(%arg36 : memref<!tpu.dma_semaphore, #tpu.memory_space<semaphore_mem>>) src(%arg23 : memref<128x8xf32, #tpu.memory_space<vmem>>) dst(%dma_wait3A_42 : memref<10000x8xf32, #tpu.memory_space<vmem_shared>>)
    %dma_wait3A_43 = arith.constant 79 : i32
    %dma_wait3A_44 = arith.constant 0 : i32
    %dma_wait3A_45 = tpu.memref_slice %arg12[%dma_wait3A_43, %dma_wait3A_44] : memref<81x128xi32, #tpu.memory_space<vmem>> -> memref<1x128xi32, #tpu.memory_space<vmem>>
    %dma_wait3A_46 = tpu.memref_squeeze %dma_wait3A_45 : memref<1x128xi32, #tpu.memory_space<vmem>> -> memref<128xi32, #tpu.memory_space<vmem>>
    %dma_wait3A_47 = arith.constant 0 : i32
    %dma_wait3A_48 = arith.constant 0 : i32
    %dma_wait3A_49 = tpu.memref_slice %arg39[%dma_wait3A_47, %dma_wait3A_48] : memref<10000x16xf32, #tpu.memory_space<vmem_shared>> -> memref<10000x16xf32, #tpu.memory_space<vmem_shared>>
    tpu.wait_indirect_dma semaphore(%arg36 : memref<!tpu.dma_semaphore, #tpu.memory_space<semaphore_mem>>) src(%arg26 : memref<128x16xf32, #tpu.memory_space<vmem>>) dst(%dma_wait3A_49 : memref<10000x16xf32, #tpu.memory_space<vmem_shared>>)
    %dma_wait3A_50 = arith.constant 80 : i32
    %dma_wait3A_51 = arith.constant 0 : i32
    %dma_wait3A_52 = tpu.memref_slice %arg12[%dma_wait3A_50, %dma_wait3A_51] : memref<81x128xi32, #tpu.memory_space<vmem>> -> memref<1x128xi32, #tpu.memory_space<vmem>>
    %dma_wait3A_53 = tpu.memref_squeeze %dma_wait3A_52 : memref<1x128xi32, #tpu.memory_space<vmem>> -> memref<128xi32, #tpu.memory_space<vmem>>
    %dma_wait3A_54 = arith.constant 0 : i32
    %dma_wait3A_55 = arith.constant 0 : i32
    %dma_wait3A_56 = tpu.memref_slice %arg38[%dma_wait3A_54, %dma_wait3A_55] : memref<10000x8xf32, #tpu.memory_space<vmem_shared>> -> memref<10000x8xf32, #tpu.memory_space<vmem_shared>>
    tpu.wait_indirect_dma semaphore(%arg37 : memref<!tpu.dma_semaphore, #tpu.memory_space<semaphore_mem>>) src(%arg24 : memref<128x8xf32, #tpu.memory_space<vmem>>) dst(%dma_wait3A_56 : memref<10000x8xf32, #tpu.memory_space<vmem_shared>>)
    %dma_wait3A_57 = arith.constant 80 : i32
    %dma_wait3A_58 = arith.constant 0 : i32
    %dma_wait3A_59 = tpu.memref_slice %arg12[%dma_wait3A_57, %dma_wait3A_58] : memref<81x128xi32, #tpu.memory_space<vmem>> -> memref<1x128xi32, #tpu.memory_space<vmem>>
    %dma_wait3A_60 = tpu.memref_squeeze %dma_wait3A_59 : memref<1x128xi32, #tpu.memory_space<vmem>> -> memref<128xi32, #tpu.memory_space<vmem>>
    %dma_wait3A_61 = arith.constant 0 : i32
    %dma_wait3A_62 = arith.constant 0 : i32
    %dma_wait3A_63 = tpu.memref_slice %arg39[%dma_wait3A_61, %dma_wait3A_62] : memref<10000x16xf32, #tpu.memory_space<vmem_shared>> -> memref<10000x16xf32, #tpu.memory_space<vmem_shared>>
    tpu.wait_indirect_dma semaphore(%arg37 : memref<!tpu.dma_semaphore, #tpu.memory_space<semaphore_mem>>) src(%arg27 : memref<128x16xf32, #tpu.memory_space<vmem>>) dst(%dma_wait3A_63 : memref<10000x16xf32, #tpu.memory_space<vmem_shared>>)
    %barrier3A_64 = arith.constant 0 : index
    tpu.barrier barrier_id(%barrier3A_64)
    "tpu.region"() ({
      %run_scoped3A_65 = tpu.sem_alloc : memref<!tpu.dma_semaphore, #tpu.memory_space<semaphore_mem>>
      %dma_start3A_66 = arith.constant 0 : i32
      %dma_start3A_67 = tpu.memref_slice %arg10[%arg0, %min3A_3, %dma_start3A_66] : memref<2x10000x8xf32, #tpu.memory_space<hbm>> -> memref<1x632x8xf32, #tpu.memory_space<hbm>>
      %dma_start3A_68 = tpu.memref_squeeze %dma_start3A_67 : memref<1x632x8xf32, #tpu.memory_space<hbm>> -> memref<632x8xf32, #tpu.memory_space<hbm>>
      %dma_start3A_69 = arith.constant 0 : i32
      %dma_start3A_70 = tpu.memref_slice %arg38[%min3A_3, %dma_start3A_69] : memref<10000x8xf32, #tpu.memory_space<vmem_shared>> -> memref<632x8xf32, #tpu.memory_space<vmem_shared>>
      tpu.enqueue_dma source(%dma_start3A_70 : memref<632x8xf32, #tpu.memory_space<vmem_shared>>) target(%dma_start3A_68 : memref<632x8xf32, #tpu.memory_space<hbm>>) target_semaphore(%run_scoped3A_65 : memref<!tpu.dma_semaphore, #tpu.memory_space<semaphore_mem>>)
      %dma_wait3A_71 = arith.constant 0 : i32
      %dma_wait3A_72 = tpu.memref_slice %arg10[%arg0, %min3A_3, %dma_wait3A_71] : memref<2x10000x8xf32, #tpu.memory_space<hbm>> -> memref<1x632x8xf32, #tpu.memory_space<hbm>>
      %dma_wait3A_73 = tpu.memref_squeeze %dma_wait3A_72 : memref<1x632x8xf32, #tpu.memory_space<hbm>> -> memref<632x8xf32, #tpu.memory_space<hbm>>
      %dma_wait3A_74 = arith.constant 0 : i32
      %dma_wait3A_75 = tpu.memref_slice %arg38[%min3A_3, %dma_wait3A_74] : memref<10000x8xf32, #tpu.memory_space<vmem_shared>> -> memref<632x8xf32, #tpu.memory_space<vmem_shared>>
      tpu.wait_dma2 semaphore(%run_scoped3A_65 : memref<!tpu.dma_semaphore, #tpu.memory_space<semaphore_mem>>) src(%dma_wait3A_75 : memref<632x8xf32, #tpu.memory_space<vmem_shared>>) dst(%dma_wait3A_73 : memref<632x8xf32, #tpu.memory_space<hbm>>)
      tpu.yield
    }) : () -> ()
    "tpu.region"() ({
      %run_scoped3A_65 = tpu.sem_alloc : memref<!tpu.dma_semaphore, #tpu.memory_space<semaphore_mem>>
      %dma_start3A_66 = arith.constant 0 : i32
      %dma_start3A_67 = tpu.memref_slice %arg11[%arg0, %min3A_3, %dma_start3A_66] : memref<2x10000x16xf32, #tpu.memory_space<hbm>> -> memref<1x632x16xf32, #tpu.memory_space<hbm>>
      %dma_start3A_68 = tpu.memref_squeeze %dma_start3A_67 : memref<1x632x16xf32, #tpu.memory_space<hbm>> -> memref<632x16xf32, #tpu.memory_space<hbm>>
      %dma_start3A_69 = arith.constant 0 : i32
      %dma_start3A_70 = tpu.memref_slice %arg39[%min3A_3, %dma_start3A_69] : memref<10000x16xf32, #tpu.memory_space<vmem_shared>> -> memref<632x16xf32, #tpu.memory_space<vmem_shared>>
      tpu.enqueue_dma source(%dma_start3A_70 : memref<632x16xf32, #tpu.memory_space<vmem_shared>>) target(%dma_start3A_68 : memref<632x16xf32, #tpu.memory_space<hbm>>) target_semaphore(%run_scoped3A_65 : memref<!tpu.dma_semaphore, #tpu.memory_space<semaphore_mem>>)
      %dma_wait3A_71 = arith.constant 0 : i32
      %dma_wait3A_72 = tpu.memref_slice %arg11[%arg0, %min3A_3, %dma_wait3A_71] : memref<2x10000x16xf32, #tpu.memory_space<hbm>> -> memref<1x632x16xf32, #tpu.memory_space<hbm>>
      %dma_wait3A_73 = tpu.memref_squeeze %dma_wait3A_72 : memref<1x632x16xf32, #tpu.memory_space<hbm>> -> memref<632x16xf32, #tpu.memory_space<hbm>>
      %dma_wait3A_74 = arith.constant 0 : i32
      %dma_wait3A_75 = tpu.memref_slice %arg39[%min3A_3, %dma_wait3A_74] : memref<10000x16xf32, #tpu.memory_space<vmem_shared>> -> memref<632x16xf32, #tpu.memory_space<vmem_shared>>
      tpu.wait_dma2 semaphore(%run_scoped3A_65 : memref<!tpu.dma_semaphore, #tpu.memory_space<semaphore_mem>>) src(%dma_wait3A_75 : memref<632x16xf32, #tpu.memory_space<vmem_shared>>) dst(%dma_wait3A_73 : memref<632x16xf32, #tpu.memory_space<hbm>>)
      tpu.yield
    }) : () -> ()
    return
  }
}

#map = affine_map<(d0, d1) -> (0, 0)>
#map1 = affine_map<(d0, d1) -> (0, 0, 0, 0)>
#map2 = affine_map<(d0, d1) -> (0, 0, 0)>
module attributes {stable_mosaic.version = 14 : i64} {
  func.func @_sweep1_body(%arg0: i32, %arg1: i32, %arg2: memref<20000x72xf32, #tpu.memory_space<hbm>>, %arg3: memref<10000x8xf32, #tpu.memory_space<hbm>>, %arg4: memref<2x16x162x128xi32, #tpu.memory_space<hbm>>, %arg5: memref<16x162x128xi32, #tpu.memory_space<hbm>>, %arg6: memref<2x16xf32, #tpu.memory_space<hbm>>, %arg7: memref<632x8xf32, #tpu.memory_space<hbm>>, %arg8: memref<632x64xf32, #tpu.memory_space<hbm>>, %arg9: memref<2x10000x8xf32, #tpu.memory_space<hbm>>, %arg10: memref<2x10000x64xf32, #tpu.memory_space<hbm>>, %arg11: memref<162x128xi32, #tpu.memory_space<vmem>>, %arg12: memref<128xi32, #tpu.memory_space<vmem>>, %arg13: memref<128xi32, #tpu.memory_space<vmem>>, %arg14: memref<128xi32, #tpu.memory_space<vmem>>, %arg15: memref<128x72xf32, #tpu.memory_space<vmem>>, %arg16: memref<128x72xf32, #tpu.memory_space<vmem>>, %arg17: memref<128x72xf32, #tpu.memory_space<vmem>>, %arg18: memref<128x8xf32, #tpu.memory_space<vmem>>, %arg19: memref<128x8xf32, #tpu.memory_space<vmem>>, %arg20: memref<128x8xf32, #tpu.memory_space<vmem>>, %arg21: memref<128x8xf32, #tpu.memory_space<vmem>>, %arg22: memref<128x8xf32, #tpu.memory_space<vmem>>, %arg23: memref<128x8xf32, #tpu.memory_space<vmem>>, %arg24: memref<128x64xf32, #tpu.memory_space<vmem>>, %arg25: memref<128x64xf32, #tpu.memory_space<vmem>>, %arg26: memref<128x64xf32, #tpu.memory_space<vmem>>, %arg27: memref<16xf32, #tpu.memory_space<vmem>>, %arg28: memref<!tpu.dma_semaphore, #tpu.memory_space<semaphore_mem>>, %arg29: memref<!tpu.dma_semaphore, #tpu.memory_space<semaphore_mem>>, %arg30: memref<!tpu.dma_semaphore, #tpu.memory_space<semaphore_mem>>, %arg31: memref<!tpu.dma_semaphore, #tpu.memory_space<semaphore_mem>>, %arg32: memref<!tpu.dma_semaphore, #tpu.memory_space<semaphore_mem>>, %arg33: memref<!tpu.dma_semaphore, #tpu.memory_space<semaphore_mem>>, %arg34: memref<!tpu.dma_semaphore, #tpu.memory_space<semaphore_mem>>, %arg35: memref<!tpu.dma_semaphore, #tpu.memory_space<semaphore_mem>>, %arg36: memref<!tpu.dma_semaphore, #tpu.memory_space<semaphore_mem>>, %arg37: memref<10000x8xf32, #tpu.memory_space<vmem_shared>>, %arg38: memref<10000x64xf32, #tpu.memory_space<vmem_shared>>) attributes {dimension_semantics = [#tpu.dimension_semantics<core_parallel>, #tpu.dimension_semantics<subcore_parallel>], iteration_bounds = array<i64: 2, 16>, scalar_prefetch = 0 : i64, scratch_operands = 28 : i64, tpu.core_type = #tpu.core_type<sc_vector_subcore>, window_params = [{transform_indices = #map}, {transform_indices = #map}, {transform_indices = #map1}, {transform_indices = #map2}, {transform_indices = #map}, {transform_indices = #map}, {transform_indices = #map}, {transform_indices = #map2}, {transform_indices = #map2}]} {
    %mul3A = arith.constant 632 : i32
    %mul3A_0 = arith.muli %arg1, %mul3A : i32
    %min3A = arith.constant 9368 : i32
    %min3A_1 = arith.minsi %mul3A_0, %min3A : i32
    "tpu.region"() ({
      %run_scoped3A_59 = tpu.sem_alloc : memref<!tpu.dma_semaphore, #tpu.memory_space<semaphore_mem>>
      %dma_start3A_60 = arith.constant 0 : i32
      %dma_start3A_61 = tpu.memref_slice %arg37[%min3A_1, %dma_start3A_60] : memref<10000x8xf32, #tpu.memory_space<vmem_shared>> -> memref<632x8xf32, #tpu.memory_space<vmem_shared>>
      tpu.enqueue_dma source(%arg7 : memref<632x8xf32, #tpu.memory_space<hbm>>) target(%dma_start3A_61 : memref<632x8xf32, #tpu.memory_space<vmem_shared>>) target_semaphore(%run_scoped3A_59 : memref<!tpu.dma_semaphore, #tpu.memory_space<semaphore_mem>>)
      %dma_wait3A_62 = arith.constant 0 : i32
      %dma_wait3A_63 = tpu.memref_slice %arg37[%min3A_1, %dma_wait3A_62] : memref<10000x8xf32, #tpu.memory_space<vmem_shared>> -> memref<632x8xf32, #tpu.memory_space<vmem_shared>>
      tpu.wait_dma2 semaphore(%run_scoped3A_59 : memref<!tpu.dma_semaphore, #tpu.memory_space<semaphore_mem>>) src(%arg7 : memref<632x8xf32, #tpu.memory_space<hbm>>) dst(%dma_wait3A_63 : memref<632x8xf32, #tpu.memory_space<vmem_shared>>)
      tpu.yield
    }) : () -> ()
    "tpu.region"() ({
      %run_scoped3A_59 = tpu.sem_alloc : memref<!tpu.dma_semaphore, #tpu.memory_space<semaphore_mem>>
      %dma_start3A_60 = arith.constant 0 : i32
      %dma_start3A_61 = tpu.memref_slice %arg38[%min3A_1, %dma_start3A_60] : memref<10000x64xf32, #tpu.memory_space<vmem_shared>> -> memref<632x64xf32, #tpu.memory_space<vmem_shared>>
      tpu.enqueue_dma source(%arg8 : memref<632x64xf32, #tpu.memory_space<hbm>>) target(%dma_start3A_61 : memref<632x64xf32, #tpu.memory_space<vmem_shared>>) target_semaphore(%run_scoped3A_59 : memref<!tpu.dma_semaphore, #tpu.memory_space<semaphore_mem>>)
      %dma_wait3A_62 = arith.constant 0 : i32
      %dma_wait3A_63 = tpu.memref_slice %arg38[%min3A_1, %dma_wait3A_62] : memref<10000x64xf32, #tpu.memory_space<vmem_shared>> -> memref<632x64xf32, #tpu.memory_space<vmem_shared>>
      tpu.wait_dma2 semaphore(%run_scoped3A_59 : memref<!tpu.dma_semaphore, #tpu.memory_space<semaphore_mem>>) src(%arg8 : memref<632x64xf32, #tpu.memory_space<hbm>>) dst(%dma_wait3A_63 : memref<632x64xf32, #tpu.memory_space<vmem_shared>>)
      tpu.yield
    }) : () -> ()
    "tpu.region"() ({
      %run_scoped3A_59 = tpu.sem_alloc : memref<!tpu.dma_semaphore, #tpu.memory_space<semaphore_mem>>
      %dma_start3A_60 = arith.constant 0 : i32
      %dma_start3A_61 = arith.constant 0 : i32
      %dma_start3A_62 = tpu.memref_slice %arg5[%arg1, %dma_start3A_60, %dma_start3A_61] : memref<16x162x128xi32, #tpu.memory_space<hbm>> -> memref<1x162x128xi32, #tpu.memory_space<hbm>>
      %dma_start3A_63 = tpu.memref_squeeze %dma_start3A_62 : memref<1x162x128xi32, #tpu.memory_space<hbm>> -> memref<162x128xi32, #tpu.memory_space<hbm>>
      %dma_start3A_64 = arith.constant 0 : i32
      %dma_start3A_65 = arith.constant 0 : i32
      %dma_start3A_66 = tpu.memref_slice %arg5[%arg1, %dma_start3A_64, %dma_start3A_65] : memref<16x162x128xi32, #tpu.memory_space<hbm>> -> memref<1x162x128xi32, #tpu.memory_space<hbm>>
      %dma_start3A_67 = tpu.memref_squeeze %dma_start3A_66 : memref<1x162x128xi32, #tpu.memory_space<hbm>> -> memref<162x128xi32, #tpu.memory_space<hbm>>
      tpu.enqueue_dma source(%dma_start3A_67 : memref<162x128xi32, #tpu.memory_space<hbm>>) target(%arg11 : memref<162x128xi32, #tpu.memory_space<vmem>>) target_semaphore(%run_scoped3A_59 : memref<!tpu.dma_semaphore, #tpu.memory_space<semaphore_mem>>)
      %dma_wait3A_68 = arith.constant 0 : i32
      %dma_wait3A_69 = arith.constant 0 : i32
      %dma_wait3A_70 = tpu.memref_slice %arg5[%arg1, %dma_wait3A_68, %dma_wait3A_69] : memref<16x162x128xi32, #tpu.memory_space<hbm>> -> memref<1x162x128xi32, #tpu.memory_space<hbm>>
      %dma_wait3A_71 = tpu.memref_squeeze %dma_wait3A_70 : memref<1x162x128xi32, #tpu.memory_space<hbm>> -> memref<162x128xi32, #tpu.memory_space<hbm>>
      %dma_wait3A_72 = arith.constant 0 : i32
      %dma_wait3A_73 = arith.constant 0 : i32
      %dma_wait3A_74 = tpu.memref_slice %arg5[%arg1, %dma_wait3A_72, %dma_wait3A_73] : memref<16x162x128xi32, #tpu.memory_space<hbm>> -> memref<1x162x128xi32, #tpu.memory_space<hbm>>
      %dma_wait3A_75 = tpu.memref_squeeze %dma_wait3A_74 : memref<1x162x128xi32, #tpu.memory_space<hbm>> -> memref<162x128xi32, #tpu.memory_space<hbm>>
      tpu.wait_dma2 semaphore(%run_scoped3A_59 : memref<!tpu.dma_semaphore, #tpu.memory_space<semaphore_mem>>) src(%dma_wait3A_75 : memref<162x128xi32, #tpu.memory_space<hbm>>) dst(%arg11 : memref<162x128xi32, #tpu.memory_space<vmem>>)
      tpu.yield
    }) : () -> ()
    "tpu.region"() ({
      %run_scoped3A_59 = tpu.sem_alloc : memref<!tpu.dma_semaphore, #tpu.memory_space<semaphore_mem>>
      %dma_start3A_60 = arith.constant 0 : i32
      %dma_start3A_61 = tpu.memref_slice %arg6[%arg0, %dma_start3A_60] : memref<2x16xf32, #tpu.memory_space<hbm>> -> memref<1x16xf32, #tpu.memory_space<hbm>>
      %dma_start3A_62 = tpu.memref_squeeze %dma_start3A_61 : memref<1x16xf32, #tpu.memory_space<hbm>> -> memref<16xf32, #tpu.memory_space<hbm>>
      %dma_start3A_63 = arith.constant 0 : i32
      %dma_start3A_64 = tpu.memref_slice %arg6[%arg0, %dma_start3A_63] : memref<2x16xf32, #tpu.memory_space<hbm>> -> memref<1x16xf32, #tpu.memory_space<hbm>>
      %dma_start3A_65 = tpu.memref_squeeze %dma_start3A_64 : memref<1x16xf32, #tpu.memory_space<hbm>> -> memref<16xf32, #tpu.memory_space<hbm>>
      tpu.enqueue_dma source(%dma_start3A_65 : memref<16xf32, #tpu.memory_space<hbm>>) target(%arg27 : memref<16xf32, #tpu.memory_space<vmem>>) target_semaphore(%run_scoped3A_59 : memref<!tpu.dma_semaphore, #tpu.memory_space<semaphore_mem>>)
      %dma_wait3A_66 = arith.constant 0 : i32
      %dma_wait3A_67 = tpu.memref_slice %arg6[%arg0, %dma_wait3A_66] : memref<2x16xf32, #tpu.memory_space<hbm>> -> memref<1x16xf32, #tpu.memory_space<hbm>>
      %dma_wait3A_68 = tpu.memref_squeeze %dma_wait3A_67 : memref<1x16xf32, #tpu.memory_space<hbm>> -> memref<16xf32, #tpu.memory_space<hbm>>
      %dma_wait3A_69 = arith.constant 0 : i32
      %dma_wait3A_70 = tpu.memref_slice %arg6[%arg0, %dma_wait3A_69] : memref<2x16xf32, #tpu.memory_space<hbm>> -> memref<1x16xf32, #tpu.memory_space<hbm>>
      %dma_wait3A_71 = tpu.memref_squeeze %dma_wait3A_70 : memref<1x16xf32, #tpu.memory_space<hbm>> -> memref<16xf32, #tpu.memory_space<hbm>>
      tpu.wait_dma2 semaphore(%run_scoped3A_59 : memref<!tpu.dma_semaphore, #tpu.memory_space<semaphore_mem>>) src(%dma_wait3A_71 : memref<16xf32, #tpu.memory_space<hbm>>) dst(%arg27 : memref<16xf32, #tpu.memory_space<vmem>>)
      tpu.yield
    }) : () -> ()
    %barrier3A = arith.constant 0 : index
    tpu.barrier barrier_id(%barrier3A)
    %mul3A_2 = arith.constant 20736 : i32
    %mul3A_3 = arith.muli %arg1, %mul3A_2 : i32
    %mul3A_4 = arith.constant 4 : i32
    %mul3A_5 = arith.muli %mul3A_4, %arg0 : i32
    %run_scoped3A = arith.constant 0 : i32
    "tpu.region"() ({
      %run_scoped3A_59 = tpu.sem_alloc : memref<!tpu.dma_semaphore, #tpu.memory_space<semaphore_mem>>
      %dma_start3A_60 = arith.constant 0 : i32
      %dma_start3A_61 = tpu.memref_slice %arg4[%arg0, %arg1, %run_scoped3A, %dma_start3A_60] : memref<2x16x162x128xi32, #tpu.memory_space<hbm>> -> memref<1x1x1x128xi32, #tpu.memory_space<hbm>>
      %dma_start3A_62 = tpu.memref_squeeze %dma_start3A_61 : memref<1x1x1x128xi32, #tpu.memory_space<hbm>> -> memref<128xi32, #tpu.memory_space<hbm>>
      %dma_start3A_63 = arith.constant 0 : i32
      %dma_start3A_64 = tpu.memref_slice %arg4[%arg0, %arg1, %run_scoped3A, %dma_start3A_63] : memref<2x16x162x128xi32, #tpu.memory_space<hbm>> -> memref<1x1x1x128xi32, #tpu.memory_space<hbm>>
      %dma_start3A_65 = tpu.memref_squeeze %dma_start3A_64 : memref<1x1x1x128xi32, #tpu.memory_space<hbm>> -> memref<128xi32, #tpu.memory_space<hbm>>
      tpu.enqueue_dma source(%dma_start3A_65 : memref<128xi32, #tpu.memory_space<hbm>>) target(%arg12 : memref<128xi32, #tpu.memory_space<vmem>>) target_semaphore(%run_scoped3A_59 : memref<!tpu.dma_semaphore, #tpu.memory_space<semaphore_mem>>)
      %dma_wait3A_66 = arith.constant 0 : i32
      %dma_wait3A_67 = tpu.memref_slice %arg4[%arg0, %arg1, %run_scoped3A, %dma_wait3A_66] : memref<2x16x162x128xi32, #tpu.memory_space<hbm>> -> memref<1x1x1x128xi32, #tpu.memory_space<hbm>>
      %dma_wait3A_68 = tpu.memref_squeeze %dma_wait3A_67 : memref<1x1x1x128xi32, #tpu.memory_space<hbm>> -> memref<128xi32, #tpu.memory_space<hbm>>
      %dma_wait3A_69 = arith.constant 0 : i32
      %dma_wait3A_70 = tpu.memref_slice %arg4[%arg0, %arg1, %run_scoped3A, %dma_wait3A_69] : memref<2x16x162x128xi32, #tpu.memory_space<hbm>> -> memref<1x1x1x128xi32, #tpu.memory_space<hbm>>
      %dma_wait3A_71 = tpu.memref_squeeze %dma_wait3A_70 : memref<1x1x1x128xi32, #tpu.memory_space<hbm>> -> memref<128xi32, #tpu.memory_space<hbm>>
      tpu.wait_dma2 semaphore(%run_scoped3A_59 : memref<!tpu.dma_semaphore, #tpu.memory_space<semaphore_mem>>) src(%dma_wait3A_71 : memref<128xi32, #tpu.memory_space<hbm>>) dst(%arg12 : memref<128xi32, #tpu.memory_space<vmem>>)
      tpu.yield
    }) : () -> ()
    %run_scoped3A_6 = arith.constant 1 : i32
    "tpu.region"() ({
      %run_scoped3A_59 = tpu.sem_alloc : memref<!tpu.dma_semaphore, #tpu.memory_space<semaphore_mem>>
      %dma_start3A_60 = arith.constant 0 : i32
      %dma_start3A_61 = tpu.memref_slice %arg4[%arg0, %arg1, %run_scoped3A_6, %dma_start3A_60] : memref<2x16x162x128xi32, #tpu.memory_space<hbm>> -> memref<1x1x1x128xi32, #tpu.memory_space<hbm>>
      %dma_start3A_62 = tpu.memref_squeeze %dma_start3A_61 : memref<1x1x1x128xi32, #tpu.memory_space<hbm>> -> memref<128xi32, #tpu.memory_space<hbm>>
      %dma_start3A_63 = arith.constant 0 : i32
      %dma_start3A_64 = tpu.memref_slice %arg4[%arg0, %arg1, %run_scoped3A_6, %dma_start3A_63] : memref<2x16x162x128xi32, #tpu.memory_space<hbm>> -> memref<1x1x1x128xi32, #tpu.memory_space<hbm>>
      %dma_start3A_65 = tpu.memref_squeeze %dma_start3A_64 : memref<1x1x1x128xi32, #tpu.memory_space<hbm>> -> memref<128xi32, #tpu.memory_space<hbm>>
      tpu.enqueue_dma source(%dma_start3A_65 : memref<128xi32, #tpu.memory_space<hbm>>) target(%arg13 : memref<128xi32, #tpu.memory_space<vmem>>) target_semaphore(%run_scoped3A_59 : memref<!tpu.dma_semaphore, #tpu.memory_space<semaphore_mem>>)
      %dma_wait3A_66 = arith.constant 0 : i32
      %dma_wait3A_67 = tpu.memref_slice %arg4[%arg0, %arg1, %run_scoped3A_6, %dma_wait3A_66] : memref<2x16x162x128xi32, #tpu.memory_space<hbm>> -> memref<1x1x1x128xi32, #tpu.memory_space<hbm>>
      %dma_wait3A_68 = tpu.memref_squeeze %dma_wait3A_67 : memref<1x1x1x128xi32, #tpu.memory_space<hbm>> -> memref<128xi32, #tpu.memory_space<hbm>>
      %dma_wait3A_69 = arith.constant 0 : i32
      %dma_wait3A_70 = tpu.memref_slice %arg4[%arg0, %arg1, %run_scoped3A_6, %dma_wait3A_69] : memref<2x16x162x128xi32, #tpu.memory_space<hbm>> -> memref<1x1x1x128xi32, #tpu.memory_space<hbm>>
      %dma_wait3A_71 = tpu.memref_squeeze %dma_wait3A_70 : memref<1x1x1x128xi32, #tpu.memory_space<hbm>> -> memref<128xi32, #tpu.memory_space<hbm>>
      tpu.wait_dma2 semaphore(%run_scoped3A_59 : memref<!tpu.dma_semaphore, #tpu.memory_space<semaphore_mem>>) src(%dma_wait3A_71 : memref<128xi32, #tpu.memory_space<hbm>>) dst(%arg13 : memref<128xi32, #tpu.memory_space<vmem>>)
      tpu.yield
    }) : () -> ()
    %dma_start3A = arith.constant 0 : i32
    %dma_start3A_7 = arith.constant 0 : i32
    %dma_start3A_8 = tpu.memref_slice %arg2[%dma_start3A, %dma_start3A_7] : memref<20000x72xf32, #tpu.memory_space<hbm>> -> memref<20000x72xf32, #tpu.memory_space<hbm>>
    tpu.enqueue_indirect_dma source(%dma_start3A_8 : memref<20000x72xf32, #tpu.memory_space<hbm>>) target(%arg15 : memref<128x72xf32, #tpu.memory_space<vmem>>) offsets(%arg12 : memref<128xi32, #tpu.memory_space<vmem>>) semaphore(%arg31 : memref<!tpu.dma_semaphore, #tpu.memory_space<semaphore_mem>>)
    %dma_start3A_9 = arith.constant 0 : i32
    %dma_start3A_10 = arith.constant 0 : i32
    %dma_start3A_11 = tpu.memref_slice %arg11[%dma_start3A_9, %dma_start3A_10] : memref<162x128xi32, #tpu.memory_space<vmem>> -> memref<1x128xi32, #tpu.memory_space<vmem>>
    %dma_start3A_12 = tpu.memref_squeeze %dma_start3A_11 : memref<1x128xi32, #tpu.memory_space<vmem>> -> memref<128xi32, #tpu.memory_space<vmem>>
    %dma_start3A_13 = arith.constant 0 : i32
    %dma_start3A_14 = arith.constant 0 : i32
    %dma_start3A_15 = tpu.memref_slice %arg3[%dma_start3A_13, %dma_start3A_14] : memref<10000x8xf32, #tpu.memory_space<hbm>> -> memref<10000x8xf32, #tpu.memory_space<hbm>>
    tpu.enqueue_indirect_dma source(%dma_start3A_15 : memref<10000x8xf32, #tpu.memory_space<hbm>>) target(%arg18 : memref<128x8xf32, #tpu.memory_space<vmem>>) offsets(%dma_start3A_12 : memref<128xi32, #tpu.memory_space<vmem>>) semaphore(%arg31 : memref<!tpu.dma_semaphore, #tpu.memory_space<semaphore_mem>>)
    %dma_start3A_16 = arith.constant 0 : i32
    %dma_start3A_17 = arith.constant 0 : i32
    %dma_start3A_18 = tpu.memref_slice %arg2[%dma_start3A_16, %dma_start3A_17] : memref<20000x72xf32, #tpu.memory_space<hbm>> -> memref<20000x72xf32, #tpu.memory_space<hbm>>
    tpu.enqueue_indirect_dma source(%dma_start3A_18 : memref<20000x72xf32, #tpu.memory_space<hbm>>) target(%arg16 : memref<128x72xf32, #tpu.memory_space<vmem>>) offsets(%arg13 : memref<128xi32, #tpu.memory_space<vmem>>) semaphore(%arg32 : memref<!tpu.dma_semaphore, #tpu.memory_space<semaphore_mem>>)
    %dma_start3A_19 = arith.constant 1 : i32
    %dma_start3A_20 = arith.constant 0 : i32
    %dma_start3A_21 = tpu.memref_slice %arg11[%dma_start3A_19, %dma_start3A_20] : memref<162x128xi32, #tpu.memory_space<vmem>> -> memref<1x128xi32, #tpu.memory_space<vmem>>
    %dma_start3A_22 = tpu.memref_squeeze %dma_start3A_21 : memref<1x128xi32, #tpu.memory_space<vmem>> -> memref<128xi32, #tpu.memory_space<vmem>>
    %dma_start3A_23 = arith.constant 0 : i32
    %dma_start3A_24 = arith.constant 0 : i32
    %dma_start3A_25 = tpu.memref_slice %arg3[%dma_start3A_23, %dma_start3A_24] : memref<10000x8xf32, #tpu.memory_space<hbm>> -> memref<10000x8xf32, #tpu.memory_space<hbm>>
    tpu.enqueue_indirect_dma source(%dma_start3A_25 : memref<10000x8xf32, #tpu.memory_space<hbm>>) target(%arg19 : memref<128x8xf32, #tpu.memory_space<vmem>>) offsets(%dma_start3A_22 : memref<128xi32, #tpu.memory_space<vmem>>) semaphore(%arg32 : memref<!tpu.dma_semaphore, #tpu.memory_space<semaphore_mem>>)
    %scan3A = arith.constant 0 : i32
    %scan3A_26 = arith.constant 0 : i32
    %scan3A_27 = arith.constant 54 : i32
    %scan3A_28 = arith.addi %scan3A_26, %scan3A_27 : i32
    %scan3A_29 = arith.constant 1 : i32
    scf.for %scan3A_59 = %scan3A_26 to %scan3A_28 step %scan3A_29  : i32 {
      %mul3A_60 = arith.constant 3 : i32
      %mul3A_61 = arith.muli %mul3A_60, %scan3A_59 : i32
      %add3A = arith.constant 0 : i32
      %add3A_62 = arith.addi %mul3A_61, %add3A : i32
      %dma_wait3A_63 = arith.constant 0 : i32
      %dma_wait3A_64 = arith.constant 0 : i32
      %dma_wait3A_65 = tpu.memref_slice %arg2[%dma_wait3A_63, %dma_wait3A_64] : memref<20000x72xf32, #tpu.memory_space<hbm>> -> memref<20000x72xf32, #tpu.memory_space<hbm>>
      tpu.wait_indirect_dma semaphore(%arg31 : memref<!tpu.dma_semaphore, #tpu.memory_space<semaphore_mem>>) src(%dma_wait3A_65 : memref<20000x72xf32, #tpu.memory_space<hbm>>) dst(%arg15 : memref<128x72xf32, #tpu.memory_space<vmem>>)
      %dma_wait3A_66 = arith.constant 0 : i32
      %dma_wait3A_67 = tpu.memref_slice %arg11[%add3A_62, %dma_wait3A_66] : memref<162x128xi32, #tpu.memory_space<vmem>> -> memref<1x128xi32, #tpu.memory_space<vmem>>
      %dma_wait3A_68 = tpu.memref_squeeze %dma_wait3A_67 : memref<1x128xi32, #tpu.memory_space<vmem>> -> memref<128xi32, #tpu.memory_space<vmem>>
      %dma_wait3A_69 = arith.constant 0 : i32
      %dma_wait3A_70 = arith.constant 0 : i32
      %dma_wait3A_71 = tpu.memref_slice %arg3[%dma_wait3A_69, %dma_wait3A_70] : memref<10000x8xf32, #tpu.memory_space<hbm>> -> memref<10000x8xf32, #tpu.memory_space<hbm>>
      tpu.wait_indirect_dma semaphore(%arg31 : memref<!tpu.dma_semaphore, #tpu.memory_space<semaphore_mem>>) src(%dma_wait3A_71 : memref<10000x8xf32, #tpu.memory_space<hbm>>) dst(%arg18 : memref<128x8xf32, #tpu.memory_space<vmem>>)
      %get3A = arith.constant 0 : index
      %get3A_72 = tpu.vector_load %arg27[%get3A] {strides = array<i32>} : memref<16xf32, #tpu.memory_space<vmem>>, vector<16xf32>,
      %mul3A_73 = arith.constant 128 : i32
      %mul3A_74 = arith.muli %add3A_62, %mul3A_73 : i32
      %add3A_75 = arith.addi %mul3A_3, %mul3A_74 : i32
      %scan3A_76 = arith.constant 0 : i32
      %scan3A_77 = arith.constant 0 : i32
      %scan3A_78 = arith.constant 64 : i32
      %scan3A_79 = arith.addi %scan3A_77, %scan3A_78 : i32
      %scan3A_80 = arith.constant 1 : i32
      scf.for %scan3A_233 = %scan3A_77 to %scan3A_79 step %scan3A_80  : i32 {
        %iota3A = tpu.iota {dimensions = array<i32: 0>} : vector<16xi32>
        %mul3A_234 = arith.constant 2 : i32
        %mul3A_235 = arith.muli %mul3A_234, %scan3A_233 : i32
        %shift_right_logical3A = arith.constant 3 : i32
        %shift_right_logical3A_236 = vector.broadcast %shift_right_logical3A : i32 to vector<16xi32>
        %shift_right_logical3A_237 = arith.shrui %iota3A, %shift_right_logical3A_236 : vector<16xi32>
        %add3A_238 = vector.broadcast %mul3A_235 : i32 to vector<16xi32>
        %add3A_239 = arith.addi %add3A_238, %shift_right_logical3A_237 : vector<16xi32>
        %and3A_240 = arith.constant 7 : i32
        %and3A_241 = vector.broadcast %and3A_240 : i32 to vector<16xi32>
        %and3A_242 = arith.andi %iota3A, %and3A_241 : vector<16xi32>
        %and3A_243 = arith.constant 3 : i32
        %and3A_244 = vector.broadcast %and3A_243 : i32 to vector<16xi32>
        %and3A_245 = arith.andi %iota3A, %and3A_244 : vector<16xi32>
        %add3A_246 = arith.constant 64 : i32
        %add3A_247 = vector.broadcast %add3A_246 : i32 to vector<16xi32>
        %add3A_248 = arith.addi %add3A_247, %and3A_245 : vector<16xi32>
        %gather3A = tpu.vector_load_idx %arg15[%add3A_239, %add3A_248] : memref<128x72xf32, #tpu.memory_space<vmem>>[vector<16xi32>, vector<16xi32>], vector<16xf32>,
        %add3A_249 = vector.broadcast %mul3A_5 : i32 to vector<16xi32>
        %add3A_250 = arith.addi %add3A_249, %and3A_245 : vector<16xi32>
        %gather3A_251 = tpu.vector_load_idx %arg18[%add3A_239, %add3A_250] : memref<128x8xf32, #tpu.memory_space<vmem>>[vector<16xi32>, vector<16xi32>], vector<16xf32>,
        %add3A_252 = arith.addf %gather3A, %gather3A_251 : vector<16xf32>
        %mul3A_253 = arith.constant 2.000000e-01 : f32
        %mul3A_254 = vector.broadcast %mul3A_253 : f32 to vector<16xf32>
        %mul3A_255 = arith.mulf %mul3A_254, %add3A_252 : vector<16xf32>
        %max3A = arith.maximumf %add3A_252, %mul3A_255 : vector<16xf32>
        %sub3A = arith.subf %max3A, %get3A_72 : vector<16xf32>
        %exp3A = math.exp %sub3A : vector<16xf32>
        %add3A_256 = vector.broadcast %add3A_75 : i32 to vector<16xi32>
        %add3A_257 = arith.addi %add3A_256, %add3A_239 : vector<16xi32>
        %lt3A_258 = arith.constant 330000 : i32
        %lt3A_259 = vector.broadcast %lt3A_258 : i32 to vector<16xi32>
        %lt3A_260 = arith.cmpi slt, %add3A_257, %lt3A_259 : vector<16xi32>
        %lt3A_261 = arith.constant 4 : i32
        %lt3A_262 = vector.broadcast %lt3A_261 : i32 to vector<16xi32>
        %lt3A_263 = arith.cmpi slt, %and3A_242, %lt3A_262 : vector<16xi32>
        %and3A_264 = arith.andi %lt3A_260, %lt3A_263 : vector<16xi1>
        %jit3A = arith.constant 0.000000e+00 : f32
        %broadcast_in_dim3A = vector.broadcast %jit3A : f32 to vector<16xf32>
        %select_n3A = arith.select %and3A_264, %exp3A, %broadcast_in_dim3A : vector<16xi1>, vector<16xf32>
        tpu.vector_store_idx %arg21[%add3A_239, %and3A_242], %select_n3A : memref<128x8xf32, #tpu.memory_space<vmem>>[vector<16xi32>, vector<16xi32>], vector<16xf32>,
      }
      %scan3A_81 = arith.constant 64 : i32
      %dma_start3A_82 = arith.constant 0 : i32
      %dma_start3A_83 = tpu.memref_slice %arg11[%add3A_62, %dma_start3A_82] : memref<162x128xi32, #tpu.memory_space<vmem>> -> memref<1x128xi32, #tpu.memory_space<vmem>>
      %dma_start3A_84 = tpu.memref_squeeze %dma_start3A_83 : memref<1x128xi32, #tpu.memory_space<vmem>> -> memref<128xi32, #tpu.memory_space<vmem>>
      %dma_start3A_85 = arith.constant 0 : i32
      %dma_start3A_86 = arith.constant 0 : i32
      %dma_start3A_87 = tpu.memref_slice %arg37[%dma_start3A_85, %dma_start3A_86] : memref<10000x8xf32, #tpu.memory_space<vmem_shared>> -> memref<10000x8xf32, #tpu.memory_space<vmem_shared>>
      tpu.enqueue_indirect_dma source(%arg21 : memref<128x8xf32, #tpu.memory_space<vmem>>) target(%dma_start3A_87 : memref<10000x8xf32, #tpu.memory_space<vmem_shared>>) offsets(%dma_start3A_84 : memref<128xi32, #tpu.memory_space<vmem>>) semaphore(%arg34 : memref<!tpu.dma_semaphore, #tpu.memory_space<semaphore_mem>>) {add = true}
      %ge3A = arith.constant 2 : i32
      %ge3A_88 = arith.cmpi sge, %add3A_62, %ge3A : i32
      %convert_element_type3A = arith.extui %ge3A_88 : i1 to i32
      %cond3A = arith.constant 0 : i32
      %cond3A_89 = arith.cmpi ne, %convert_element_type3A, %cond3A : i32
      scf.if %cond3A_89 {
        %sub3A = arith.constant 2 : i32
        %sub3A_233 = arith.subi %add3A_62, %sub3A : i32
        %dma_wait3A_234 = arith.constant 0 : i32
        %dma_wait3A_235 = tpu.memref_slice %arg11[%sub3A_233, %dma_wait3A_234] : memref<162x128xi32, #tpu.memory_space<vmem>> -> memref<1x128xi32, #tpu.memory_space<vmem>>
        %dma_wait3A_236 = tpu.memref_squeeze %dma_wait3A_235 : memref<1x128xi32, #tpu.memory_space<vmem>> -> memref<128xi32, #tpu.memory_space<vmem>>
        %dma_wait3A_237 = arith.constant 0 : i32
        %dma_wait3A_238 = arith.constant 0 : i32
        %dma_wait3A_239 = tpu.memref_slice %arg37[%dma_wait3A_237, %dma_wait3A_238] : memref<10000x8xf32, #tpu.memory_space<vmem_shared>> -> memref<10000x8xf32, #tpu.memory_space<vmem_shared>>
        tpu.wait_indirect_dma semaphore(%arg35 : memref<!tpu.dma_semaphore, #tpu.memory_space<semaphore_mem>>) src(%arg22 : memref<128x8xf32, #tpu.memory_space<vmem>>) dst(%dma_wait3A_239 : memref<10000x8xf32, #tpu.memory_space<vmem_shared>>)
        %dma_wait3A_240 = arith.constant 0 : i32
        %dma_wait3A_241 = tpu.memref_slice %arg11[%sub3A_233, %dma_wait3A_240] : memref<162x128xi32, #tpu.memory_space<vmem>> -> memref<1x128xi32, #tpu.memory_space<vmem>>
        %dma_wait3A_242 = tpu.memref_squeeze %dma_wait3A_241 : memref<1x128xi32, #tpu.memory_space<vmem>> -> memref<128xi32, #tpu.memory_space<vmem>>
        %dma_wait3A_243 = arith.constant 0 : i32
        %dma_wait3A_244 = arith.constant 0 : i32
        %dma_wait3A_245 = tpu.memref_slice %arg38[%dma_wait3A_243, %dma_wait3A_244] : memref<10000x64xf32, #tpu.memory_space<vmem_shared>> -> memref<10000x64xf32, #tpu.memory_space<vmem_shared>>
        tpu.wait_indirect_dma semaphore(%arg35 : memref<!tpu.dma_semaphore, #tpu.memory_space<semaphore_mem>>) src(%arg25 : memref<128x64xf32, #tpu.memory_space<vmem>>) dst(%dma_wait3A_245 : memref<10000x64xf32, #tpu.memory_space<vmem_shared>>)
      } else {
      }
      %ge3A_90 = arith.constant 1 : i32
      %ge3A_91 = arith.cmpi sge, %add3A_62, %ge3A_90 : i32
      %lt3A = arith.constant 161 : i32
      %lt3A_92 = arith.cmpi slt, %add3A_62, %lt3A : i32
      %and3A = arith.andi %ge3A_91, %lt3A_92 : i1
      %convert_element_type3A_93 = arith.extui %and3A : i1 to i32
      %cond3A_94 = arith.constant 0 : i32
      %cond3A_95 = arith.cmpi ne, %convert_element_type3A_93, %cond3A_94 : i32
      scf.if %cond3A_95 {
        %add3A_233 = arith.constant 1 : i32
        %add3A_234 = arith.addi %add3A_62, %add3A_233 : i32
        %dma_wait3A_235 = arith.constant 0 : i32
        %dma_wait3A_236 = tpu.memref_slice %arg4[%arg0, %arg1, %add3A_234, %dma_wait3A_235] : memref<2x16x162x128xi32, #tpu.memory_space<hbm>> -> memref<1x1x1x128xi32, #tpu.memory_space<hbm>>
        %dma_wait3A_237 = tpu.memref_squeeze %dma_wait3A_236 : memref<1x1x1x128xi32, #tpu.memory_space<hbm>> -> memref<128xi32, #tpu.memory_space<hbm>>
        %dma_wait3A_238 = arith.constant 0 : i32
        %dma_wait3A_239 = tpu.memref_slice %arg4[%arg0, %arg1, %add3A_234, %dma_wait3A_238] : memref<2x16x162x128xi32, #tpu.memory_space<hbm>> -> memref<1x1x1x128xi32, #tpu.memory_space<hbm>>
        %dma_wait3A_240 = tpu.memref_squeeze %dma_wait3A_239 : memref<1x1x1x128xi32, #tpu.memory_space<hbm>> -> memref<128xi32, #tpu.memory_space<hbm>>
        tpu.wait_dma2 semaphore(%arg29 : memref<!tpu.dma_semaphore, #tpu.memory_space<semaphore_mem>>) src(%dma_wait3A_240 : memref<128xi32, #tpu.memory_space<hbm>>) dst(%arg13 : memref<128xi32, #tpu.memory_space<vmem>>)
        %add3A_241 = arith.constant 1 : i32
        %add3A_242 = arith.addi %add3A_62, %add3A_241 : i32
        %dma_start3A_243 = arith.constant 0 : i32
        %dma_start3A_244 = arith.constant 0 : i32
        %dma_start3A_245 = tpu.memref_slice %arg2[%dma_start3A_243, %dma_start3A_244] : memref<20000x72xf32, #tpu.memory_space<hbm>> -> memref<20000x72xf32, #tpu.memory_space<hbm>>
        tpu.enqueue_indirect_dma source(%dma_start3A_245 : memref<20000x72xf32, #tpu.memory_space<hbm>>) target(%arg16 : memref<128x72xf32, #tpu.memory_space<vmem>>) offsets(%arg13 : memref<128xi32, #tpu.memory_space<vmem>>) semaphore(%arg32 : memref<!tpu.dma_semaphore, #tpu.memory_space<semaphore_mem>>)
        %dma_start3A_246 = arith.constant 0 : i32
        %dma_start3A_247 = tpu.memref_slice %arg11[%add3A_242, %dma_start3A_246] : memref<162x128xi32, #tpu.memory_space<vmem>> -> memref<1x128xi32, #tpu.memory_space<vmem>>
        %dma_start3A_248 = tpu.memref_squeeze %dma_start3A_247 : memref<1x128xi32, #tpu.memory_space<vmem>> -> memref<128xi32, #tpu.memory_space<vmem>>
        %dma_start3A_249 = arith.constant 0 : i32
        %dma_start3A_250 = arith.constant 0 : i32
        %dma_start3A_251 = tpu.memref_slice %arg3[%dma_start3A_249, %dma_start3A_250] : memref<10000x8xf32, #tpu.memory_space<hbm>> -> memref<10000x8xf32, #tpu.memory_space<hbm>>
        tpu.enqueue_indirect_dma source(%dma_start3A_251 : memref<10000x8xf32, #tpu.memory_space<hbm>>) target(%arg19 : memref<128x8xf32, #tpu.memory_space<vmem>>) offsets(%dma_start3A_248 : memref<128xi32, #tpu.memory_space<vmem>>) semaphore(%arg32 : memref<!tpu.dma_semaphore, #tpu.memory_space<semaphore_mem>>)
      } else {
      }
      %lt3A_96 = arith.constant 160 : i32
      %lt3A_97 = arith.cmpi slt, %add3A_62, %lt3A_96 : i32
      %convert_element_type3A_98 = arith.extui %lt3A_97 : i1 to i32
      %cond3A_99 = arith.constant 0 : i32
      %cond3A_100 = arith.cmpi ne, %convert_element_type3A_98, %cond3A_99 : i32
      scf.if %cond3A_100 {
        %add3A_233 = arith.constant 2 : i32
        %add3A_234 = arith.addi %add3A_62, %add3A_233 : i32
        %dma_start3A_235 = arith.constant 0 : i32
        %dma_start3A_236 = tpu.memref_slice %arg4[%arg0, %arg1, %add3A_234, %dma_start3A_235] : memref<2x16x162x128xi32, #tpu.memory_space<hbm>> -> memref<1x1x1x128xi32, #tpu.memory_space<hbm>>
        %dma_start3A_237 = tpu.memref_squeeze %dma_start3A_236 : memref<1x1x1x128xi32, #tpu.memory_space<hbm>> -> memref<128xi32, #tpu.memory_space<hbm>>
        %dma_start3A_238 = arith.constant 0 : i32
        %dma_start3A_239 = tpu.memref_slice %arg4[%arg0, %arg1, %add3A_234, %dma_start3A_238] : memref<2x16x162x128xi32, #tpu.memory_space<hbm>> -> memref<1x1x1x128xi32, #tpu.memory_space<hbm>>
        %dma_start3A_240 = tpu.memref_squeeze %dma_start3A_239 : memref<1x1x1x128xi32, #tpu.memory_space<hbm>> -> memref<128xi32, #tpu.memory_space<hbm>>
        tpu.enqueue_dma source(%dma_start3A_240 : memref<128xi32, #tpu.memory_space<hbm>>) target(%arg14 : memref<128xi32, #tpu.memory_space<vmem>>) target_semaphore(%arg30 : memref<!tpu.dma_semaphore, #tpu.memory_space<semaphore_mem>>)
      } else {
      }
      %scan3A_101 = arith.constant 0 : i32
      %scan3A_102 = arith.constant 0 : i32
      %scan3A_103 = arith.constant 64 : i32
      %scan3A_104 = arith.addi %scan3A_102, %scan3A_103 : i32
      %scan3A_105 = arith.constant 1 : i32
      scf.for %scan3A_233 = %scan3A_102 to %scan3A_104 step %scan3A_105  : i32 {
        %mul3A_234 = arith.constant 2 : i32
        %mul3A_235 = arith.muli %mul3A_234, %scan3A_233 : i32
        %add3A_236 = arith.constant 0 : i32
        %add3A_237 = arith.addi %mul3A_235, %add3A_236 : i32
        %broadcast_in_dim3A = arith.constant 0 : i32
        %broadcast_in_dim3A_238 = vector.broadcast %broadcast_in_dim3A : i32 to vector<16xi32>
        %add3A_239 = vector.broadcast %add3A_237 : i32 to vector<16xi32>
        %add3A_240 = arith.addi %broadcast_in_dim3A_238, %add3A_239 : vector<16xi32>
        %broadcast_in_dim3A_241 = arith.constant 0 : i32
        %broadcast_in_dim3A_242 = vector.broadcast %broadcast_in_dim3A_241 : i32 to vector<16xi32>
        %gather3A = tpu.vector_load_idx %arg21[%add3A_240, %broadcast_in_dim3A_242] : memref<128x8xf32, #tpu.memory_space<vmem>>[vector<16xi32>, vector<16xi32>], vector<16xf32>,
        %get3A_243 = arith.index_cast %add3A_237 : i32 to index
        %get3A_244 = arith.constant 0 : index
        %get3A_245 = tpu.vector_load %arg15[%get3A_243, %get3A_244] {strides = array<i32>} : memref<128x72xf32, #tpu.memory_space<vmem>>, vector<16xf32>,
        %mul3A_246 = arith.mulf %get3A_245, %gather3A : vector<16xf32>
        %swap3A = arith.index_cast %add3A_237 : i32 to index
        %swap3A_247 = arith.constant 0 : index
        %swap3A_248 = tpu.vector_load %arg24[%swap3A, %swap3A_247] {strides = array<i32>} : memref<128x64xf32, #tpu.memory_space<vmem>>, vector<16xf32>,
        tpu.vector_store %arg24[%swap3A, %swap3A_247], %mul3A_246 {strides = array<i32>} : memref<128x64xf32, #tpu.memory_space<vmem>>, vector<16xf32>,
        %broadcast_in_dim3A_249 = arith.constant 1 : i32
        %broadcast_in_dim3A_250 = vector.broadcast %broadcast_in_dim3A_249 : i32 to vector<16xi32>
        %gather3A_251 = tpu.vector_load_idx %arg21[%add3A_240, %broadcast_in_dim3A_250] : memref<128x8xf32, #tpu.memory_space<vmem>>[vector<16xi32>, vector<16xi32>], vector<16xf32>,
        %get3A_252 = arith.index_cast %add3A_237 : i32 to index
        %get3A_253 = arith.constant 16 : index
        %get3A_254 = tpu.vector_load %arg15[%get3A_252, %get3A_253] {strides = array<i32>} : memref<128x72xf32, #tpu.memory_space<vmem>>, vector<16xf32>,
        %mul3A_255 = arith.mulf %get3A_254, %gather3A_251 : vector<16xf32>
        %swap3A_256 = arith.index_cast %add3A_237 : i32 to index
        %swap3A_257 = arith.constant 16 : index
        %swap3A_258 = tpu.vector_load %arg24[%swap3A_256, %swap3A_257] {strides = array<i32>} : memref<128x64xf32, #tpu.memory_space<vmem>>, vector<16xf32>,
        tpu.vector_store %arg24[%swap3A_256, %swap3A_257], %mul3A_255 {strides = array<i32>} : memref<128x64xf32, #tpu.memory_space<vmem>>, vector<16xf32>,
        %broadcast_in_dim3A_259 = arith.constant 2 : i32
        %broadcast_in_dim3A_260 = vector.broadcast %broadcast_in_dim3A_259 : i32 to vector<16xi32>
        %gather3A_261 = tpu.vector_load_idx %arg21[%add3A_240, %broadcast_in_dim3A_260] : memref<128x8xf32, #tpu.memory_space<vmem>>[vector<16xi32>, vector<16xi32>], vector<16xf32>,
        %get3A_262 = arith.index_cast %add3A_237 : i32 to index
        %get3A_263 = arith.constant 32 : index
        %get3A_264 = tpu.vector_load %arg15[%get3A_262, %get3A_263] {strides = array<i32>} : memref<128x72xf32, #tpu.memory_space<vmem>>, vector<16xf32>,
        %mul3A_265 = arith.mulf %get3A_264, %gather3A_261 : vector<16xf32>
        %swap3A_266 = arith.index_cast %add3A_237 : i32 to index
        %swap3A_267 = arith.constant 32 : index
        %swap3A_268 = tpu.vector_load %arg24[%swap3A_266, %swap3A_267] {strides = array<i32>} : memref<128x64xf32, #tpu.memory_space<vmem>>, vector<16xf32>,
        tpu.vector_store %arg24[%swap3A_266, %swap3A_267], %mul3A_265 {strides = array<i32>} : memref<128x64xf32, #tpu.memory_space<vmem>>, vector<16xf32>,
        %broadcast_in_dim3A_269 = arith.constant 3 : i32
        %broadcast_in_dim3A_270 = vector.broadcast %broadcast_in_dim3A_269 : i32 to vector<16xi32>
        %gather3A_271 = tpu.vector_load_idx %arg21[%add3A_240, %broadcast_in_dim3A_270] : memref<128x8xf32, #tpu.memory_space<vmem>>[vector<16xi32>, vector<16xi32>], vector<16xf32>,
        %get3A_272 = arith.index_cast %add3A_237 : i32 to index
        %get3A_273 = arith.constant 48 : index
        %get3A_274 = tpu.vector_load %arg15[%get3A_272, %get3A_273] {strides = array<i32>} : memref<128x72xf32, #tpu.memory_space<vmem>>, vector<16xf32>,
        %mul3A_275 = arith.mulf %get3A_274, %gather3A_271 : vector<16xf32>
        %swap3A_276 = arith.index_cast %add3A_237 : i32 to index
        %swap3A_277 = arith.constant 48 : index
        %swap3A_278 = tpu.vector_load %arg24[%swap3A_276, %swap3A_277] {strides = array<i32>} : memref<128x64xf32, #tpu.memory_space<vmem>>, vector<16xf32>,
        tpu.vector_store %arg24[%swap3A_276, %swap3A_277], %mul3A_275 {strides = array<i32>} : memref<128x64xf32, #tpu.memory_space<vmem>>, vector<16xf32>,
        %mul3A_279 = arith.constant 2 : i32
        %mul3A_280 = arith.muli %mul3A_279, %scan3A_233 : i32
        %add3A_281 = arith.constant 1 : i32
        %add3A_282 = arith.addi %mul3A_280, %add3A_281 : i32
        %broadcast_in_dim3A_283 = arith.constant 0 : i32
        %broadcast_in_dim3A_284 = vector.broadcast %broadcast_in_dim3A_283 : i32 to vector<16xi32>
        %add3A_285 = vector.broadcast %add3A_282 : i32 to vector<16xi32>
        %add3A_286 = arith.addi %broadcast_in_dim3A_284, %add3A_285 : vector<16xi32>
        %broadcast_in_dim3A_287 = arith.constant 0 : i32
        %broadcast_in_dim3A_288 = vector.broadcast %broadcast_in_dim3A_287 : i32 to vector<16xi32>
        %gather3A_289 = tpu.vector_load_idx %arg21[%add3A_286, %broadcast_in_dim3A_288] : memref<128x8xf32, #tpu.memory_space<vmem>>[vector<16xi32>, vector<16xi32>], vector<16xf32>,
        %get3A_290 = arith.index_cast %add3A_282 : i32 to index
        %get3A_291 = arith.constant 0 : index
        %get3A_292 = tpu.vector_load %arg15[%get3A_290, %get3A_291] {strides = array<i32>} : memref<128x72xf32, #tpu.memory_space<vmem>>, vector<16xf32>,
        %mul3A_293 = arith.mulf %get3A_292, %gather3A_289 : vector<16xf32>
        %swap3A_294 = arith.index_cast %add3A_282 : i32 to index
        %swap3A_295 = arith.constant 0 : index
        %swap3A_296 = tpu.vector_load %arg24[%swap3A_294, %swap3A_295] {strides = array<i32>} : memref<128x64xf32, #tpu.memory_space<vmem>>, vector<16xf32>,
        tpu.vector_store %arg24[%swap3A_294, %swap3A_295], %mul3A_293 {strides = array<i32>} : memref<128x64xf32, #tpu.memory_space<vmem>>, vector<16xf32>,
        %broadcast_in_dim3A_297 = arith.constant 1 : i32
        %broadcast_in_dim3A_298 = vector.broadcast %broadcast_in_dim3A_297 : i32 to vector<16xi32>
        %gather3A_299 = tpu.vector_load_idx %arg21[%add3A_286, %broadcast_in_dim3A_298] : memref<128x8xf32, #tpu.memory_space<vmem>>[vector<16xi32>, vector<16xi32>], vector<16xf32>,
        %get3A_300 = arith.index_cast %add3A_282 : i32 to index
        %get3A_301 = arith.constant 16 : index
        %get3A_302 = tpu.vector_load %arg15[%get3A_300, %get3A_301] {strides = array<i32>} : memref<128x72xf32, #tpu.memory_space<vmem>>, vector<16xf32>,
        %mul3A_303 = arith.mulf %get3A_302, %gather3A_299 : vector<16xf32>
        %swap3A_304 = arith.index_cast %add3A_282 : i32 to index
        %swap3A_305 = arith.constant 16 : index
        %swap3A_306 = tpu.vector_load %arg24[%swap3A_304, %swap3A_305] {strides = array<i32>} : memref<128x64xf32, #tpu.memory_space<vmem>>, vector<16xf32>,
        tpu.vector_store %arg24[%swap3A_304, %swap3A_305], %mul3A_303 {strides = array<i32>} : memref<128x64xf32, #tpu.memory_space<vmem>>, vector<16xf32>,
        %broadcast_in_dim3A_307 = arith.constant 2 : i32
        %broadcast_in_dim3A_308 = vector.broadcast %broadcast_in_dim3A_307 : i32 to vector<16xi32>
        %gather3A_309 = tpu.vector_load_idx %arg21[%add3A_286, %broadcast_in_dim3A_308] : memref<128x8xf32, #tpu.memory_space<vmem>>[vector<16xi32>, vector<16xi32>], vector<16xf32>,
        %get3A_310 = arith.index_cast %add3A_282 : i32 to index
        %get3A_311 = arith.constant 32 : index
        %get3A_312 = tpu.vector_load %arg15[%get3A_310, %get3A_311] {strides = array<i32>} : memref<128x72xf32, #tpu.memory_space<vmem>>, vector<16xf32>,
        %mul3A_313 = arith.mulf %get3A_312, %gather3A_309 : vector<16xf32>
        %swap3A_314 = arith.index_cast %add3A_282 : i32 to index
        %swap3A_315 = arith.constant 32 : index
        %swap3A_316 = tpu.vector_load %arg24[%swap3A_314, %swap3A_315] {strides = array<i32>} : memref<128x64xf32, #tpu.memory_space<vmem>>, vector<16xf32>,
        tpu.vector_store %arg24[%swap3A_314, %swap3A_315], %mul3A_313 {strides = array<i32>} : memref<128x64xf32, #tpu.memory_space<vmem>>, vector<16xf32>,
        %broadcast_in_dim3A_317 = arith.constant 3 : i32
        %broadcast_in_dim3A_318 = vector.broadcast %broadcast_in_dim3A_317 : i32 to vector<16xi32>
        %gather3A_319 = tpu.vector_load_idx %arg21[%add3A_286, %broadcast_in_dim3A_318] : memref<128x8xf32, #tpu.memory_space<vmem>>[vector<16xi32>, vector<16xi32>], vector<16xf32>,
        %get3A_320 = arith.index_cast %add3A_282 : i32 to index
        %get3A_321 = arith.constant 48 : index
        %get3A_322 = tpu.vector_load %arg15[%get3A_320, %get3A_321] {strides = array<i32>} : memref<128x72xf32, #tpu.memory_space<vmem>>, vector<16xf32>,
        %mul3A_323 = arith.mulf %get3A_322, %gather3A_319 : vector<16xf32>
        %swap3A_324 = arith.index_cast %add3A_282 : i32 to index
        %swap3A_325 = arith.constant 48 : index
        %swap3A_326 = tpu.vector_load %arg24[%swap3A_324, %swap3A_325] {strides = array<i32>} : memref<128x64xf32, #tpu.memory_space<vmem>>, vector<16xf32>,
        tpu.vector_store %arg24[%swap3A_324, %swap3A_325], %mul3A_323 {strides = array<i32>} : memref<128x64xf32, #tpu.memory_space<vmem>>, vector<16xf32>,
      }
      %scan3A_106 = arith.constant 64 : i32
      %dma_start3A_107 = arith.constant 0 : i32
      %dma_start3A_108 = tpu.memref_slice %arg11[%add3A_62, %dma_start3A_107] : memref<162x128xi32, #tpu.memory_space<vmem>> -> memref<1x128xi32, #tpu.memory_space<vmem>>
      %dma_start3A_109 = tpu.memref_squeeze %dma_start3A_108 : memref<1x128xi32, #tpu.memory_space<vmem>> -> memref<128xi32, #tpu.memory_space<vmem>>
      %dma_start3A_110 = arith.constant 0 : i32
      %dma_start3A_111 = arith.constant 0 : i32
      %dma_start3A_112 = tpu.memref_slice %arg38[%dma_start3A_110, %dma_start3A_111] : memref<10000x64xf32, #tpu.memory_space<vmem_shared>> -> memref<10000x64xf32, #tpu.memory_space<vmem_shared>>
      tpu.enqueue_indirect_dma source(%arg24 : memref<128x64xf32, #tpu.memory_space<vmem>>) target(%dma_start3A_112 : memref<10000x64xf32, #tpu.memory_space<vmem_shared>>) offsets(%dma_start3A_109 : memref<128xi32, #tpu.memory_space<vmem>>) semaphore(%arg34 : memref<!tpu.dma_semaphore, #tpu.memory_space<semaphore_mem>>) {add = true}
      %mul3A_113 = arith.constant 3 : i32
      %mul3A_114 = arith.muli %mul3A_113, %scan3A_59 : i32
      %add3A_115 = arith.constant 1 : i32
      %add3A_116 = arith.addi %mul3A_114, %add3A_115 : i32
      %dma_wait3A_117 = arith.constant 0 : i32
      %dma_wait3A_118 = arith.constant 0 : i32
      %dma_wait3A_119 = tpu.memref_slice %arg2[%dma_wait3A_117, %dma_wait3A_118] : memref<20000x72xf32, #tpu.memory_space<hbm>> -> memref<20000x72xf32, #tpu.memory_space<hbm>>
      tpu.wait_indirect_dma semaphore(%arg32 : memref<!tpu.dma_semaphore, #tpu.memory_space<semaphore_mem>>) src(%dma_wait3A_119 : memref<20000x72xf32, #tpu.memory_space<hbm>>) dst(%arg16 : memref<128x72xf32, #tpu.memory_space<vmem>>)
      %dma_wait3A_120 = arith.constant 0 : i32
      %dma_wait3A_121 = tpu.memref_slice %arg11[%add3A_116, %dma_wait3A_120] : memref<162x128xi32, #tpu.memory_space<vmem>> -> memref<1x128xi32, #tpu.memory_space<vmem>>
      %dma_wait3A_122 = tpu.memref_squeeze %dma_wait3A_121 : memref<1x128xi32, #tpu.memory_space<vmem>> -> memref<128xi32, #tpu.memory_space<vmem>>
      %dma_wait3A_123 = arith.constant 0 : i32
      %dma_wait3A_124 = arith.constant 0 : i32
      %dma_wait3A_125 = tpu.memref_slice %arg3[%dma_wait3A_123, %dma_wait3A_124] : memref<10000x8xf32, #tpu.memory_space<hbm>> -> memref<10000x8xf32, #tpu.memory_space<hbm>>
      tpu.wait_indirect_dma semaphore(%arg32 : memref<!tpu.dma_semaphore, #tpu.memory_space<semaphore_mem>>) src(%dma_wait3A_125 : memref<10000x8xf32, #tpu.memory_space<hbm>>) dst(%arg19 : memref<128x8xf32, #tpu.memory_space<vmem>>)
      %get3A_126 = arith.constant 0 : index
      %get3A_127 = tpu.vector_load %arg27[%get3A_126] {strides = array<i32>} : memref<16xf32, #tpu.memory_space<vmem>>, vector<16xf32>,
      %mul3A_128 = arith.constant 128 : i32
      %mul3A_129 = arith.muli %add3A_116, %mul3A_128 : i32
      %add3A_130 = arith.addi %mul3A_3, %mul3A_129 : i32
      %scan3A_131 = arith.constant 0 : i32
      %scan3A_132 = arith.constant 0 : i32
      %scan3A_133 = arith.constant 64 : i32
      %scan3A_134 = arith.addi %scan3A_132, %scan3A_133 : i32
      %scan3A_135 = arith.constant 1 : i32
      scf.for %scan3A_233 = %scan3A_132 to %scan3A_134 step %scan3A_135  : i32 {
        %iota3A = tpu.iota {dimensions = array<i32: 0>} : vector<16xi32>
        %mul3A_234 = arith.constant 2 : i32
        %mul3A_235 = arith.muli %mul3A_234, %scan3A_233 : i32
        %shift_right_logical3A = arith.constant 3 : i32
        %shift_right_logical3A_236 = vector.broadcast %shift_right_logical3A : i32 to vector<16xi32>
        %shift_right_logical3A_237 = arith.shrui %iota3A, %shift_right_logical3A_236 : vector<16xi32>
        %add3A_238 = vector.broadcast %mul3A_235 : i32 to vector<16xi32>
        %add3A_239 = arith.addi %add3A_238, %shift_right_logical3A_237 : vector<16xi32>
        %and3A_240 = arith.constant 7 : i32
        %and3A_241 = vector.broadcast %and3A_240 : i32 to vector<16xi32>
        %and3A_242 = arith.andi %iota3A, %and3A_241 : vector<16xi32>
        %and3A_243 = arith.constant 3 : i32
        %and3A_244 = vector.broadcast %and3A_243 : i32 to vector<16xi32>
        %and3A_245 = arith.andi %iota3A, %and3A_244 : vector<16xi32>
        %add3A_246 = arith.constant 64 : i32
        %add3A_247 = vector.broadcast %add3A_246 : i32 to vector<16xi32>
        %add3A_248 = arith.addi %add3A_247, %and3A_245 : vector<16xi32>
        %gather3A = tpu.vector_load_idx %arg16[%add3A_239, %add3A_248] : memref<128x72xf32, #tpu.memory_space<vmem>>[vector<16xi32>, vector<16xi32>], vector<16xf32>,
        %add3A_249 = vector.broadcast %mul3A_5 : i32 to vector<16xi32>
        %add3A_250 = arith.addi %add3A_249, %and3A_245 : vector<16xi32>
        %gather3A_251 = tpu.vector_load_idx %arg19[%add3A_239, %add3A_250] : memref<128x8xf32, #tpu.memory_space<vmem>>[vector<16xi32>, vector<16xi32>], vector<16xf32>,
        %add3A_252 = arith.addf %gather3A, %gather3A_251 : vector<16xf32>
        %mul3A_253 = arith.constant 2.000000e-01 : f32
        %mul3A_254 = vector.broadcast %mul3A_253 : f32 to vector<16xf32>
        %mul3A_255 = arith.mulf %mul3A_254, %add3A_252 : vector<16xf32>
        %max3A = arith.maximumf %add3A_252, %mul3A_255 : vector<16xf32>
        %sub3A = arith.subf %max3A, %get3A_127 : vector<16xf32>
        %exp3A = math.exp %sub3A : vector<16xf32>
        %add3A_256 = vector.broadcast %add3A_130 : i32 to vector<16xi32>
        %add3A_257 = arith.addi %add3A_256, %add3A_239 : vector<16xi32>
        %lt3A_258 = arith.constant 330000 : i32
        %lt3A_259 = vector.broadcast %lt3A_258 : i32 to vector<16xi32>
        %lt3A_260 = arith.cmpi slt, %add3A_257, %lt3A_259 : vector<16xi32>
        %lt3A_261 = arith.constant 4 : i32
        %lt3A_262 = vector.broadcast %lt3A_261 : i32 to vector<16xi32>
        %lt3A_263 = arith.cmpi slt, %and3A_242, %lt3A_262 : vector<16xi32>
        %and3A_264 = arith.andi %lt3A_260, %lt3A_263 : vector<16xi1>
        %jit3A = arith.constant 0.000000e+00 : f32
        %broadcast_in_dim3A = vector.broadcast %jit3A : f32 to vector<16xf32>
        %select_n3A = arith.select %and3A_264, %exp3A, %broadcast_in_dim3A : vector<16xi1>, vector<16xf32>
        tpu.vector_store_idx %arg22[%add3A_239, %and3A_242], %select_n3A : memref<128x8xf32, #tpu.memory_space<vmem>>[vector<16xi32>, vector<16xi32>], vector<16xf32>,
      }
      %scan3A_136 = arith.constant 64 : i32
      %dma_start3A_137 = arith.constant 0 : i32
      %dma_start3A_138 = tpu.memref_slice %arg11[%add3A_116, %dma_start3A_137] : memref<162x128xi32, #tpu.memory_space<vmem>> -> memref<1x128xi32, #tpu.memory_space<vmem>>
      %dma_start3A_139 = tpu.memref_squeeze %dma_start3A_138 : memref<1x128xi32, #tpu.memory_space<vmem>> -> memref<128xi32, #tpu.memory_space<vmem>>
      %dma_start3A_140 = arith.constant 0 : i32
      %dma_start3A_141 = arith.constant 0 : i32
      %dma_start3A_142 = tpu.memref_slice %arg37[%dma_start3A_140, %dma_start3A_141] : memref<10000x8xf32, #tpu.memory_space<vmem_shared>> -> memref<10000x8xf32, #tpu.memory_space<vmem_shared>>
      tpu.enqueue_indirect_dma source(%arg22 : memref<128x8xf32, #tpu.memory_space<vmem>>) target(%dma_start3A_142 : memref<10000x8xf32, #tpu.memory_space<vmem_shared>>) offsets(%dma_start3A_139 : memref<128xi32, #tpu.memory_space<vmem>>) semaphore(%arg35 : memref<!tpu.dma_semaphore, #tpu.memory_space<semaphore_mem>>) {add = true}
      %ge3A_143 = arith.constant 2 : i32
      %ge3A_144 = arith.cmpi sge, %add3A_116, %ge3A_143 : i32
      %convert_element_type3A_145 = arith.extui %ge3A_144 : i1 to i32
      %cond3A_146 = arith.constant 0 : i32
      %cond3A_147 = arith.cmpi ne, %convert_element_type3A_145, %cond3A_146 : i32
      scf.if %cond3A_147 {
        %sub3A = arith.constant 2 : i32
        %sub3A_233 = arith.subi %add3A_116, %sub3A : i32
        %dma_wait3A_234 = arith.constant 0 : i32
        %dma_wait3A_235 = tpu.memref_slice %arg11[%sub3A_233, %dma_wait3A_234] : memref<162x128xi32, #tpu.memory_space<vmem>> -> memref<1x128xi32, #tpu.memory_space<vmem>>
        %dma_wait3A_236 = tpu.memref_squeeze %dma_wait3A_235 : memref<1x128xi32, #tpu.memory_space<vmem>> -> memref<128xi32, #tpu.memory_space<vmem>>
        %dma_wait3A_237 = arith.constant 0 : i32
        %dma_wait3A_238 = arith.constant 0 : i32
        %dma_wait3A_239 = tpu.memref_slice %arg37[%dma_wait3A_237, %dma_wait3A_238] : memref<10000x8xf32, #tpu.memory_space<vmem_shared>> -> memref<10000x8xf32, #tpu.memory_space<vmem_shared>>
        tpu.wait_indirect_dma semaphore(%arg36 : memref<!tpu.dma_semaphore, #tpu.memory_space<semaphore_mem>>) src(%arg23 : memref<128x8xf32, #tpu.memory_space<vmem>>) dst(%dma_wait3A_239 : memref<10000x8xf32, #tpu.memory_space<vmem_shared>>)
        %dma_wait3A_240 = arith.constant 0 : i32
        %dma_wait3A_241 = tpu.memref_slice %arg11[%sub3A_233, %dma_wait3A_240] : memref<162x128xi32, #tpu.memory_space<vmem>> -> memref<1x128xi32, #tpu.memory_space<vmem>>
        %dma_wait3A_242 = tpu.memref_squeeze %dma_wait3A_241 : memref<1x128xi32, #tpu.memory_space<vmem>> -> memref<128xi32, #tpu.memory_space<vmem>>
        %dma_wait3A_243 = arith.constant 0 : i32
        %dma_wait3A_244 = arith.constant 0 : i32
        %dma_wait3A_245 = tpu.memref_slice %arg38[%dma_wait3A_243, %dma_wait3A_244] : memref<10000x64xf32, #tpu.memory_space<vmem_shared>> -> memref<10000x64xf32, #tpu.memory_space<vmem_shared>>
        tpu.wait_indirect_dma semaphore(%arg36 : memref<!tpu.dma_semaphore, #tpu.memory_space<semaphore_mem>>) src(%arg26 : memref<128x64xf32, #tpu.memory_space<vmem>>) dst(%dma_wait3A_245 : memref<10000x64xf32, #tpu.memory_space<vmem_shared>>)
      } else {
      }
      %ge3A_148 = arith.constant 1 : i32
      %ge3A_149 = arith.cmpi sge, %add3A_116, %ge3A_148 : i32
      %lt3A_150 = arith.constant 161 : i32
      %lt3A_151 = arith.cmpi slt, %add3A_116, %lt3A_150 : i32
      %and3A_152 = arith.andi %ge3A_149, %lt3A_151 : i1
      %convert_element_type3A_153 = arith.extui %and3A_152 : i1 to i32
      %cond3A_154 = arith.constant 0 : i32
      %cond3A_155 = arith.cmpi ne, %convert_element_type3A_153, %cond3A_154 : i32
      scf.if %cond3A_155 {
        %add3A_233 = arith.constant 1 : i32
        %add3A_234 = arith.addi %add3A_116, %add3A_233 : i32
        %dma_wait3A_235 = arith.constant 0 : i32
        %dma_wait3A_236 = tpu.memref_slice %arg4[%arg0, %arg1, %add3A_234, %dma_wait3A_235] : memref<2x16x162x128xi32, #tpu.memory_space<hbm>> -> memref<1x1x1x128xi32, #tpu.memory_space<hbm>>
        %dma_wait3A_237 = tpu.memref_squeeze %dma_wait3A_236 : memref<1x1x1x128xi32, #tpu.memory_space<hbm>> -> memref<128xi32, #tpu.memory_space<hbm>>
        %dma_wait3A_238 = arith.constant 0 : i32
        %dma_wait3A_239 = tpu.memref_slice %arg4[%arg0, %arg1, %add3A_234, %dma_wait3A_238] : memref<2x16x162x128xi32, #tpu.memory_space<hbm>> -> memref<1x1x1x128xi32, #tpu.memory_space<hbm>>
        %dma_wait3A_240 = tpu.memref_squeeze %dma_wait3A_239 : memref<1x1x1x128xi32, #tpu.memory_space<hbm>> -> memref<128xi32, #tpu.memory_space<hbm>>
        tpu.wait_dma2 semaphore(%arg30 : memref<!tpu.dma_semaphore, #tpu.memory_space<semaphore_mem>>) src(%dma_wait3A_240 : memref<128xi32, #tpu.memory_space<hbm>>) dst(%arg14 : memref<128xi32, #tpu.memory_space<vmem>>)
        %add3A_241 = arith.constant 1 : i32
        %add3A_242 = arith.addi %add3A_116, %add3A_241 : i32
        %dma_start3A_243 = arith.constant 0 : i32
        %dma_start3A_244 = arith.constant 0 : i32
        %dma_start3A_245 = tpu.memref_slice %arg2[%dma_start3A_243, %dma_start3A_244] : memref<20000x72xf32, #tpu.memory_space<hbm>> -> memref<20000x72xf32, #tpu.memory_space<hbm>>
        tpu.enqueue_indirect_dma source(%dma_start3A_245 : memref<20000x72xf32, #tpu.memory_space<hbm>>) target(%arg17 : memref<128x72xf32, #tpu.memory_space<vmem>>) offsets(%arg14 : memref<128xi32, #tpu.memory_space<vmem>>) semaphore(%arg33 : memref<!tpu.dma_semaphore, #tpu.memory_space<semaphore_mem>>)
        %dma_start3A_246 = arith.constant 0 : i32
        %dma_start3A_247 = tpu.memref_slice %arg11[%add3A_242, %dma_start3A_246] : memref<162x128xi32, #tpu.memory_space<vmem>> -> memref<1x128xi32, #tpu.memory_space<vmem>>
        %dma_start3A_248 = tpu.memref_squeeze %dma_start3A_247 : memref<1x128xi32, #tpu.memory_space<vmem>> -> memref<128xi32, #tpu.memory_space<vmem>>
        %dma_start3A_249 = arith.constant 0 : i32
        %dma_start3A_250 = arith.constant 0 : i32
        %dma_start3A_251 = tpu.memref_slice %arg3[%dma_start3A_249, %dma_start3A_250] : memref<10000x8xf32, #tpu.memory_space<hbm>> -> memref<10000x8xf32, #tpu.memory_space<hbm>>
        tpu.enqueue_indirect_dma source(%dma_start3A_251 : memref<10000x8xf32, #tpu.memory_space<hbm>>) target(%arg20 : memref<128x8xf32, #tpu.memory_space<vmem>>) offsets(%dma_start3A_248 : memref<128xi32, #tpu.memory_space<vmem>>) semaphore(%arg33 : memref<!tpu.dma_semaphore, #tpu.memory_space<semaphore_mem>>)
      } else {
      }
      %lt3A_156 = arith.constant 160 : i32
      %lt3A_157 = arith.cmpi slt, %add3A_116, %lt3A_156 : i32
      %convert_element_type3A_158 = arith.extui %lt3A_157 : i1 to i32
      %cond3A_159 = arith.constant 0 : i32
      %cond3A_160 = arith.cmpi ne, %convert_element_type3A_158, %cond3A_159 : i32
      scf.if %cond3A_160 {
        %add3A_233 = arith.constant 2 : i32
        %add3A_234 = arith.addi %add3A_116, %add3A_233 : i32
        %dma_start3A_235 = arith.constant 0 : i32
        %dma_start3A_236 = tpu.memref_slice %arg4[%arg0, %arg1, %add3A_234, %dma_start3A_235] : memref<2x16x162x128xi32, #tpu.memory_space<hbm>> -> memref<1x1x1x128xi32, #tpu.memory_space<hbm>>
        %dma_start3A_237 = tpu.memref_squeeze %dma_start3A_236 : memref<1x1x1x128xi32, #tpu.memory_space<hbm>> -> memref<128xi32, #tpu.memory_space<hbm>>
        %dma_start3A_238 = arith.constant 0 : i32
        %dma_start3A_239 = tpu.memref_slice %arg4[%arg0, %arg1, %add3A_234, %dma_start3A_238] : memref<2x16x162x128xi32, #tpu.memory_space<hbm>> -> memref<1x1x1x128xi32, #tpu.memory_space<hbm>>
        %dma_start3A_240 = tpu.memref_squeeze %dma_start3A_239 : memref<1x1x1x128xi32, #tpu.memory_space<hbm>> -> memref<128xi32, #tpu.memory_space<hbm>>
        tpu.enqueue_dma source(%dma_start3A_240 : memref<128xi32, #tpu.memory_space<hbm>>) target(%arg12 : memref<128xi32, #tpu.memory_space<vmem>>) target_semaphore(%arg28 : memref<!tpu.dma_semaphore, #tpu.memory_space<semaphore_mem>>)
      } else {
      }
      %scan3A_161 = arith.constant 0 : i32
      %scan3A_162 = arith.constant 0 : i32
      %scan3A_163 = arith.constant 64 : i32
      %scan3A_164 = arith.addi %scan3A_162, %scan3A_163 : i32
      %scan3A_165 = arith.constant 1 : i32
      scf.for %scan3A_233 = %scan3A_162 to %scan3A_164 step %scan3A_165  : i32 {
        %mul3A_234 = arith.constant 2 : i32
        %mul3A_235 = arith.muli %mul3A_234, %scan3A_233 : i32
        %add3A_236 = arith.constant 0 : i32
        %add3A_237 = arith.addi %mul3A_235, %add3A_236 : i32
        %broadcast_in_dim3A = arith.constant 0 : i32
        %broadcast_in_dim3A_238 = vector.broadcast %broadcast_in_dim3A : i32 to vector<16xi32>
        %add3A_239 = vector.broadcast %add3A_237 : i32 to vector<16xi32>
        %add3A_240 = arith.addi %broadcast_in_dim3A_238, %add3A_239 : vector<16xi32>
        %broadcast_in_dim3A_241 = arith.constant 0 : i32
        %broadcast_in_dim3A_242 = vector.broadcast %broadcast_in_dim3A_241 : i32 to vector<16xi32>
        %gather3A = tpu.vector_load_idx %arg22[%add3A_240, %broadcast_in_dim3A_242] : memref<128x8xf32, #tpu.memory_space<vmem>>[vector<16xi32>, vector<16xi32>], vector<16xf32>,
        %get3A_243 = arith.index_cast %add3A_237 : i32 to index
        %get3A_244 = arith.constant 0 : index
        %get3A_245 = tpu.vector_load %arg16[%get3A_243, %get3A_244] {strides = array<i32>} : memref<128x72xf32, #tpu.memory_space<vmem>>, vector<16xf32>,
        %mul3A_246 = arith.mulf %get3A_245, %gather3A : vector<16xf32>
        %swap3A = arith.index_cast %add3A_237 : i32 to index
        %swap3A_247 = arith.constant 0 : index
        %swap3A_248 = tpu.vector_load %arg25[%swap3A, %swap3A_247] {strides = array<i32>} : memref<128x64xf32, #tpu.memory_space<vmem>>, vector<16xf32>,
        tpu.vector_store %arg25[%swap3A, %swap3A_247], %mul3A_246 {strides = array<i32>} : memref<128x64xf32, #tpu.memory_space<vmem>>, vector<16xf32>,
        %broadcast_in_dim3A_249 = arith.constant 1 : i32
        %broadcast_in_dim3A_250 = vector.broadcast %broadcast_in_dim3A_249 : i32 to vector<16xi32>
        %gather3A_251 = tpu.vector_load_idx %arg22[%add3A_240, %broadcast_in_dim3A_250] : memref<128x8xf32, #tpu.memory_space<vmem>>[vector<16xi32>, vector<16xi32>], vector<16xf32>,
        %get3A_252 = arith.index_cast %add3A_237 : i32 to index
        %get3A_253 = arith.constant 16 : index
        %get3A_254 = tpu.vector_load %arg16[%get3A_252, %get3A_253] {strides = array<i32>} : memref<128x72xf32, #tpu.memory_space<vmem>>, vector<16xf32>,
        %mul3A_255 = arith.mulf %get3A_254, %gather3A_251 : vector<16xf32>
        %swap3A_256 = arith.index_cast %add3A_237 : i32 to index
        %swap3A_257 = arith.constant 16 : index
        %swap3A_258 = tpu.vector_load %arg25[%swap3A_256, %swap3A_257] {strides = array<i32>} : memref<128x64xf32, #tpu.memory_space<vmem>>, vector<16xf32>,
        tpu.vector_store %arg25[%swap3A_256, %swap3A_257], %mul3A_255 {strides = array<i32>} : memref<128x64xf32, #tpu.memory_space<vmem>>, vector<16xf32>,
        %broadcast_in_dim3A_259 = arith.constant 2 : i32
        %broadcast_in_dim3A_260 = vector.broadcast %broadcast_in_dim3A_259 : i32 to vector<16xi32>
        %gather3A_261 = tpu.vector_load_idx %arg22[%add3A_240, %broadcast_in_dim3A_260] : memref<128x8xf32, #tpu.memory_space<vmem>>[vector<16xi32>, vector<16xi32>], vector<16xf32>,
        %get3A_262 = arith.index_cast %add3A_237 : i32 to index
        %get3A_263 = arith.constant 32 : index
        %get3A_264 = tpu.vector_load %arg16[%get3A_262, %get3A_263] {strides = array<i32>} : memref<128x72xf32, #tpu.memory_space<vmem>>, vector<16xf32>,
        %mul3A_265 = arith.mulf %get3A_264, %gather3A_261 : vector<16xf32>
        %swap3A_266 = arith.index_cast %add3A_237 : i32 to index
        %swap3A_267 = arith.constant 32 : index
        %swap3A_268 = tpu.vector_load %arg25[%swap3A_266, %swap3A_267] {strides = array<i32>} : memref<128x64xf32, #tpu.memory_space<vmem>>, vector<16xf32>,
        tpu.vector_store %arg25[%swap3A_266, %swap3A_267], %mul3A_265 {strides = array<i32>} : memref<128x64xf32, #tpu.memory_space<vmem>>, vector<16xf32>,
        %broadcast_in_dim3A_269 = arith.constant 3 : i32
        %broadcast_in_dim3A_270 = vector.broadcast %broadcast_in_dim3A_269 : i32 to vector<16xi32>
        %gather3A_271 = tpu.vector_load_idx %arg22[%add3A_240, %broadcast_in_dim3A_270] : memref<128x8xf32, #tpu.memory_space<vmem>>[vector<16xi32>, vector<16xi32>], vector<16xf32>,
        %get3A_272 = arith.index_cast %add3A_237 : i32 to index
        %get3A_273 = arith.constant 48 : index
        %get3A_274 = tpu.vector_load %arg16[%get3A_272, %get3A_273] {strides = array<i32>} : memref<128x72xf32, #tpu.memory_space<vmem>>, vector<16xf32>,
        %mul3A_275 = arith.mulf %get3A_274, %gather3A_271 : vector<16xf32>
        %swap3A_276 = arith.index_cast %add3A_237 : i32 to index
        %swap3A_277 = arith.constant 48 : index
        %swap3A_278 = tpu.vector_load %arg25[%swap3A_276, %swap3A_277] {strides = array<i32>} : memref<128x64xf32, #tpu.memory_space<vmem>>, vector<16xf32>,
        tpu.vector_store %arg25[%swap3A_276, %swap3A_277], %mul3A_275 {strides = array<i32>} : memref<128x64xf32, #tpu.memory_space<vmem>>, vector<16xf32>,
        %mul3A_279 = arith.constant 2 : i32
        %mul3A_280 = arith.muli %mul3A_279, %scan3A_233 : i32
        %add3A_281 = arith.constant 1 : i32
        %add3A_282 = arith.addi %mul3A_280, %add3A_281 : i32
        %broadcast_in_dim3A_283 = arith.constant 0 : i32
        %broadcast_in_dim3A_284 = vector.broadcast %broadcast_in_dim3A_283 : i32 to vector<16xi32>
        %add3A_285 = vector.broadcast %add3A_282 : i32 to vector<16xi32>
        %add3A_286 = arith.addi %broadcast_in_dim3A_284, %add3A_285 : vector<16xi32>
        %broadcast_in_dim3A_287 = arith.constant 0 : i32
        %broadcast_in_dim3A_288 = vector.broadcast %broadcast_in_dim3A_287 : i32 to vector<16xi32>
        %gather3A_289 = tpu.vector_load_idx %arg22[%add3A_286, %broadcast_in_dim3A_288] : memref<128x8xf32, #tpu.memory_space<vmem>>[vector<16xi32>, vector<16xi32>], vector<16xf32>,
        %get3A_290 = arith.index_cast %add3A_282 : i32 to index
        %get3A_291 = arith.constant 0 : index
        %get3A_292 = tpu.vector_load %arg16[%get3A_290, %get3A_291] {strides = array<i32>} : memref<128x72xf32, #tpu.memory_space<vmem>>, vector<16xf32>,
        %mul3A_293 = arith.mulf %get3A_292, %gather3A_289 : vector<16xf32>
        %swap3A_294 = arith.index_cast %add3A_282 : i32 to index
        %swap3A_295 = arith.constant 0 : index
        %swap3A_296 = tpu.vector_load %arg25[%swap3A_294, %swap3A_295] {strides = array<i32>} : memref<128x64xf32, #tpu.memory_space<vmem>>, vector<16xf32>,
        tpu.vector_store %arg25[%swap3A_294, %swap3A_295], %mul3A_293 {strides = array<i32>} : memref<128x64xf32, #tpu.memory_space<vmem>>, vector<16xf32>,
        %broadcast_in_dim3A_297 = arith.constant 1 : i32
        %broadcast_in_dim3A_298 = vector.broadcast %broadcast_in_dim3A_297 : i32 to vector<16xi32>
        %gather3A_299 = tpu.vector_load_idx %arg22[%add3A_286, %broadcast_in_dim3A_298] : memref<128x8xf32, #tpu.memory_space<vmem>>[vector<16xi32>, vector<16xi32>], vector<16xf32>,
        %get3A_300 = arith.index_cast %add3A_282 : i32 to index
        %get3A_301 = arith.constant 16 : index
        %get3A_302 = tpu.vector_load %arg16[%get3A_300, %get3A_301] {strides = array<i32>} : memref<128x72xf32, #tpu.memory_space<vmem>>, vector<16xf32>,
        %mul3A_303 = arith.mulf %get3A_302, %gather3A_299 : vector<16xf32>
        %swap3A_304 = arith.index_cast %add3A_282 : i32 to index
        %swap3A_305 = arith.constant 16 : index
        %swap3A_306 = tpu.vector_load %arg25[%swap3A_304, %swap3A_305] {strides = array<i32>} : memref<128x64xf32, #tpu.memory_space<vmem>>, vector<16xf32>,
        tpu.vector_store %arg25[%swap3A_304, %swap3A_305], %mul3A_303 {strides = array<i32>} : memref<128x64xf32, #tpu.memory_space<vmem>>, vector<16xf32>,
        %broadcast_in_dim3A_307 = arith.constant 2 : i32
        %broadcast_in_dim3A_308 = vector.broadcast %broadcast_in_dim3A_307 : i32 to vector<16xi32>
        %gather3A_309 = tpu.vector_load_idx %arg22[%add3A_286, %broadcast_in_dim3A_308] : memref<128x8xf32, #tpu.memory_space<vmem>>[vector<16xi32>, vector<16xi32>], vector<16xf32>,
        %get3A_310 = arith.index_cast %add3A_282 : i32 to index
        %get3A_311 = arith.constant 32 : index
        %get3A_312 = tpu.vector_load %arg16[%get3A_310, %get3A_311] {strides = array<i32>} : memref<128x72xf32, #tpu.memory_space<vmem>>, vector<16xf32>,
        %mul3A_313 = arith.mulf %get3A_312, %gather3A_309 : vector<16xf32>
        %swap3A_314 = arith.index_cast %add3A_282 : i32 to index
        %swap3A_315 = arith.constant 32 : index
        %swap3A_316 = tpu.vector_load %arg25[%swap3A_314, %swap3A_315] {strides = array<i32>} : memref<128x64xf32, #tpu.memory_space<vmem>>, vector<16xf32>,
        tpu.vector_store %arg25[%swap3A_314, %swap3A_315], %mul3A_313 {strides = array<i32>} : memref<128x64xf32, #tpu.memory_space<vmem>>, vector<16xf32>,
        %broadcast_in_dim3A_317 = arith.constant 3 : i32
        %broadcast_in_dim3A_318 = vector.broadcast %broadcast_in_dim3A_317 : i32 to vector<16xi32>
        %gather3A_319 = tpu.vector_load_idx %arg22[%add3A_286, %broadcast_in_dim3A_318] : memref<128x8xf32, #tpu.memory_space<vmem>>[vector<16xi32>, vector<16xi32>], vector<16xf32>,
        %get3A_320 = arith.index_cast %add3A_282 : i32 to index
        %get3A_321 = arith.constant 48 : index
        %get3A_322 = tpu.vector_load %arg16[%get3A_320, %get3A_321] {strides = array<i32>} : memref<128x72xf32, #tpu.memory_space<vmem>>, vector<16xf32>,
        %mul3A_323 = arith.mulf %get3A_322, %gather3A_319 : vector<16xf32>
        %swap3A_324 = arith.index_cast %add3A_282 : i32 to index
        %swap3A_325 = arith.constant 48 : index
        %swap3A_326 = tpu.vector_load %arg25[%swap3A_324, %swap3A_325] {strides = array<i32>} : memref<128x64xf32, #tpu.memory_space<vmem>>, vector<16xf32>,
        tpu.vector_store %arg25[%swap3A_324, %swap3A_325], %mul3A_323 {strides = array<i32>} : memref<128x64xf32, #tpu.memory_space<vmem>>, vector<16xf32>,
      }
      %scan3A_166 = arith.constant 64 : i32
      %dma_start3A_167 = arith.constant 0 : i32
      %dma_start3A_168 = tpu.memref_slice %arg11[%add3A_116, %dma_start3A_167] : memref<162x128xi32, #tpu.memory_space<vmem>> -> memref<1x128xi32, #tpu.memory_space<vmem>>
      %dma_start3A_169 = tpu.memref_squeeze %dma_start3A_168 : memref<1x128xi32, #tpu.memory_space<vmem>> -> memref<128xi32, #tpu.memory_space<vmem>>
      %dma_start3A_170 = arith.constant 0 : i32
      %dma_start3A_171 = arith.constant 0 : i32
      %dma_start3A_172 = tpu.memref_slice %arg38[%dma_start3A_170, %dma_start3A_171] : memref<10000x64xf32, #tpu.memory_space<vmem_shared>> -> memref<10000x64xf32, #tpu.memory_space<vmem_shared>>
      tpu.enqueue_indirect_dma source(%arg25 : memref<128x64xf32, #tpu.memory_space<vmem>>) target(%dma_start3A_172 : memref<10000x64xf32, #tpu.memory_space<vmem_shared>>) offsets(%dma_start3A_169 : memref<128xi32, #tpu.memory_space<vmem>>) semaphore(%arg35 : memref<!tpu.dma_semaphore, #tpu.memory_space<semaphore_mem>>) {add = true}
      %mul3A_173 = arith.constant 3 : i32
      %mul3A_174 = arith.muli %mul3A_173, %scan3A_59 : i32
      %add3A_175 = arith.constant 2 : i32
      %add3A_176 = arith.addi %mul3A_174, %add3A_175 : i32
      %dma_wait3A_177 = arith.constant 0 : i32
      %dma_wait3A_178 = arith.constant 0 : i32
      %dma_wait3A_179 = tpu.memref_slice %arg2[%dma_wait3A_177, %dma_wait3A_178] : memref<20000x72xf32, #tpu.memory_space<hbm>> -> memref<20000x72xf32, #tpu.memory_space<hbm>>
      tpu.wait_indirect_dma semaphore(%arg33 : memref<!tpu.dma_semaphore, #tpu.memory_space<semaphore_mem>>) src(%dma_wait3A_179 : memref<20000x72xf32, #tpu.memory_space<hbm>>) dst(%arg17 : memref<128x72xf32, #tpu.memory_space<vmem>>)
      %dma_wait3A_180 = arith.constant 0 : i32
      %dma_wait3A_181 = tpu.memref_slice %arg11[%add3A_176, %dma_wait3A_180] : memref<162x128xi32, #tpu.memory_space<vmem>> -> memref<1x128xi32, #tpu.memory_space<vmem>>
      %dma_wait3A_182 = tpu.memref_squeeze %dma_wait3A_181 : memref<1x128xi32, #tpu.memory_space<vmem>> -> memref<128xi32, #tpu.memory_space<vmem>>
      %dma_wait3A_183 = arith.constant 0 : i32
      %dma_wait3A_184 = arith.constant 0 : i32
      %dma_wait3A_185 = tpu.memref_slice %arg3[%dma_wait3A_183, %dma_wait3A_184] : memref<10000x8xf32, #tpu.memory_space<hbm>> -> memref<10000x8xf32, #tpu.memory_space<hbm>>
      tpu.wait_indirect_dma semaphore(%arg33 : memref<!tpu.dma_semaphore, #tpu.memory_space<semaphore_mem>>) src(%dma_wait3A_185 : memref<10000x8xf32, #tpu.memory_space<hbm>>) dst(%arg20 : memref<128x8xf32, #tpu.memory_space<vmem>>)
      %get3A_186 = arith.constant 0 : index
      %get3A_187 = tpu.vector_load %arg27[%get3A_186] {strides = array<i32>} : memref<16xf32, #tpu.memory_space<vmem>>, vector<16xf32>,
      %mul3A_188 = arith.constant 128 : i32
      %mul3A_189 = arith.muli %add3A_176, %mul3A_188 : i32
      %add3A_190 = arith.addi %mul3A_3, %mul3A_189 : i32
      %scan3A_191 = arith.constant 0 : i32
      %scan3A_192 = arith.constant 0 : i32
      %scan3A_193 = arith.constant 64 : i32
      %scan3A_194 = arith.addi %scan3A_192, %scan3A_193 : i32
      %scan3A_195 = arith.constant 1 : i32
      scf.for %scan3A_233 = %scan3A_192 to %scan3A_194 step %scan3A_195  : i32 {
        %iota3A = tpu.iota {dimensions = array<i32: 0>} : vector<16xi32>
        %mul3A_234 = arith.constant 2 : i32
        %mul3A_235 = arith.muli %mul3A_234, %scan3A_233 : i32
        %shift_right_logical3A = arith.constant 3 : i32
        %shift_right_logical3A_236 = vector.broadcast %shift_right_logical3A : i32 to vector<16xi32>
        %shift_right_logical3A_237 = arith.shrui %iota3A, %shift_right_logical3A_236 : vector<16xi32>
        %add3A_238 = vector.broadcast %mul3A_235 : i32 to vector<16xi32>
        %add3A_239 = arith.addi %add3A_238, %shift_right_logical3A_237 : vector<16xi32>
        %and3A_240 = arith.constant 7 : i32
        %and3A_241 = vector.broadcast %and3A_240 : i32 to vector<16xi32>
        %and3A_242 = arith.andi %iota3A, %and3A_241 : vector<16xi32>
        %and3A_243 = arith.constant 3 : i32
        %and3A_244 = vector.broadcast %and3A_243 : i32 to vector<16xi32>
        %and3A_245 = arith.andi %iota3A, %and3A_244 : vector<16xi32>
        %add3A_246 = arith.constant 64 : i32
        %add3A_247 = vector.broadcast %add3A_246 : i32 to vector<16xi32>
        %add3A_248 = arith.addi %add3A_247, %and3A_245 : vector<16xi32>
        %gather3A = tpu.vector_load_idx %arg17[%add3A_239, %add3A_248] : memref<128x72xf32, #tpu.memory_space<vmem>>[vector<16xi32>, vector<16xi32>], vector<16xf32>,
        %add3A_249 = vector.broadcast %mul3A_5 : i32 to vector<16xi32>
        %add3A_250 = arith.addi %add3A_249, %and3A_245 : vector<16xi32>
        %gather3A_251 = tpu.vector_load_idx %arg20[%add3A_239, %add3A_250] : memref<128x8xf32, #tpu.memory_space<vmem>>[vector<16xi32>, vector<16xi32>], vector<16xf32>,
        %add3A_252 = arith.addf %gather3A, %gather3A_251 : vector<16xf32>
        %mul3A_253 = arith.constant 2.000000e-01 : f32
        %mul3A_254 = vector.broadcast %mul3A_253 : f32 to vector<16xf32>
        %mul3A_255 = arith.mulf %mul3A_254, %add3A_252 : vector<16xf32>
        %max3A = arith.maximumf %add3A_252, %mul3A_255 : vector<16xf32>
        %sub3A = arith.subf %max3A, %get3A_187 : vector<16xf32>
        %exp3A = math.exp %sub3A : vector<16xf32>
        %add3A_256 = vector.broadcast %add3A_190 : i32 to vector<16xi32>
        %add3A_257 = arith.addi %add3A_256, %add3A_239 : vector<16xi32>
        %lt3A_258 = arith.constant 330000 : i32
        %lt3A_259 = vector.broadcast %lt3A_258 : i32 to vector<16xi32>
        %lt3A_260 = arith.cmpi slt, %add3A_257, %lt3A_259 : vector<16xi32>
        %lt3A_261 = arith.constant 4 : i32
        %lt3A_262 = vector.broadcast %lt3A_261 : i32 to vector<16xi32>
        %lt3A_263 = arith.cmpi slt, %and3A_242, %lt3A_262 : vector<16xi32>
        %and3A_264 = arith.andi %lt3A_260, %lt3A_263 : vector<16xi1>
        %jit3A = arith.constant 0.000000e+00 : f32
        %broadcast_in_dim3A = vector.broadcast %jit3A : f32 to vector<16xf32>
        %select_n3A = arith.select %and3A_264, %exp3A, %broadcast_in_dim3A : vector<16xi1>, vector<16xf32>
        tpu.vector_store_idx %arg23[%add3A_239, %and3A_242], %select_n3A : memref<128x8xf32, #tpu.memory_space<vmem>>[vector<16xi32>, vector<16xi32>], vector<16xf32>,
      }
      %scan3A_196 = arith.constant 64 : i32
      %dma_start3A_197 = arith.constant 0 : i32
      %dma_start3A_198 = tpu.memref_slice %arg11[%add3A_176, %dma_start3A_197] : memref<162x128xi32, #tpu.memory_space<vmem>> -> memref<1x128xi32, #tpu.memory_space<vmem>>
      %dma_start3A_199 = tpu.memref_squeeze %dma_start3A_198 : memref<1x128xi32, #tpu.memory_space<vmem>> -> memref<128xi32, #tpu.memory_space<vmem>>
      %dma_start3A_200 = arith.constant 0 : i32
      %dma_start3A_201 = arith.constant 0 : i32
      %dma_start3A_202 = tpu.memref_slice %arg37[%dma_start3A_200, %dma_start3A_201] : memref<10000x8xf32, #tpu.memory_space<vmem_shared>> -> memref<10000x8xf32, #tpu.memory_space<vmem_shared>>
      tpu.enqueue_indirect_dma source(%arg23 : memref<128x8xf32, #tpu.memory_space<vmem>>) target(%dma_start3A_202 : memref<10000x8xf32, #tpu.memory_space<vmem_shared>>) offsets(%dma_start3A_199 : memref<128xi32, #tpu.memory_space<vmem>>) semaphore(%arg36 : memref<!tpu.dma_semaphore, #tpu.memory_space<semaphore_mem>>) {add = true}
      %ge3A_203 = arith.constant 2 : i32
      %ge3A_204 = arith.cmpi sge, %add3A_176, %ge3A_203 : i32
      %convert_element_type3A_205 = arith.extui %ge3A_204 : i1 to i32
      %cond3A_206 = arith.constant 0 : i32
      %cond3A_207 = arith.cmpi ne, %convert_element_type3A_205, %cond3A_206 : i32
      scf.if %cond3A_207 {
        %sub3A = arith.constant 2 : i32
        %sub3A_233 = arith.subi %add3A_176, %sub3A : i32
        %dma_wait3A_234 = arith.constant 0 : i32
        %dma_wait3A_235 = tpu.memref_slice %arg11[%sub3A_233, %dma_wait3A_234] : memref<162x128xi32, #tpu.memory_space<vmem>> -> memref<1x128xi32, #tpu.memory_space<vmem>>
        %dma_wait3A_236 = tpu.memref_squeeze %dma_wait3A_235 : memref<1x128xi32, #tpu.memory_space<vmem>> -> memref<128xi32, #tpu.memory_space<vmem>>
        %dma_wait3A_237 = arith.constant 0 : i32
        %dma_wait3A_238 = arith.constant 0 : i32
        %dma_wait3A_239 = tpu.memref_slice %arg37[%dma_wait3A_237, %dma_wait3A_238] : memref<10000x8xf32, #tpu.memory_space<vmem_shared>> -> memref<10000x8xf32, #tpu.memory_space<vmem_shared>>
        tpu.wait_indirect_dma semaphore(%arg34 : memref<!tpu.dma_semaphore, #tpu.memory_space<semaphore_mem>>) src(%arg21 : memref<128x8xf32, #tpu.memory_space<vmem>>) dst(%dma_wait3A_239 : memref<10000x8xf32, #tpu.memory_space<vmem_shared>>)
        %dma_wait3A_240 = arith.constant 0 : i32
        %dma_wait3A_241 = tpu.memref_slice %arg11[%sub3A_233, %dma_wait3A_240] : memref<162x128xi32, #tpu.memory_space<vmem>> -> memref<1x128xi32, #tpu.memory_space<vmem>>
        %dma_wait3A_242 = tpu.memref_squeeze %dma_wait3A_241 : memref<1x128xi32, #tpu.memory_space<vmem>> -> memref<128xi32, #tpu.memory_space<vmem>>
        %dma_wait3A_243 = arith.constant 0 : i32
        %dma_wait3A_244 = arith.constant 0 : i32
        %dma_wait3A_245 = tpu.memref_slice %arg38[%dma_wait3A_243, %dma_wait3A_244] : memref<10000x64xf32, #tpu.memory_space<vmem_shared>> -> memref<10000x64xf32, #tpu.memory_space<vmem_shared>>
        tpu.wait_indirect_dma semaphore(%arg34 : memref<!tpu.dma_semaphore, #tpu.memory_space<semaphore_mem>>) src(%arg24 : memref<128x64xf32, #tpu.memory_space<vmem>>) dst(%dma_wait3A_245 : memref<10000x64xf32, #tpu.memory_space<vmem_shared>>)
      } else {
      }
      %ge3A_208 = arith.constant 1 : i32
      %ge3A_209 = arith.cmpi sge, %add3A_176, %ge3A_208 : i32
      %lt3A_210 = arith.constant 161 : i32
      %lt3A_211 = arith.cmpi slt, %add3A_176, %lt3A_210 : i32
      %and3A_212 = arith.andi %ge3A_209, %lt3A_211 : i1
      %convert_element_type3A_213 = arith.extui %and3A_212 : i1 to i32
      %cond3A_214 = arith.constant 0 : i32
      %cond3A_215 = arith.cmpi ne, %convert_element_type3A_213, %cond3A_214 : i32
      scf.if %cond3A_215 {
        %add3A_233 = arith.constant 1 : i32
        %add3A_234 = arith.addi %add3A_176, %add3A_233 : i32
        %dma_wait3A_235 = arith.constant 0 : i32
        %dma_wait3A_236 = tpu.memref_slice %arg4[%arg0, %arg1, %add3A_234, %dma_wait3A_235] : memref<2x16x162x128xi32, #tpu.memory_space<hbm>> -> memref<1x1x1x128xi32, #tpu.memory_space<hbm>>
        %dma_wait3A_237 = tpu.memref_squeeze %dma_wait3A_236 : memref<1x1x1x128xi32, #tpu.memory_space<hbm>> -> memref<128xi32, #tpu.memory_space<hbm>>
        %dma_wait3A_238 = arith.constant 0 : i32
        %dma_wait3A_239 = tpu.memref_slice %arg4[%arg0, %arg1, %add3A_234, %dma_wait3A_238] : memref<2x16x162x128xi32, #tpu.memory_space<hbm>> -> memref<1x1x1x128xi32, #tpu.memory_space<hbm>>
        %dma_wait3A_240 = tpu.memref_squeeze %dma_wait3A_239 : memref<1x1x1x128xi32, #tpu.memory_space<hbm>> -> memref<128xi32, #tpu.memory_space<hbm>>
        tpu.wait_dma2 semaphore(%arg28 : memref<!tpu.dma_semaphore, #tpu.memory_space<semaphore_mem>>) src(%dma_wait3A_240 : memref<128xi32, #tpu.memory_space<hbm>>) dst(%arg12 : memref<128xi32, #tpu.memory_space<vmem>>)
        %add3A_241 = arith.constant 1 : i32
        %add3A_242 = arith.addi %add3A_176, %add3A_241 : i32
        %dma_start3A_243 = arith.constant 0 : i32
        %dma_start3A_244 = arith.constant 0 : i32
        %dma_start3A_245 = tpu.memref_slice %arg2[%dma_start3A_243, %dma_start3A_244] : memref<20000x72xf32, #tpu.memory_space<hbm>> -> memref<20000x72xf32, #tpu.memory_space<hbm>>
        tpu.enqueue_indirect_dma source(%dma_start3A_245 : memref<20000x72xf32, #tpu.memory_space<hbm>>) target(%arg15 : memref<128x72xf32, #tpu.memory_space<vmem>>) offsets(%arg12 : memref<128xi32, #tpu.memory_space<vmem>>) semaphore(%arg31 : memref<!tpu.dma_semaphore, #tpu.memory_space<semaphore_mem>>)
        %dma_start3A_246 = arith.constant 0 : i32
        %dma_start3A_247 = tpu.memref_slice %arg11[%add3A_242, %dma_start3A_246] : memref<162x128xi32, #tpu.memory_space<vmem>> -> memref<1x128xi32, #tpu.memory_space<vmem>>
        %dma_start3A_248 = tpu.memref_squeeze %dma_start3A_247 : memref<1x128xi32, #tpu.memory_space<vmem>> -> memref<128xi32, #tpu.memory_space<vmem>>
        %dma_start3A_249 = arith.constant 0 : i32
        %dma_start3A_250 = arith.constant 0 : i32
        %dma_start3A_251 = tpu.memref_slice %arg3[%dma_start3A_249, %dma_start3A_250] : memref<10000x8xf32, #tpu.memory_space<hbm>> -> memref<10000x8xf32, #tpu.memory_space<hbm>>
        tpu.enqueue_indirect_dma source(%dma_start3A_251 : memref<10000x8xf32, #tpu.memory_space<hbm>>) target(%arg18 : memref<128x8xf32, #tpu.memory_space<vmem>>) offsets(%dma_start3A_248 : memref<128xi32, #tpu.memory_space<vmem>>) semaphore(%arg31 : memref<!tpu.dma_semaphore, #tpu.memory_space<semaphore_mem>>)
      } else {
      }
      %lt3A_216 = arith.constant 160 : i32
      %lt3A_217 = arith.cmpi slt, %add3A_176, %lt3A_216 : i32
      %convert_element_type3A_218 = arith.extui %lt3A_217 : i1 to i32
      %cond3A_219 = arith.constant 0 : i32
      %cond3A_220 = arith.cmpi ne, %convert_element_type3A_218, %cond3A_219 : i32
      scf.if %cond3A_220 {
        %add3A_233 = arith.constant 2 : i32
        %add3A_234 = arith.addi %add3A_176, %add3A_233 : i32
        %dma_start3A_235 = arith.constant 0 : i32
        %dma_start3A_236 = tpu.memref_slice %arg4[%arg0, %arg1, %add3A_234, %dma_start3A_235] : memref<2x16x162x128xi32, #tpu.memory_space<hbm>> -> memref<1x1x1x128xi32, #tpu.memory_space<hbm>>
        %dma_start3A_237 = tpu.memref_squeeze %dma_start3A_236 : memref<1x1x1x128xi32, #tpu.memory_space<hbm>> -> memref<128xi32, #tpu.memory_space<hbm>>
        %dma_start3A_238 = arith.constant 0 : i32
        %dma_start3A_239 = tpu.memref_slice %arg4[%arg0, %arg1, %add3A_234, %dma_start3A_238] : memref<2x16x162x128xi32, #tpu.memory_space<hbm>> -> memref<1x1x1x128xi32, #tpu.memory_space<hbm>>
        %dma_start3A_240 = tpu.memref_squeeze %dma_start3A_239 : memref<1x1x1x128xi32, #tpu.memory_space<hbm>> -> memref<128xi32, #tpu.memory_space<hbm>>
        tpu.enqueue_dma source(%dma_start3A_240 : memref<128xi32, #tpu.memory_space<hbm>>) target(%arg13 : memref<128xi32, #tpu.memory_space<vmem>>) target_semaphore(%arg29 : memref<!tpu.dma_semaphore, #tpu.memory_space<semaphore_mem>>)
      } else {
      }
      %scan3A_221 = arith.constant 0 : i32
      %scan3A_222 = arith.constant 0 : i32
      %scan3A_223 = arith.constant 64 : i32
      %scan3A_224 = arith.addi %scan3A_222, %scan3A_223 : i32
      %scan3A_225 = arith.constant 1 : i32
      scf.for %scan3A_233 = %scan3A_222 to %scan3A_224 step %scan3A_225  : i32 {
        %mul3A_234 = arith.constant 2 : i32
        %mul3A_235 = arith.muli %mul3A_234, %scan3A_233 : i32
        %add3A_236 = arith.constant 0 : i32
        %add3A_237 = arith.addi %mul3A_235, %add3A_236 : i32
        %broadcast_in_dim3A = arith.constant 0 : i32
        %broadcast_in_dim3A_238 = vector.broadcast %broadcast_in_dim3A : i32 to vector<16xi32>
        %add3A_239 = vector.broadcast %add3A_237 : i32 to vector<16xi32>
        %add3A_240 = arith.addi %broadcast_in_dim3A_238, %add3A_239 : vector<16xi32>
        %broadcast_in_dim3A_241 = arith.constant 0 : i32
        %broadcast_in_dim3A_242 = vector.broadcast %broadcast_in_dim3A_241 : i32 to vector<16xi32>
        %gather3A = tpu.vector_load_idx %arg23[%add3A_240, %broadcast_in_dim3A_242] : memref<128x8xf32, #tpu.memory_space<vmem>>[vector<16xi32>, vector<16xi32>], vector<16xf32>,
        %get3A_243 = arith.index_cast %add3A_237 : i32 to index
        %get3A_244 = arith.constant 0 : index
        %get3A_245 = tpu.vector_load %arg17[%get3A_243, %get3A_244] {strides = array<i32>} : memref<128x72xf32, #tpu.memory_space<vmem>>, vector<16xf32>,
        %mul3A_246 = arith.mulf %get3A_245, %gather3A : vector<16xf32>
        %swap3A = arith.index_cast %add3A_237 : i32 to index
        %swap3A_247 = arith.constant 0 : index
        %swap3A_248 = tpu.vector_load %arg26[%swap3A, %swap3A_247] {strides = array<i32>} : memref<128x64xf32, #tpu.memory_space<vmem>>, vector<16xf32>,
        tpu.vector_store %arg26[%swap3A, %swap3A_247], %mul3A_246 {strides = array<i32>} : memref<128x64xf32, #tpu.memory_space<vmem>>, vector<16xf32>,
        %broadcast_in_dim3A_249 = arith.constant 1 : i32
        %broadcast_in_dim3A_250 = vector.broadcast %broadcast_in_dim3A_249 : i32 to vector<16xi32>
        %gather3A_251 = tpu.vector_load_idx %arg23[%add3A_240, %broadcast_in_dim3A_250] : memref<128x8xf32, #tpu.memory_space<vmem>>[vector<16xi32>, vector<16xi32>], vector<16xf32>,
        %get3A_252 = arith.index_cast %add3A_237 : i32 to index
        %get3A_253 = arith.constant 16 : index
        %get3A_254 = tpu.vector_load %arg17[%get3A_252, %get3A_253] {strides = array<i32>} : memref<128x72xf32, #tpu.memory_space<vmem>>, vector<16xf32>,
        %mul3A_255 = arith.mulf %get3A_254, %gather3A_251 : vector<16xf32>
        %swap3A_256 = arith.index_cast %add3A_237 : i32 to index
        %swap3A_257 = arith.constant 16 : index
        %swap3A_258 = tpu.vector_load %arg26[%swap3A_256, %swap3A_257] {strides = array<i32>} : memref<128x64xf32, #tpu.memory_space<vmem>>, vector<16xf32>,
        tpu.vector_store %arg26[%swap3A_256, %swap3A_257], %mul3A_255 {strides = array<i32>} : memref<128x64xf32, #tpu.memory_space<vmem>>, vector<16xf32>,
        %broadcast_in_dim3A_259 = arith.constant 2 : i32
        %broadcast_in_dim3A_260 = vector.broadcast %broadcast_in_dim3A_259 : i32 to vector<16xi32>
        %gather3A_261 = tpu.vector_load_idx %arg23[%add3A_240, %broadcast_in_dim3A_260] : memref<128x8xf32, #tpu.memory_space<vmem>>[vector<16xi32>, vector<16xi32>], vector<16xf32>,
        %get3A_262 = arith.index_cast %add3A_237 : i32 to index
        %get3A_263 = arith.constant 32 : index
        %get3A_264 = tpu.vector_load %arg17[%get3A_262, %get3A_263] {strides = array<i32>} : memref<128x72xf32, #tpu.memory_space<vmem>>, vector<16xf32>,
        %mul3A_265 = arith.mulf %get3A_264, %gather3A_261 : vector<16xf32>
        %swap3A_266 = arith.index_cast %add3A_237 : i32 to index
        %swap3A_267 = arith.constant 32 : index
        %swap3A_268 = tpu.vector_load %arg26[%swap3A_266, %swap3A_267] {strides = array<i32>} : memref<128x64xf32, #tpu.memory_space<vmem>>, vector<16xf32>,
        tpu.vector_store %arg26[%swap3A_266, %swap3A_267], %mul3A_265 {strides = array<i32>} : memref<128x64xf32, #tpu.memory_space<vmem>>, vector<16xf32>,
        %broadcast_in_dim3A_269 = arith.constant 3 : i32
        %broadcast_in_dim3A_270 = vector.broadcast %broadcast_in_dim3A_269 : i32 to vector<16xi32>
        %gather3A_271 = tpu.vector_load_idx %arg23[%add3A_240, %broadcast_in_dim3A_270] : memref<128x8xf32, #tpu.memory_space<vmem>>[vector<16xi32>, vector<16xi32>], vector<16xf32>,
        %get3A_272 = arith.index_cast %add3A_237 : i32 to index
        %get3A_273 = arith.constant 48 : index
        %get3A_274 = tpu.vector_load %arg17[%get3A_272, %get3A_273] {strides = array<i32>} : memref<128x72xf32, #tpu.memory_space<vmem>>, vector<16xf32>,
        %mul3A_275 = arith.mulf %get3A_274, %gather3A_271 : vector<16xf32>
        %swap3A_276 = arith.index_cast %add3A_237 : i32 to index
        %swap3A_277 = arith.constant 48 : index
        %swap3A_278 = tpu.vector_load %arg26[%swap3A_276, %swap3A_277] {strides = array<i32>} : memref<128x64xf32, #tpu.memory_space<vmem>>, vector<16xf32>,
        tpu.vector_store %arg26[%swap3A_276, %swap3A_277], %mul3A_275 {strides = array<i32>} : memref<128x64xf32, #tpu.memory_space<vmem>>, vector<16xf32>,
        %mul3A_279 = arith.constant 2 : i32
        %mul3A_280 = arith.muli %mul3A_279, %scan3A_233 : i32
        %add3A_281 = arith.constant 1 : i32
        %add3A_282 = arith.addi %mul3A_280, %add3A_281 : i32
        %broadcast_in_dim3A_283 = arith.constant 0 : i32
        %broadcast_in_dim3A_284 = vector.broadcast %broadcast_in_dim3A_283 : i32 to vector<16xi32>
        %add3A_285 = vector.broadcast %add3A_282 : i32 to vector<16xi32>
        %add3A_286 = arith.addi %broadcast_in_dim3A_284, %add3A_285 : vector<16xi32>
        %broadcast_in_dim3A_287 = arith.constant 0 : i32
        %broadcast_in_dim3A_288 = vector.broadcast %broadcast_in_dim3A_287 : i32 to vector<16xi32>
        %gather3A_289 = tpu.vector_load_idx %arg23[%add3A_286, %broadcast_in_dim3A_288] : memref<128x8xf32, #tpu.memory_space<vmem>>[vector<16xi32>, vector<16xi32>], vector<16xf32>,
        %get3A_290 = arith.index_cast %add3A_282 : i32 to index
        %get3A_291 = arith.constant 0 : index
        %get3A_292 = tpu.vector_load %arg17[%get3A_290, %get3A_291] {strides = array<i32>} : memref<128x72xf32, #tpu.memory_space<vmem>>, vector<16xf32>,
        %mul3A_293 = arith.mulf %get3A_292, %gather3A_289 : vector<16xf32>
        %swap3A_294 = arith.index_cast %add3A_282 : i32 to index
        %swap3A_295 = arith.constant 0 : index
        %swap3A_296 = tpu.vector_load %arg26[%swap3A_294, %swap3A_295] {strides = array<i32>} : memref<128x64xf32, #tpu.memory_space<vmem>>, vector<16xf32>,
        tpu.vector_store %arg26[%swap3A_294, %swap3A_295], %mul3A_293 {strides = array<i32>} : memref<128x64xf32, #tpu.memory_space<vmem>>, vector<16xf32>,
        %broadcast_in_dim3A_297 = arith.constant 1 : i32
        %broadcast_in_dim3A_298 = vector.broadcast %broadcast_in_dim3A_297 : i32 to vector<16xi32>
        %gather3A_299 = tpu.vector_load_idx %arg23[%add3A_286, %broadcast_in_dim3A_298] : memref<128x8xf32, #tpu.memory_space<vmem>>[vector<16xi32>, vector<16xi32>], vector<16xf32>,
        %get3A_300 = arith.index_cast %add3A_282 : i32 to index
        %get3A_301 = arith.constant 16 : index
        %get3A_302 = tpu.vector_load %arg17[%get3A_300, %get3A_301] {strides = array<i32>} : memref<128x72xf32, #tpu.memory_space<vmem>>, vector<16xf32>,
        %mul3A_303 = arith.mulf %get3A_302, %gather3A_299 : vector<16xf32>
        %swap3A_304 = arith.index_cast %add3A_282 : i32 to index
        %swap3A_305 = arith.constant 16 : index
        %swap3A_306 = tpu.vector_load %arg26[%swap3A_304, %swap3A_305] {strides = array<i32>} : memref<128x64xf32, #tpu.memory_space<vmem>>, vector<16xf32>,
        tpu.vector_store %arg26[%swap3A_304, %swap3A_305], %mul3A_303 {strides = array<i32>} : memref<128x64xf32, #tpu.memory_space<vmem>>, vector<16xf32>,
        %broadcast_in_dim3A_307 = arith.constant 2 : i32
        %broadcast_in_dim3A_308 = vector.broadcast %broadcast_in_dim3A_307 : i32 to vector<16xi32>
        %gather3A_309 = tpu.vector_load_idx %arg23[%add3A_286, %broadcast_in_dim3A_308] : memref<128x8xf32, #tpu.memory_space<vmem>>[vector<16xi32>, vector<16xi32>], vector<16xf32>,
        %get3A_310 = arith.index_cast %add3A_282 : i32 to index
        %get3A_311 = arith.constant 32 : index
        %get3A_312 = tpu.vector_load %arg17[%get3A_310, %get3A_311] {strides = array<i32>} : memref<128x72xf32, #tpu.memory_space<vmem>>, vector<16xf32>,
        %mul3A_313 = arith.mulf %get3A_312, %gather3A_309 : vector<16xf32>
        %swap3A_314 = arith.index_cast %add3A_282 : i32 to index
        %swap3A_315 = arith.constant 32 : index
        %swap3A_316 = tpu.vector_load %arg26[%swap3A_314, %swap3A_315] {strides = array<i32>} : memref<128x64xf32, #tpu.memory_space<vmem>>, vector<16xf32>,
        tpu.vector_store %arg26[%swap3A_314, %swap3A_315], %mul3A_313 {strides = array<i32>} : memref<128x64xf32, #tpu.memory_space<vmem>>, vector<16xf32>,
        %broadcast_in_dim3A_317 = arith.constant 3 : i32
        %broadcast_in_dim3A_318 = vector.broadcast %broadcast_in_dim3A_317 : i32 to vector<16xi32>
        %gather3A_319 = tpu.vector_load_idx %arg23[%add3A_286, %broadcast_in_dim3A_318] : memref<128x8xf32, #tpu.memory_space<vmem>>[vector<16xi32>, vector<16xi32>], vector<16xf32>,
        %get3A_320 = arith.index_cast %add3A_282 : i32 to index
        %get3A_321 = arith.constant 48 : index
        %get3A_322 = tpu.vector_load %arg17[%get3A_320, %get3A_321] {strides = array<i32>} : memref<128x72xf32, #tpu.memory_space<vmem>>, vector<16xf32>,
        %mul3A_323 = arith.mulf %get3A_322, %gather3A_319 : vector<16xf32>
        %swap3A_324 = arith.index_cast %add3A_282 : i32 to index
        %swap3A_325 = arith.constant 48 : index
        %swap3A_326 = tpu.vector_load %arg26[%swap3A_324, %swap3A_325] {strides = array<i32>} : memref<128x64xf32, #tpu.memory_space<vmem>>, vector<16xf32>,
        tpu.vector_store %arg26[%swap3A_324, %swap3A_325], %mul3A_323 {strides = array<i32>} : memref<128x64xf32, #tpu.memory_space<vmem>>, vector<16xf32>,
      }
      %scan3A_226 = arith.constant 64 : i32
      %dma_start3A_227 = arith.constant 0 : i32
      %dma_start3A_228 = tpu.memref_slice %arg11[%add3A_176, %dma_start3A_227] : memref<162x128xi32, #tpu.memory_space<vmem>> -> memref<1x128xi32, #tpu.memory_space<vmem>>
      %dma_start3A_229 = tpu.memref_squeeze %dma_start3A_228 : memref<1x128xi32, #tpu.memory_space<vmem>> -> memref<128xi32, #tpu.memory_space<vmem>>
      %dma_start3A_230 = arith.constant 0 : i32
      %dma_start3A_231 = arith.constant 0 : i32
      %dma_start3A_232 = tpu.memref_slice %arg38[%dma_start3A_230, %dma_start3A_231] : memref<10000x64xf32, #tpu.memory_space<vmem_shared>> -> memref<10000x64xf32, #tpu.memory_space<vmem_shared>>
      tpu.enqueue_indirect_dma source(%arg26 : memref<128x64xf32, #tpu.memory_space<vmem>>) target(%dma_start3A_232 : memref<10000x64xf32, #tpu.memory_space<vmem_shared>>) offsets(%dma_start3A_229 : memref<128xi32, #tpu.memory_space<vmem>>) semaphore(%arg36 : memref<!tpu.dma_semaphore, #tpu.memory_space<semaphore_mem>>) {add = true}
    }
    %scan3A_30 = arith.constant 54 : i32
    %dma_wait3A = arith.constant 160 : i32
    %dma_wait3A_31 = arith.constant 0 : i32
    %dma_wait3A_32 = tpu.memref_slice %arg11[%dma_wait3A, %dma_wait3A_31] : memref<162x128xi32, #tpu.memory_space<vmem>> -> memref<1x128xi32, #tpu.memory_space<vmem>>
    %dma_wait3A_33 = tpu.memref_squeeze %dma_wait3A_32 : memref<1x128xi32, #tpu.memory_space<vmem>> -> memref<128xi32, #tpu.memory_space<vmem>>
    %dma_wait3A_34 = arith.constant 0 : i32
    %dma_wait3A_35 = arith.constant 0 : i32
    %dma_wait3A_36 = tpu.memref_slice %arg37[%dma_wait3A_34, %dma_wait3A_35] : memref<10000x8xf32, #tpu.memory_space<vmem_shared>> -> memref<10000x8xf32, #tpu.memory_space<vmem_shared>>
    tpu.wait_indirect_dma semaphore(%arg35 : memref<!tpu.dma_semaphore, #tpu.memory_space<semaphore_mem>>) src(%arg22 : memref<128x8xf32, #tpu.memory_space<vmem>>) dst(%dma_wait3A_36 : memref<10000x8xf32, #tpu.memory_space<vmem_shared>>)
    %dma_wait3A_37 = arith.constant 160 : i32
    %dma_wait3A_38 = arith.constant 0 : i32
    %dma_wait3A_39 = tpu.memref_slice %arg11[%dma_wait3A_37, %dma_wait3A_38] : memref<162x128xi32, #tpu.memory_space<vmem>> -> memref<1x128xi32, #tpu.memory_space<vmem>>
    %dma_wait3A_40 = tpu.memref_squeeze %dma_wait3A_39 : memref<1x128xi32, #tpu.memory_space<vmem>> -> memref<128xi32, #tpu.memory_space<vmem>>
    %dma_wait3A_41 = arith.constant 0 : i32
    %dma_wait3A_42 = arith.constant 0 : i32
    %dma_wait3A_43 = tpu.memref_slice %arg38[%dma_wait3A_41, %dma_wait3A_42] : memref<10000x64xf32, #tpu.memory_space<vmem_shared>> -> memref<10000x64xf32, #tpu.memory_space<vmem_shared>>
    tpu.wait_indirect_dma semaphore(%arg35 : memref<!tpu.dma_semaphore, #tpu.memory_space<semaphore_mem>>) src(%arg25 : memref<128x64xf32, #tpu.memory_space<vmem>>) dst(%dma_wait3A_43 : memref<10000x64xf32, #tpu.memory_space<vmem_shared>>)
    %dma_wait3A_44 = arith.constant 161 : i32
    %dma_wait3A_45 = arith.constant 0 : i32
    %dma_wait3A_46 = tpu.memref_slice %arg11[%dma_wait3A_44, %dma_wait3A_45] : memref<162x128xi32, #tpu.memory_space<vmem>> -> memref<1x128xi32, #tpu.memory_space<vmem>>
    %dma_wait3A_47 = tpu.memref_squeeze %dma_wait3A_46 : memref<1x128xi32, #tpu.memory_space<vmem>> -> memref<128xi32, #tpu.memory_space<vmem>>
    %dma_wait3A_48 = arith.constant 0 : i32
    %dma_wait3A_49 = arith.constant 0 : i32
    %dma_wait3A_50 = tpu.memref_slice %arg37[%dma_wait3A_48, %dma_wait3A_49] : memref<10000x8xf32, #tpu.memory_space<vmem_shared>> -> memref<10000x8xf32, #tpu.memory_space<vmem_shared>>
    tpu.wait_indirect_dma semaphore(%arg36 : memref<!tpu.dma_semaphore, #tpu.memory_space<semaphore_mem>>) src(%arg23 : memref<128x8xf32, #tpu.memory_space<vmem>>) dst(%dma_wait3A_50 : memref<10000x8xf32, #tpu.memory_space<vmem_shared>>)
    %dma_wait3A_51 = arith.constant 161 : i32
    %dma_wait3A_52 = arith.constant 0 : i32
    %dma_wait3A_53 = tpu.memref_slice %arg11[%dma_wait3A_51, %dma_wait3A_52] : memref<162x128xi32, #tpu.memory_space<vmem>> -> memref<1x128xi32, #tpu.memory_space<vmem>>
    %dma_wait3A_54 = tpu.memref_squeeze %dma_wait3A_53 : memref<1x128xi32, #tpu.memory_space<vmem>> -> memref<128xi32, #tpu.memory_space<vmem>>
    %dma_wait3A_55 = arith.constant 0 : i32
    %dma_wait3A_56 = arith.constant 0 : i32
    %dma_wait3A_57 = tpu.memref_slice %arg38[%dma_wait3A_55, %dma_wait3A_56] : memref<10000x64xf32, #tpu.memory_space<vmem_shared>> -> memref<10000x64xf32, #tpu.memory_space<vmem_shared>>
    tpu.wait_indirect_dma semaphore(%arg36 : memref<!tpu.dma_semaphore, #tpu.memory_space<semaphore_mem>>) src(%arg26 : memref<128x64xf32, #tpu.memory_space<vmem>>) dst(%dma_wait3A_57 : memref<10000x64xf32, #tpu.memory_space<vmem_shared>>)
    %barrier3A_58 = arith.constant 0 : index
    tpu.barrier barrier_id(%barrier3A_58)
    "tpu.region"() ({
      %run_scoped3A_59 = tpu.sem_alloc : memref<!tpu.dma_semaphore, #tpu.memory_space<semaphore_mem>>
      %dma_start3A_60 = arith.constant 0 : i32
      %dma_start3A_61 = tpu.memref_slice %arg9[%arg0, %min3A_1, %dma_start3A_60] : memref<2x10000x8xf32, #tpu.memory_space<hbm>> -> memref<1x632x8xf32, #tpu.memory_space<hbm>>
      %dma_start3A_62 = tpu.memref_squeeze %dma_start3A_61 : memref<1x632x8xf32, #tpu.memory_space<hbm>> -> memref<632x8xf32, #tpu.memory_space<hbm>>
      %dma_start3A_63 = arith.constant 0 : i32
      %dma_start3A_64 = tpu.memref_slice %arg37[%min3A_1, %dma_start3A_63] : memref<10000x8xf32, #tpu.memory_space<vmem_shared>> -> memref<632x8xf32, #tpu.memory_space<vmem_shared>>
      tpu.enqueue_dma source(%dma_start3A_64 : memref<632x8xf32, #tpu.memory_space<vmem_shared>>) target(%dma_start3A_62 : memref<632x8xf32, #tpu.memory_space<hbm>>) target_semaphore(%run_scoped3A_59 : memref<!tpu.dma_semaphore, #tpu.memory_space<semaphore_mem>>)
      %dma_wait3A_65 = arith.constant 0 : i32
      %dma_wait3A_66 = tpu.memref_slice %arg9[%arg0, %min3A_1, %dma_wait3A_65] : memref<2x10000x8xf32, #tpu.memory_space<hbm>> -> memref<1x632x8xf32, #tpu.memory_space<hbm>>
      %dma_wait3A_67 = tpu.memref_squeeze %dma_wait3A_66 : memref<1x632x8xf32, #tpu.memory_space<hbm>> -> memref<632x8xf32, #tpu.memory_space<hbm>>
      %dma_wait3A_68 = arith.constant 0 : i32
      %dma_wait3A_69 = tpu.memref_slice %arg37[%min3A_1, %dma_wait3A_68] : memref<10000x8xf32, #tpu.memory_space<vmem_shared>> -> memref<632x8xf32, #tpu.memory_space<vmem_shared>>
      tpu.wait_dma2 semaphore(%run_scoped3A_59 : memref<!tpu.dma_semaphore, #tpu.memory_space<semaphore_mem>>) src(%dma_wait3A_69 : memref<632x8xf32, #tpu.memory_space<vmem_shared>>) dst(%dma_wait3A_67 : memref<632x8xf32, #tpu.memory_space<hbm>>)
      tpu.yield
    }) : () -> ()
    "tpu.region"() ({
      %run_scoped3A_59 = tpu.sem_alloc : memref<!tpu.dma_semaphore, #tpu.memory_space<semaphore_mem>>
      %dma_start3A_60 = arith.constant 0 : i32
      %dma_start3A_61 = tpu.memref_slice %arg10[%arg0, %min3A_1, %dma_start3A_60] : memref<2x10000x64xf32, #tpu.memory_space<hbm>> -> memref<1x632x64xf32, #tpu.memory_space<hbm>>
      %dma_start3A_62 = tpu.memref_squeeze %dma_start3A_61 : memref<1x632x64xf32, #tpu.memory_space<hbm>> -> memref<632x64xf32, #tpu.memory_space<hbm>>
      %dma_start3A_63 = arith.constant 0 : i32
      %dma_start3A_64 = tpu.memref_slice %arg38[%min3A_1, %dma_start3A_63] : memref<10000x64xf32, #tpu.memory_space<vmem_shared>> -> memref<632x64xf32, #tpu.memory_space<vmem_shared>>
      tpu.enqueue_dma source(%dma_start3A_64 : memref<632x64xf32, #tpu.memory_space<vmem_shared>>) target(%dma_start3A_62 : memref<632x64xf32, #tpu.memory_space<hbm>>) target_semaphore(%run_scoped3A_59 : memref<!tpu.dma_semaphore, #tpu.memory_space<semaphore_mem>>)
      %dma_wait3A_65 = arith.constant 0 : i32
      %dma_wait3A_66 = tpu.memref_slice %arg10[%arg0, %min3A_1, %dma_wait3A_65] : memref<2x10000x64xf32, #tpu.memory_space<hbm>> -> memref<1x632x64xf32, #tpu.memory_space<hbm>>
      %dma_wait3A_67 = tpu.memref_squeeze %dma_wait3A_66 : memref<1x632x64xf32, #tpu.memory_space<hbm>> -> memref<632x64xf32, #tpu.memory_space<hbm>>
      %dma_wait3A_68 = arith.constant 0 : i32
      %dma_wait3A_69 = tpu.memref_slice %arg38[%min3A_1, %dma_wait3A_68] : memref<10000x64xf32, #tpu.memory_space<vmem_shared>> -> memref<632x64xf32, #tpu.memory_space<vmem_shared>>
      tpu.wait_dma2 semaphore(%run_scoped3A_59 : memref<!tpu.dma_semaphore, #tpu.memory_space<semaphore_mem>>) src(%dma_wait3A_69 : memref<632x64xf32, #tpu.memory_space<vmem_shared>>) dst(%dma_wait3A_67 : memref<632x64xf32, #tpu.memory_space<hbm>>)
      tpu.yield
    }) : () -> ()
    return
  }
}

module attributes {stable_mosaic.version = 14 : i64} {
  func.func @_feat_body(%arg0: i32, %arg1: memref<1000x128xf32, #tpu.memory_space<vmem>>, %arg2: memref<128x128xf32, #tpu.memory_space<vmem>>, %arg3: memref<128x8xf32, #tpu.memory_space<vmem>>, %arg4: memref<128x8xf32, #tpu.memory_space<vmem>>, %arg5: memref<2x1000x72xf32, #tpu.memory_space<vmem>>, %arg6: memref<1000x8xf32, #tpu.memory_space<vmem>>, %arg7: memref<8x8xf32, #tpu.memory_space<vmem>>, %arg8: memref<8x8xf32, #tpu.memory_space<vmem>>) attributes {dimension_semantics = [#tpu.dimension_semantics<arbitrary>], iteration_bounds = array<i64: 10>, scalar_prefetch = 0 : i64, scratch_operands = 0 : i64, tpu.core_type = #tpu.core_type<tc>, window_params = [{transform_indices = @transform_0, window_bounds = array<i64: 1000, 128>}, {pipeline_mode = #tpu.pipeline_mode<synchronous>, transform_indices = @transform_1, window_bounds = array<i64: 128, 128>}, {pipeline_mode = #tpu.pipeline_mode<synchronous>, transform_indices = @transform_2, window_bounds = array<i64: 128, 8>}, {pipeline_mode = #tpu.pipeline_mode<synchronous>, transform_indices = @transform_3, window_bounds = array<i64: 128, 8>}, {transform_indices = @transform_4, window_bounds = array<i64: 2, 1000, 72>}, {transform_indices = @transform_5, window_bounds = array<i64: 1000, 8>}, {pipeline_mode = #tpu.pipeline_mode<synchronous>, transform_indices = @transform_6, window_bounds = array<i64: 8, 8>}, {pipeline_mode = #tpu.pipeline_mode<synchronous>, transform_indices = @transform_7, window_bounds = array<i64: 8, 8>}]} {
    %get3A = arith.constant 0 : index
    %get3A_0 = arith.constant 0 : index
    %get3A_1 = vector.load %arg1[%get3A, %get3A_0] : memref<1000x128xf32, #tpu.memory_space<vmem>>, vector<1000x128xf32>
    %get3A_2 = arith.constant 0 : index
    %get3A_3 = arith.constant 0 : index
    %get3A_4 = vector.load %arg2[%get3A_2, %get3A_3] : memref<128x128xf32, #tpu.memory_space<vmem>>, vector<128x128xf32>
    %dot_general3A = arith.constant dense<0.000000e+00> : vector<1000x128xf32>
    %dot_general3A_5 = tpu.matmul %get3A_1, %get3A_4, %dot_general3A {dimension_numbers = #tpu.dot_dimension_numbers<[1], [0], [0], [1], [0, 0, 1, 1], [], []>, transpose_lhs_hint = false} : vector<1000x128xf32>, vector<128x128xf32>, vector<1000x128xf32> -> vector<1000x128xf32>
    %get3A_6 = arith.constant 0 : index
    %get3A_7 = arith.constant 0 : index
    %get3A_8 = vector.load %arg3[%get3A_6, %get3A_7] : memref<128x8xf32, #tpu.memory_space<vmem>>, vector<128x8xf32>
    %dot_general3A_9 = arith.constant dense<0.000000e+00> : vector<1000x8xf32>
    %dot_general3A_10 = tpu.matmul %dot_general3A_5, %get3A_8, %dot_general3A_9 {dimension_numbers = #tpu.dot_dimension_numbers<[1], [0], [0], [1], [0, 0, 1, 1], [], []>, transpose_lhs_hint = false} : vector<1000x128xf32>, vector<128x8xf32>, vector<1000x8xf32> -> vector<1000x8xf32>
    %get3A_11 = arith.constant 0 : index
    %get3A_12 = arith.constant 0 : index
    %get3A_13 = vector.load %arg4[%get3A_11, %get3A_12] : memref<128x8xf32, #tpu.memory_space<vmem>>, vector<128x8xf32>
    %dot_general3A_14 = arith.constant dense<0.000000e+00> : vector<1000x8xf32>
    %dot_general3A_15 = tpu.matmul %dot_general3A_5, %get3A_13, %dot_general3A_14 {dimension_numbers = #tpu.dot_dimension_numbers<[1], [0], [0], [1], [0, 0, 1, 1], [], []>, transpose_lhs_hint = false} : vector<1000x128xf32>, vector<128x8xf32>, vector<1000x8xf32> -> vector<1000x8xf32>
    %swap3A = arith.constant 0 : index
    %swap3A_16 = arith.constant 0 : index
    %swap3A_17 = vector.load %arg6[%swap3A, %swap3A_16] : memref<1000x8xf32, #tpu.memory_space<vmem>>, vector<1000x8xf32>
    tpu.vector_store %arg6[%swap3A, %swap3A_16], %dot_general3A_15 {strides = array<i32>} : memref<1000x8xf32, #tpu.memory_space<vmem>>, vector<1000x8xf32>,
    %broadcast_in_dim3A = arith.constant 0.000000e+00 : f32
    %broadcast_in_dim3A_18 = vector.broadcast %broadcast_in_dim3A : f32 to vector<1000x4xf32>
    %slice3A = vector.extract_strided_slice %dot_general3A_5 {offsets = [0, 0], sizes = [1000, 64], strides = [1, 1]} : vector<1000x128xf32> to vector<1000x64xf32>
    %slice3A_19 = vector.extract_strided_slice %dot_general3A_10 {offsets = [0, 0], sizes = [1000, 4], strides = [1, 1]} : vector<1000x8xf32> to vector<1000x4xf32>
    %concatenate3A = tpu.concatenate %slice3A, %slice3A_19, %broadcast_in_dim3A_18 in 1 : vector<1000x64xf32>, vector<1000x4xf32>, vector<1000x4xf32> -> vector<1000x72xf32>
    %swap3A_20 = arith.constant 0 : index
    %swap3A_21 = arith.constant 0 : index
    %swap3A_22 = arith.constant 0 : index
    %swap3A_23 = vector.load %arg5[%swap3A_20, %swap3A_21, %swap3A_22] : memref<2x1000x72xf32, #tpu.memory_space<vmem>>, vector<1x1000x72xf32>
    %swap3A_24 = vector.shape_cast %swap3A_23 : vector<1x1000x72xf32> to vector<1000x72xf32>
    %swap3A_25 = vector.shape_cast %concatenate3A : vector<1000x72xf32> to vector<1x1000x72xf32>
    tpu.vector_store %arg5[%swap3A_20, %swap3A_21, %swap3A_22], %swap3A_25 {strides = array<i32>} : memref<2x1000x72xf32, #tpu.memory_space<vmem>>, vector<1x1000x72xf32>,
    %slice3A_26 = vector.extract_strided_slice %dot_general3A_5 {offsets = [0, 64], sizes = [1000, 64], strides = [1, 1]} : vector<1000x128xf32> to vector<1000x64xf32>
    %slice3A_27 = vector.extract_strided_slice %dot_general3A_10 {offsets = [0, 4], sizes = [1000, 4], strides = [1, 1]} : vector<1000x8xf32> to vector<1000x4xf32>
    %concatenate3A_28 = tpu.concatenate %slice3A_26, %slice3A_27, %broadcast_in_dim3A_18 in 1 : vector<1000x64xf32>, vector<1000x4xf32>, vector<1000x4xf32> -> vector<1000x72xf32>
    %swap3A_29 = arith.constant 1 : index
    %swap3A_30 = arith.constant 0 : index
    %swap3A_31 = arith.constant 0 : index
    %swap3A_32 = vector.load %arg5[%swap3A_29, %swap3A_30, %swap3A_31] : memref<2x1000x72xf32, #tpu.memory_space<vmem>>, vector<1x1000x72xf32>
    %swap3A_33 = vector.shape_cast %swap3A_32 : vector<1x1000x72xf32> to vector<1000x72xf32>
    %swap3A_34 = vector.shape_cast %concatenate3A_28 : vector<1000x72xf32> to vector<1x1000x72xf32>
    tpu.vector_store %arg5[%swap3A_29, %swap3A_30, %swap3A_31], %swap3A_34 {strides = array<i32>} : memref<2x1000x72xf32, #tpu.memory_space<vmem>>, vector<1x1000x72xf32>,
    %reduce_max3A = arith.constant dense<0xFF800000> : vector<8xf32>
    %reduce_max3A_35 = vector.multi_reduction <maximumf>, %dot_general3A_10, %reduce_max3A [0] : vector<1000x8xf32> to vector<8xf32>
    %broadcast_in_dim3A_36 = vector.shape_cast %reduce_max3A_35 : vector<8xf32> to vector<1x8xf32>
    %broadcast_in_dim3A_37 = vector.shape_cast %broadcast_in_dim3A_36 : vector<1x8xf32> to vector<1x8xf32>
    %broadcast_in_dim3A_38 = vector.broadcast %broadcast_in_dim3A_37 : vector<1x8xf32> to vector<8x8xf32>
    %reduce_max3A_39 = arith.constant dense<0xFF800000> : vector<8xf32>
    %reduce_max3A_40 = vector.multi_reduction <maximumf>, %dot_general3A_15, %reduce_max3A_39 [0] : vector<1000x8xf32> to vector<8xf32>
    %broadcast_in_dim3A_41 = vector.shape_cast %reduce_max3A_40 : vector<8xf32> to vector<1x8xf32>
    %broadcast_in_dim3A_42 = vector.shape_cast %broadcast_in_dim3A_41 : vector<1x8xf32> to vector<1x8xf32>
    %broadcast_in_dim3A_43 = vector.broadcast %broadcast_in_dim3A_42 : vector<1x8xf32> to vector<8x8xf32>
    %eq3A = arith.constant 0 : i32
    %eq3A_44 = arith.cmpi eq, %arg0, %eq3A : i32
    %convert_element_type3A = arith.extui %eq3A_44 : i1 to i32
    %cond3A = arith.constant 0 : i32
    %cond3A_45 = arith.cmpi ne, %convert_element_type3A, %cond3A : i32
    scf.if %cond3A_45 {
      %swap3A_50 = arith.constant 0 : index
      %swap3A_51 = arith.constant 0 : index
      %swap3A_52 = vector.load %arg7[%swap3A_50, %swap3A_51] : memref<8x8xf32, #tpu.memory_space<vmem>>, vector<8x8xf32>
      tpu.vector_store %arg7[%swap3A_50, %swap3A_51], %broadcast_in_dim3A_38 {strides = array<i32>} : memref<8x8xf32, #tpu.memory_space<vmem>>, vector<8x8xf32>,
      %swap3A_53 = arith.constant 0 : index
      %swap3A_54 = arith.constant 0 : index
      %swap3A_55 = vector.load %arg8[%swap3A_53, %swap3A_54] : memref<8x8xf32, #tpu.memory_space<vmem>>, vector<8x8xf32>
      tpu.vector_store %arg8[%swap3A_53, %swap3A_54], %broadcast_in_dim3A_43 {strides = array<i32>} : memref<8x8xf32, #tpu.memory_space<vmem>>, vector<8x8xf32>,
    } else {
    }
    %gt3A = arith.constant 0 : i32
    %gt3A_46 = arith.cmpi sgt, %arg0, %gt3A : i32
    %convert_element_type3A_47 = arith.extui %gt3A_46 : i1 to i32
    %cond3A_48 = arith.constant 0 : i32
    %cond3A_49 = arith.cmpi ne, %convert_element_type3A_47, %cond3A_48 : i32
    scf.if %cond3A_49 {
      %get3A_50 = arith.constant 0 : index
      %get3A_51 = arith.constant 0 : index
      %get3A_52 = vector.load %arg7[%get3A_50, %get3A_51] : memref<8x8xf32, #tpu.memory_space<vmem>>, vector<8x8xf32>
      %max3A = arith.maximumf %get3A_52, %broadcast_in_dim3A_38 : vector<8x8xf32>
      %swap3A_53 = arith.constant 0 : index
      %swap3A_54 = arith.constant 0 : index
      %swap3A_55 = vector.load %arg7[%swap3A_53, %swap3A_54] : memref<8x8xf32, #tpu.memory_space<vmem>>, vector<8x8xf32>
      tpu.vector_store %arg7[%swap3A_53, %swap3A_54], %max3A {strides = array<i32>} : memref<8x8xf32, #tpu.memory_space<vmem>>, vector<8x8xf32>,
      %get3A_56 = arith.constant 0 : index
      %get3A_57 = arith.constant 0 : index
      %get3A_58 = vector.load %arg8[%get3A_56, %get3A_57] : memref<8x8xf32, #tpu.memory_space<vmem>>, vector<8x8xf32>
      %max3A_59 = arith.maximumf %get3A_58, %broadcast_in_dim3A_43 : vector<8x8xf32>
      %swap3A_60 = arith.constant 0 : index
      %swap3A_61 = arith.constant 0 : index
      %swap3A_62 = vector.load %arg8[%swap3A_60, %swap3A_61] : memref<8x8xf32, #tpu.memory_space<vmem>>, vector<8x8xf32>
      tpu.vector_store %arg8[%swap3A_60, %swap3A_61], %max3A_59 {strides = array<i32>} : memref<8x8xf32, #tpu.memory_space<vmem>>, vector<8x8xf32>,
    } else {
    }
    return
  }
  func.func @transform_0(%arg0: i32) -> (i32, i32) {
    %c0_i32 = arith.constant 0 : i32
    %c0_i32_0 = arith.constant 0 : i32
    return %arg0, %c0_i32 : i32, i32
  }
  func.func @transform_1(%arg0: i32) -> (i32, i32) {
    %c0_i32 = arith.constant 0 : i32
    %c0_i32_0 = arith.constant 0 : i32
    %c0_i32_1 = arith.constant 0 : i32
    return %c0_i32, %c0_i32_0 : i32, i32
  }
  func.func @transform_2(%arg0: i32) -> (i32, i32) {
    %c0_i32 = arith.constant 0 : i32
    %c0_i32_0 = arith.constant 0 : i32
    %c0_i32_1 = arith.constant 0 : i32
    return %c0_i32, %c0_i32_0 : i32, i32
  }
  func.func @transform_3(%arg0: i32) -> (i32, i32) {
    %c0_i32 = arith.constant 0 : i32
    %c0_i32_0 = arith.constant 0 : i32
    %c0_i32_1 = arith.constant 0 : i32
    return %c0_i32, %c0_i32_0 : i32, i32
  }
  func.func @transform_4(%arg0: i32) -> (i32, i32, i32) {
    %c0_i32 = arith.constant 0 : i32
    %c0_i32_0 = arith.constant 0 : i32
    %c0_i32_1 = arith.constant 0 : i32
    return %c0_i32, %arg0, %c0_i32_0 : i32, i32, i32
  }
  func.func @transform_5(%arg0: i32) -> (i32, i32) {
    %c0_i32 = arith.constant 0 : i32
    %c0_i32_0 = arith.constant 0 : i32
    return %arg0, %c0_i32 : i32, i32
  }
  func.func @transform_6(%arg0: i32) -> (i32, i32) {
    %c0_i32 = arith.constant 0 : i32
    %c0_i32_0 = arith.constant 0 : i32
    %c0_i32_1 = arith.constant 0 : i32
    return %c0_i32, %c0_i32_0 : i32, i32
  }
  func.func @transform_7(%arg0: i32) -> (i32, i32) {
    %c0_i32 = arith.constant 0 : i32
    %c0_i32_0 = arith.constant 0 : i32
    %c0_i32_1 = arith.constant 0 : i32
    return %c0_i32, %c0_i32_0 : i32, i32
  }
}

module attributes {stable_mosaic.version = 14 : i64} {
  func.func @_combine1_body(%arg0: i32, %arg1: memref<2x1000x64xf32, #tpu.memory_space<vmem>>, %arg2: memref<2x1000x8xf32, #tpu.memory_space<vmem>>, %arg3: memref<1x128xf32, #tpu.memory_space<vmem>>, %arg4: memref<128x16xf32, #tpu.memory_space<vmem>>, %arg5: memref<16x8xf32, #tpu.memory_space<vmem>>, %arg6: memref<16x8xf32, #tpu.memory_space<vmem>>, %arg7: memref<1000x16xf32, #tpu.memory_space<vmem>>, %arg8: memref<1000x8xf32, #tpu.memory_space<vmem>>, %arg9: memref<1000x8xf32, #tpu.memory_space<vmem>>, %arg10: memref<8x8xf32, #tpu.memory_space<vmem>>, %arg11: memref<8x8xf32, #tpu.memory_space<vmem>>) attributes {dimension_semantics = [#tpu.dimension_semantics<arbitrary>], iteration_bounds = array<i64: 10>, scalar_prefetch = 0 : i64, scratch_operands = 0 : i64, tpu.core_type = #tpu.core_type<tc>, window_params = [{transform_indices = @transform_0, window_bounds = array<i64: 2, 1000, 64>}, {transform_indices = @transform_1, window_bounds = array<i64: 2, 1000, 8>}, {pipeline_mode = #tpu.pipeline_mode<synchronous>, transform_indices = @transform_2, window_bounds = array<i64: 1, 128>}, {pipeline_mode = #tpu.pipeline_mode<synchronous>, transform_indices = @transform_3, window_bounds = array<i64: 128, 16>}, {pipeline_mode = #tpu.pipeline_mode<synchronous>, transform_indices = @transform_4, window_bounds = array<i64: 16, 8>}, {pipeline_mode = #tpu.pipeline_mode<synchronous>, transform_indices = @transform_5, window_bounds = array<i64: 16, 8>}, {transform_indices = @transform_6, window_bounds = array<i64: 1000, 16>}, {transform_indices = @transform_7, window_bounds = array<i64: 1000, 8>}, {transform_indices = @transform_8, window_bounds = array<i64: 1000, 8>}, {pipeline_mode = #tpu.pipeline_mode<synchronous>, transform_indices = @transform_9, window_bounds = array<i64: 8, 8>}, {pipeline_mode = #tpu.pipeline_mode<synchronous>, transform_indices = @transform_10, window_bounds = array<i64: 8, 8>}]} {
    %get3A = arith.constant 0 : index
    %get3A_0 = arith.constant 0 : index
    %get3A_1 = arith.constant 0 : index
    %get3A_2 = vector.load %arg1[%get3A, %get3A_0, %get3A_1] : memref<2x1000x64xf32, #tpu.memory_space<vmem>>, vector<1x1000x64xf32>
    %get3A_3 = vector.shape_cast %get3A_2 : vector<1x1000x64xf32> to vector<1000x64xf32>
    %get3A_4 = arith.constant 1 : index
    %get3A_5 = arith.constant 0 : index
    %get3A_6 = arith.constant 0 : index
    %get3A_7 = vector.load %arg1[%get3A_4, %get3A_5, %get3A_6] : memref<2x1000x64xf32, #tpu.memory_space<vmem>>, vector<1x1000x64xf32>
    %get3A_8 = vector.shape_cast %get3A_7 : vector<1x1000x64xf32> to vector<1000x64xf32>
    %concatenate3A = tpu.concatenate %get3A_3, %get3A_8 in 1 : vector<1000x64xf32>, vector<1000x64xf32> -> vector<1000x128xf32>
    %get3A_9 = arith.constant 0 : index
    %get3A_10 = arith.constant 0 : index
    %get3A_11 = arith.constant 0 : index
    %get3A_12 = vector.load %arg2[%get3A_9, %get3A_10, %get3A_11] : memref<2x1000x8xf32, #tpu.memory_space<vmem>>, vector<1x1000x4xf32>
    %get3A_13 = vector.shape_cast %get3A_12 : vector<1x1000x4xf32> to vector<1000x4xf32>
    %get3A_14 = arith.constant 1 : index
    %get3A_15 = arith.constant 0 : index
    %get3A_16 = arith.constant 0 : index
    %get3A_17 = vector.load %arg2[%get3A_14, %get3A_15, %get3A_16] : memref<2x1000x8xf32, #tpu.memory_space<vmem>>, vector<1x1000x4xf32>
    %get3A_18 = vector.shape_cast %get3A_17 : vector<1x1000x4xf32> to vector<1000x4xf32>
    %concatenate3A_19 = tpu.concatenate %get3A_13, %get3A_18 in 1 : vector<1000x4xf32>, vector<1000x4xf32> -> vector<1000x8xf32>
    %add3A = arith.constant 1.000000e-16 : f32
    %add3A_20 = vector.broadcast %add3A : f32 to vector<1000x8xf32>
    %add3A_21 = arith.addf %concatenate3A_19, %add3A_20 : vector<1000x8xf32>
    %div3A = arith.constant 1.000000e+00 : f32
    %div3A_22 = vector.broadcast %div3A : f32 to vector<1000x8xf32>
    %div3A_23 = arith.divf %div3A_22, %add3A_21 : vector<1000x8xf32>
    %broadcast_in_dim3A = vector.shape_cast %div3A_23 : vector<1000x8xf32> to vector<1000x8x1xf32>
    %broadcast_in_dim3A_24 = vector.shape_cast %broadcast_in_dim3A : vector<1000x8x1xf32> to vector<1000x8x1xf32>
    %broadcast_in_dim3A_25 = vector.broadcast %broadcast_in_dim3A_24 : vector<1000x8x1xf32> to vector<1000x8x16xf32>
    %reshape3A = vector.shape_cast %broadcast_in_dim3A_25 : vector<1000x8x16xf32> to vector<1000x128xf32>
    %mul3A = arith.mulf %concatenate3A, %reshape3A : vector<1000x128xf32>
    %get3A_26 = arith.constant 0 : index
    %get3A_27 = arith.constant 0 : index
    %get3A_28 = vector.load %arg3[%get3A_26, %get3A_27] : memref<1x128xf32, #tpu.memory_space<vmem>>, vector<1x128xf32>
    %add3A_29 = vector.broadcast %get3A_28 : vector<1x128xf32> to vector<1000x128xf32>
    %add3A_30 = arith.addf %mul3A, %add3A_29 : vector<1000x128xf32>
    %max3A = arith.constant 0.000000e+00 : f32
    %max3A_31 = vector.broadcast %max3A : f32 to vector<1000x128xf32>
    %max3A_32 = arith.maximumf %add3A_30, %max3A_31 : vector<1000x128xf32>
    %get3A_33 = arith.constant 0 : index
    %get3A_34 = arith.constant 0 : index
    %get3A_35 = vector.load %arg4[%get3A_33, %get3A_34] : memref<128x16xf32, #tpu.memory_space<vmem>>, vector<128x16xf32>
    %dot_general3A = arith.constant dense<0.000000e+00> : vector<1000x16xf32>
    %dot_general3A_36 = tpu.matmul %max3A_32, %get3A_35, %dot_general3A {dimension_numbers = #tpu.dot_dimension_numbers<[1], [0], [0], [1], [0, 0, 1, 1], [], []>, transpose_lhs_hint = false} : vector<1000x128xf32>, vector<128x16xf32>, vector<1000x16xf32> -> vector<1000x16xf32>
    %swap3A = arith.constant 0 : index
    %swap3A_37 = arith.constant 0 : index
    %swap3A_38 = vector.load %arg7[%swap3A, %swap3A_37] : memref<1000x16xf32, #tpu.memory_space<vmem>>, vector<1000x16xf32>
    tpu.vector_store %arg7[%swap3A, %swap3A_37], %dot_general3A_36 {strides = array<i32>} : memref<1000x16xf32, #tpu.memory_space<vmem>>, vector<1000x16xf32>,
    %get3A_39 = arith.constant 0 : index
    %get3A_40 = arith.constant 0 : index
    %get3A_41 = vector.load %arg5[%get3A_39, %get3A_40] : memref<16x8xf32, #tpu.memory_space<vmem>>, vector<16x8xf32>
    %dot_general3A_42 = arith.constant dense<0.000000e+00> : vector<1000x8xf32>
    %dot_general3A_43 = tpu.matmul %dot_general3A_36, %get3A_41, %dot_general3A_42 {dimension_numbers = #tpu.dot_dimension_numbers<[1], [0], [0], [1], [0, 0, 1, 1], [], []>, transpose_lhs_hint = false} : vector<1000x16xf32>, vector<16x8xf32>, vector<1000x8xf32> -> vector<1000x8xf32>
    %get3A_44 = arith.constant 0 : index
    %get3A_45 = arith.constant 0 : index
    %get3A_46 = vector.load %arg6[%get3A_44, %get3A_45] : memref<16x8xf32, #tpu.memory_space<vmem>>, vector<16x8xf32>
    %dot_general3A_47 = arith.constant dense<0.000000e+00> : vector<1000x8xf32>
    %dot_general3A_48 = tpu.matmul %dot_general3A_36, %get3A_46, %dot_general3A_47 {dimension_numbers = #tpu.dot_dimension_numbers<[1], [0], [0], [1], [0, 0, 1, 1], [], []>, transpose_lhs_hint = false} : vector<1000x16xf32>, vector<16x8xf32>, vector<1000x8xf32> -> vector<1000x8xf32>
    %swap3A_49 = arith.constant 0 : index
    %swap3A_50 = arith.constant 0 : index
    %swap3A_51 = vector.load %arg8[%swap3A_49, %swap3A_50] : memref<1000x8xf32, #tpu.memory_space<vmem>>, vector<1000x8xf32>
    tpu.vector_store %arg8[%swap3A_49, %swap3A_50], %dot_general3A_43 {strides = array<i32>} : memref<1000x8xf32, #tpu.memory_space<vmem>>, vector<1000x8xf32>,
    %swap3A_52 = arith.constant 0 : index
    %swap3A_53 = arith.constant 0 : index
    %swap3A_54 = vector.load %arg9[%swap3A_52, %swap3A_53] : memref<1000x8xf32, #tpu.memory_space<vmem>>, vector<1000x8xf32>
    tpu.vector_store %arg9[%swap3A_52, %swap3A_53], %dot_general3A_48 {strides = array<i32>} : memref<1000x8xf32, #tpu.memory_space<vmem>>, vector<1000x8xf32>,
    %reduce_max3A = arith.constant dense<0xFF800000> : vector<8xf32>
    %reduce_max3A_55 = vector.multi_reduction <maximumf>, %dot_general3A_43, %reduce_max3A [0] : vector<1000x8xf32> to vector<8xf32>
    %broadcast_in_dim3A_56 = vector.shape_cast %reduce_max3A_55 : vector<8xf32> to vector<1x8xf32>
    %broadcast_in_dim3A_57 = vector.shape_cast %broadcast_in_dim3A_56 : vector<1x8xf32> to vector<1x8xf32>
    %broadcast_in_dim3A_58 = vector.broadcast %broadcast_in_dim3A_57 : vector<1x8xf32> to vector<8x8xf32>
    %reduce_max3A_59 = arith.constant dense<0xFF800000> : vector<8xf32>
    %reduce_max3A_60 = vector.multi_reduction <maximumf>, %dot_general3A_48, %reduce_max3A_59 [0] : vector<1000x8xf32> to vector<8xf32>
    %broadcast_in_dim3A_61 = vector.shape_cast %reduce_max3A_60 : vector<8xf32> to vector<1x8xf32>
    %broadcast_in_dim3A_62 = vector.shape_cast %broadcast_in_dim3A_61 : vector<1x8xf32> to vector<1x8xf32>
    %broadcast_in_dim3A_63 = vector.broadcast %broadcast_in_dim3A_62 : vector<1x8xf32> to vector<8x8xf32>
    %eq3A = arith.constant 0 : i32
    %eq3A_64 = arith.cmpi eq, %arg0, %eq3A : i32
    %convert_element_type3A = arith.extui %eq3A_64 : i1 to i32
    %cond3A = arith.constant 0 : i32
    %cond3A_65 = arith.cmpi ne, %convert_element_type3A, %cond3A : i32
    scf.if %cond3A_65 {
      %swap3A_70 = arith.constant 0 : index
      %swap3A_71 = arith.constant 0 : index
      %swap3A_72 = vector.load %arg10[%swap3A_70, %swap3A_71] : memref<8x8xf32, #tpu.memory_space<vmem>>, vector<8x8xf32>
      tpu.vector_store %arg10[%swap3A_70, %swap3A_71], %broadcast_in_dim3A_58 {strides = array<i32>} : memref<8x8xf32, #tpu.memory_space<vmem>>, vector<8x8xf32>,
      %swap3A_73 = arith.constant 0 : index
      %swap3A_74 = arith.constant 0 : index
      %swap3A_75 = vector.load %arg11[%swap3A_73, %swap3A_74] : memref<8x8xf32, #tpu.memory_space<vmem>>, vector<8x8xf32>
      tpu.vector_store %arg11[%swap3A_73, %swap3A_74], %broadcast_in_dim3A_63 {strides = array<i32>} : memref<8x8xf32, #tpu.memory_space<vmem>>, vector<8x8xf32>,
    } else {
    }
    %gt3A = arith.constant 0 : i32
    %gt3A_66 = arith.cmpi sgt, %arg0, %gt3A : i32
    %convert_element_type3A_67 = arith.extui %gt3A_66 : i1 to i32
    %cond3A_68 = arith.constant 0 : i32
    %cond3A_69 = arith.cmpi ne, %convert_element_type3A_67, %cond3A_68 : i32
    scf.if %cond3A_69 {
      %get3A_70 = arith.constant 0 : index
      %get3A_71 = arith.constant 0 : index
      %get3A_72 = vector.load %arg10[%get3A_70, %get3A_71] : memref<8x8xf32, #tpu.memory_space<vmem>>, vector<8x8xf32>
      %max3A_73 = arith.maximumf %get3A_72, %broadcast_in_dim3A_58 : vector<8x8xf32>
      %swap3A_74 = arith.constant 0 : index
      %swap3A_75 = arith.constant 0 : index
      %swap3A_76 = vector.load %arg10[%swap3A_74, %swap3A_75] : memref<8x8xf32, #tpu.memory_space<vmem>>, vector<8x8xf32>
      tpu.vector_store %arg10[%swap3A_74, %swap3A_75], %max3A_73 {strides = array<i32>} : memref<8x8xf32, #tpu.memory_space<vmem>>, vector<8x8xf32>,
      %get3A_77 = arith.constant 0 : index
      %get3A_78 = arith.constant 0 : index
      %get3A_79 = vector.load %arg11[%get3A_77, %get3A_78] : memref<8x8xf32, #tpu.memory_space<vmem>>, vector<8x8xf32>
      %max3A_80 = arith.maximumf %get3A_79, %broadcast_in_dim3A_63 : vector<8x8xf32>
      %swap3A_81 = arith.constant 0 : index
      %swap3A_82 = arith.constant 0 : index
      %swap3A_83 = vector.load %arg11[%swap3A_81, %swap3A_82] : memref<8x8xf32, #tpu.memory_space<vmem>>, vector<8x8xf32>
      tpu.vector_store %arg11[%swap3A_81, %swap3A_82], %max3A_80 {strides = array<i32>} : memref<8x8xf32, #tpu.memory_space<vmem>>, vector<8x8xf32>,
    } else {
    }
    return
  }
  func.func @transform_0(%arg0: i32) -> (i32, i32, i32) {
    %c0_i32 = arith.constant 0 : i32
    %c0_i32_0 = arith.constant 0 : i32
    %c0_i32_1 = arith.constant 0 : i32
    return %c0_i32, %arg0, %c0_i32_0 : i32, i32, i32
  }
  func.func @transform_1(%arg0: i32) -> (i32, i32, i32) {
    %c0_i32 = arith.constant 0 : i32
    %c0_i32_0 = arith.constant 0 : i32
    %c0_i32_1 = arith.constant 0 : i32
    return %c0_i32, %arg0, %c0_i32_0 : i32, i32, i32
  }
  func.func @transform_2(%arg0: i32) -> (i32, i32) {
    %c0_i32 = arith.constant 0 : i32
    %c0_i32_0 = arith.constant 0 : i32
    %c0_i32_1 = arith.constant 0 : i32
    return %c0_i32, %c0_i32_0 : i32, i32
  }
  func.func @transform_3(%arg0: i32) -> (i32, i32) {
    %c0_i32 = arith.constant 0 : i32
    %c0_i32_0 = arith.constant 0 : i32
    %c0_i32_1 = arith.constant 0 : i32
    return %c0_i32, %c0_i32_0 : i32, i32
  }
  func.func @transform_4(%arg0: i32) -> (i32, i32) {
    %c0_i32 = arith.constant 0 : i32
    %c0_i32_0 = arith.constant 0 : i32
    %c0_i32_1 = arith.constant 0 : i32
    return %c0_i32, %c0_i32_0 : i32, i32
  }
  func.func @transform_5(%arg0: i32) -> (i32, i32) {
    %c0_i32 = arith.constant 0 : i32
    %c0_i32_0 = arith.constant 0 : i32
    %c0_i32_1 = arith.constant 0 : i32
    return %c0_i32, %c0_i32_0 : i32, i32
  }
  func.func @transform_6(%arg0: i32) -> (i32, i32) {
    %c0_i32 = arith.constant 0 : i32
    %c0_i32_0 = arith.constant 0 : i32
    return %arg0, %c0_i32 : i32, i32
  }
  func.func @transform_7(%arg0: i32) -> (i32, i32) {
    %c0_i32 = arith.constant 0 : i32
    %c0_i32_0 = arith.constant 0 : i32
    return %arg0, %c0_i32 : i32, i32
  }
  func.func @transform_8(%arg0: i32) -> (i32, i32) {
    %c0_i32 = arith.constant 0 : i32
    %c0_i32_0 = arith.constant 0 : i32
    return %arg0, %c0_i32 : i32, i32
  }
  func.func @transform_9(%arg0: i32) -> (i32, i32) {
    %c0_i32 = arith.constant 0 : i32
    %c0_i32_0 = arith.constant 0 : i32
    %c0_i32_1 = arith.constant 0 : i32
    return %c0_i32, %c0_i32_0 : i32, i32
  }
  func.func @transform_10(%arg0: i32) -> (i32, i32) {
    %c0_i32 = arith.constant 0 : i32
    %c0_i32_0 = arith.constant 0 : i32
    %c0_i32_1 = arith.constant 0 : i32
    return %c0_i32, %c0_i32_0 : i32, i32
  }
}

module attributes {stable_mosaic.version = 14 : i64} {
  func.func @_final_body(%arg0: i32, %arg1: memref<2x1000x16xf32, #tpu.memory_space<vmem>>, %arg2: memref<2x1000x8xf32, #tpu.memory_space<vmem>>, %arg3: memref<1x16xf32, #tpu.memory_space<vmem>>, %arg4: memref<1000x16xf32, #tpu.memory_space<vmem>>) attributes {dimension_semantics = [#tpu.dimension_semantics<arbitrary>], iteration_bounds = array<i64: 10>, scalar_prefetch = 0 : i64, scratch_operands = 0 : i64, tpu.core_type = #tpu.core_type<tc>, window_params = [{transform_indices = @transform_0, window_bounds = array<i64: 2, 1000, 16>}, {transform_indices = @transform_1, window_bounds = array<i64: 2, 1000, 8>}, {pipeline_mode = #tpu.pipeline_mode<synchronous>, transform_indices = @transform_2, window_bounds = array<i64: 1, 16>}, {transform_indices = @transform_3, window_bounds = array<i64: 1000, 16>}]} {
    %get3A = arith.constant 0 : index
    %get3A_0 = arith.constant 0 : index
    %get3A_1 = arith.constant 0 : index
    %get3A_2 = vector.load %arg2[%get3A, %get3A_0, %get3A_1] : memref<2x1000x8xf32, #tpu.memory_space<vmem>>, vector<1x1000x1xf32>
    %get3A_3 = vector.shape_cast %get3A_2 : vector<1x1000x1xf32> to vector<1000x1xf32>
    %get3A_4 = arith.constant 1 : index
    %get3A_5 = arith.constant 0 : index
    %get3A_6 = arith.constant 0 : index
    %get3A_7 = vector.load %arg2[%get3A_4, %get3A_5, %get3A_6] : memref<2x1000x8xf32, #tpu.memory_space<vmem>>, vector<1x1000x1xf32>
    %get3A_8 = vector.shape_cast %get3A_7 : vector<1x1000x1xf32> to vector<1000x1xf32>
    %add3A = arith.addf %get3A_3, %get3A_8 : vector<1000x1xf32>
    %add3A_9 = arith.constant 1.000000e-16 : f32
    %add3A_10 = vector.broadcast %add3A_9 : f32 to vector<1000x1xf32>
    %add3A_11 = arith.addf %add3A, %add3A_10 : vector<1000x1xf32>
    %div3A = arith.constant 1.000000e+00 : f32
    %div3A_12 = vector.broadcast %div3A : f32 to vector<1000x1xf32>
    %div3A_13 = arith.divf %div3A_12, %add3A_11 : vector<1000x1xf32>
    %get3A_14 = arith.constant 0 : index
    %get3A_15 = arith.constant 0 : index
    %get3A_16 = arith.constant 0 : index
    %get3A_17 = vector.load %arg1[%get3A_14, %get3A_15, %get3A_16] : memref<2x1000x16xf32, #tpu.memory_space<vmem>>, vector<1x1000x16xf32>
    %get3A_18 = vector.shape_cast %get3A_17 : vector<1x1000x16xf32> to vector<1000x16xf32>
    %get3A_19 = arith.constant 1 : index
    %get3A_20 = arith.constant 0 : index
    %get3A_21 = arith.constant 0 : index
    %get3A_22 = vector.load %arg1[%get3A_19, %get3A_20, %get3A_21] : memref<2x1000x16xf32, #tpu.memory_space<vmem>>, vector<1x1000x16xf32>
    %get3A_23 = vector.shape_cast %get3A_22 : vector<1x1000x16xf32> to vector<1000x16xf32>
    %add3A_24 = arith.addf %get3A_18, %get3A_23 : vector<1000x16xf32>
    %mul3A = vector.broadcast %div3A_13 : vector<1000x1xf32> to vector<1000x16xf32>
    %mul3A_25 = arith.mulf %add3A_24, %mul3A : vector<1000x16xf32>
    %get3A_26 = arith.constant 0 : index
    %get3A_27 = arith.constant 0 : index
    %get3A_28 = vector.load %arg3[%get3A_26, %get3A_27] : memref<1x16xf32, #tpu.memory_space<vmem>>, vector<1x16xf32>
    %add3A_29 = vector.broadcast %get3A_28 : vector<1x16xf32> to vector<1000x16xf32>
    %add3A_30 = arith.addf %mul3A_25, %add3A_29 : vector<1000x16xf32>
    %swap3A = arith.constant 0 : index
    %swap3A_31 = arith.constant 0 : index
    %swap3A_32 = vector.load %arg4[%swap3A, %swap3A_31] : memref<1000x16xf32, #tpu.memory_space<vmem>>, vector<1000x16xf32>
    tpu.vector_store %arg4[%swap3A, %swap3A_31], %add3A_30 {strides = array<i32>} : memref<1000x16xf32, #tpu.memory_space<vmem>>, vector<1000x16xf32>,
    return
  }
  func.func @transform_0(%arg0: i32) -> (i32, i32, i32) {
    %c0_i32 = arith.constant 0 : i32
    %c0_i32_0 = arith.constant 0 : i32
    %c0_i32_1 = arith.constant 0 : i32
    return %c0_i32, %arg0, %c0_i32_0 : i32, i32, i32
  }
  func.func @transform_1(%arg0: i32) -> (i32, i32, i32) {
    %c0_i32 = arith.constant 0 : i32
    %c0_i32_0 = arith.constant 0 : i32
    %c0_i32_1 = arith.constant 0 : i32
    return %c0_i32, %arg0, %c0_i32_0 : i32, i32, i32
  }
  func.func @transform_2(%arg0: i32) -> (i32, i32) {
    %c0_i32 = arith.constant 0 : i32
    %c0_i32_0 = arith.constant 0 : i32
    %c0_i32_1 = arith.constant 0 : i32
    return %c0_i32, %c0_i32_0 : i32, i32
  }
  func.func @transform_3(%arg0: i32) -> (i32, i32) {
    %c0_i32 = arith.constant 0 : i32
    %c0_i32_0 = arith.constant 0 : i32
    return %arg0, %c0_i32 : i32, i32
  }
}

</mosaic_0001>

<sc_bundles>
// kernel: kernel.10.cloned.1.call-start
scs
__scs_entry_jumppad:
0x0: {  	(pc) =	sbr.rel $0x88, $3  }
0x1: {  	(tag) =	ssettag $0x0;
	lr =	simm.s32 $0x1  }
0x2: {  	[smem:$0x3F97] =	sst lr;
	_ =	strace $0xD0000000  }
0x3: {  	_ = 	snop  }
0x4: {  	_ = 	snop  }
0x5: {  	_ = 	snop  }
0x6: {  	_ = 	snop  }
0x7: {  	_ = 	snop  }
__scs_overlays_trampoline_lowered:
0x8: {  	[smem:$0x3FA6] =	sst s0  }
0x9: {  	[smem:$0x3FA7] =	sst s1  }
0xa: {  	[smem:$0x3FA8] =	sst s2  }
0xb: {  	[smem:$0x3FA9] =	sst s3  }
0xc: {  	[smem:$0x3FAA] =	sst s4  }
0xd: {  	[smem:$0x3FAB] =	sst s5  }
0xe: {  	[smem:$0x3FAC] =	sst s6  }
0xf: {  	[smem:$0x3FAD] =	sst s7  }
0x10: {  	[smem:$0x3FAE] =	sst s8  }
0x11: {  	[smem:$0x3FAF] =	sst s9;
	s0 =	simm.s32 @!p0 $0x0  }
0x12: {  	s1 =	sld [smem:$0x3F95];
	s0 =	simm.s32 @p0 $0x1  }
0x13: {  	[smem:$0x3FB0] =	sst s0;
	s0 =	simm.s32 @!p1 $0x0  }
0x14: {  	s2 =	sld [smem:$0x3F94];
	s0 =	simm.s32 @p1 $0x1  }
0x15: {  	[smem:$0x3FB1] =	sst s0;
	s0 =	simm.s32 @!p2 $0x0  }
0x16: {  	s3 =	sld [smem:$0x3FDB];
	s0 =	simm.s32 @p2 $0x1  }
0x17: {  	s4 =	simm.s32 $0x1BF5;
	[smem:$0x3FB3] =	sst s0  }
0x18: {  	s0 =	sld [smem:$0x3F96];
	_ =	swait.ge [sflag:s4], $0x0  }
0x19: {  	s7 =	sld [smem:$0x3F97]  }
0x1a: {  	s8 =	sadd.s32 $0xFFFFE003, lr  }
0x1b: {  	s9 =	sadd.s32 $0xFFFFFEF7, lr;
	s5 =	simm.s32 $0xFFFFFFFF;
	p2 =	slt.u32 s8, $0xFFFFF086  }
0x1c: {  	p1 =	slt.u32 s9, $0xF7A;
	s5 =	simm.s32 @!p2 $0x0  }
0x1d: {  	s5 =	simm.s32 @p1 $0x1;
	p0 =	seq.s32 s7, s2  }
0x1e: {  	s7 =	smul.u32 @!p0 $0xF7A, s2;
	p2 =	seq.s32 @!p0 s5, $0x0  }
0x1f: {  	s9 =	smul.u32 $0xF7A, s1;
	s8 =	simm.s32 @!p0 $0x1BF5;
	p2 =	por !p2, p0  }
0x20: {  	[sflag:s8] =	ssyncset.s32 @!p0 $0xFFFFF086;
	s6 =	sadd.s32 @!p0 s3, s7;
	s7 =	simm.s32 @!p0 $0x108  }
0x21: {  	s3 =	sadd.s32 s3, s9;
	s6 =	sadd.s32 @!p0 $0x88, s6;
	s7 =	simm.s32 @p2 $0x1082  }
0x22: {  	[simem:s7], [sflag:s8] =	dma.local @!p0 [hbm:s6], $0xF7A  }
0x23: {  	s9 =	sor.u32 $0xD0000000, s2;
	s6 =	simm.s32 $0x108;
	_ =	swait.ge @!p0 [sflag:s8], $0x0  }
0x24: {  	s3 =	sadd.s32 $0x88, s3;
	s6 =	simm.s32 @!p1 $0x1082;
	[sflag:s4] =	ssyncset.s32 $0xFFFFF086  }
0x25: {  	[simem:s6], [sflag:s4] =	dma.local [hbm:s3], $0xF7A  }
0x26: {  	[smem:$0x3F97] =	sst s1;
	(tag) =	ssettag s2;
	_ =	strace s9  }
0x27: {  	s1 =	sld [smem:$0x3FA7]  }
0x28: {  	s2 =	sld [smem:$0x3FA8]  }
0x29: {  	s4 =	sld [smem:$0x3FAA]  }
0x2a: {  	p0 =	seq.s32 s5, $0x0;
	s5 =	sld [smem:$0x3FAB]  }
0x2b: {  	s6 =	sld [smem:$0x3FAC]  }
0x2c: {  	s7 =	sld [smem:$0x3FAD]  }
0x2d: {  	s3 =	simm.s32 $0x108;
	s8 =	sld [smem:$0x3FAE]  }
0x2e: {  	s3 =	simm.s32 @!p0 $0x1082;
	s9 =	sld [smem:$0x3FAF]  }
0x2f: {  	lr =	sadd.s32 s0, s3;
	s0 =	sld [smem:$0x3FA6]  }
0x30: {  	s3 =	sld [smem:$0x3FA9]  }
0x31: {  	[smem:$0x3FB2] =	sst s10  }
0x32: {  	s10 =	sld [smem:$0x3FB0];
	_ =	sdelay $0x3  }
0x33: {  	p0 =	seq.s32 s10, $0x1;
	s10 =	sld [smem:$0x3FB2];
	_ =	sdelay $0x3  }
0x34: {  	[smem:$0x3FB2] =	sst s10  }
0x35: {  	s10 =	sld [smem:$0x3FB1];
	_ =	sdelay $0x3  }
0x36: {  	p1 =	seq.s32 s10, $0x1;
	s10 =	sld [smem:$0x3FB2];
	_ =	sdelay $0x3  }
0x37: {  	[smem:$0x3FB2] =	sst s10  }
0x38: {  	s10 =	sld [smem:$0x3FB3]  }
0x39: {  	_ = 	snop;
	(pc) =	sbr.ind lr, $3  }
0x3a: {  	_ = 	snop  }
0x3b: {  	_ = 	snop  }
0x3c: {  	p2 =	seq.s32 s10, $0x1;
	s10 =	sld [smem:$0x3FB2]  }
0x3d: {  	_ =	shalt  }
0x3e: {  	_ =	shalt  }
0x3f: {  	_ =	shalt  }
0x40: {  	_ =	shalt  }
0x41: {  	_ =	shalt  }
0x42: {  	_ =	shalt  }
0x43: {  	_ =	shalt  }
0x44: {  	_ =	shalt  }
0x45: {  	_ =	shalt  }
0x46: {  	_ =	shalt  }
0x47: {  	_ =	shalt  }
0x48: {  	_ =	shalt  }
0x49: {  	_ =	shalt  }
0x4a: {  	_ =	shalt  }
0x4b: {  	_ =	shalt  }
0x4c: {  	_ =	shalt  }
0x4d: {  	_ =	shalt  }
0x4e: {  	_ =	shalt  }
0x4f: {  	_ =	shalt  }
0x50: {  	_ =	shalt  }
0x51: {  	_ =	shalt  }
0x52: {  	_ =	shalt  }
0x53: {  	_ =	shalt  }
0x54: {  	_ =	shalt  }
0x55: {  	_ =	shalt  }
0x56: {  	_ =	shalt  }
0x57: {  	_ =	shalt  }
0x58: {  	_ =	shalt  }
0x59: {  	_ =	shalt  }
0x5a: {  	_ =	shalt  }
0x5b: {  	_ =	shalt  }
0x5c: {  	_ =	shalt  }
0x5d: {  	_ =	shalt  }
0x5e: {  	_ =	shalt  }
0x5f: {  	_ =	shalt  }
0x60: {  	_ =	shalt  }
0x61: {  	_ =	shalt  }
0x62: {  	_ =	shalt  }
0x63: {  	_ =	shalt  }
0x64: {  	_ =	shalt  }
0x65: {  	_ =	shalt  }
0x66: {  	_ =	shalt  }
0x67: {  	_ =	shalt  }
0x68: {  	_ =	shalt  }
0x69: {  	_ =	shalt  }
0x6a: {  	_ =	shalt  }
0x6b: {  	_ =	shalt  }
0x6c: {  	_ =	shalt  }
0x6d: {  	_ =	shalt  }
0x6e: {  	_ =	shalt  }
0x6f: {  	_ =	shalt  }
0x70: {  	_ =	shalt  }
0x71: {  	_ =	shalt  }
0x72: {  	_ =	shalt  }
0x73: {  	_ =	shalt  }
0x74: {  	_ =	shalt  }
0x75: {  	_ =	shalt  }
0x76: {  	_ =	shalt  }
0x77: {  	_ =	shalt  }
0x78: {  	_ =	shalt  }
0x79: {  	_ =	shalt  }
0x7a: {  	_ =	shalt  }
0x7b: {  	_ =	shalt  }
0x7c: {  	_ =	shalt  }
0x7d: {  	_ =	shalt  }
0x7e: {  	_ =	shalt  }
0x7f: {  	_ =	shalt  }
0x80: {  	_ =	shalt  }
0x81: {  	_ =	shalt  }
0x82: {  	_ =	shalt  }
0x83: {  	_ =	shalt  }
0x84: {  	_ =	shalt  }
0x85: {  	_ =	shalt  }
0x86: {  	_ =	shalt  }
0x87: {  	_ =	shalt  }
.Lfunc_end0:
.L_simem_size_0:
called_computation.1_lowered:
.L_overlay_start_0:
0x88: {  	s2 =	sld [smem:$0x3FD9]  }
0x89: {  	s3 =	sld [smem:$0x3FFE];
	_ =	sdelay $0x1  }
0x8a: {  	s1 =	srdreg.scid  }
0x8b: {  	s0 =	sand.u32 $0x1, s1  }
0x8c: {  	s17 =	sshll.u32 s0, $0xA;
	s2 =	sadd.s32 s3, s2  }
0x8d: {  	s2 =	sadd.s32 s2, s17  }
0x8e: {  	[smem:$0x3FBE] =	sst s2  }
0x8f: {  	_ = 	snop  }
0x90: {  	s2 =	sld [smem:$0x3FD0];
	(tm) =	ssettm $0x1  }
0x91: {  	s18 =	sld [smem:$0x3FFB];
	_ =	sdelay $0x3  }
0x92: {  	_ =	strace s18  }
0x93: {  	s3 =	sld [smem:$0x3FFC];
	_ =	sdelay $0x3  }
0x94: {  	_ =	strace s3  }
0x95: {  	s3 =	sld [smem:$0x3FFD];
	_ =	sdelay $0x3  }
0x96: {  	_ =	strace s3  }
0x97: {  	_ =	strace $0x8FFFFFFF  }
0x98: {  	s19 =	sld [smem:$0x3FDB];
	_ =	sdelay $0x1  }
0x99: {  	s4 =	simm.s32 $_scs_section_size  }
0x9a: {  	s5 =	simm.s32 $_size__tile_overlayer_lowered;
	s6 =	simm.s32 $_tile_overlayer_lowered  }
0x9b: {  	s22 =	simm.s32 $0x1BFF;
	s21 =	sshll.u32 s6, $0x1;
	s3 =	sadd.s32 s4, s19  }
0x9c: {  	s7 =	simm.s32 $0x0;
	s20 =	sshll.u32 s5, $0x1;
	s5 =	sadd.s32 s21, s3  }
0x9d: {  	[timem:s7], [sflag:s22] =	dma.local [hbm:s5], s20  }
0x9e: {  	_ =	swait.ge [sflag:s22], s20  }
0x9f: {  	s4 =	ssub.s32 $0x0, s20;
	[sflag:s22] =	ssyncset.done $0x0  }
0xa0: {  	[sflag:s22] =	ssyncadd.s32 s4;
	_ =	sdelay $0x1  }
0xa1: {  	s23 =	simm.s32 $0x1B8B  }
0xa2: {  	_ =	swait.ge [sflag:s23], $0x1  }
0xa3: {  	[sflag:s23] =	ssyncset.done $0x0  }
0xa4: {  	s25 =	simm.s32 $0x1B8E;
	s24 =	sld [smem:$0x3FFE];
	[sflag:s23] =	ssyncadd.s32 $0xFFFFFFFF  }
0xa5: {  	s26 =	simm.s32 $execute0_lowered;
	[smem:$0x3FD2] =	sst s25  }
0xa6: {  	s5 =	sshll.u32 s26, $0x1;
	_ =	strace $0x80000049;
	[dreg:$0x1] =	wrdreg $0xFFFFFFFF  }
0xa7: {  	s28 =	simm.s32 $_size_execute0_lowered;
	s3 =	sadd.s32 s3, s5;
	[dreg:$0x0] =	wrdreg $0x0  }
0xa8: {  	s5 =	sshll.u32 s28, $0x1;
	[dreg:$0x2] =	wrdreg s3  }
0xa9: {  	[dreg:$0x3] =	wrdreg s5  }
0xaa: {  	[dreg:$0x4] =	wrdreg $0xC0  }
0xab: {  	_ =	task [dreg:s7], $0x5FFFF  }
0xac: {  	[dreg:$0x1] =	wrdreg $0xFFFFFFFF  }
0xad: {  	[dreg:$0x0] =	wrdreg $0x60  }
0xae: {  	[dreg:$0x2] =	wrdreg s24  }
0xaf: {  	[dreg:$0x3] =	wrdreg s2  }
0xb0: {  	[dreg:$0x4] =	wrdreg $0x66100  }
0xb1: {  	[dreg:$0x5] =	wrdreg $0x79980  }
0xb2: {  	[dreg:$0x6] =	wrdreg $0x9  }
0xb3: {  	_ =	task.clear_ibuf [dreg:s7], $0x7FFFF;
	_ =	strace $0x90000049  }
0xb4: {  	s29 =	simm.s32 $0x9;
	_ =	strace $0x8000004B  }
0xb5: {  	_ =	swait.ge [sflag:s29], $0x1  }
0xb6: {  	[sflag:s29] =	ssyncadd.s32 $0xFFFFFFFF  }
0xb7: {  	_ =	strace $0x9000004B  }
0xb8: {  	_ =	sfence  }
0xb9: {  	s30 =	sld [smem:$0x0];
	_ =	sdelay $0x2  }
0xba: {  	s31 =	sshll.u32 s1, $0xD;
	s1 =	sshrl.u32 s1, $0x2  }
0xbb: {  	s3 =	sand.u32 $0x4000, s31;
	s1 =	sadd.s32 s1, s30  }
0xbc: {  	s0 =	sor.u32 s3, s0;
	s1 =	sshll.u32 s1, $0x11  }
0xbd: {  	s0 =	sor.u32 s1, s0  }
0xbe: {  	s0 =	sadd.s32 $0x8F2B, s0  }
0xbf: {  	[sflag:s0] =	ssyncadd.remote.s32 $0x1  }
0xc0: {  	_ =	sfence.sel $0xFFFF  }
0xc1: {  	[dreg:$0x0] =	wrdreg $0xFFFFFFFF;
	(pc) =	sbr.abs _section_cstart, $3  }
0xc2: {  	[dreg:$0x1] =	wrdreg $0xFFFFFFFF  }
0xc3: {  	_ =	task.clear_ibuf [dreg:s7], $0x2FFFF;
	_ =	strace $0x9FFFFFFF  }
0xc4: {  	(tm) =	ssettm $0x7FFFFFFF  }
0xc5: {  	_ =	shalt  }
tec
execute0_lowered:
.L_overlay_start_1:
0x0: {  	(tag) =	ssettag $0x1  }
0x1: {  	s1 =	rddreg [dreg:$0x0]  }
0x2: {  	s19 =	rddreg [dreg:$0x1]  }
0x3: {  	s2 =	srdreg.scid;
	s14 =	rddreg [dreg:$0x2]  }
0x4: {  	s15 =	rddreg [dreg:$0x3];
	s0 =	stileid.u32;
	s4 =	simm.s32 $0x0  }
0x5: {  	s29 =	simm.s32 $0x80;
	s30 =	simm.s32 $0x2A00;
	s31 =	simm.s32 $0x3600  }
0x6: {  	s28 =	simm.s32 $0x4A00;
	s2 =	sand.u32 $0x1, s2;
	[smem:$0x7FF] =	sst s4  }
0x7: {  	s23 =	smul.u32 $0x278, s0;
	s7 =	sadd.s32 $0xF200, s1;
	s8 =	sadd.s32 $0xCA00, s1  }
0x8: {  	s9 =	sadd.s32 $0x2800, s1;
	s11 =	sadd.s32 $0x2600, s1;
	s12 =	sadd.s32 $0x59800, s1  }
0x9: {  	s13 =	sadd.s32 $0x11A00, s1;
	s17 =	sshll.u32 s0, $0x6;
	s4 =	simm.s32 $0x0  }
0xa: {  	_ =	strace $0x8000004A;
	s5 =	smul.u32 $0x27100, s2;
	[dreg:$0x5] =	wrdreg s11  }
0xb: {  	s3 =	sshll.u32 s2, $0x4;
	[dreg:$0x6] =	wrdreg s12;
	s26 =	smul.u32 $0x2710, s2  }
0xc: {  	[dreg:$0x7] =	wrdreg s13;
	s2 =	ssub.s32 $0x2, s2;
	s3 =	sor.u32 s0, s3  }
0xd: {  	s11 =	simm.s32 $0x4;
	s13 =	sshrl.u32 s2, $0x1;
	s6 =	smul.u32 $0x2880, s3  }
0xe: {  	s3 =	smin.u32 s23, $0x2498;
	s12 =	sadd.s32 s26, s1;
	s2 =	ssub.s32 s2, s13  }
0xf: {  	s13 =	sor.u32 $0x1C0A, s17;
	s17 =	simm.s32 $0x4600;
	s25 =	sshll.u32 s3, $0x4  }
0x10: {  	s16 =	sshll.u32 s3, $0x3;
	s3 =	sadd.s32 s3, s12;
	s26 =	smax.u32 s2, $0x1  }
0x11: {  	s2 =	simm.s32 $0x2E00;
	s12 =	simm.s32 $0x4200;
	[dreg:$0x8] =	wrdreg s13  }
0x12: {  	s24 =	sshrl.u32 s6, $0x3;
	s5 =	sadd.s32 s5, s25;
	s20 =	sadd.s32 s25, s15  }
0x13: {  	s22 =	sadd.s32 $0x180, s6;
	s23 =	sadd.s32 $0x200, s6;
	[dreg:$0x11] =	wrdreg s26  }
0x14: {  	s26 =	simm.s32 $0x6;
	s10 =	sadd.s32 s24, s1;
	[dreg:$0xa] =	wrdreg s20  }
0x15: {  	s5 =	sshrl.u32 s5, $0x3;
	s18 =	sadd.s32 s9, s24;
	[dreg:$0xd] =	wrdreg s22  }
0x16: {  	[dreg:$0xe] =	wrdreg s23;
	s24 =	sadd.s32 $0x12000, s3;
	s3 =	simm.s32 $0xA  }
0x17: {  	s20 =	simm.s32 $0x2980;
	s22 =	simm.s32 $0x3E00;
	[dreg:$0x9] =	wrdreg s18  }
0x18: {  	s23 =	simm.s32 $0x7;
	s21 =	sadd.s32 $0x4F600, s10;
	[dreg:$0xf] =	wrdreg s24  }
0x19: {  	v1 =	vlaneseq.u32;
	s1 =	sadd.s32 s5, s1;
	s0 =	sadd.s32 $0x10, s18;
	[dreg:$0xb] =	wrdreg s21  }
0x1a: {  	v0 =	vshrl.u32 v1, $0x3;
	s5 =	sadd.s32 s16, s14;
	[dreg:$0xc] =	wrdreg s0;
	s25 =	sadd.s32 $0x17000, s1  }
0x1b: {  	v0 =	vmul.u32 $0x8, v0;
	s16 =	simm.s32 $0x5;
	s1 =	sshrl.u32 s5, $0x3;
	[dreg:$0x10] =	wrdreg s25  }
0x1c: {  	v1 =	vand.u32 $0x7, v1;
	s21 =	simm.s32 $0x3200;
	s25 =	simm.s32 $0x3A00;
	[dreg:$0x12] =	wrdreg s1  }
.LBB2_1:
0x1d: {  	[dreg:$0x13] =	wrdreg s4  }
0x1e: {  	s0 =	rddreg [dreg:$0x6]  }
0x1f: {  	[spmem:s1], [sflag:s13] =	dma.local [hbm:s0], $0x278  }
0x20: {  	_ =	swait.ge [sflag:s3], $0x278  }
0x21: {  	s14 =	rddreg [dreg:$0xa]  }
0x22: {  	[sflag:s3] =	ssyncset.done $0x0;
	s18 =	rddreg [dreg:$0x7];
	s15 =	sshrl.u32 s14, $0x3  }
0x23: {  	[sflag:s3] =	ssyncadd.s32 $0xFFFFFD88;
	[dreg:$0x14] =	wrdreg s15  }
0x24: {  	[spmem:s15], [sflag:s13] =	dma.local [hbm:s18], $0x4F0  }
0x25: {  	_ =	swait.ge [sflag:s3], $0x4F0  }
0x26: {  	[sflag:s3] =	ssyncset.done $0x0  }
0x27: {  	s24 =	simm.s32 $0x0;
	s4 =	rddreg [dreg:$0xb];
	[sflag:s3] =	ssyncadd.s32 $0xFFFFFB10  }
0x28: {  	[tilespmem:s24], [sflag:$0xA] =	stream.linear.gather [hbm4b:s4+s24], $0x2880, $0x38;
	[tilespmem:$0xA0A8] =	vst v63  }
0x29: {  	_ =	swait.ge [sflag:s3], $0x2880  }
0x2a: {  	[sflag:s3] =	ssyncset.done $0x0  }
0x2b: {  	s10 =	simm.s32 $0x6600;
	s5 =	rddreg [dreg:$0x5];
	[sflag:s3] =	ssyncadd.s32 $0xFFFFD780  }
0x2c: {  	[tilespmem:s10], [sflag:$0xA] =	stream.linear.gather [hbm4b:s5+s24], $0x10, $0x38;
	[tilespmem:$0xA0A8] =	vst v63  }
0x2d: {  	_ =	swait.ge [sflag:s3], $0x10  }
0x2e: {  	[sflag:s3] =	ssyncset.done $0x0  }
0x2f: {  	[sflag:s3] =	ssyncadd.s32 $0xFFFFFFF0  }
0x30: {  	[bflag:$0x0] =	sbarrier.arrive $0xFFFF  }
0x31: {  	s14 =	simm.s32 $0x2880;
	s13 =	rddreg [dreg:$0x9]  }
0x32: {  	[tilespmem:s14], [sflag:$0xA] =	stream.linear.gather [hbm4b:s13+s24], $0x80, $0x38;
	[tilespmem:$0xA0A8] =	vst v63  }
0x33: {  	_ =	swait.ge [sflag:s3], $0x80  }
0x34: {  	[sflag:s3] =	ssyncset.done $0x0  }
0x35: {  	s5 =	simm.s32 $0x2900;
	s15 =	rddreg [dreg:$0xc];
	[sflag:s3] =	ssyncadd.s32 $0xFFFFFF80  }
0x36: {  	[tilespmem:s5], [sflag:$0xA] =	stream.linear.gather [hbm4b:s15+s24], $0x80, $0x38;
	[tilespmem:$0xA0A8] =	vst v63  }
0x37: {  	_ =	swait.ge [sflag:s3], $0x80  }
0x38: {  	[sflag:s3] =	ssyncset.done $0x0  }
0x39: {  	[sflag:s3] =	ssyncadd.s32 $0xFFFFFF80  }
0x3a: {  	[tilespmem:s30], [sflag:$0x4] =	stream.indirect.gather [hbm4b:s7+s29], $0x8, s14, s29, $0xb8;
	[tilespmem:$0xA0A8] =	vst v63  }
0x3b: {  	_ = 	snop  }
0x3c: {  	[tilespmem:s31], [sflag:$0x4] =	stream.indirect.gather [hbm4b:s8+s29], $0x8, s24, s29, $0xb8;
	[tilespmem:$0xA0A8] =	vst v63  }
0x3d: {  	s18 =	simm.s32 $0x4E00  }
0x3e: {  	[tilespmem:s18], [sflag:$0x4] =	stream.indirect.gather [hbm4b:s19+s29], $0x10, s14, s29, $0xb8;
	[tilespmem:$0xA0A8] =	vst v63  }
0x3f: {  	_ = 	snop  }
0x40: {  	[tilespmem:s2], [sflag:$0x5] =	stream.indirect.gather [hbm4b:s7+s29], $0x8, s5, s29, $0xb8;
	[tilespmem:$0xA0A8] =	vst v63  }
0x41: {  	_ = 	snop  }
0x42: {  	[tilespmem:s25], [sflag:$0x5] =	stream.indirect.gather [hbm4b:s8+s29], $0x8, s29, s29, $0xb8;
	[tilespmem:$0xA0A8] =	vst v63  }
0x43: {  	s13 =	simm.s32 $0x0;
	s24 =	simm.s32 $0x5600  }
0x44: {  	[tilespmem:s24], [sflag:$0x5] =	stream.indirect.gather [hbm4b:s19+s29], $0x10, s5, s29, $0xb8;
	[tilespmem:$0xA0A8] =	vst v63  }
.LBB2_2:
0x45: {  	_ =	swait.ge [sflag:s11], $0x400;
	s1 =	simm.s32 $0x0  }
0x46: {  	[sflag:s11] =	ssyncset.done $0x0;
	v2 =	vmov s1  }
0x47: {  	[sflag:s11] =	ssyncadd.s32 $0xFFFFFC00;
	v2 =	vshll.u32 v2, $0x3  }
0x48: {  	_ =	swait.ge [sflag:s11], $0x400;
	v2 =	vor.u32 v0, v2  }
0x49: {  	[sflag:s11] =	ssyncset.done $0x0;
	v2 =	vor.u32 v1, v2  }
0x4a: {  	[sflag:s11] =	ssyncadd.s32 $0xFFFFFC00  }
0x4b: {  	_ =	swait.ge [sflag:s11], $0x800  }
0x4c: {  	[sflag:s11] =	ssyncset.done $0x0  }
0x4d: {  	[sflag:s11] =	ssyncadd.s32 $0xFFFFF800  }
0x4e: {  	v4 =	vld.idx.msk [tilespmem:v2+s31+$0x0], $0xffff  }
0x4f: {  	v5 =	vld.idx.msk [tilespmem:v2+s30+$0x0], $0xffff;
	_ =	sdelay $0x4  }
0x50: {  	v3 =	vld [tilespmem:$0x6600];
	v4 =	vadd.f32 v4, v5;
	_ =	sdelay $0x1  }
0x51: {  	v5 =	vmul.f32 $2.000000030e-01, v4;
	_ =	sdelay $0x1  }
0x52: {  	v4 =	vmax.f32 v4, v5  }
0x53: {  	v4 =	vsub.f32 v4, v3;
	_ =	sdelay $0x1  }
0x54: {  	v4 =	vmul.f32 $1.442695020e+00, v4;
	_ =	sdelay $0x1  }
0x55: {  	(erf) = vpow2.f32 v4;
	_ =	sdelay $0x2  }
0x56: {  	s5 =	smul.u32 $0x180, s13;
	s10 =	simm.s32 $0x2  }
0x57: {  	v5 =	vmov s10  }
0x58: {  	s3 =	simm.s32 $0x4;
	s14 =	sadd.s32 s6, s5;
	v4 =	vshll.u32 v5, $0x3  }
.LBB2_3:
0x59: {  	p0 =	sne.s32 s3, $0x7E;
	v4 =	vor.u32 v0, v4  }
0x5a: {  	v4 =	vor.u32 v1, v4  }
0x5b: {  	s4 =	sor.u32 s14, s1;
	s1 =	smov.u32 s10;
	s10 =	smov.u32 s3  }
0x5c: {  	p1 =	slt.u32 s4, $0x50910;
	v5 =	vpop (erf)  }
0x5d: {  	v5 =	vpsel !p1, $0x0, v5  }
0x5e: {  	[tilespmem:v2+s12+$0x0] =	vst.idx.msk $0xffff, v5;
	v2 =	vmov v4  }
0x5f: {  	v5 =	vld.idx.msk [tilespmem:v4+s31+$0x0], $0xffff  }
0x60: {  	v4 =	vld.idx.msk [tilespmem:v4+s30+$0x0], $0xffff;
	_ =	sdelay $0x5  }
0x61: {  	v4 =	vadd.f32 v5, v4;
	_ =	sdelay $0x1  }
0x62: {  	v5 =	vmul.f32 $2.000000030e-01, v4;
	_ =	sdelay $0x1  }
0x63: {  	v4 =	vmax.f32 v4, v5  }
0x64: {  	v4 =	vsub.f32 v4, v3;
	_ =	sdelay $0x1  }
0x65: {  	v4 =	vmul.f32 $1.442695020e+00, v4;
	_ =	sdelay $0x1  }
0x66: {  	(erf) = vpow2.f32 v4  }
.Ltmp0:
0x67: {  	(pc) =	sbr.rel @p0 .LBB2_3-.Ltmp0, $3  }
0x68: {  	_ =	sdelay $0x1  }
0x69: {  	v4 =	vmov s3  }
0x6a: {  	s3 =	sadd.s32 $0x2, s3;
	v4 =	vshll.u32 v4, $0x3  }
0x6b: {  	v4 =	vor.u32 v0, v4  }
0x6c: {  	v4 =	vor.u32 v1, v4  }
0x6d: {  	s1 =	sor.u32 s14, s1  }
0x6e: {  	p0 =	slt.u32 s1, $0x50910;
	v5 =	vpop (erf)  }
0x6f: {  	v5 =	vpsel !p0, $0x0, v5  }
0x70: {  	[tilespmem:v2+s12+$0x0] =	vst.idx.msk $0xffff, v5  }
0x71: {  	v2 =	vld.idx.msk [tilespmem:v4+s31+$0x0], $0xffff  }
0x72: {  	v5 =	vld.idx.msk [tilespmem:v4+s30+$0x0], $0xffff;
	_ =	sdelay $0x4  }
0x73: {  	v2 =	vadd.f32 v2, v5;
	_ =	sdelay $0x1  }
0x74: {  	v5 =	vmul.f32 $2.000000030e-01, v2;
	_ =	sdelay $0x1  }
0x75: {  	v2 =	vmax.f32 v2, v5  }
0x76: {  	v2 =	vsub.f32 v2, v3;
	_ =	sdelay $0x1  }
0x77: {  	v2 =	vmul.f32 $1.442695020e+00, v2;
	_ =	sdelay $0x1  }
0x78: {  	(erf) = vpow2.f32 v2;
	_ =	sdelay $0x7  }
0x79: {  	s4 =	sor.u32 s14, s10  }
0x7a: {  	s10 =	smul.u32 $0x600, s13;
	p6 =	slt.u32 s4, $0x50910;
	v2 =	vpop (erf)  }
0x7b: {  	p0 =	seq.s32 s13, $0x0;
	v2 =	vpsel !p6, $0x0, v2  }
0x7c: {  	s0 =	rddreg [dreg:$0x2];
	s1 =	sshra.s32 s10, $0x2;
	s3 =	simm.s32 @!p0 $0x8;
	[tilespmem:v4+s12+$0x0] =	vst.idx.msk $0xffff, v2  }
0x7d: {  	[spmem:s0] =	stream.indirect.scatter.add.f32 [tilespmem:s12], [sflag:$0x7], $0x8, s1, s29, $0xb8;
	[tilespmem:$0xA0A8] =	vst v63  }
0x7e: {  	_ =	swait.ge @!p0 [sflag:s3], $0x400  }
0x7f: {  	[sflag:s3] =	ssyncset.done @!p0 $0x0  }
0x80: {  	[sflag:s3] =	ssyncadd.s32 @!p0 $0xFFFFFC00  }
0x81: {  	_ =	swait.ge @!p0 [sflag:s3], $0x800  }
0x82: {  	[sflag:s3] =	ssyncset.done @!p0 $0x0  }
0x83: {  	[sflag:s3] =	ssyncadd.s32 @!p0 $0xFFFFF800;
	s3 =	simm.s32 @!p0 $0x2  }
0x84: {  	_ =	swait.ge @!p0 [sflag:s3], $0x80  }
0x85: {  	s4 =	simm.s32 @!p0 $0x2900;
	[sflag:s3] =	ssyncset.done @!p0 $0x0  }
0x86: {  	s10 =	simm.s32 @!p0 $0x2E00;
	[sflag:s3] =	ssyncadd.s32 @!p0 $0xFFFFFF80;
	s3 =	simm.s32 @!p0 $0x80  }
0x87: {  	[tilespmem:s10], [sflag:$0x5] =	stream.indirect.gather @!p0 [hbm4b:s7+s3], $0x8, s4, s3, $0xb8;
	[tilespmem:$0xA0A8] =	vst v63  }
0x88: {  	s14 =	simm.s32 @!p0 $0x3A00;
	s10 =	sadd.s32 @!p0 $0x80, s1  }
0x89: {  	[tilespmem:s14], [sflag:$0x5] =	stream.indirect.gather @!p0 [hbm4b:s8+s3], $0x8, s10, s3, $0xb8;
	[tilespmem:$0xA0A8] =	vst v63  }
0x8a: {  	s24 =	sadd.s32 $0x100, s5;
	s10 =	simm.s32 @!p0 $0x5600;
	s14 =	simm.s32 $0x0  }
0x8b: {  	v2 =	vmov s14;
	[tilespmem:s10], [sflag:$0x5] =	stream.indirect.gather @!p0 [hbm4b:s19+s3], $0x10, s4, s3, $0xb8;
	[tilespmem:$0xA0A8] =	vst v63  }
0x8c: {  	s10 =	sadd.s32 s6, s24  }
0x8d: {  	s18 =	sshrl.u32 s10, $0x3  }
0x8e: {  	s15 =	smov.u32 s19;
	s19 =	simm.s32 $0x0;
	s3 =	sadd.s32 s9, s18  }
0x8f: {  	[tilespmem:s20], [sflag:$0x3] =	stream.linear.gather [hbm4b:s3+s19], $0x80, $0x38;
	[tilespmem:$0xA0A8] =	vst v63  }
0x90: {  	s3 =	simm.s32 $0x4E10;
	v2 =	vld.idx.msk [tilespmem:v2+s12+$0x0], $0xffff  }
0x91: {  	v3 =	vld [tilespmem:s3+$0xFFFFFFF0];
	_ =	sdelay $0x1  }
0x92: {  	s20 =	simm.s32 $0x8  }
0x93: {  	v4 =	vmov s20;
	_ =	sdelay $0x1  }
0x94: {  	v2 =	vmul.f32 v3, v2;
	_ =	sdelay $0x1  }
0x95: {  	v3 =	vld [tilespmem:s3+$0x0];
	[tilespmem:s3+$0xFFFFFFF0] =	vst v2  }
0x96: {  	v2 =	vld.idx.msk [tilespmem:v4+s12+$0x0], $0xffff;
	_ =	sdelay $0x1  }
0x97: {  	s14 =	simm.s32 $0x10;
	s4 =	simm.s32 $0x4  }
.LBB2_5:
0x98: {  	p1 =	sne.s32 s4, $0x7E;
	v4 =	vmov s14;
	_ =	sdelay $0x1  }
0x99: {  	v2 =	vmul.f32 v3, v2;
	_ =	sdelay $0x1  }
0x9a: {  	[tilespmem:s3+$0x0] =	vst v2  }
0x9b: {  	s3 =	sadd.s32 $0x20, s3;
	v2 =	vld.idx.msk [tilespmem:v4+s12+$0x0], $0xffff  }
0x9c: {  	v3 =	vld [tilespmem:s3+$0xFFFFFFF0];
	_ =	sdelay $0x1  }
0x9d: {  	s14 =	sadd.s32 $0x8, s14  }
0x9e: {  	v4 =	vmov s14;
	_ =	sdelay $0x1  }
0x9f: {  	v2 =	vmul.f32 v3, v2;
	_ =	sdelay $0x1  }
.Ltmp1:
0xa0: {  	[tilespmem:s3+$0xFFFFFFF0] =	vst v2;
	(pc) =	sbr.rel @p1 .LBB2_5-.Ltmp1, $3  }
0xa1: {  	v2 =	vld.idx.msk [tilespmem:v4+s12+$0x0], $0xffff  }
0xa2: {  	v3 =	vld [tilespmem:s3+$0x0];
	_ =	sdelay $0x1  }
0xa3: {  	s14 =	sshll.u32 s4, $0x3;
	s4 =	sadd.s32 $0x2, s4  }
0xa4: {  	v4 =	vmov s14;
	_ =	sdelay $0x1  }
0xa5: {  	v2 =	vmul.f32 v3, v2;
	_ =	sdelay $0x1  }
0xa6: {  	[tilespmem:s3+$0x0] =	vst v2  }
0xa7: {  	s19 =	sadd.s32 $0x20, s3;
	v2 =	vld.idx.msk [tilespmem:v4+s12+$0x0], $0xffff  }
0xa8: {  	v3 =	vld [tilespmem:s19+$0xFFFFFFF0];
	_ =	sdelay $0x1  }
0xa9: {  	s4 =	sadd.s32 $0x8, s14  }
0xaa: {  	v4 =	vmov s4;
	_ =	sdelay $0x1  }
0xab: {  	v2 =	vmul.f32 v3, v2;
	_ =	sdelay $0x1  }
0xac: {  	v3 =	vld [tilespmem:s19+$0x0];
	[tilespmem:s19+$0xFFFFFFF0] =	vst v2  }
0xad: {  	v2 =	vld.idx.msk [tilespmem:v4+s12+$0x0], $0xffff;
	_ =	sdelay $0x4  }
0xae: {  	v2 =	vmul.f32 v3, v2;
	_ =	sdelay $0x1  }
0xaf: {  	s0 =	rddreg [dreg:$0x3];
	s20 =	simm.s32 $0x4E00;
	[tilespmem:s19+$0x0] =	vst v2  }
0xb0: {  	[spmem:s0] =	stream.indirect.scatter.add.f32 [tilespmem:s20], [sflag:$0x7], $0x10, s1, s29, $0xb8;
	[tilespmem:$0xA0A8] =	vst v63  }
0xb1: {  	s19 =	simm.s32 $0x0;
	_ =	swait.ge [sflag:s16], $0x400  }
0xb2: {  	v2 =	vmov s19;
	[sflag:s16] =	ssyncset.done $0x0  }
0xb3: {  	v2 =	vshll.u32 v2, $0x3;
	[sflag:s16] =	ssyncadd.s32 $0xFFFFFC00  }
0xb4: {  	v2 =	vor.u32 v0, v2;
	_ =	swait.ge [sflag:s16], $0x400  }
0xb5: {  	v2 =	vor.u32 v1, v2;
	[sflag:s16] =	ssyncset.done $0x0  }
0xb6: {  	[sflag:s16] =	ssyncadd.s32 $0xFFFFFC00  }
0xb7: {  	_ =	swait.ge [sflag:s16], $0x800  }
0xb8: {  	[sflag:s16] =	ssyncset.done $0x0  }
0xb9: {  	[sflag:s16] =	ssyncadd.s32 $0xFFFFF800  }
0xba: {  	v4 =	vld.idx.msk [tilespmem:v2+s25+$0x0], $0xffff  }
0xbb: {  	v5 =	vld.idx.msk [tilespmem:v2+s2+$0x0], $0xffff;
	_ =	sdelay $0x4  }
0xbc: {  	v3 =	vld [tilespmem:$0x6600];
	v4 =	vadd.f32 v4, v5;
	_ =	sdelay $0x1  }
0xbd: {  	v5 =	vmul.f32 $2.000000030e-01, v4;
	_ =	sdelay $0x1  }
0xbe: {  	v4 =	vmax.f32 v4, v5  }
0xbf: {  	v4 =	vsub.f32 v4, v3;
	_ =	sdelay $0x1  }
0xc0: {  	v4 =	vmul.f32 $1.442695020e+00, v4;
	_ =	sdelay $0x1  }
0xc1: {  	(erf) = vpow2.f32 v4;
	_ =	sdelay $0x2  }
0xc2: {  	s14 =	simm.s32 $0x2  }
0xc3: {  	s18 =	sadd.s32 $0x80, s5;
	v5 =	vmov s14  }
0xc4: {  	s3 =	sadd.s32 s6, s18;
	s4 =	simm.s32 $0x4;
	v4 =	vshll.u32 v5, $0x3  }
.LBB2_7:
0xc5: {  	p1 =	sne.s32 s4, $0x7E;
	v4 =	vor.u32 v0, v4  }
0xc6: {  	v4 =	vor.u32 v1, v4  }
0xc7: {  	s0 =	sor.u32 s3, s19;
	s19 =	smov.u32 s14;
	s14 =	smov.u32 s4  }
0xc8: {  	p2 =	slt.u32 s0, $0x50910;
	v5 =	vpop (erf)  }
0xc9: {  	v5 =	vpsel !p2, $0x0, v5  }
0xca: {  	[tilespmem:v2+s17+$0x0] =	vst.idx.msk $0xffff, v5;
	v2 =	vmov v4  }
0xcb: {  	v5 =	vld.idx.msk [tilespmem:v4+s25+$0x0], $0xffff  }
0xcc: {  	v4 =	vld.idx.msk [tilespmem:v4+s2+$0x0], $0xffff;
	_ =	sdelay $0x5  }
0xcd: {  	v4 =	vadd.f32 v5, v4;
	_ =	sdelay $0x1  }
0xce: {  	v5 =	vmul.f32 $2.000000030e-01, v4;
	_ =	sdelay $0x1  }
0xcf: {  	v4 =	vmax.f32 v4, v5  }
0xd0: {  	v4 =	vsub.f32 v4, v3;
	_ =	sdelay $0x1  }
0xd1: {  	v4 =	vmul.f32 $1.442695020e+00, v4;
	_ =	sdelay $0x1  }
0xd2: {  	(erf) = vpow2.f32 v4  }
.Ltmp2:
0xd3: {  	(pc) =	sbr.rel @p1 .LBB2_7-.Ltmp2, $3  }
0xd4: {  	_ =	sdelay $0x1  }
0xd5: {  	v4 =	vmov s4  }
0xd6: {  	s4 =	sadd.s32 $0x2, s4;
	v4 =	vshll.u32 v4, $0x3  }
0xd7: {  	v4 =	vor.u32 v0, v4  }
0xd8: {  	v4 =	vor.u32 v1, v4  }
0xd9: {  	s0 =	sor.u32 s3, s19  }
0xda: {  	p1 =	slt.u32 s0, $0x50910;
	v5 =	vpop (erf)  }
0xdb: {  	v5 =	vpsel !p1, $0x0, v5  }
0xdc: {  	[tilespmem:v2+s17+$0x0] =	vst.idx.msk $0xffff, v5  }
0xdd: {  	v2 =	vld.idx.msk [tilespmem:v4+s25+$0x0], $0xffff  }
0xde: {  	v5 =	vld.idx.msk [tilespmem:v4+s2+$0x0], $0xffff;
	_ =	sdelay $0x4  }
0xdf: {  	v2 =	vadd.f32 v2, v5;
	_ =	sdelay $0x1  }
0xe0: {  	v5 =	vmul.f32 $2.000000030e-01, v2;
	_ =	sdelay $0x1  }
0xe1: {  	v2 =	vmax.f32 v2, v5  }
0xe2: {  	v2 =	vsub.f32 v2, v3;
	_ =	sdelay $0x1  }
0xe3: {  	v2 =	vmul.f32 $1.442695020e+00, v2;
	_ =	sdelay $0x1  }
0xe4: {  	(erf) = vpow2.f32 v2;
	_ =	sdelay $0x7  }
0xe5: {  	s20 =	sor.u32 s3, s14  }
0xe6: {  	p6 =	slt.u32 s20, $0x50910;
	v2 =	vpop (erf)  }
0xe7: {  	v2 =	vpsel !p6, $0x0, v2  }
0xe8: {  	s3 =	rddreg [dreg:$0x2];
	s0 =	simm.s32 @!p0 $0x9;
	[tilespmem:v4+s17+$0x0] =	vst.idx.msk $0xffff, v2  }
0xe9: {  	[spmem:s3] =	stream.indirect.scatter.add.f32 [tilespmem:s17], [sflag:$0x8], $0x8, s18, s29, $0xb8;
	[tilespmem:$0xA0A8] =	vst v63  }
0xea: {  	_ =	swait.ge @!p0 [sflag:s0], $0x400  }
0xeb: {  	[sflag:s0] =	ssyncset.done @!p0 $0x0  }
0xec: {  	[sflag:s0] =	ssyncadd.s32 @!p0 $0xFFFFFC00  }
0xed: {  	_ =	swait.ge @!p0 [sflag:s0], $0x800  }
0xee: {  	[sflag:s0] =	ssyncset.done @!p0 $0x0  }
0xef: {  	s4 =	simm.s32 $0x3;
	[sflag:s0] =	ssyncadd.s32 @!p0 $0xFFFFF800  }
0xf0: {  	_ =	swait.ge [sflag:s4], $0x80  }
0xf1: {  	s14 =	simm.s32 $0x2980;
	[sflag:s4] =	ssyncset.done $0x0  }
0xf2: {  	p0 =	seq.s32 s13, $0x1A;
	s0 =	rddreg [dreg:$0xd];
	[sflag:s4] =	ssyncadd.s32 $0xFFFFFF80  }
0xf3: {  	[tilespmem:s21], [sflag:$0x6] =	stream.indirect.gather [hbm4b:s7+s29], $0x8, s14, s29, $0xb8;
	[tilespmem:$0xA0A8] =	vst v63  }
0xf4: {  	s20 =	sadd.s32 $0x100, s1;
	s4 =	simm.s32 $0x0;
	s0 =	sadd.s32 @!p0 s5, s0  }
0xf5: {  	v2 =	vmov s4;
	[tilespmem:s22], [sflag:$0x6] =	stream.indirect.gather [hbm4b:s8+s29], $0x8, s20, s29, $0xb8;
	[tilespmem:$0xA0A8] =	vst v63  }
0xf6: {  	s19 =	smov.u32 s15;
	s15 =	simm.s32 $0x5E00;
	s0 =	sshrl.u32 @!p0 s0, $0x3  }
0xf7: {  	[tilespmem:s15], [sflag:$0x6] =	stream.indirect.gather [hbm4b:s19+s29], $0x10, s14, s29, $0xb8;
	[tilespmem:$0xA0A8] =	vst v63  }
0xf8: {  	s3 =	simm.s32 @!p0 $0x0;
	s4 =	simm.s32 @!p0 $0x2880;
	s0 =	sadd.s32 @!p0 s9, s0  }
0xf9: {  	[tilespmem:s4], [sflag:$0x1] =	stream.linear.gather @!p0 [hbm4b:s0+s3], $0x80, $0x38;
	[tilespmem:$0xA0A8] =	vst v63  }
0xfa: {  	s3 =	simm.s32 $0x5610;
	v2 =	vld.idx.msk [tilespmem:v2+s17+$0x0], $0xffff  }
0xfb: {  	v3 =	vld [tilespmem:s3+$0xFFFFFFF0];
	_ =	sdelay $0x1  }
0xfc: {  	s14 =	simm.s32 $0x8  }
0xfd: {  	v4 =	vmov s14;
	_ =	sdelay $0x1  }
0xfe: {  	v2 =	vmul.f32 v3, v2;
	_ =	sdelay $0x1  }
0xff: {  	v3 =	vld [tilespmem:s3+$0x0];
	[tilespmem:s3+$0xFFFFFFF0] =	vst v2  }
0x100: {  	v2 =	vld.idx.msk [tilespmem:v4+s17+$0x0], $0xffff;
	_ =	sdelay $0x1  }
0x101: {  	s20 =	simm.s32 $0x2980;
	s14 =	simm.s32 $0x10;
	s4 =	simm.s32 $0x4  }
.LBB2_9:
0x102: {  	p1 =	sne.s32 s4, $0x7E;
	v4 =	vmov s14;
	_ =	sdelay $0x1  }
0x103: {  	v2 =	vmul.f32 v3, v2;
	_ =	sdelay $0x1  }
0x104: {  	[tilespmem:s3+$0x0] =	vst v2  }
0x105: {  	s3 =	sadd.s32 $0x20, s3;
	v2 =	vld.idx.msk [tilespmem:v4+s17+$0x0], $0xffff  }
0x106: {  	v3 =	vld [tilespmem:s3+$0xFFFFFFF0];
	_ =	sdelay $0x1  }
0x107: {  	s0 =	sadd.s32 $0x8, s14  }
0x108: {  	v4 =	vmov s0;
	_ =	sdelay $0x1  }
0x109: {  	v2 =	vmul.f32 v3, v2;
	_ =	sdelay $0x1  }
.Ltmp3:
0x10a: {  	[tilespmem:s3+$0xFFFFFFF0] =	vst v2;
	(pc) =	sbr.rel @p1 .LBB2_9-.Ltmp3, $3  }
0x10b: {  	v2 =	vld.idx.msk [tilespmem:v4+s17+$0x0], $0xffff  }
0x10c: {  	v3 =	vld [tilespmem:s3+$0x0];
	_ =	sdelay $0x1  }
0x10d: {  	s14 =	sshll.u32 s4, $0x3;
	s4 =	sadd.s32 $0x2, s4  }
0x10e: {  	v4 =	vmov s14;
	_ =	sdelay $0x1  }
0x10f: {  	v2 =	vmul.f32 v3, v2;
	_ =	sdelay $0x1  }
0x110: {  	[tilespmem:s3+$0x0] =	vst v2  }
0x111: {  	s0 =	sadd.s32 $0x20, s3;
	v2 =	vld.idx.msk [tilespmem:v4+s17+$0x0], $0xffff  }
0x112: {  	v3 =	vld [tilespmem:s0+$0xFFFFFFF0];
	_ =	sdelay $0x1  }
0x113: {  	s14 =	sadd.s32 $0x8, s14  }
0x114: {  	v4 =	vmov s14;
	_ =	sdelay $0x1  }
0x115: {  	v2 =	vmul.f32 v3, v2;
	_ =	sdelay $0x1  }
0x116: {  	v3 =	vld [tilespmem:s0+$0x0];
	[tilespmem:s0+$0xFFFFFFF0] =	vst v2  }
0x117: {  	v2 =	vld.idx.msk [tilespmem:v4+s17+$0x0], $0xffff;
	_ =	sdelay $0x4  }
0x118: {  	v2 =	vmul.f32 v3, v2;
	_ =	sdelay $0x1  }
0x119: {  	s4 =	rddreg [dreg:$0x3];
	s14 =	simm.s32 $0x5600;
	[tilespmem:s0+$0x0] =	vst v2  }
0x11a: {  	[spmem:s4] =	stream.indirect.scatter.add.f32 [tilespmem:s14], [sflag:$0x8], $0x10, s18, s29, $0xb8;
	[tilespmem:$0xA0A8] =	vst v63  }
0x11b: {  	s18 =	simm.s32 $0x0;
	_ =	swait.ge [sflag:s26], $0x400  }
0x11c: {  	v2 =	vmov s18;
	[sflag:s26] =	ssyncset.done $0x0  }
0x11d: {  	v2 =	vshll.u32 v2, $0x3;
	[sflag:s26] =	ssyncadd.s32 $0xFFFFFC00  }
0x11e: {  	v2 =	vor.u32 v0, v2;
	_ =	swait.ge [sflag:s26], $0x400  }
0x11f: {  	v2 =	vor.u32 v1, v2;
	[sflag:s26] =	ssyncset.done $0x0  }
0x120: {  	[sflag:s26] =	ssyncadd.s32 $0xFFFFFC00  }
0x121: {  	_ =	swait.ge [sflag:s26], $0x800  }
0x122: {  	[sflag:s26] =	ssyncset.done $0x0  }
0x123: {  	[sflag:s26] =	ssyncadd.s32 $0xFFFFF800  }
0x124: {  	v4 =	vld.idx.msk [tilespmem:v2+s22+$0x0], $0xffff  }
0x125: {  	v5 =	vld.idx.msk [tilespmem:v2+s21+$0x0], $0xffff;
	_ =	sdelay $0x4  }
0x126: {  	v3 =	vld [tilespmem:$0x6600];
	v4 =	vadd.f32 v4, v5;
	_ =	sdelay $0x1  }
0x127: {  	v5 =	vmul.f32 $2.000000030e-01, v4;
	_ =	sdelay $0x1  }
0x128: {  	v4 =	vmax.f32 v4, v5  }
0x129: {  	v4 =	vsub.f32 v4, v3;
	_ =	sdelay $0x1  }
0x12a: {  	v4 =	vmul.f32 $1.442695020e+00, v4;
	_ =	sdelay $0x1  }
0x12b: {  	(erf) = vpow2.f32 v4;
	_ =	sdelay $0x2  }
0x12c: {  	s14 =	simm.s32 $0x2  }
0x12d: {  	v5 =	vmov s14  }
0x12e: {  	s3 =	simm.s32 $0x4;
	v4 =	vshll.u32 v5, $0x3  }
.LBB2_11:
0x12f: {  	p1 =	sne.s32 s3, $0x7E;
	v4 =	vor.u32 v0, v4  }
0x130: {  	v4 =	vor.u32 v1, v4  }
0x131: {  	s0 =	sor.u32 s10, s18;
	s18 =	smov.u32 s14;
	s14 =	smov.u32 s3  }
0x132: {  	p2 =	slt.u32 s0, $0x50910;
	v5 =	vpop (erf)  }
0x133: {  	v5 =	vpsel !p2, $0x0, v5  }
0x134: {  	[tilespmem:v2+s28+$0x0] =	vst.idx.msk $0xffff, v5;
	v2 =	vmov v4  }
0x135: {  	v5 =	vld.idx.msk [tilespmem:v4+s22+$0x0], $0xffff  }
0x136: {  	v4 =	vld.idx.msk [tilespmem:v4+s21+$0x0], $0xffff;
	_ =	sdelay $0x5  }
0x137: {  	v4 =	vadd.f32 v5, v4;
	_ =	sdelay $0x1  }
0x138: {  	v5 =	vmul.f32 $2.000000030e-01, v4;
	_ =	sdelay $0x1  }
0x139: {  	v4 =	vmax.f32 v4, v5  }
0x13a: {  	v4 =	vsub.f32 v4, v3;
	_ =	sdelay $0x1  }
0x13b: {  	v4 =	vmul.f32 $1.442695020e+00, v4;
	_ =	sdelay $0x1  }
0x13c: {  	(erf) = vpow2.f32 v4  }
.Ltmp4:
0x13d: {  	(pc) =	sbr.rel @p1 .LBB2_11-.Ltmp4, $3  }
0x13e: {  	_ =	sdelay $0x1  }
0x13f: {  	v4 =	vmov s3  }
0x140: {  	s3 =	sadd.s32 $0x2, s3;
	v4 =	vshll.u32 v4, $0x3  }
0x141: {  	v4 =	vor.u32 v0, v4  }
0x142: {  	v4 =	vor.u32 v1, v4  }
0x143: {  	s0 =	sor.u32 s10, s18  }
0x144: {  	p1 =	slt.u32 s0, $0x50910;
	v5 =	vpop (erf)  }
0x145: {  	v5 =	vpsel !p1, $0x0, v5  }
0x146: {  	[tilespmem:v2+s28+$0x0] =	vst.idx.msk $0xffff, v5  }
0x147: {  	v2 =	vld.idx.msk [tilespmem:v4+s22+$0x0], $0xffff  }
0x148: {  	v5 =	vld.idx.msk [tilespmem:v4+s21+$0x0], $0xffff;
	_ =	sdelay $0x4  }
0x149: {  	v2 =	vadd.f32 v2, v5;
	_ =	sdelay $0x1  }
0x14a: {  	v5 =	vmul.f32 $2.000000030e-01, v2;
	_ =	sdelay $0x1  }
0x14b: {  	v2 =	vmax.f32 v2, v5  }
0x14c: {  	v2 =	vsub.f32 v2, v3;
	_ =	sdelay $0x1  }
0x14d: {  	v2 =	vmul.f32 $1.442695020e+00, v2;
	_ =	sdelay $0x1  }
0x14e: {  	(erf) = vpow2.f32 v2;
	_ =	sdelay $0x7  }
0x14f: {  	s4 =	sor.u32 s10, s14  }
0x150: {  	p6 =	slt.u32 s4, $0x50910;
	v2 =	vpop (erf)  }
0x151: {  	v2 =	vpsel !p6, $0x0, v2  }
0x152: {  	s10 =	rddreg [dreg:$0x2];
	[tilespmem:v4+s28+$0x0] =	vst.idx.msk $0xffff, v2  }
0x153: {  	[spmem:s10] =	stream.indirect.scatter.add.f32 [tilespmem:s28], [sflag:$0x9], $0x8, s24, s29, $0xb8;
	[tilespmem:$0xA0A8] =	vst v63  }
0x154: {  	_ =	swait.ge [sflag:s23], $0x400  }
0x155: {  	[sflag:s23] =	ssyncset.done $0x0  }
0x156: {  	[sflag:s23] =	ssyncadd.s32 $0xFFFFFC00  }
0x157: {  	_ =	swait.ge [sflag:s23], $0x800  }
0x158: {  	[sflag:s23] =	ssyncset.done $0x0  }
0x159: {  	s0 =	simm.s32 @!p0 $0x1;
	[sflag:s23] =	ssyncadd.s32 $0xFFFFF800  }
0x15a: {  	_ =	swait.ge @!p0 [sflag:s0], $0x80  }
0x15b: {  	s3 =	simm.s32 @!p0 $0x2880;
	[sflag:s0] =	ssyncset.done @!p0 $0x0  }
0x15c: {  	s4 =	simm.s32 @!p0 $0x2A00;
	[sflag:s0] =	ssyncadd.s32 @!p0 $0xFFFFFF80;
	s0 =	simm.s32 @!p0 $0x80  }
0x15d: {  	[tilespmem:s4], [sflag:$0x4] =	stream.indirect.gather @!p0 [hbm4b:s7+s0], $0x8, s3, s0, $0xb8;
	[tilespmem:$0xA0A8] =	vst v63  }
0x15e: {  	s1 =	sadd.s32 @!p0 $0x180, s1;
	s4 =	simm.s32 @!p0 $0x3600  }
0x15f: {  	[tilespmem:s4], [sflag:$0x4] =	stream.indirect.gather @!p0 [hbm4b:s8+s0], $0x8, s1, s0, $0xb8;
	[tilespmem:$0xA0A8] =	vst v63  }
0x160: {  	s14 =	simm.s32 $0x0;
	s1 =	simm.s32 @!p0 $0x4E00  }
0x161: {  	[tilespmem:s1], [sflag:$0x4] =	stream.indirect.gather @!p0 [hbm4b:s19+s0], $0x10, s3, s0, $0xb8;
	[tilespmem:$0xA0A8] =	vst v63  }
0x162: {  	v2 =	vmov s14;
	s0 =	rddreg [dreg:$0xe]  }
0x163: {  	s0 =	sadd.s32 @!p0 s5, s0  }
0x164: {  	s0 =	sshrl.u32 @!p0 s0, $0x3  }
0x165: {  	s1 =	simm.s32 @!p0 $0x0;
	s3 =	simm.s32 @!p0 $0x2900;
	s0 =	sadd.s32 @!p0 s9, s0  }
0x166: {  	[tilespmem:s3], [sflag:$0x2] =	stream.linear.gather @!p0 [hbm4b:s0+s1], $0x80, $0x38;
	[tilespmem:$0xA0A8] =	vst v63  }
0x167: {  	s1 =	simm.s32 $0x5E10;
	v2 =	vld.idx.msk [tilespmem:v2+s28+$0x0], $0xffff  }
0x168: {  	v3 =	vld [tilespmem:s1+$0xFFFFFFF0];
	_ =	sdelay $0x1  }
0x169: {  	s18 =	simm.s32 $0x8  }
0x16a: {  	v4 =	vmov s18;
	_ =	sdelay $0x1  }
0x16b: {  	v2 =	vmul.f32 v3, v2;
	_ =	sdelay $0x1  }
0x16c: {  	v3 =	vld [tilespmem:s1+$0x0];
	[tilespmem:s1+$0xFFFFFFF0] =	vst v2  }
0x16d: {  	v2 =	vld.idx.msk [tilespmem:v4+s28+$0x0], $0xffff;
	_ =	sdelay $0x1  }
0x16e: {  	s4 =	simm.s32 $0x10;
	s3 =	simm.s32 $0x4  }
.LBB2_13:
0x16f: {  	p0 =	sne.s32 s3, $0x7E;
	v4 =	vmov s4;
	_ =	sdelay $0x1  }
0x170: {  	v2 =	vmul.f32 v3, v2;
	_ =	sdelay $0x1  }
0x171: {  	[tilespmem:s1+$0x0] =	vst v2  }
0x172: {  	s1 =	sadd.s32 $0x20, s1;
	v2 =	vld.idx.msk [tilespmem:v4+s28+$0x0], $0xffff  }
0x173: {  	v3 =	vld [tilespmem:s1+$0xFFFFFFF0];
	_ =	sdelay $0x1  }
0x174: {  	s0 =	sadd.s32 $0x8, s4  }
0x175: {  	v4 =	vmov s0;
	_ =	sdelay $0x1  }
0x176: {  	v2 =	vmul.f32 v3, v2;
	_ =	sdelay $0x1  }
.Ltmp5:
0x177: {  	[tilespmem:s1+$0xFFFFFFF0] =	vst v2;
	(pc) =	sbr.rel @p0 .LBB2_13-.Ltmp5, $3  }
0x178: {  	v2 =	vld.idx.msk [tilespmem:v4+s28+$0x0], $0xffff  }
0x179: {  	v3 =	vld [tilespmem:s1+$0x0];
	_ =	sdelay $0x1  }
0x17a: {  	s4 =	sshll.u32 s3, $0x3;
	s3 =	sadd.s32 $0x2, s3  }
0x17b: {  	v4 =	vmov s4;
	_ =	sdelay $0x1  }
0x17c: {  	v2 =	vmul.f32 v3, v2;
	_ =	sdelay $0x1  }
0x17d: {  	[tilespmem:s1+$0x0] =	vst v2  }
0x17e: {  	s0 =	sadd.s32 $0x20, s1;
	v2 =	vld.idx.msk [tilespmem:v4+s28+$0x0], $0xffff  }
0x17f: {  	v3 =	vld [tilespmem:s0+$0xFFFFFFF0];
	_ =	sdelay $0x1  }
0x180: {  	s14 =	sadd.s32 $0x8, s4  }
0x181: {  	v63 =	vmov s14;
	_ =	sdelay $0x1  }
0x182: {  	v2 =	vmul.f32 v3, v2;
	_ =	sdelay $0x1  }
0x183: {  	v3 =	vld [tilespmem:s0+$0x0];
	[tilespmem:s0+$0xFFFFFFF0] =	vst v2  }
0x184: {  	v2 =	vld.idx.msk [tilespmem:v63+s28+$0x0], $0xffff;
	_ =	sdelay $0x1  }
0x185: {  	s13 =	sadd.s32 $0x1, s13  }
0x186: {  	p0 =	sne.s32 s13, $0x1B  }
.Ltmp6:
0x187: {  	_ = 	snop;
	(pc) =	sbr.rel @p0 .LBB2_2-.Ltmp6, $3  }
0x188: {  	v2 =	vmul.f32 v3, v2;
	_ =	sdelay $0x1  }
0x189: {  	s18 =	rddreg [dreg:$0x3];
	[tilespmem:s0+$0x0] =	vst v2  }
0x18a: {  	[spmem:s18] =	stream.indirect.scatter.add.f32 [tilespmem:s15], [sflag:$0x9], $0x10, s24, s29, $0xb8;
	[tilespmem:$0xA0A8] =	vst v63  }
0x18b: {  	s0 =	simm.s32 $0x8  }
0x18c: {  	_ =	swait.ge [sflag:s0], $0x400  }
0x18d: {  	[sflag:s0] =	ssyncset.done $0x0  }
0x18e: {  	[sflag:s0] =	ssyncadd.s32 $0xFFFFFC00  }
0x18f: {  	_ =	swait.ge [sflag:s0], $0x800  }
0x190: {  	[sflag:s0] =	ssyncset.done $0x0  }
0x191: {  	s13 =	simm.s32 $0x9;
	[sflag:s0] =	ssyncadd.s32 $0xFFFFF800  }
0x192: {  	_ =	swait.ge [sflag:s13], $0x400  }
0x193: {  	[sflag:s13] =	ssyncset.done $0x0  }
0x194: {  	[sflag:s13] =	ssyncadd.s32 $0xFFFFFC00  }
0x195: {  	_ =	swait.ge [sflag:s13], $0x800  }
0x196: {  	[sflag:s13] =	ssyncset.done $0x0  }
0x197: {  	[sflag:s13] =	ssyncadd.s32 $0xFFFFF800  }
0x198: {  	[bflag:$0x0] =	sbarrier.arrive $0xFFFF  }
0x199: {  	s13 =	rddreg [dreg:$0x8]  }
0x19a: {  	s14 =	rddreg [dreg:$0xf]  }
0x19b: {  	s3 =	simm.s32 $0xA;
	s1 =	rddreg [dreg:$0x12]  }
0x19c: {  	[hbm:s14], [sflag:s13] =	dma.local [spmem:s1], $0x278  }
0x19d: {  	_ =	swait.ge [sflag:s3], $0x278  }
0x19e: {  	[sflag:s3] =	ssyncset.done $0x0;
	s15 =	rddreg [dreg:$0x10]  }
0x19f: {  	s4 =	rddreg [dreg:$0x14];
	[sflag:s3] =	ssyncadd.s32 $0xFFFFFD88  }
0x1a0: {  	[hbm:s15], [sflag:s13] =	dma.local [spmem:s4], $0x4F0  }
0x1a1: {  	_ =	swait.ge [sflag:s3], $0x4F0  }
0x1a2: {  	s18 =	rddreg [dreg:$0x13]  }
0x1a3: {  	s24 =	rddreg [dreg:$0x11];
	s4 =	sadd.s32 $0x1, s18  }
0x1a4: {  	p0 =	sne.s32 s4, s24  }
.Ltmp7:
0x1a5: {  	_ = 	snop;
	(pc) =	sbr.rel @p0 .LBB2_1-.Ltmp7, $3  }
0x1a6: {  	_ =	sdelay $0x1  }
0x1a7: {  	[sflag:s3] =	ssyncset.done $0x0  }
0x1a8: {  	[sflag:s3] =	ssyncadd.s32 $0xFFFFFB10  }
0x1a9: {  	_ =	sfence.sel $0x180000  }
0x1aa: {  	[bflag:$0x0] =	sbarrier.arrive $0xFFFF  }
0x1ab: {  	_ =	strace $0x9000004A  }
0x1ac: {  	s0 =	stileid.u32;
	[bflag:$0x2] =	sbarrier.arrive $0xFFFF  }
0x1ad: {  	p0 =	sne.s32 s0, $0x0;
	s0 =	rddreg [dreg:$0x4]  }
0x1ae: {  	s0 =	sadd.s32 @!p0 $0x100000, s0  }
0x1af: {  	[sflag:s0] =	ssyncadd.tile.s32 @!p0 $0x1;
	_ =	shalt  }
.Lfunc_end2:
_tile_overlayer_lowered:
.L_overlay_start_2:
0x1b0: {  	(tag) =	ssettag $0x2  }
0x1b1: {  	s0 =	rddreg [dreg:$0x0];
	s2 =	stileid.u32  }
0x1b2: {  	s1 =	rddreg [dreg:$0x1];
	p0 =	sne.s32 s2, $0x0  }
0x1b3: {  	s3 =	rddreg [dreg:$0x2];
	[bflag:$0x3] =	sbarrier.arrive $0xFFFF;
	s2 =	simm.s32 @!p0 $0x1C0A  }
0x1b4: {  	[timem:s3], [sflag:s2] =	dma.local @!p0 [hbm:s0], s1  }
0x1b5: {  	s0 =	simm.s32 @!p0 $0xA  }
0x1b6: {  	_ =	swait.ge @!p0 [sflag:s0], s1  }
0x1b7: {  	s1 =	ssub.s32 @!p0 $0x0, s1;
	[sflag:s0] =	ssyncset.done @!p0 $0x0  }
0x1b8: {  	[sflag:s0] =	ssyncadd.s32 @!p0 s1  }
0x1b9: {  	[bflag:$0x3] =	sbarrier.arrive $0xFFFF  }
0x1ba: {  	_ =	shalt  }

// kernel: kernel.7.cloned.1.call-start
scs
__scs_entry_jumppad:
0x0: {  	(pc) =	sbr.rel $0x88, $3  }
0x1: {  	(tag) =	ssettag $0x0;
	lr =	simm.s32 $0x1  }
0x2: {  	[smem:$0x3F97] =	sst lr;
	_ =	strace $0xD0000000  }
0x3: {  	_ = 	snop  }
0x4: {  	_ = 	snop  }
0x5: {  	_ = 	snop  }
0x6: {  	_ = 	snop  }
0x7: {  	_ = 	snop  }
__scs_overlays_trampoline_lowered:
0x8: {  	[smem:$0x3FA6] =	sst s0  }
0x9: {  	[smem:$0x3FA7] =	sst s1  }
0xa: {  	[smem:$0x3FA8] =	sst s2  }
0xb: {  	[smem:$0x3FA9] =	sst s3  }
0xc: {  	[smem:$0x3FAA] =	sst s4  }
0xd: {  	[smem:$0x3FAB] =	sst s5  }
0xe: {  	[smem:$0x3FAC] =	sst s6  }
0xf: {  	[smem:$0x3FAD] =	sst s7  }
0x10: {  	[smem:$0x3FAE] =	sst s8  }
0x11: {  	[smem:$0x3FAF] =	sst s9;
	s0 =	simm.s32 @!p0 $0x0  }
0x12: {  	s1 =	sld [smem:$0x3F95];
	s0 =	simm.s32 @p0 $0x1  }
0x13: {  	[smem:$0x3FB0] =	sst s0;
	s0 =	simm.s32 @!p1 $0x0  }
0x14: {  	s2 =	sld [smem:$0x3F94];
	s0 =	simm.s32 @p1 $0x1  }
0x15: {  	[smem:$0x3FB1] =	sst s0;
	s0 =	simm.s32 @!p2 $0x0  }
0x16: {  	s3 =	sld [smem:$0x3FDB];
	s0 =	simm.s32 @p2 $0x1  }
0x17: {  	s4 =	simm.s32 $0x1BF5;
	[smem:$0x3FB3] =	sst s0  }
0x18: {  	s0 =	sld [smem:$0x3F96];
	_ =	swait.ge [sflag:s4], $0x0  }
0x19: {  	s7 =	sld [smem:$0x3F97]  }
0x1a: {  	s8 =	sadd.s32 $0xFFFFE003, lr  }
0x1b: {  	s9 =	sadd.s32 $0xFFFFFEF7, lr;
	s5 =	simm.s32 $0xFFFFFFFF;
	p2 =	slt.u32 s8, $0xFFFFF086  }
0x1c: {  	p1 =	slt.u32 s9, $0xF7A;
	s5 =	simm.s32 @!p2 $0x0  }
0x1d: {  	s5 =	simm.s32 @p1 $0x1;
	p0 =	seq.s32 s7, s2  }
0x1e: {  	s7 =	smul.u32 @!p0 $0xF7A, s2;
	p2 =	seq.s32 @!p0 s5, $0x0  }
0x1f: {  	s9 =	smul.u32 $0xF7A, s1;
	s8 =	simm.s32 @!p0 $0x1BF5;
	p2 =	por !p2, p0  }
0x20: {  	[sflag:s8] =	ssyncset.s32 @!p0 $0xFFFFF086;
	s6 =	sadd.s32 @!p0 s3, s7;
	s7 =	simm.s32 @!p0 $0x108  }
0x21: {  	s3 =	sadd.s32 s3, s9;
	s6 =	sadd.s32 @!p0 $0x88, s6;
	s7 =	simm.s32 @p2 $0x1082  }
0x22: {  	[simem:s7], [sflag:s8] =	dma.local @!p0 [hbm:s6], $0xF7A  }
0x23: {  	s9 =	sor.u32 $0xD0000000, s2;
	s6 =	simm.s32 $0x108;
	_ =	swait.ge @!p0 [sflag:s8], $0x0  }
0x24: {  	s3 =	sadd.s32 $0x88, s3;
	s6 =	simm.s32 @!p1 $0x1082;
	[sflag:s4] =	ssyncset.s32 $0xFFFFF086  }
0x25: {  	[simem:s6], [sflag:s4] =	dma.local [hbm:s3], $0xF7A  }
0x26: {  	[smem:$0x3F97] =	sst s1;
	(tag) =	ssettag s2;
	_ =	strace s9  }
0x27: {  	s1 =	sld [smem:$0x3FA7]  }
0x28: {  	s2 =	sld [smem:$0x3FA8]  }
0x29: {  	s4 =	sld [smem:$0x3FAA]  }
0x2a: {  	p0 =	seq.s32 s5, $0x0;
	s5 =	sld [smem:$0x3FAB]  }
0x2b: {  	s6 =	sld [smem:$0x3FAC]  }
0x2c: {  	s7 =	sld [smem:$0x3FAD]  }
0x2d: {  	s3 =	simm.s32 $0x108;
	s8 =	sld [smem:$0x3FAE]  }
0x2e: {  	s3 =	simm.s32 @!p0 $0x1082;
	s9 =	sld [smem:$0x3FAF]  }
0x2f: {  	lr =	sadd.s32 s0, s3;
	s0 =	sld [smem:$0x3FA6]  }
0x30: {  	s3 =	sld [smem:$0x3FA9]  }
0x31: {  	[smem:$0x3FB2] =	sst s10  }
0x32: {  	s10 =	sld [smem:$0x3FB0];
	_ =	sdelay $0x3  }
0x33: {  	p0 =	seq.s32 s10, $0x1;
	s10 =	sld [smem:$0x3FB2];
	_ =	sdelay $0x3  }
0x34: {  	[smem:$0x3FB2] =	sst s10  }
0x35: {  	s10 =	sld [smem:$0x3FB1];
	_ =	sdelay $0x3  }
0x36: {  	p1 =	seq.s32 s10, $0x1;
	s10 =	sld [smem:$0x3FB2];
	_ =	sdelay $0x3  }
0x37: {  	[smem:$0x3FB2] =	sst s10  }
0x38: {  	s10 =	sld [smem:$0x3FB3]  }
0x39: {  	_ = 	snop;
	(pc) =	sbr.ind lr, $3  }
0x3a: {  	_ = 	snop  }
0x3b: {  	_ = 	snop  }
0x3c: {  	p2 =	seq.s32 s10, $0x1;
	s10 =	sld [smem:$0x3FB2]  }
0x3d: {  	_ =	shalt  }
0x3e: {  	_ =	shalt  }
0x3f: {  	_ =	shalt  }
0x40: {  	_ =	shalt  }
0x41: {  	_ =	shalt  }
0x42: {  	_ =	shalt  }
0x43: {  	_ =	shalt  }
0x44: {  	_ =	shalt  }
0x45: {  	_ =	shalt  }
0x46: {  	_ =	shalt  }
0x47: {  	_ =	shalt  }
0x48: {  	_ =	shalt  }
0x49: {  	_ =	shalt  }
0x4a: {  	_ =	shalt  }
0x4b: {  	_ =	shalt  }
0x4c: {  	_ =	shalt  }
0x4d: {  	_ =	shalt  }
0x4e: {  	_ =	shalt  }
0x4f: {  	_ =	shalt  }
0x50: {  	_ =	shalt  }
0x51: {  	_ =	shalt  }
0x52: {  	_ =	shalt  }
0x53: {  	_ =	shalt  }
0x54: {  	_ =	shalt  }
0x55: {  	_ =	shalt  }
0x56: {  	_ =	shalt  }
0x57: {  	_ =	shalt  }
0x58: {  	_ =	shalt  }
0x59: {  	_ =	shalt  }
0x5a: {  	_ =	shalt  }
0x5b: {  	_ =	shalt  }
0x5c: {  	_ =	shalt  }
0x5d: {  	_ =	shalt  }
0x5e: {  	_ =	shalt  }
0x5f: {  	_ =	shalt  }
0x60: {  	_ =	shalt  }
0x61: {  	_ =	shalt  }
0x62: {  	_ =	shalt  }
0x63: {  	_ =	shalt  }
0x64: {  	_ =	shalt  }
0x65: {  	_ =	shalt  }
0x66: {  	_ =	shalt  }
0x67: {  	_ =	shalt  }
0x68: {  	_ =	shalt  }
0x69: {  	_ =	shalt  }
0x6a: {  	_ =	shalt  }
0x6b: {  	_ =	shalt  }
0x6c: {  	_ =	shalt  }
0x6d: {  	_ =	shalt  }
0x6e: {  	_ =	shalt  }
0x6f: {  	_ =	shalt  }
0x70: {  	_ =	shalt  }
0x71: {  	_ =	shalt  }
0x72: {  	_ =	shalt  }
0x73: {  	_ =	shalt  }
0x74: {  	_ =	shalt  }
0x75: {  	_ =	shalt  }
0x76: {  	_ =	shalt  }
0x77: {  	_ =	shalt  }
0x78: {  	_ =	shalt  }
0x79: {  	_ =	shalt  }
0x7a: {  	_ =	shalt  }
0x7b: {  	_ =	shalt  }
0x7c: {  	_ =	shalt  }
0x7d: {  	_ =	shalt  }
0x7e: {  	_ =	shalt  }
0x7f: {  	_ =	shalt  }
0x80: {  	_ =	shalt  }
0x81: {  	_ =	shalt  }
0x82: {  	_ =	shalt  }
0x83: {  	_ =	shalt  }
0x84: {  	_ =	shalt  }
0x85: {  	_ =	shalt  }
0x86: {  	_ =	shalt  }
0x87: {  	_ =	shalt  }
.Lfunc_end0:
.L_simem_size_0:
called_computation_lowered:
.L_overlay_start_0:
0x88: {  	s2 =	sld [smem:$0x3FD9]  }
0x89: {  	s3 =	sld [smem:$0x3FFE];
	_ =	sdelay $0x1  }
0x8a: {  	s1 =	srdreg.scid  }
0x8b: {  	s0 =	sand.u32 $0x1, s1  }
0x8c: {  	s17 =	sshll.u32 s0, $0xA;
	s2 =	sadd.s32 s3, s2  }
0x8d: {  	s2 =	sadd.s32 s2, s17  }
0x8e: {  	[smem:$0x3FBE] =	sst s2  }
0x8f: {  	_ = 	snop  }
0x90: {  	s2 =	sld [smem:$0x3FD0];
	(tm) =	ssettm $0x1  }
0x91: {  	s18 =	sld [smem:$0x3FFB];
	_ =	sdelay $0x3  }
0x92: {  	_ =	strace s18  }
0x93: {  	s3 =	sld [smem:$0x3FFC];
	_ =	sdelay $0x3  }
0x94: {  	_ =	strace s3  }
0x95: {  	s3 =	sld [smem:$0x3FFD];
	_ =	sdelay $0x3  }
0x96: {  	_ =	strace s3  }
0x97: {  	_ =	strace $0x8FFFFFFF  }
0x98: {  	s19 =	sld [smem:$0x3FDB];
	_ =	sdelay $0x1  }
0x99: {  	s4 =	simm.s32 $_scs_section_size  }
0x9a: {  	s5 =	simm.s32 $_size__tile_overlayer_lowered;
	s6 =	simm.s32 $_tile_overlayer_lowered  }
0x9b: {  	s22 =	simm.s32 $0x1BFF;
	s21 =	sshll.u32 s6, $0x1;
	s3 =	sadd.s32 s4, s19  }
0x9c: {  	s7 =	simm.s32 $0x0;
	s20 =	sshll.u32 s5, $0x1;
	s5 =	sadd.s32 s21, s3  }
0x9d: {  	[timem:s7], [sflag:s22] =	dma.local [hbm:s5], s20  }
0x9e: {  	_ =	swait.ge [sflag:s22], s20  }
0x9f: {  	s4 =	ssub.s32 $0x0, s20;
	[sflag:s22] =	ssyncset.done $0x0  }
0xa0: {  	[sflag:s22] =	ssyncadd.s32 s4;
	_ =	sdelay $0x1  }
0xa1: {  	s23 =	simm.s32 $0x1B8B  }
0xa2: {  	_ =	swait.ge [sflag:s23], $0x1  }
0xa3: {  	[sflag:s23] =	ssyncset.done $0x0  }
0xa4: {  	s25 =	simm.s32 $0x1B8E;
	s24 =	sld [smem:$0x3FFE];
	[sflag:s23] =	ssyncadd.s32 $0xFFFFFFFF  }
0xa5: {  	s26 =	simm.s32 $execute0_lowered;
	[smem:$0x3FD2] =	sst s25  }
0xa6: {  	s5 =	sshll.u32 s26, $0x1;
	_ =	strace $0x80000046;
	[dreg:$0x1] =	wrdreg $0xFFFFFFFF  }
0xa7: {  	s28 =	simm.s32 $_size_execute0_lowered;
	s3 =	sadd.s32 s3, s5;
	[dreg:$0x0] =	wrdreg $0x0  }
0xa8: {  	s5 =	sshll.u32 s28, $0x1;
	[dreg:$0x2] =	wrdreg s3  }
0xa9: {  	[dreg:$0x3] =	wrdreg s5  }
0xaa: {  	[dreg:$0x4] =	wrdreg $0xC0  }
0xab: {  	_ =	task [dreg:s7], $0x5FFFF  }
0xac: {  	[dreg:$0x1] =	wrdreg $0xFFFFFFFF  }
0xad: {  	[dreg:$0x0] =	wrdreg $0x60  }
0xae: {  	[dreg:$0x2] =	wrdreg s24  }
0xaf: {  	[dreg:$0x3] =	wrdreg s2  }
0xb0: {  	[dreg:$0x4] =	wrdreg $0x136900  }
0xb1: {  	[dreg:$0x5] =	wrdreg $0x14A180  }
0xb2: {  	[dreg:$0x6] =	wrdreg $0x9  }
0xb3: {  	_ =	task.clear_ibuf [dreg:s7], $0x7FFFF;
	_ =	strace $0x90000046  }
0xb4: {  	s29 =	simm.s32 $0x9;
	_ =	strace $0x80000048  }
0xb5: {  	_ =	swait.ge [sflag:s29], $0x1  }
0xb6: {  	[sflag:s29] =	ssyncadd.s32 $0xFFFFFFFF  }
0xb7: {  	_ =	strace $0x90000048  }
0xb8: {  	_ =	sfence  }
0xb9: {  	s30 =	sld [smem:$0x0];
	_ =	sdelay $0x2  }
0xba: {  	s31 =	sshll.u32 s1, $0xD;
	s1 =	sshrl.u32 s1, $0x2  }
0xbb: {  	s3 =	sand.u32 $0x4000, s31;
	s1 =	sadd.s32 s1, s30  }
0xbc: {  	s0 =	sor.u32 s3, s0;
	s1 =	sshll.u32 s1, $0x11  }
0xbd: {  	s0 =	sor.u32 s1, s0  }
0xbe: {  	s0 =	sadd.s32 $0x8F2B, s0  }
0xbf: {  	[sflag:s0] =	ssyncadd.remote.s32 $0x1  }
0xc0: {  	_ =	sfence.sel $0xFFFF  }
0xc1: {  	[dreg:$0x0] =	wrdreg $0xFFFFFFFF;
	(pc) =	sbr.abs _section_cstart, $3  }
0xc2: {  	[dreg:$0x1] =	wrdreg $0xFFFFFFFF  }
0xc3: {  	_ =	task.clear_ibuf [dreg:s7], $0x2FFFF;
	_ =	strace $0x9FFFFFFF  }
0xc4: {  	(tm) =	ssettm $0x7FFFFFFF  }
0xc5: {  	_ =	shalt  }
tec
execute0_lowered:
.L_overlay_start_1:
0x0: {  	(tag) =	ssettag $0x1  }
0x1: {  	s0 =	rddreg [dreg:$0x0]  }
0x2: {  	s1 =	rddreg [dreg:$0x1]  }
0x3: {  	s3 =	rddreg [dreg:$0x2]  }
0x4: {  	s17 =	rddreg [dreg:$0x3];
	s2 =	simm.s32 $0x0;
	s16 =	stileid.u32  }
0x5: {  	s4 =	srdreg.scid;
	s29 =	simm.s32 $0x80;
	s30 =	simm.s32 $0x5280  }
0x6: {  	s31 =	simm.s32 $0xBE80;
	s28 =	simm.s32 $0x5;
	[smem:$0x7FF] =	sst s2  }
0x7: {  	s5 =	smul.u32 $0x5100, s16;
	s6 =	sadd.s32 $0x20E00, s0;
	s7 =	sadd.s32 $0x4CE00, s0  }
0x8: {  	s9 =	smul.u32 $0x278, s16;
	s8 =	sadd.s32 $0xCA00, s0;
	s4 =	sand.u32 $0x1, s4  }
0x9: {  	s12 =	sadd.s32 $0x59800, s0;
	s13 =	sadd.s32 $0x59C00, s0;
	s20 =	sshll.u32 s16, $0x6  }
0xa: {  	s16 =	simm.s32 $0x9A80;
	_ =	strace $0x80000047;
	[dreg:$0x5] =	wrdreg s12  }
0xb: {  	s10 =	sshll.u32 s4, $0x1;
	s11 =	smul.u32 $0x9C400, s4;
	[dreg:$0x6] =	wrdreg s13  }
0xc: {  	s25 =	ssub.s32 $0x2, s4;
	s15 =	smul.u32 $0x51000, s4;
	s18 =	sor.u32 $0x1C0A, s20  }
0xd: {  	v3 =	vlaneseq.u32;
	s22 =	smul.u32 $0x2710, s4;
	s4 =	sshll.u32 s4, $0x2;
	s23 =	sshrl.u32 s5, $0x3  }
0xe: {  	v2 =	vand.u32 $0x3, v3;
	s9 =	smin.u32 s9, $0x2498;
	s10 =	sadd.s32 s10, s0;
	s14 =	sshrl.u32 s25, $0x1  }
0xf: {  	v0 =	vor.u32 s4, v2;
	s4 =	simm.s32 $0x0;
	[dreg:$0x8] =	wrdreg s18;
	s2 =	sadd.s32 s23, s0  }
0x10: {  	s24 =	sshll.u32 s9, $0x6;
	s26 =	ssub.s32 s25, s14;
	s19 =	sshll.u32 s9, $0x3  }
0x11: {  	s15 =	sadd.s32 s5, s15;
	s10 =	sadd.s32 $0x2600, s10;
	s1 =	sadd.s32 s1, s22  }
0x12: {  	s14 =	simm.s32 $0x3;
	s22 =	simm.s32 $0xD280;
	s11 =	sadd.s32 s11, s24  }
0x13: {  	s13 =	sadd.s32 s19, s3;
	s3 =	smov.u32 s17;
	[dreg:$0xc] =	wrdreg s10  }
0x14: {  	s12 =	sadd.s32 s24, s17;
	s21 =	sshrl.u32 s15, $0x3;
	[dreg:$0x7] =	wrdreg s15  }
0x15: {  	s2 =	sadd.s32 $0x4F600, s2;
	s24 =	sadd.s32 $0x180, s15;
	[dreg:$0x9] =	wrdreg s12  }
0x16: {  	s25 =	sadd.s32 $0x200, s15;
	s1 =	sadd.s32 s9, s1;
	[dreg:$0xa] =	wrdreg s2  }
0x17: {  	s26 =	smax.u32 s26, $0x1;
	s9 =	simm.s32 $0xCA80;
	[dreg:$0xe] =	wrdreg s24  }
0x18: {  	s17 =	simm.s32 $0xC680;
	s15 =	simm.s32 $0x7;
	[dreg:$0xf] =	wrdreg s25  }
0x19: {  	s11 =	sshrl.u32 s11, $0x3;
	s12 =	sadd.s32 s8, s21;
	[dreg:$0x10] =	wrdreg s1  }
0x1a: {  	[dreg:$0x12] =	wrdreg s26;
	s10 =	sshrl.u32 s13, $0x3;
	s1 =	simm.s32 $0xC280  }
0x1b: {  	s25 =	simm.s32 $0x4;
	s13 =	simm.s32 $0xCE80;
	[dreg:$0xb] =	wrdreg s12  }
0x1c: {  	vm1 =	vcmask $0x2F20;
	s0 =	sadd.s32 s11, s0;
	s23 =	sadd.s32 $0x10, s12;
	[dreg:$0x13] =	wrdreg s10  }
0x1d: {  	vm2 =	vcmask $0xF00;
	vm0 =	vmxor vm0, vm0;
	v1 =	vshrl.u32 v3, $0x3;
	s21 =	simm.s32 $0x6;
	[dreg:$0xd] =	wrdreg s23;
	s0 =	sadd.s32 $0x5B000, s0  }
0x1e: {  	vm1 =	vmor vm2, vm1;
	v3 =	vand.u32 $0x7, v3;
	v2 =	vor.u32 $0x40, v2;
	s11 =	simm.s32 $0xA;
	[dreg:$0x11] =	wrdreg s0;
	s0 =	simm.s32 $0x7680  }
.LBB2_1:
0x1f: {  	[dreg:$0x14] =	wrdreg s4  }
0x20: {  	s2 =	rddreg [dreg:$0x5]  }
0x21: {  	[spmem:s10], [sflag:s18] =	dma.local [hbm:s2], $0x278  }
0x22: {  	_ =	swait.ge [sflag:s11], $0x278  }
0x23: {  	s4 =	rddreg [dreg:$0x9]  }
0x24: {  	[sflag:s11] =	ssyncset.done $0x0;
	s12 =	rddreg [dreg:$0x6];
	s10 =	sshrl.u32 s4, $0x3  }
0x25: {  	[sflag:s11] =	ssyncadd.s32 $0xFFFFFD88;
	[dreg:$0x15] =	wrdreg s10  }
0x26: {  	[spmem:s10], [sflag:s18] =	dma.local [hbm:s12], $0x13C0  }
0x27: {  	_ =	swait.ge [sflag:s11], $0x13C0  }
0x28: {  	[sflag:s11] =	ssyncset.done $0x0  }
0x29: {  	s2 =	simm.s32 $0x0;
	s18 =	rddreg [dreg:$0xa];
	[sflag:s11] =	ssyncadd.s32 $0xFFFFEC40  }
0x2a: {  	[tilespmem:s2], [sflag:$0xA] =	stream.linear.gather [hbm4b:s18+s2], $0x5100, $0x38;
	[tilespmem:$0x1E658] =	vst v63  }
0x2b: {  	_ =	swait.ge [sflag:s11], $0x5100  }
0x2c: {  	[sflag:s11] =	ssyncset.done $0x0  }
0x2d: {  	s20 =	simm.s32 $0x13680;
	s19 =	rddreg [dreg:$0xc];
	[sflag:s11] =	ssyncadd.s32 $0xFFFFAF00  }
0x2e: {  	[tilespmem:s20], [sflag:$0xA] =	stream.linear.gather [hbm4b:s19+s2], $0x10, $0x38;
	[tilespmem:$0x1E658] =	vst v63  }
0x2f: {  	_ =	swait.ge [sflag:s11], $0x10  }
0x30: {  	[sflag:s11] =	ssyncset.done $0x0  }
0x31: {  	[sflag:s11] =	ssyncadd.s32 $0xFFFFFFF0  }
0x32: {  	[bflag:$0x0] =	sbarrier.arrive $0xFFFF  }
0x33: {  	s24 =	simm.s32 $0x5100;
	s23 =	rddreg [dreg:$0xb]  }
0x34: {  	[tilespmem:s24], [sflag:$0xA] =	stream.linear.gather [hbm4b:s23+s2], $0x80, $0x38;
	[tilespmem:$0x1E658] =	vst v63  }
0x35: {  	_ =	swait.ge [sflag:s11], $0x80  }
0x36: {  	[sflag:s11] =	ssyncset.done $0x0  }
0x37: {  	s12 =	simm.s32 $0x5180;
	s26 =	rddreg [dreg:$0xd];
	[sflag:s11] =	ssyncadd.s32 $0xFFFFFF80  }
0x38: {  	[tilespmem:s12], [sflag:$0xA] =	stream.linear.gather [hbm4b:s26+s2], $0x80, $0x38;
	[tilespmem:$0x1E658] =	vst v63  }
0x39: {  	_ =	swait.ge [sflag:s11], $0x80  }
0x3a: {  	[sflag:s11] =	ssyncset.done $0x0  }
0x3b: {  	[sflag:s11] =	ssyncadd.s32 $0xFFFFFF80  }
0x3c: {  	[tilespmem:s30], [sflag:$0x4] =	stream.indirect.gather [hbm4b:s6+s29], $0x48, s24, s29, $0xb8;
	[tilespmem:$0x1E658] =	vst v63  }
0x3d: {  	_ = 	snop  }
0x3e: {  	[tilespmem:s31], [sflag:$0x4] =	stream.indirect.gather [hbm4b:s7+s29], $0x8, s2, s29, $0xb8;
	[tilespmem:$0x1E658] =	vst v63  }
0x3f: {  	_ = 	snop  }
0x40: {  	[tilespmem:s0], [sflag:$0x5] =	stream.indirect.gather [hbm4b:s6+s29], $0x48, s12, s29, $0xb8;
	[tilespmem:$0x1E658] =	vst v63  }
0x41: {  	s12 =	simm.s32 $0x0  }
0x42: {  	[tilespmem:s1], [sflag:$0x5] =	stream.indirect.gather [hbm4b:s7+s29], $0x8, s29, s29, $0xb8;
	[tilespmem:$0x1E658] =	vst v63  }
.LBB2_2:
0x43: {  	s4 =	simm.s32 $0x0  }
0x44: {  	v4 =	vor.u32 s4, v1  }
0x45: {  	_ =	swait.ge [sflag:s25], $0x2400;
	v6 =	vmul.u32 $0x48, v4;
	v5 =	vshll.u32 v4, $0x3  }
0x46: {  	[sflag:s25] =	ssyncset.done $0x0;
	v4 =	vor.u32 v5, v0  }
0x47: {  	[sflag:s25] =	ssyncadd.s32 $0xFFFFDC00;
	v6 =	vadd.s32 v2, v6  }
0x48: {  	_ =	swait.ge [sflag:s25], $0x400  }
0x49: {  	[sflag:s25] =	ssyncset.done $0x0  }
0x4a: {  	[sflag:s25] =	ssyncadd.s32 $0xFFFFFC00  }
0x4b: {  	v7 =	vld.idx.msk [tilespmem:v4+s31+$0x0], $0xffff  }
0x4c: {  	v6 =	vld.idx.msk [tilespmem:v6+s30+$0x0], $0xffff;
	_ =	sdelay $0x4  }
0x4d: {  	v4 =	vld [tilespmem:$0x13680];
	v6 =	vadd.f32 v7, v6;
	_ =	sdelay $0x1  }
0x4e: {  	v7 =	vmul.f32 $2.000000030e-01, v6;
	_ =	sdelay $0x1  }
0x4f: {  	v6 =	vmax.f32 v6, v7  }
0x50: {  	v6 =	vsub.f32 v6, v4;
	_ =	sdelay $0x1  }
0x51: {  	v6 =	vmul.f32 $1.442695020e+00, v6;
	_ =	sdelay $0x1  }
0x52: {  	(erf) = vpow2.f32 v6;
	_ =	sdelay $0x2  }
0x53: {  	s24 =	smul.u32 $0x180, s12  }
0x54: {  	s11 =	simm.s32 $0x2  }
0x55: {  	s18 =	simm.s32 $0x4;
	s10 =	sadd.s32 s5, s24;
	v6 =	vor.u32 s11, v1  }
.LBB2_3:
0x56: {  	p0 =	sne.s32 s18, $0x7E;
	v7 =	vmul.u32 $0x48, v6;
	s2 =	sor.u32 s10, s4;
	v8 =	vor.u32 v3, v5;
	v5 =	vshll.u32 v6, $0x3;
	s4 =	smov.u32 s11  }
0x57: {  	s11 =	smov.u32 s18;
	vm2 =	vmmov vm0;
	v6 =	vor.u32 v5, v0;
	p1 =	slt.u32 s2, $0x50910  }
0x58: {  	v7 =	vadd.s32 v2, v7;
	vm2 =	vmneg @p1 vm2  }
0x59: {  	vm2 =	vmand vm2, vm1;
	v9 =	vpop (erf)  }
0x5a: {  	v9 =	vnsel vm2, $0x0, v9  }
0x5b: {  	[tilespmem:v8+s9+$0x0] =	vst.idx.msk $0xffff, v9  }
0x5c: {  	v6 =	vld.idx.msk [tilespmem:v6+s31+$0x0], $0xffff  }
0x5d: {  	v7 =	vld.idx.msk [tilespmem:v7+s30+$0x0], $0xffff;
	_ =	sdelay $0x5  }
0x5e: {  	v6 =	vadd.f32 v6, v7;
	_ =	sdelay $0x1  }
0x5f: {  	v7 =	vmul.f32 $2.000000030e-01, v6;
	_ =	sdelay $0x1  }
0x60: {  	v6 =	vmax.f32 v6, v7  }
0x61: {  	v6 =	vsub.f32 v6, v4;
	_ =	sdelay $0x1  }
0x62: {  	v6 =	vmul.f32 $1.442695020e+00, v6;
	_ =	sdelay $0x1  }
0x63: {  	(erf) = vpow2.f32 v6  }
.Ltmp0:
0x64: {  	(pc) =	sbr.rel @p0 .LBB2_3-.Ltmp0, $2  }
0x65: {  	_ =	sdelay $0x2  }
0x66: {  	s18 =	sadd.s32 $0x2, s18;
	v6 =	vor.u32 s11, v1  }
0x67: {  	v7 =	vmul.u32 $0x48, v6;
	v6 =	vshll.u32 v6, $0x3;
	s2 =	sor.u32 s10, s4;
	v5 =	vor.u32 v3, v5  }
0x68: {  	vm2 =	vmmov vm0;
	v8 =	vor.u32 v6, v0;
	p0 =	slt.u32 s2, $0x50910  }
0x69: {  	v7 =	vadd.s32 v2, v7;
	vm2 =	vmneg @p0 vm2  }
0x6a: {  	vm2 =	vmand vm2, vm1;
	v9 =	vpop (erf)  }
0x6b: {  	v9 =	vnsel vm2, $0x0, v9  }
0x6c: {  	[tilespmem:v5+s9+$0x0] =	vst.idx.msk $0xffff, v9  }
0x6d: {  	v5 =	vld.idx.msk [tilespmem:v8+s31+$0x0], $0xffff  }
0x6e: {  	v7 =	vld.idx.msk [tilespmem:v7+s30+$0x0], $0xffff;
	_ =	sdelay $0x4  }
0x6f: {  	v5 =	vadd.f32 v5, v7;
	_ =	sdelay $0x1  }
0x70: {  	v7 =	vmul.f32 $2.000000030e-01, v5;
	_ =	sdelay $0x1  }
0x71: {  	v5 =	vmax.f32 v5, v7  }
0x72: {  	v4 =	vsub.f32 v5, v4;
	_ =	sdelay $0x1  }
0x73: {  	v4 =	vmul.f32 $1.442695020e+00, v4;
	_ =	sdelay $0x1  }
0x74: {  	(erf) = vpow2.f32 v4;
	_ =	sdelay $0x5  }
0x75: {  	s4 =	sor.u32 s10, s11;
	v4 =	vor.u32 v3, v6  }
0x76: {  	p0 =	slt.u32 s4, $0x50910;
	vm2 =	vmmov vm0  }
0x77: {  	vm2 =	vmneg @p0 vm2  }
0x78: {  	s10 =	smul.u32 $0x600, s12;
	vm2 =	vmand vm2, vm1;
	v5 =	vpop (erf)  }
0x79: {  	p0 =	seq.s32 s12, $0x0;
	v5 =	vnsel vm2, $0x0, v5  }
0x7a: {  	s11 =	rddreg [dreg:$0x2];
	s26 =	sshra.s32 s10, $0x2;
	s2 =	simm.s32 @!p0 $0x8;
	[tilespmem:v4+s9+$0x0] =	vst.idx.msk $0xffff, v5  }
0x7b: {  	[spmem:s11] =	stream.indirect.scatter.add.f32 [tilespmem:s9], [sflag:$0x7], $0x8, s26, s29, $0xb8;
	[tilespmem:$0x1E658] =	vst v63  }
0x7c: {  	_ =	swait.ge @!p0 [sflag:s2], $0x400  }
0x7d: {  	[sflag:s2] =	ssyncset.done @!p0 $0x0  }
0x7e: {  	[sflag:s2] =	ssyncadd.s32 @!p0 $0xFFFFFC00  }
0x7f: {  	_ =	swait.ge @!p0 [sflag:s2], $0x2000  }
0x80: {  	[sflag:s2] =	ssyncset.done @!p0 $0x0  }
0x81: {  	[sflag:s2] =	ssyncadd.s32 @!p0 $0xFFFFE000;
	s2 =	simm.s32 @!p0 $0x2  }
0x82: {  	_ =	swait.ge @!p0 [sflag:s2], $0x80  }
0x83: {  	s4 =	simm.s32 @!p0 $0x5180;
	[sflag:s2] =	ssyncset.done @!p0 $0x0  }
0x84: {  	s10 =	simm.s32 @!p0 $0x7680;
	[sflag:s2] =	ssyncadd.s32 @!p0 $0xFFFFFF80;
	s2 =	simm.s32 @!p0 $0x80  }
0x85: {  	[tilespmem:s10], [sflag:$0x5] =	stream.indirect.gather @!p0 [hbm4b:s6+s2], $0x48, s4, s2, $0xb8;
	[tilespmem:$0x1E658] =	vst v63  }
0x86: {  	s18 =	simm.s32 $0x0;
	s4 =	sadd.s32 @!p0 $0x80, s26;
	s10 =	simm.s32 @!p0 $0xC280  }
0x87: {  	[tilespmem:s10], [sflag:$0x5] =	stream.indirect.gather @!p0 [hbm4b:s7+s2], $0x8, s4, s2, $0xb8;
	[tilespmem:$0x1E658] =	vst v63  }
0x88: {  	v4 =	vmov s18;
	s19 =	rddreg [dreg:$0x7];
	s4 =	sadd.s32 $0x100, s24  }
0x89: {  	s2 =	sadd.s32 s19, s4  }
0x8a: {  	s2 =	sshrl.u32 s2, $0x3  }
0x8b: {  	s20 =	simm.s32 $0x0;
	s23 =	simm.s32 $0x5200;
	s2 =	sadd.s32 s8, s2  }
0x8c: {  	[tilespmem:s23], [sflag:$0x3] =	stream.linear.gather [hbm4b:s2+s20], $0x80, $0x38;
	[tilespmem:$0x1E658] =	vst v63  }
0x8d: {  	s23 =	simm.s32 $0x52C8;
	v5 =	vld.idx.msk [tilespmem:v4+s9+$0x0], $0xffff  }
0x8e: {  	v6 =	vld [tilespmem:s23+$0xFFFFFFB8];
	_ =	sdelay $0x2  }
0x8f: {  	v7 =	vor.u32 $0x1, v4;
	_ =	sdelay $0x1  }
0x90: {  	v5 =	vmul.f32 v6, v5  }
0x91: {  	s20 =	simm.s32 $0xD6C0  }
0x92: {  	[tilespmem:s20+$0xFFFFFFC0] =	vst v5  }
0x93: {  	v5 =	vld.idx.msk [tilespmem:v7+s9+$0x0], $0xffff  }
0x94: {  	v6 =	vld [tilespmem:s23+$0xFFFFFFC8];
	_ =	sdelay $0x2  }
0x95: {  	v7 =	vor.u32 $0x2, v4;
	_ =	sdelay $0x1  }
0x96: {  	v5 =	vmul.f32 v6, v5;
	_ =	sdelay $0x1  }
0x97: {  	[tilespmem:s20+$0xFFFFFFD0] =	vst v5  }
0x98: {  	v5 =	vld.idx.msk [tilespmem:v7+s9+$0x0], $0xffff  }
0x99: {  	v6 =	vld [tilespmem:s23+$0xFFFFFFD8];
	_ =	sdelay $0x2  }
0x9a: {  	v4 =	vor.u32 $0x3, v4;
	_ =	sdelay $0x1  }
0x9b: {  	v5 =	vmul.f32 v6, v5;
	_ =	sdelay $0x1  }
0x9c: {  	[tilespmem:s20+$0xFFFFFFE0] =	vst v5  }
0x9d: {  	v4 =	vld.idx.msk [tilespmem:v4+s9+$0x0], $0xffff  }
0x9e: {  	v5 =	vld [tilespmem:s23+$0xFFFFFFE8];
	_ =	sdelay $0x1  }
0x9f: {  	s18 =	simm.s32 $0x8  }
0xa0: {  	v6 =	vmov s18;
	_ =	sdelay $0x1  }
0xa1: {  	v4 =	vmul.f32 v5, v4;
	_ =	sdelay $0x1  }
0xa2: {  	[tilespmem:s20+$0xFFFFFFF0] =	vst v4  }
0xa3: {  	v4 =	vld.idx.msk [tilespmem:v6+s9+$0x0], $0xffff  }
0xa4: {  	v5 =	vld [tilespmem:s23+$0x0];
	_ =	sdelay $0x2  }
0xa5: {  	v7 =	vor.u32 $0x1, v6;
	_ =	sdelay $0x1  }
0xa6: {  	v4 =	vmul.f32 v5, v4;
	_ =	sdelay $0x1  }
0xa7: {  	[tilespmem:s20+$0x0] =	vst v4  }
0xa8: {  	v4 =	vld.idx.msk [tilespmem:v7+s9+$0x0], $0xffff  }
0xa9: {  	v5 =	vld [tilespmem:s23+$0x10];
	_ =	sdelay $0x2  }
0xaa: {  	v7 =	vor.u32 $0x2, v6;
	_ =	sdelay $0x1  }
0xab: {  	v4 =	vmul.f32 v5, v4;
	_ =	sdelay $0x1  }
0xac: {  	[tilespmem:s20+$0x10] =	vst v4  }
0xad: {  	v4 =	vld.idx.msk [tilespmem:v7+s9+$0x0], $0xffff  }
0xae: {  	v5 =	vld [tilespmem:s23+$0x20];
	_ =	sdelay $0x2  }
0xaf: {  	v6 =	vor.u32 $0x3, v6;
	_ =	sdelay $0x1  }
0xb0: {  	v4 =	vmul.f32 v5, v4;
	_ =	sdelay $0x1  }
0xb1: {  	[tilespmem:s20+$0x20] =	vst v4  }
0xb2: {  	v5 =	vld.idx.msk [tilespmem:v6+s9+$0x0], $0xffff  }
0xb3: {  	v6 =	vld [tilespmem:s23+$0x30];
	_ =	sdelay $0x1  }
0xb4: {  	s19 =	simm.s32 $0x10  }
0xb5: {  	v4 =	vmov s19;
	_ =	sdelay $0x1  }
0xb6: {  	s10 =	simm.s32 $0x4;
	s19 =	simm.s32 $0x18;
	v5 =	vmul.f32 v6, v5  }
.LBB2_5:
0xb7: {  	s23 =	sadd.s32 $0x90, s23  }
0xb8: {  	s18 =	smov.u32 s10;
	s11 =	sadd.s32 $0x2, s10;
	[tilespmem:s20+$0x30] =	vst v5;
	s20 =	sadd.s32 $0x80, s20  }
0xb9: {  	p1 =	sne.s32 s10, $0x7E;
	v5 =	vld.idx.msk [tilespmem:v4+s9+$0x0], $0xffff  }
0xba: {  	v6 =	vld [tilespmem:s23+$0xFFFFFFB8];
	_ =	sdelay $0x2  }
0xbb: {  	v7 =	vor.u32 $0x1, v4;
	_ =	sdelay $0x1  }
0xbc: {  	v5 =	vmul.f32 v6, v5;
	_ =	sdelay $0x1  }
0xbd: {  	[tilespmem:s20+$0xFFFFFFC0] =	vst v5  }
0xbe: {  	v5 =	vld.idx.msk [tilespmem:v7+s9+$0x0], $0xffff  }
0xbf: {  	v6 =	vld [tilespmem:s23+$0xFFFFFFC8];
	_ =	sdelay $0x2  }
0xc0: {  	v7 =	vor.u32 $0x2, v4;
	_ =	sdelay $0x1  }
0xc1: {  	v5 =	vmul.f32 v6, v5;
	_ =	sdelay $0x1  }
0xc2: {  	[tilespmem:s20+$0xFFFFFFD0] =	vst v5  }
0xc3: {  	v5 =	vld.idx.msk [tilespmem:v7+s9+$0x0], $0xffff  }
0xc4: {  	v6 =	vld [tilespmem:s23+$0xFFFFFFD8];
	_ =	sdelay $0x2  }
0xc5: {  	v4 =	vor.u32 $0x3, v4;
	_ =	sdelay $0x1  }
0xc6: {  	v5 =	vmul.f32 v6, v5;
	_ =	sdelay $0x1  }
0xc7: {  	[tilespmem:s20+$0xFFFFFFE0] =	vst v5  }
0xc8: {  	v4 =	vld.idx.msk [tilespmem:v4+s9+$0x0], $0xffff  }
0xc9: {  	v5 =	vld [tilespmem:s23+$0xFFFFFFE8];
	_ =	sdelay $0x2  }
0xca: {  	v6 =	vmov s19;
	_ =	sdelay $0x1  }
0xcb: {  	v4 =	vmul.f32 v5, v4;
	_ =	sdelay $0x1  }
0xcc: {  	[tilespmem:s20+$0xFFFFFFF0] =	vst v4  }
0xcd: {  	v4 =	vld.idx.msk [tilespmem:v6+s9+$0x0], $0xffff  }
0xce: {  	v5 =	vld [tilespmem:s23+$0x0];
	_ =	sdelay $0x2  }
0xcf: {  	v7 =	vor.u32 $0x1, v6;
	_ =	sdelay $0x1  }
0xd0: {  	v4 =	vmul.f32 v5, v4;
	_ =	sdelay $0x1  }
0xd1: {  	[tilespmem:s20+$0x0] =	vst v4  }
0xd2: {  	v4 =	vld.idx.msk [tilespmem:v7+s9+$0x0], $0xffff  }
0xd3: {  	v5 =	vld [tilespmem:s23+$0x10];
	_ =	sdelay $0x2  }
0xd4: {  	v7 =	vor.u32 $0x2, v6;
	_ =	sdelay $0x1  }
0xd5: {  	v4 =	vmul.f32 v5, v4;
	_ =	sdelay $0x1  }
0xd6: {  	[tilespmem:s20+$0x10] =	vst v4  }
0xd7: {  	v4 =	vld.idx.msk [tilespmem:v7+s9+$0x0], $0xffff  }
0xd8: {  	v5 =	vld [tilespmem:s23+$0x20];
	_ =	sdelay $0x2  }
0xd9: {  	v6 =	vor.u32 $0x3, v6;
	_ =	sdelay $0x1  }
0xda: {  	v4 =	vmul.f32 v5, v4;
	_ =	sdelay $0x1  }
0xdb: {  	[tilespmem:s20+$0x20] =	vst v4  }
0xdc: {  	v5 =	vld.idx.msk [tilespmem:v6+s9+$0x0], $0xffff  }
0xdd: {  	v6 =	vld [tilespmem:s23+$0x30]  }
.Ltmp1:
0xde: {  	(pc) =	sbr.rel @p1 .LBB2_5-.Ltmp1, $3  }
0xdf: {  	s2 =	sshll.u32 s18, $0x3  }
0xe0: {  	s19 =	sadd.s32 $0x8, s2;
	v4 =	vmov s2;
	_ =	sdelay $0x1  }
0xe1: {  	s10 =	smov.u32 s11;
	v5 =	vmul.f32 v6, v5  }
0xe2: {  	_ =	sdelay $0x2  }
0xe3: {  	[tilespmem:s20+$0x30] =	vst v5  }
0xe4: {  	s2 =	sadd.s32 $0x90, s23;
	v5 =	vld.idx.msk [tilespmem:v4+s9+$0x0], $0xffff  }
0xe5: {  	v6 =	vld [tilespmem:s2+$0xFFFFFFB8];
	_ =	sdelay $0x2  }
0xe6: {  	v7 =	vor.u32 $0x1, v4;
	_ =	sdelay $0x1  }
0xe7: {  	v5 =	vmul.f32 v6, v5  }
0xe8: {  	s10 =	sadd.s32 $0x80, s20  }
0xe9: {  	[tilespmem:s10+$0xFFFFFFC0] =	vst v5  }
0xea: {  	v5 =	vld.idx.msk [tilespmem:v7+s9+$0x0], $0xffff  }
0xeb: {  	v6 =	vld [tilespmem:s2+$0xFFFFFFC8];
	_ =	sdelay $0x2  }
0xec: {  	v7 =	vor.u32 $0x2, v4;
	_ =	sdelay $0x1  }
0xed: {  	v5 =	vmul.f32 v6, v5;
	_ =	sdelay $0x1  }
0xee: {  	[tilespmem:s10+$0xFFFFFFD0] =	vst v5  }
0xef: {  	v5 =	vld.idx.msk [tilespmem:v7+s9+$0x0], $0xffff  }
0xf0: {  	v6 =	vld [tilespmem:s2+$0xFFFFFFD8];
	_ =	sdelay $0x2  }
0xf1: {  	v4 =	vor.u32 $0x3, v4;
	_ =	sdelay $0x1  }
0xf2: {  	v5 =	vmul.f32 v6, v5;
	_ =	sdelay $0x1  }
0xf3: {  	[tilespmem:s10+$0xFFFFFFE0] =	vst v5  }
0xf4: {  	v4 =	vld.idx.msk [tilespmem:v4+s9+$0x0], $0xffff  }
0xf5: {  	v5 =	vld [tilespmem:s2+$0xFFFFFFE8];
	_ =	sdelay $0x2  }
0xf6: {  	v6 =	vmov s19;
	_ =	sdelay $0x1  }
0xf7: {  	v4 =	vmul.f32 v5, v4;
	_ =	sdelay $0x1  }
0xf8: {  	[tilespmem:s10+$0xFFFFFFF0] =	vst v4  }
0xf9: {  	v4 =	vld.idx.msk [tilespmem:v6+s9+$0x0], $0xffff  }
0xfa: {  	v5 =	vld [tilespmem:s2+$0x0];
	_ =	sdelay $0x2  }
0xfb: {  	v7 =	vor.u32 $0x1, v6;
	_ =	sdelay $0x1  }
0xfc: {  	v4 =	vmul.f32 v5, v4;
	_ =	sdelay $0x1  }
0xfd: {  	[tilespmem:s10+$0x0] =	vst v4  }
0xfe: {  	v4 =	vld.idx.msk [tilespmem:v7+s9+$0x0], $0xffff  }
0xff: {  	v5 =	vld [tilespmem:s2+$0x10];
	_ =	sdelay $0x2  }
0x100: {  	v7 =	vor.u32 $0x2, v6;
	_ =	sdelay $0x1  }
0x101: {  	v4 =	vmul.f32 v5, v4;
	_ =	sdelay $0x1  }
0x102: {  	[tilespmem:s10+$0x10] =	vst v4  }
0x103: {  	v4 =	vld.idx.msk [tilespmem:v7+s9+$0x0], $0xffff  }
0x104: {  	v5 =	vld [tilespmem:s2+$0x20];
	_ =	sdelay $0x2  }
0x105: {  	v6 =	vor.u32 $0x3, v6;
	_ =	sdelay $0x1  }
0x106: {  	v4 =	vmul.f32 v5, v4;
	_ =	sdelay $0x1  }
0x107: {  	[tilespmem:s10+$0x20] =	vst v4  }
0x108: {  	v4 =	vld.idx.msk [tilespmem:v6+s9+$0x0], $0xffff  }
0x109: {  	v5 =	vld [tilespmem:s2+$0x30];
	_ =	sdelay $0x4  }
0x10a: {  	v4 =	vmul.f32 v5, v4;
	_ =	sdelay $0x1  }
0x10b: {  	s23 =	simm.s32 $0xD680;
	[tilespmem:s10+$0x30] =	vst v4;
	s10 =	simm.s32 $0x0  }
0x10c: {  	[spmem:s3] =	stream.indirect.scatter.add.f32 [tilespmem:s23], [sflag:$0x7], $0x40, s26, s29, $0xb8;
	v4 =	vor.u32 s10, v1;
	[tilespmem:$0x1E658] =	vst v63  }
0x10d: {  	_ =	swait.ge [sflag:s28], $0x2400;
	v6 =	vmul.u32 $0x48, v4;
	v5 =	vshll.u32 v4, $0x3  }
0x10e: {  	[sflag:s28] =	ssyncset.done $0x0;
	v4 =	vor.u32 v5, v0  }
0x10f: {  	[sflag:s28] =	ssyncadd.s32 $0xFFFFDC00;
	v6 =	vadd.s32 v2, v6  }
0x110: {  	_ =	swait.ge [sflag:s28], $0x400  }
0x111: {  	[sflag:s28] =	ssyncset.done $0x0  }
0x112: {  	[sflag:s28] =	ssyncadd.s32 $0xFFFFFC00  }
0x113: {  	v7 =	vld.idx.msk [tilespmem:v4+s1+$0x0], $0xffff  }
0x114: {  	v6 =	vld.idx.msk [tilespmem:v6+s0+$0x0], $0xffff;
	_ =	sdelay $0x4  }
0x115: {  	v4 =	vld [tilespmem:$0x13680];
	v6 =	vadd.f32 v7, v6;
	_ =	sdelay $0x1  }
0x116: {  	v7 =	vmul.f32 $2.000000030e-01, v6;
	_ =	sdelay $0x1  }
0x117: {  	v6 =	vmax.f32 v6, v7  }
0x118: {  	v6 =	vsub.f32 v6, v4;
	_ =	sdelay $0x1  }
0x119: {  	v6 =	vmul.f32 $1.442695020e+00, v6;
	_ =	sdelay $0x1  }
0x11a: {  	(erf) = vpow2.f32 v6;
	_ =	sdelay $0x3  }
0x11b: {  	s18 =	simm.s32 $0x2;
	s20 =	sadd.s32 $0x80, s24  }
0x11c: {  	s11 =	sadd.s32 s5, s20;
	s19 =	simm.s32 $0x4;
	v6 =	vor.u32 s18, v1  }
.LBB2_7:
0x11d: {  	p1 =	sne.s32 s19, $0x7E;
	v7 =	vmul.u32 $0x48, v6;
	s2 =	sor.u32 s11, s10;
	v8 =	vor.u32 v3, v5;
	v5 =	vshll.u32 v6, $0x3;
	s10 =	smov.u32 s18  }
0x11e: {  	s18 =	smov.u32 s19;
	vm2 =	vmmov vm0;
	v6 =	vor.u32 v5, v0;
	p2 =	slt.u32 s2, $0x50910  }
0x11f: {  	v7 =	vadd.s32 v2, v7;
	vm2 =	vmneg @p2 vm2  }
0x120: {  	vm2 =	vmand vm2, vm1;
	v9 =	vpop (erf)  }
0x121: {  	v9 =	vnsel vm2, $0x0, v9  }
0x122: {  	[tilespmem:v8+s13+$0x0] =	vst.idx.msk $0xffff, v9  }
0x123: {  	v6 =	vld.idx.msk [tilespmem:v6+s1+$0x0], $0xffff  }
0x124: {  	v7 =	vld.idx.msk [tilespmem:v7+s0+$0x0], $0xffff;
	_ =	sdelay $0x5  }
0x125: {  	v6 =	vadd.f32 v6, v7;
	_ =	sdelay $0x1  }
0x126: {  	v7 =	vmul.f32 $2.000000030e-01, v6;
	_ =	sdelay $0x1  }
0x127: {  	v6 =	vmax.f32 v6, v7  }
0x128: {  	v6 =	vsub.f32 v6, v4;
	_ =	sdelay $0x1  }
0x129: {  	v6 =	vmul.f32 $1.442695020e+00, v6;
	_ =	sdelay $0x1  }
0x12a: {  	(erf) = vpow2.f32 v6  }
.Ltmp2:
0x12b: {  	(pc) =	sbr.rel @p1 .LBB2_7-.Ltmp2, $2  }
0x12c: {  	_ =	sdelay $0x2  }
0x12d: {  	s19 =	sadd.s32 $0x2, s19;
	v6 =	vor.u32 s18, v1  }
0x12e: {  	v7 =	vmul.u32 $0x48, v6;
	v6 =	vshll.u32 v6, $0x3;
	s2 =	sor.u32 s11, s10;
	v5 =	vor.u32 v3, v5  }
0x12f: {  	vm2 =	vmmov vm0;
	v8 =	vor.u32 v6, v0;
	p1 =	slt.u32 s2, $0x50910  }
0x130: {  	v7 =	vadd.s32 v2, v7;
	vm2 =	vmneg @p1 vm2  }
0x131: {  	vm2 =	vmand vm2, vm1;
	v9 =	vpop (erf)  }
0x132: {  	v9 =	vnsel vm2, $0x0, v9  }
0x133: {  	[tilespmem:v5+s13+$0x0] =	vst.idx.msk $0xffff, v9  }
0x134: {  	v5 =	vld.idx.msk [tilespmem:v8+s1+$0x0], $0xffff  }
0x135: {  	v7 =	vld.idx.msk [tilespmem:v7+s0+$0x0], $0xffff;
	_ =	sdelay $0x4  }
0x136: {  	v5 =	vadd.f32 v5, v7;
	_ =	sdelay $0x1  }
0x137: {  	v7 =	vmul.f32 $2.000000030e-01, v5;
	_ =	sdelay $0x1  }
0x138: {  	v5 =	vmax.f32 v5, v7  }
0x139: {  	v4 =	vsub.f32 v5, v4;
	_ =	sdelay $0x1  }
0x13a: {  	v4 =	vmul.f32 $1.442695020e+00, v4;
	_ =	sdelay $0x1  }
0x13b: {  	(erf) = vpow2.f32 v4;
	_ =	sdelay $0x5  }
0x13c: {  	s18 =	sor.u32 s11, s18;
	v4 =	vor.u32 v3, v6  }
0x13d: {  	p1 =	slt.u32 s18, $0x50910;
	vm2 =	vmmov vm0  }
0x13e: {  	vm2 =	vmneg @p1 vm2  }
0x13f: {  	vm2 =	vmand vm2, vm1;
	v5 =	vpop (erf)  }
0x140: {  	v5 =	vnsel vm2, $0x0, v5  }
0x141: {  	s19 =	rddreg [dreg:$0x2];
	s2 =	simm.s32 @!p0 $0x9;
	[tilespmem:v4+s13+$0x0] =	vst.idx.msk $0xffff, v5  }
0x142: {  	[spmem:s19] =	stream.indirect.scatter.add.f32 [tilespmem:s13], [sflag:$0x8], $0x8, s20, s29, $0xb8;
	[tilespmem:$0x1E658] =	vst v63  }
0x143: {  	_ =	swait.ge @!p0 [sflag:s2], $0x400  }
0x144: {  	[sflag:s2] =	ssyncset.done @!p0 $0x0  }
0x145: {  	[sflag:s2] =	ssyncadd.s32 @!p0 $0xFFFFFC00  }
0x146: {  	_ =	swait.ge @!p0 [sflag:s2], $0x2000  }
0x147: {  	[sflag:s2] =	ssyncset.done @!p0 $0x0  }
0x148: {  	[sflag:s2] =	ssyncadd.s32 @!p0 $0xFFFFE000  }
0x149: {  	s23 =	simm.s32 $0x5200;
	_ =	swait.ge [sflag:s14], $0x80  }
0x14a: {  	p0 =	seq.s32 s12, $0x35;
	[sflag:s14] =	ssyncset.done $0x0;
	s2 =	rddreg [dreg:$0xe]  }
0x14b: {  	s11 =	simm.s32 $0x0;
	[sflag:s14] =	ssyncadd.s32 $0xFFFFFF80;
	s2 =	sadd.s32 @!p0 s24, s2  }
0x14c: {  	v4 =	vmov s11;
	[tilespmem:s16], [sflag:$0x6] =	stream.indirect.gather [hbm4b:s6+s29], $0x48, s23, s29, $0xb8;
	[tilespmem:$0x1E658] =	vst v63  }
0x14d: {  	s10 =	sadd.s32 $0x100, s26;
	s2 =	sshrl.u32 @!p0 s2, $0x3  }
0x14e: {  	[tilespmem:s17], [sflag:$0x6] =	stream.indirect.gather [hbm4b:s7+s29], $0x8, s10, s29, $0xb8;
	[tilespmem:$0x1E658] =	vst v63  }
0x14f: {  	s11 =	simm.s32 @!p0 $0x5100;
	s2 =	sadd.s32 @!p0 s8, s2;
	s10 =	simm.s32 @!p0 $0x0  }
0x150: {  	[tilespmem:s11], [sflag:$0x1] =	stream.linear.gather @!p0 [hbm4b:s2+s10], $0x80, $0x38;
	[tilespmem:$0x1E658] =	vst v63  }
0x151: {  	s11 =	simm.s32 $0x76C8;
	v5 =	vld.idx.msk [tilespmem:v4+s13+$0x0], $0xffff  }
0x152: {  	v6 =	vld [tilespmem:s11+$0xFFFFFFB8];
	_ =	sdelay $0x2  }
0x153: {  	v7 =	vor.u32 $0x1, v4;
	_ =	sdelay $0x1  }
0x154: {  	v5 =	vmul.f32 v6, v5  }
0x155: {  	s23 =	simm.s32 $0xF6C0  }
0x156: {  	[tilespmem:s23+$0xFFFFFFC0] =	vst v5  }
0x157: {  	v5 =	vld.idx.msk [tilespmem:v7+s13+$0x0], $0xffff  }
0x158: {  	v6 =	vld [tilespmem:s11+$0xFFFFFFC8];
	_ =	sdelay $0x2  }
0x159: {  	v7 =	vor.u32 $0x2, v4;
	_ =	sdelay $0x1  }
0x15a: {  	v5 =	vmul.f32 v6, v5;
	_ =	sdelay $0x1  }
0x15b: {  	[tilespmem:s23+$0xFFFFFFD0] =	vst v5  }
0x15c: {  	v5 =	vld.idx.msk [tilespmem:v7+s13+$0x0], $0xffff  }
0x15d: {  	v6 =	vld [tilespmem:s11+$0xFFFFFFD8];
	_ =	sdelay $0x2  }
0x15e: {  	v4 =	vor.u32 $0x3, v4;
	_ =	sdelay $0x1  }
0x15f: {  	v5 =	vmul.f32 v6, v5;
	_ =	sdelay $0x1  }
0x160: {  	[tilespmem:s23+$0xFFFFFFE0] =	vst v5  }
0x161: {  	v4 =	vld.idx.msk [tilespmem:v4+s13+$0x0], $0xffff  }
0x162: {  	v5 =	vld [tilespmem:s11+$0xFFFFFFE8];
	_ =	sdelay $0x1  }
0x163: {  	s18 =	simm.s32 $0x8  }
0x164: {  	v6 =	vmov s18;
	_ =	sdelay $0x1  }
0x165: {  	v4 =	vmul.f32 v5, v4;
	_ =	sdelay $0x1  }
0x166: {  	[tilespmem:s23+$0xFFFFFFF0] =	vst v4  }
0x167: {  	v4 =	vld.idx.msk [tilespmem:v6+s13+$0x0], $0xffff  }
0x168: {  	v5 =	vld [tilespmem:s11+$0x0];
	_ =	sdelay $0x2  }
0x169: {  	v7 =	vor.u32 $0x1, v6;
	_ =	sdelay $0x1  }
0x16a: {  	v4 =	vmul.f32 v5, v4;
	_ =	sdelay $0x1  }
0x16b: {  	[tilespmem:s23+$0x0] =	vst v4  }
0x16c: {  	v4 =	vld.idx.msk [tilespmem:v7+s13+$0x0], $0xffff  }
0x16d: {  	v5 =	vld [tilespmem:s11+$0x10];
	_ =	sdelay $0x2  }
0x16e: {  	v7 =	vor.u32 $0x2, v6;
	_ =	sdelay $0x1  }
0x16f: {  	v4 =	vmul.f32 v5, v4;
	_ =	sdelay $0x1  }
0x170: {  	[tilespmem:s23+$0x10] =	vst v4  }
0x171: {  	v4 =	vld.idx.msk [tilespmem:v7+s13+$0x0], $0xffff  }
0x172: {  	v5 =	vld [tilespmem:s11+$0x20];
	_ =	sdelay $0x2  }
0x173: {  	v6 =	vor.u32 $0x3, v6;
	_ =	sdelay $0x1  }
0x174: {  	v4 =	vmul.f32 v5, v4;
	_ =	sdelay $0x1  }
0x175: {  	[tilespmem:s23+$0x20] =	vst v4  }
0x176: {  	v5 =	vld.idx.msk [tilespmem:v6+s13+$0x0], $0xffff  }
0x177: {  	v6 =	vld [tilespmem:s11+$0x30];
	_ =	sdelay $0x1  }
0x178: {  	s19 =	simm.s32 $0x10  }
0x179: {  	v4 =	vmov s19;
	_ =	sdelay $0x1  }
0x17a: {  	s10 =	simm.s32 $0x18;
	s18 =	simm.s32 $0x4;
	v5 =	vmul.f32 v6, v5  }
.LBB2_9:
0x17b: {  	s11 =	sadd.s32 $0x90, s11  }
0x17c: {  	s19 =	smov.u32 s18;
	s2 =	sadd.s32 $0x2, s18;
	[tilespmem:s23+$0x30] =	vst v5;
	s23 =	sadd.s32 $0x80, s23  }
0x17d: {  	p1 =	sne.s32 s18, $0x7E;
	v5 =	vld.idx.msk [tilespmem:v4+s13+$0x0], $0xffff  }
0x17e: {  	v6 =	vld [tilespmem:s11+$0xFFFFFFB8];
	_ =	sdelay $0x2  }
0x17f: {  	v7 =	vor.u32 $0x1, v4;
	_ =	sdelay $0x1  }
0x180: {  	v5 =	vmul.f32 v6, v5;
	_ =	sdelay $0x1  }
0x181: {  	[tilespmem:s23+$0xFFFFFFC0] =	vst v5  }
0x182: {  	v5 =	vld.idx.msk [tilespmem:v7+s13+$0x0], $0xffff  }
0x183: {  	v6 =	vld [tilespmem:s11+$0xFFFFFFC8];
	_ =	sdelay $0x2  }
0x184: {  	v7 =	vor.u32 $0x2, v4;
	_ =	sdelay $0x1  }
0x185: {  	v5 =	vmul.f32 v6, v5;
	_ =	sdelay $0x1  }
0x186: {  	[tilespmem:s23+$0xFFFFFFD0] =	vst v5  }
0x187: {  	v5 =	vld.idx.msk [tilespmem:v7+s13+$0x0], $0xffff  }
0x188: {  	v6 =	vld [tilespmem:s11+$0xFFFFFFD8];
	_ =	sdelay $0x2  }
0x189: {  	v4 =	vor.u32 $0x3, v4;
	_ =	sdelay $0x1  }
0x18a: {  	v5 =	vmul.f32 v6, v5;
	_ =	sdelay $0x1  }
0x18b: {  	[tilespmem:s23+$0xFFFFFFE0] =	vst v5  }
0x18c: {  	v4 =	vld.idx.msk [tilespmem:v4+s13+$0x0], $0xffff  }
0x18d: {  	v5 =	vld [tilespmem:s11+$0xFFFFFFE8];
	_ =	sdelay $0x2  }
0x18e: {  	v6 =	vmov s10;
	_ =	sdelay $0x1  }
0x18f: {  	v4 =	vmul.f32 v5, v4;
	_ =	sdelay $0x1  }
0x190: {  	[tilespmem:s23+$0xFFFFFFF0] =	vst v4  }
0x191: {  	v4 =	vld.idx.msk [tilespmem:v6+s13+$0x0], $0xffff  }
0x192: {  	v5 =	vld [tilespmem:s11+$0x0];
	_ =	sdelay $0x2  }
0x193: {  	v7 =	vor.u32 $0x1, v6;
	_ =	sdelay $0x1  }
0x194: {  	v4 =	vmul.f32 v5, v4;
	_ =	sdelay $0x1  }
0x195: {  	[tilespmem:s23+$0x0] =	vst v4  }
0x196: {  	v4 =	vld.idx.msk [tilespmem:v7+s13+$0x0], $0xffff  }
0x197: {  	v5 =	vld [tilespmem:s11+$0x10];
	_ =	sdelay $0x2  }
0x198: {  	v7 =	vor.u32 $0x2, v6;
	_ =	sdelay $0x1  }
0x199: {  	v4 =	vmul.f32 v5, v4;
	_ =	sdelay $0x1  }
0x19a: {  	[tilespmem:s23+$0x10] =	vst v4  }
0x19b: {  	v4 =	vld.idx.msk [tilespmem:v7+s13+$0x0], $0xffff  }
0x19c: {  	v5 =	vld [tilespmem:s11+$0x20];
	_ =	sdelay $0x2  }
0x19d: {  	v6 =	vor.u32 $0x3, v6;
	_ =	sdelay $0x1  }
0x19e: {  	v4 =	vmul.f32 v5, v4;
	_ =	sdelay $0x1  }
0x19f: {  	[tilespmem:s23+$0x20] =	vst v4  }
0x1a0: {  	v5 =	vld.idx.msk [tilespmem:v6+s13+$0x0], $0xffff  }
0x1a1: {  	v6 =	vld [tilespmem:s11+$0x30]  }
.Ltmp3:
0x1a2: {  	(pc) =	sbr.rel @p1 .LBB2_9-.Ltmp3, $3  }
0x1a3: {  	s10 =	sshll.u32 s19, $0x3  }
0x1a4: {  	v4 =	vmov s10;
	s10 =	sadd.s32 $0x8, s10;
	_ =	sdelay $0x1  }
0x1a5: {  	s18 =	smov.u32 s2;
	v5 =	vmul.f32 v6, v5  }
0x1a6: {  	_ =	sdelay $0x2  }
0x1a7: {  	[tilespmem:s23+$0x30] =	vst v5  }
0x1a8: {  	s2 =	sadd.s32 $0x90, s11;
	v5 =	vld.idx.msk [tilespmem:v4+s13+$0x0], $0xffff  }
0x1a9: {  	v6 =	vld [tilespmem:s2+$0xFFFFFFB8];
	_ =	sdelay $0x2  }
0x1aa: {  	v7 =	vor.u32 $0x1, v4;
	_ =	sdelay $0x1  }
0x1ab: {  	v5 =	vmul.f32 v6, v5  }
0x1ac: {  	s19 =	sadd.s32 $0x80, s23  }
0x1ad: {  	[tilespmem:s19+$0xFFFFFFC0] =	vst v5  }
0x1ae: {  	v5 =	vld.idx.msk [tilespmem:v7+s13+$0x0], $0xffff  }
0x1af: {  	v6 =	vld [tilespmem:s2+$0xFFFFFFC8];
	_ =	sdelay $0x2  }
0x1b0: {  	v7 =	vor.u32 $0x2, v4;
	_ =	sdelay $0x1  }
0x1b1: {  	v5 =	vmul.f32 v6, v5;
	_ =	sdelay $0x1  }
0x1b2: {  	[tilespmem:s19+$0xFFFFFFD0] =	vst v5  }
0x1b3: {  	v5 =	vld.idx.msk [tilespmem:v7+s13+$0x0], $0xffff  }
0x1b4: {  	v6 =	vld [tilespmem:s2+$0xFFFFFFD8];
	_ =	sdelay $0x2  }
0x1b5: {  	v4 =	vor.u32 $0x3, v4;
	_ =	sdelay $0x1  }
0x1b6: {  	v5 =	vmul.f32 v6, v5;
	_ =	sdelay $0x1  }
0x1b7: {  	[tilespmem:s19+$0xFFFFFFE0] =	vst v5  }
0x1b8: {  	v4 =	vld.idx.msk [tilespmem:v4+s13+$0x0], $0xffff  }
0x1b9: {  	v5 =	vld [tilespmem:s2+$0xFFFFFFE8];
	_ =	sdelay $0x2  }
0x1ba: {  	v6 =	vmov s10;
	_ =	sdelay $0x1  }
0x1bb: {  	v4 =	vmul.f32 v5, v4;
	_ =	sdelay $0x1  }
0x1bc: {  	[tilespmem:s19+$0xFFFFFFF0] =	vst v4  }
0x1bd: {  	v4 =	vld.idx.msk [tilespmem:v6+s13+$0x0], $0xffff  }
0x1be: {  	v5 =	vld [tilespmem:s2+$0x0];
	_ =	sdelay $0x2  }
0x1bf: {  	v7 =	vor.u32 $0x1, v6;
	_ =	sdelay $0x1  }
0x1c0: {  	v4 =	vmul.f32 v5, v4;
	_ =	sdelay $0x1  }
0x1c1: {  	[tilespmem:s19+$0x0] =	vst v4  }
0x1c2: {  	v4 =	vld.idx.msk [tilespmem:v7+s13+$0x0], $0xffff  }
0x1c3: {  	v5 =	vld [tilespmem:s2+$0x10];
	_ =	sdelay $0x2  }
0x1c4: {  	v7 =	vor.u32 $0x2, v6;
	_ =	sdelay $0x1  }
0x1c5: {  	v4 =	vmul.f32 v5, v4;
	_ =	sdelay $0x1  }
0x1c6: {  	[tilespmem:s19+$0x10] =	vst v4  }
0x1c7: {  	v4 =	vld.idx.msk [tilespmem:v7+s13+$0x0], $0xffff  }
0x1c8: {  	v5 =	vld [tilespmem:s2+$0x20];
	_ =	sdelay $0x2  }
0x1c9: {  	v6 =	vor.u32 $0x3, v6;
	_ =	sdelay $0x1  }
0x1ca: {  	v4 =	vmul.f32 v5, v4;
	_ =	sdelay $0x1  }
0x1cb: {  	[tilespmem:s19+$0x20] =	vst v4  }
0x1cc: {  	v4 =	vld.idx.msk [tilespmem:v6+s13+$0x0], $0xffff  }
0x1cd: {  	v5 =	vld [tilespmem:s2+$0x30];
	_ =	sdelay $0x4  }
0x1ce: {  	v4 =	vmul.f32 v5, v4;
	_ =	sdelay $0x1  }
0x1cf: {  	s23 =	simm.s32 $0xF680;
	s10 =	simm.s32 $0x0;
	[tilespmem:s19+$0x30] =	vst v4  }
0x1d0: {  	v4 =	vor.u32 s10, v1;
	[spmem:s3] =	stream.indirect.scatter.add.f32 [tilespmem:s23], [sflag:$0x8], $0x40, s20, s29, $0xb8;
	[tilespmem:$0x1E658] =	vst v63  }
0x1d1: {  	v6 =	vmul.u32 $0x48, v4;
	v5 =	vshll.u32 v4, $0x3;
	_ =	swait.ge [sflag:s21], $0x2400  }
0x1d2: {  	v4 =	vor.u32 v5, v0;
	[sflag:s21] =	ssyncset.done $0x0  }
0x1d3: {  	v6 =	vadd.s32 v2, v6;
	[sflag:s21] =	ssyncadd.s32 $0xFFFFDC00  }
0x1d4: {  	_ =	swait.ge [sflag:s21], $0x400  }
0x1d5: {  	[sflag:s21] =	ssyncset.done $0x0  }
0x1d6: {  	[sflag:s21] =	ssyncadd.s32 $0xFFFFFC00  }
0x1d7: {  	v7 =	vld.idx.msk [tilespmem:v4+s17+$0x0], $0xffff  }
0x1d8: {  	v6 =	vld.idx.msk [tilespmem:v6+s16+$0x0], $0xffff;
	_ =	sdelay $0x4  }
0x1d9: {  	v4 =	vld [tilespmem:$0x13680];
	v6 =	vadd.f32 v7, v6;
	_ =	sdelay $0x1  }
0x1da: {  	v7 =	vmul.f32 $2.000000030e-01, v6;
	_ =	sdelay $0x1  }
0x1db: {  	v6 =	vmax.f32 v6, v7  }
0x1dc: {  	v6 =	vsub.f32 v6, v4;
	_ =	sdelay $0x1  }
0x1dd: {  	v6 =	vmul.f32 $1.442695020e+00, v6;
	_ =	sdelay $0x1  }
0x1de: {  	(erf) = vpow2.f32 v6;
	_ =	sdelay $0x3  }
0x1df: {  	s18 =	simm.s32 $0x2  }
0x1e0: {  	s11 =	sadd.s32 s5, s4;
	s19 =	simm.s32 $0x4;
	v6 =	vor.u32 s18, v1  }
.LBB2_11:
0x1e1: {  	p1 =	sne.s32 s19, $0x7E;
	v7 =	vmul.u32 $0x48, v6;
	s2 =	sor.u32 s11, s10;
	v8 =	vor.u32 v3, v5;
	v5 =	vshll.u32 v6, $0x3;
	s10 =	smov.u32 s18  }
0x1e2: {  	s18 =	smov.u32 s19;
	vm2 =	vmmov vm0;
	v6 =	vor.u32 v5, v0;
	p2 =	slt.u32 s2, $0x50910  }
0x1e3: {  	v7 =	vadd.s32 v2, v7;
	vm2 =	vmneg @p2 vm2  }
0x1e4: {  	vm2 =	vmand vm2, vm1;
	v9 =	vpop (erf)  }
0x1e5: {  	v9 =	vnsel vm2, $0x0, v9  }
0x1e6: {  	[tilespmem:v8+s22+$0x0] =	vst.idx.msk $0xffff, v9  }
0x1e7: {  	v6 =	vld.idx.msk [tilespmem:v6+s17+$0x0], $0xffff  }
0x1e8: {  	v7 =	vld.idx.msk [tilespmem:v7+s16+$0x0], $0xffff;
	_ =	sdelay $0x5  }
0x1e9: {  	v6 =	vadd.f32 v6, v7;
	_ =	sdelay $0x1  }
0x1ea: {  	v7 =	vmul.f32 $2.000000030e-01, v6;
	_ =	sdelay $0x1  }
0x1eb: {  	v6 =	vmax.f32 v6, v7  }
0x1ec: {  	v6 =	vsub.f32 v6, v4;
	_ =	sdelay $0x1  }
0x1ed: {  	v6 =	vmul.f32 $1.442695020e+00, v6;
	_ =	sdelay $0x1  }
0x1ee: {  	(erf) = vpow2.f32 v6  }
.Ltmp4:
0x1ef: {  	(pc) =	sbr.rel @p1 .LBB2_11-.Ltmp4, $2  }
0x1f0: {  	_ =	sdelay $0x2  }
0x1f1: {  	s19 =	sadd.s32 $0x2, s19;
	v6 =	vor.u32 s18, v1  }
0x1f2: {  	v7 =	vmul.u32 $0x48, v6;
	v6 =	vshll.u32 v6, $0x3;
	s2 =	sor.u32 s11, s10;
	v5 =	vor.u32 v3, v5  }
0x1f3: {  	vm2 =	vmmov vm0;
	v8 =	vor.u32 v6, v0;
	p1 =	slt.u32 s2, $0x50910  }
0x1f4: {  	v7 =	vadd.s32 v2, v7;
	vm2 =	vmneg @p1 vm2  }
0x1f5: {  	vm2 =	vmand vm2, vm1;
	v9 =	vpop (erf)  }
0x1f6: {  	v9 =	vnsel vm2, $0x0, v9  }
0x1f7: {  	[tilespmem:v5+s22+$0x0] =	vst.idx.msk $0xffff, v9  }
0x1f8: {  	v5 =	vld.idx.msk [tilespmem:v8+s17+$0x0], $0xffff  }
0x1f9: {  	v7 =	vld.idx.msk [tilespmem:v7+s16+$0x0], $0xffff;
	_ =	sdelay $0x4  }
0x1fa: {  	v5 =	vadd.f32 v5, v7;
	_ =	sdelay $0x1  }
0x1fb: {  	v7 =	vmul.f32 $2.000000030e-01, v5;
	_ =	sdelay $0x1  }
0x1fc: {  	v5 =	vmax.f32 v5, v7  }
0x1fd: {  	v4 =	vsub.f32 v5, v4;
	_ =	sdelay $0x1  }
0x1fe: {  	v4 =	vmul.f32 $1.442695020e+00, v4;
	_ =	sdelay $0x1  }
0x1ff: {  	(erf) = vpow2.f32 v4;
	_ =	sdelay $0x5  }
0x200: {  	s19 =	sor.u32 s11, s18;
	v4 =	vor.u32 v3, v6  }
0x201: {  	p1 =	slt.u32 s19, $0x50910;
	vm2 =	vmmov vm0  }
0x202: {  	vm2 =	vmneg @p1 vm2  }
0x203: {  	vm2 =	vmand vm2, vm1;
	v5 =	vpop (erf)  }
0x204: {  	v5 =	vnsel vm2, $0x0, v5  }
0x205: {  	s20 =	rddreg [dreg:$0x2];
	[tilespmem:v4+s22+$0x0] =	vst.idx.msk $0xffff, v5  }
0x206: {  	[spmem:s20] =	stream.indirect.scatter.add.f32 [tilespmem:s22], [sflag:$0x9], $0x8, s4, s29, $0xb8;
	[tilespmem:$0x1E658] =	vst v63  }
0x207: {  	_ =	swait.ge [sflag:s15], $0x400  }
0x208: {  	[sflag:s15] =	ssyncset.done $0x0  }
0x209: {  	[sflag:s15] =	ssyncadd.s32 $0xFFFFFC00  }
0x20a: {  	_ =	swait.ge [sflag:s15], $0x2000  }
0x20b: {  	[sflag:s15] =	ssyncset.done $0x0  }
0x20c: {  	s2 =	simm.s32 @!p0 $0x1;
	[sflag:s15] =	ssyncadd.s32 $0xFFFFE000  }
0x20d: {  	_ =	swait.ge @!p0 [sflag:s2], $0x80  }
0x20e: {  	s10 =	simm.s32 @!p0 $0x5100;
	[sflag:s2] =	ssyncset.done @!p0 $0x0  }
0x20f: {  	s11 =	simm.s32 @!p0 $0x5280;
	[sflag:s2] =	ssyncadd.s32 @!p0 $0xFFFFFF80;
	s2 =	simm.s32 @!p0 $0x80  }
0x210: {  	[tilespmem:s11], [sflag:$0x4] =	stream.indirect.gather @!p0 [hbm4b:s6+s2], $0x48, s10, s2, $0xb8;
	[tilespmem:$0x1E658] =	vst v63  }
0x211: {  	s23 =	simm.s32 $0x0;
	s10 =	sadd.s32 @!p0 $0x180, s26;
	s11 =	simm.s32 @!p0 $0xBE80  }
0x212: {  	[tilespmem:s11], [sflag:$0x4] =	stream.indirect.gather @!p0 [hbm4b:s7+s2], $0x8, s10, s2, $0xb8;
	[tilespmem:$0x1E658] =	vst v63  }
0x213: {  	v4 =	vmov s23;
	s2 =	rddreg [dreg:$0xf]  }
0x214: {  	s2 =	sadd.s32 @!p0 s24, s2  }
0x215: {  	s2 =	sshrl.u32 @!p0 s2, $0x3  }
0x216: {  	s10 =	simm.s32 @!p0 $0x0;
	s11 =	simm.s32 @!p0 $0x5180;
	s2 =	sadd.s32 @!p0 s8, s2  }
0x217: {  	[tilespmem:s11], [sflag:$0x2] =	stream.linear.gather @!p0 [hbm4b:s2+s10], $0x80, $0x38;
	[tilespmem:$0x1E658] =	vst v63  }
0x218: {  	s20 =	simm.s32 $0x9AC8;
	v5 =	vld.idx.msk [tilespmem:v4+s22+$0x0], $0xffff  }
0x219: {  	v6 =	vld [tilespmem:s20+$0xFFFFFFB8];
	_ =	sdelay $0x2  }
0x21a: {  	v7 =	vor.u32 $0x1, v4;
	_ =	sdelay $0x1  }
0x21b: {  	v5 =	vmul.f32 v6, v5  }
0x21c: {  	s11 =	simm.s32 $0x116C0  }
0x21d: {  	[tilespmem:s11+$0xFFFFFFC0] =	vst v5  }
0x21e: {  	v5 =	vld.idx.msk [tilespmem:v7+s22+$0x0], $0xffff  }
0x21f: {  	v6 =	vld [tilespmem:s20+$0xFFFFFFC8];
	_ =	sdelay $0x2  }
0x220: {  	v7 =	vor.u32 $0x2, v4;
	_ =	sdelay $0x1  }
0x221: {  	v5 =	vmul.f32 v6, v5;
	_ =	sdelay $0x1  }
0x222: {  	[tilespmem:s11+$0xFFFFFFD0] =	vst v5  }
0x223: {  	v5 =	vld.idx.msk [tilespmem:v7+s22+$0x0], $0xffff  }
0x224: {  	v6 =	vld [tilespmem:s20+$0xFFFFFFD8];
	_ =	sdelay $0x2  }
0x225: {  	v4 =	vor.u32 $0x3, v4;
	_ =	sdelay $0x1  }
0x226: {  	v5 =	vmul.f32 v6, v5;
	_ =	sdelay $0x1  }
0x227: {  	[tilespmem:s11+$0xFFFFFFE0] =	vst v5  }
0x228: {  	v4 =	vld.idx.msk [tilespmem:v4+s22+$0x0], $0xffff  }
0x229: {  	v5 =	vld [tilespmem:s20+$0xFFFFFFE8];
	_ =	sdelay $0x1  }
0x22a: {  	s24 =	simm.s32 $0x8  }
0x22b: {  	v6 =	vmov s24;
	_ =	sdelay $0x1  }
0x22c: {  	v4 =	vmul.f32 v5, v4;
	_ =	sdelay $0x1  }
0x22d: {  	[tilespmem:s11+$0xFFFFFFF0] =	vst v4  }
0x22e: {  	v4 =	vld.idx.msk [tilespmem:v6+s22+$0x0], $0xffff  }
0x22f: {  	v5 =	vld [tilespmem:s20+$0x0];
	_ =	sdelay $0x2  }
0x230: {  	v7 =	vor.u32 $0x1, v6;
	_ =	sdelay $0x1  }
0x231: {  	v4 =	vmul.f32 v5, v4;
	_ =	sdelay $0x1  }
0x232: {  	[tilespmem:s11+$0x0] =	vst v4  }
0x233: {  	v4 =	vld.idx.msk [tilespmem:v7+s22+$0x0], $0xffff  }
0x234: {  	v5 =	vld [tilespmem:s20+$0x10];
	_ =	sdelay $0x2  }
0x235: {  	v7 =	vor.u32 $0x2, v6;
	_ =	sdelay $0x1  }
0x236: {  	v4 =	vmul.f32 v5, v4;
	_ =	sdelay $0x1  }
0x237: {  	[tilespmem:s11+$0x10] =	vst v4  }
0x238: {  	v4 =	vld.idx.msk [tilespmem:v7+s22+$0x0], $0xffff  }
0x239: {  	v5 =	vld [tilespmem:s20+$0x20];
	_ =	sdelay $0x2  }
0x23a: {  	v6 =	vor.u32 $0x3, v6;
	_ =	sdelay $0x1  }
0x23b: {  	v4 =	vmul.f32 v5, v4;
	_ =	sdelay $0x1  }
0x23c: {  	[tilespmem:s11+$0x20] =	vst v4  }
0x23d: {  	v5 =	vld.idx.msk [tilespmem:v6+s22+$0x0], $0xffff  }
0x23e: {  	v6 =	vld [tilespmem:s20+$0x30];
	_ =	sdelay $0x1  }
0x23f: {  	s26 =	simm.s32 $0x10  }
0x240: {  	v4 =	vmov s26;
	_ =	sdelay $0x1  }
0x241: {  	s2 =	simm.s32 $0x4;
	s10 =	simm.s32 $0x18;
	v5 =	vmul.f32 v6, v5  }
.LBB2_13:
0x242: {  	s20 =	sadd.s32 $0x90, s20  }
0x243: {  	s19 =	smov.u32 s2;
	s18 =	sadd.s32 $0x2, s2;
	[tilespmem:s11+$0x30] =	vst v5;
	s11 =	sadd.s32 $0x80, s11  }
0x244: {  	p0 =	sne.s32 s2, $0x7E;
	v5 =	vld.idx.msk [tilespmem:v4+s22+$0x0], $0xffff  }
0x245: {  	v6 =	vld [tilespmem:s20+$0xFFFFFFB8];
	_ =	sdelay $0x2  }
0x246: {  	v7 =	vor.u32 $0x1, v4;
	_ =	sdelay $0x1  }
0x247: {  	v5 =	vmul.f32 v6, v5;
	_ =	sdelay $0x1  }
0x248: {  	[tilespmem:s11+$0xFFFFFFC0] =	vst v5  }
0x249: {  	v5 =	vld.idx.msk [tilespmem:v7+s22+$0x0], $0xffff  }
0x24a: {  	v6 =	vld [tilespmem:s20+$0xFFFFFFC8];
	_ =	sdelay $0x2  }
0x24b: {  	v7 =	vor.u32 $0x2, v4;
	_ =	sdelay $0x1  }
0x24c: {  	v5 =	vmul.f32 v6, v5;
	_ =	sdelay $0x1  }
0x24d: {  	[tilespmem:s11+$0xFFFFFFD0] =	vst v5  }
0x24e: {  	v5 =	vld.idx.msk [tilespmem:v7+s22+$0x0], $0xffff  }
0x24f: {  	v6 =	vld [tilespmem:s20+$0xFFFFFFD8];
	_ =	sdelay $0x2  }
0x250: {  	v4 =	vor.u32 $0x3, v4;
	_ =	sdelay $0x1  }
0x251: {  	v5 =	vmul.f32 v6, v5;
	_ =	sdelay $0x1  }
0x252: {  	[tilespmem:s11+$0xFFFFFFE0] =	vst v5  }
0x253: {  	v4 =	vld.idx.msk [tilespmem:v4+s22+$0x0], $0xffff  }
0x254: {  	v5 =	vld [tilespmem:s20+$0xFFFFFFE8];
	_ =	sdelay $0x2  }
0x255: {  	v6 =	vmov s10;
	_ =	sdelay $0x1  }
0x256: {  	v4 =	vmul.f32 v5, v4;
	_ =	sdelay $0x1  }
0x257: {  	[tilespmem:s11+$0xFFFFFFF0] =	vst v4  }
0x258: {  	v4 =	vld.idx.msk [tilespmem:v6+s22+$0x0], $0xffff  }
0x259: {  	v5 =	vld [tilespmem:s20+$0x0];
	_ =	sdelay $0x2  }
0x25a: {  	v7 =	vor.u32 $0x1, v6;
	_ =	sdelay $0x1  }
0x25b: {  	v4 =	vmul.f32 v5, v4;
	_ =	sdelay $0x1  }
0x25c: {  	[tilespmem:s11+$0x0] =	vst v4  }
0x25d: {  	v4 =	vld.idx.msk [tilespmem:v7+s22+$0x0], $0xffff  }
0x25e: {  	v5 =	vld [tilespmem:s20+$0x10];
	_ =	sdelay $0x2  }
0x25f: {  	v7 =	vor.u32 $0x2, v6;
	_ =	sdelay $0x1  }
0x260: {  	v4 =	vmul.f32 v5, v4;
	_ =	sdelay $0x1  }
0x261: {  	[tilespmem:s11+$0x10] =	vst v4  }
0x262: {  	v4 =	vld.idx.msk [tilespmem:v7+s22+$0x0], $0xffff  }
0x263: {  	v5 =	vld [tilespmem:s20+$0x20];
	_ =	sdelay $0x2  }
0x264: {  	v6 =	vor.u32 $0x3, v6;
	_ =	sdelay $0x1  }
0x265: {  	v4 =	vmul.f32 v5, v4;
	_ =	sdelay $0x1  }
0x266: {  	[tilespmem:s11+$0x20] =	vst v4  }
0x267: {  	v5 =	vld.idx.msk [tilespmem:v6+s22+$0x0], $0xffff  }
0x268: {  	v6 =	vld [tilespmem:s20+$0x30]  }
.Ltmp5:
0x269: {  	(pc) =	sbr.rel @p0 .LBB2_13-.Ltmp5, $3  }
0x26a: {  	s2 =	sshll.u32 s19, $0x3  }
0x26b: {  	s10 =	sadd.s32 $0x8, s2;
	v4 =	vmov s2;
	_ =	sdelay $0x1  }
0x26c: {  	s2 =	smov.u32 s18;
	v5 =	vmul.f32 v6, v5  }
0x26d: {  	_ =	sdelay $0x2  }
0x26e: {  	[tilespmem:s11+$0x30] =	vst v5  }
0x26f: {  	s2 =	sadd.s32 $0x90, s20;
	v5 =	vld.idx.msk [tilespmem:v4+s22+$0x0], $0xffff  }
0x270: {  	v6 =	vld [tilespmem:s2+$0xFFFFFFB8];
	_ =	sdelay $0x2  }
0x271: {  	v7 =	vor.u32 $0x1, v4;
	_ =	sdelay $0x1  }
0x272: {  	v5 =	vmul.f32 v6, v5  }
0x273: {  	s24 =	sadd.s32 $0x80, s11  }
0x274: {  	[tilespmem:s24+$0xFFFFFFC0] =	vst v5  }
0x275: {  	v5 =	vld.idx.msk [tilespmem:v7+s22+$0x0], $0xffff  }
0x276: {  	v58 =	vld [tilespmem:s2+$0xFFFFFFC8];
	_ =	sdelay $0x2  }
0x277: {  	v59 =	vor.u32 $0x2, v4;
	_ =	sdelay $0x1  }
0x278: {  	v5 =	vmul.f32 v58, v5;
	_ =	sdelay $0x1  }
0x279: {  	[tilespmem:s24+$0xFFFFFFD0] =	vst v5  }
0x27a: {  	v5 =	vld.idx.msk [tilespmem:v59+s22+$0x0], $0xffff  }
0x27b: {  	v60 =	vld [tilespmem:s2+$0xFFFFFFD8];
	_ =	sdelay $0x2  }
0x27c: {  	v4 =	vor.u32 $0x3, v4;
	_ =	sdelay $0x1  }
0x27d: {  	v5 =	vmul.f32 v60, v5;
	_ =	sdelay $0x1  }
0x27e: {  	[tilespmem:s24+$0xFFFFFFE0] =	vst v5  }
0x27f: {  	v4 =	vld.idx.msk [tilespmem:v4+s22+$0x0], $0xffff  }
0x280: {  	v5 =	vld [tilespmem:s2+$0xFFFFFFE8];
	_ =	sdelay $0x2  }
0x281: {  	v61 =	vmov s10;
	_ =	sdelay $0x1  }
0x282: {  	v4 =	vmul.f32 v5, v4;
	_ =	sdelay $0x1  }
0x283: {  	[tilespmem:s24+$0xFFFFFFF0] =	vst v4  }
0x284: {  	v4 =	vld.idx.msk [tilespmem:v61+s22+$0x0], $0xffff  }
0x285: {  	v5 =	vld [tilespmem:s2+$0x0];
	_ =	sdelay $0x2  }
0x286: {  	v62 =	vor.u32 $0x1, v61;
	_ =	sdelay $0x1  }
0x287: {  	v4 =	vmul.f32 v5, v4;
	_ =	sdelay $0x1  }
0x288: {  	[tilespmem:s24+$0x0] =	vst v4  }
0x289: {  	v4 =	vld.idx.msk [tilespmem:v62+s22+$0x0], $0xffff  }
0x28a: {  	v5 =	vld [tilespmem:s2+$0x10];
	_ =	sdelay $0x2  }
0x28b: {  	v63 =	vor.u32 $0x2, v61;
	_ =	sdelay $0x1  }
0x28c: {  	v4 =	vmul.f32 v5, v4;
	_ =	sdelay $0x1  }
0x28d: {  	[tilespmem:s24+$0x10] =	vst v4  }
0x28e: {  	v4 =	vld.idx.msk [tilespmem:v63+s22+$0x0], $0xffff  }
0x28f: {  	v5 =	vld [tilespmem:s2+$0x20];
	_ =	sdelay $0x2  }
0x290: {  	v6 =	vor.u32 $0x3, v61;
	_ =	sdelay $0x1  }
0x291: {  	v4 =	vmul.f32 v5, v4;
	_ =	sdelay $0x1  }
0x292: {  	[tilespmem:s24+$0x20] =	vst v4  }
0x293: {  	v4 =	vld.idx.msk [tilespmem:v6+s22+$0x0], $0xffff  }
0x294: {  	v5 =	vld [tilespmem:s2+$0x30];
	_ =	sdelay $0x1  }
0x295: {  	s12 =	sadd.s32 $0x1, s12  }
0x296: {  	p0 =	sne.s32 s12, $0x36  }
.Ltmp6:
0x297: {  	_ = 	snop;
	(pc) =	sbr.rel @p0 .LBB2_2-.Ltmp6, $3  }
0x298: {  	v4 =	vmul.f32 v5, v4;
	_ =	sdelay $0x1  }
0x299: {  	s26 =	simm.s32 $0x11680;
	[tilespmem:s24+$0x30] =	vst v4  }
0x29a: {  	[spmem:s3] =	stream.indirect.scatter.add.f32 [tilespmem:s26], [sflag:$0x9], $0x40, s4, s29, $0xb8;
	[tilespmem:$0x1E658] =	vst v63  }
0x29b: {  	s2 =	simm.s32 $0x8  }
0x29c: {  	_ =	swait.ge [sflag:s2], $0x400  }
0x29d: {  	[sflag:s2] =	ssyncset.done $0x0  }
0x29e: {  	[sflag:s2] =	ssyncadd.s32 $0xFFFFFC00  }
0x29f: {  	_ =	swait.ge [sflag:s2], $0x2000  }
0x2a0: {  	[sflag:s2] =	ssyncset.done $0x0  }
0x2a1: {  	s19 =	simm.s32 $0x9;
	[sflag:s2] =	ssyncadd.s32 $0xFFFFE000  }
0x2a2: {  	_ =	swait.ge [sflag:s19], $0x400  }
0x2a3: {  	[sflag:s19] =	ssyncset.done $0x0  }
0x2a4: {  	[sflag:s19] =	ssyncadd.s32 $0xFFFFFC00  }
0x2a5: {  	_ =	swait.ge [sflag:s19], $0x2000  }
0x2a6: {  	[sflag:s19] =	ssyncset.done $0x0  }
0x2a7: {  	[sflag:s19] =	ssyncadd.s32 $0xFFFFE000  }
0x2a8: {  	[bflag:$0x0] =	sbarrier.arrive $0xFFFF  }
0x2a9: {  	s18 =	rddreg [dreg:$0x8]  }
0x2aa: {  	s20 =	rddreg [dreg:$0x10]  }
0x2ab: {  	s11 =	simm.s32 $0xA;
	s10 =	rddreg [dreg:$0x13]  }
0x2ac: {  	[hbm:s20], [sflag:s18] =	dma.local [spmem:s10], $0x278  }
0x2ad: {  	_ =	swait.ge [sflag:s11], $0x278  }
0x2ae: {  	[sflag:s11] =	ssyncset.done $0x0;
	s23 =	rddreg [dreg:$0x11]  }
0x2af: {  	s4 =	rddreg [dreg:$0x15];
	[sflag:s11] =	ssyncadd.s32 $0xFFFFFD88  }
0x2b0: {  	[hbm:s23], [sflag:s18] =	dma.local [spmem:s4], $0x13C0  }
0x2b1: {  	_ =	swait.ge [sflag:s11], $0x13C0  }
0x2b2: {  	s24 =	rddreg [dreg:$0x14]  }
0x2b3: {  	s26 =	rddreg [dreg:$0x12];
	s4 =	sadd.s32 $0x1, s24  }
0x2b4: {  	p0 =	sne.s32 s4, s26  }
.Ltmp7:
0x2b5: {  	_ = 	snop;
	(pc) =	sbr.rel @p0 .LBB2_1-.Ltmp7, $3  }
0x2b6: {  	_ =	sdelay $0x1  }
0x2b7: {  	[sflag:s11] =	ssyncset.done $0x0  }
0x2b8: {  	[sflag:s11] =	ssyncadd.s32 $0xFFFFEC40  }
0x2b9: {  	_ =	sfence.sel $0x180000  }
0x2ba: {  	[bflag:$0x0] =	sbarrier.arrive $0xFFFF  }
0x2bb: {  	_ =	strace $0x90000047  }
0x2bc: {  	s0 =	stileid.u32;
	[bflag:$0x2] =	sbarrier.arrive $0xFFFF  }
0x2bd: {  	p0 =	sne.s32 s0, $0x0;
	s0 =	rddreg [dreg:$0x4]  }
0x2be: {  	s0 =	sadd.s32 @!p0 $0x100000, s0  }
0x2bf: {  	[sflag:s0] =	ssyncadd.tile.s32 @!p0 $0x1;
	_ =	shalt  }
.Lfunc_end2:
_tile_overlayer_lowered:
.L_overlay_start_2:
0x2c0: {  	(tag) =	ssettag $0x2  }
0x2c1: {  	s0 =	rddreg [dreg:$0x0];
	s2 =	stileid.u32  }
0x2c2: {  	s1 =	rddreg [dreg:$0x1];
	p0 =	sne.s32 s2, $0x0  }
0x2c3: {  	s3 =	rddreg [dreg:$0x2];
	[bflag:$0x3] =	sbarrier.arrive $0xFFFF;
	s2 =	simm.s32 @!p0 $0x1C0A  }
0x2c4: {  	[timem:s3], [sflag:s2] =	dma.local @!p0 [hbm:s0], s1  }
0x2c5: {  	s0 =	simm.s32 @!p0 $0xA  }
0x2c6: {  	_ =	swait.ge @!p0 [sflag:s0], s1  }
0x2c7: {  	s1 =	ssub.s32 @!p0 $0x0, s1;
	[sflag:s0] =	ssyncset.done @!p0 $0x0  }
0x2c8: {  	[sflag:s0] =	ssyncadd.s32 @!p0 s1  }
0x2c9: {  	[bflag:$0x3] =	sbarrier.arrive $0xFFFF  }
0x2ca: {  	_ =	shalt  }

</sc_bundles>
